<compile_context>
chip_gen: v7x
topology: tpu7x:2x2x1
jax: 0.10.2.dev20260603
libtpu: 0.0.44.dev20260713+nightly
codegen_flags: <defaults>
</compile_context>

<pallas_src>
import jax
import jax.numpy as jnp
from jax import lax
from jax.experimental import pallas as pl
from jax.experimental.pallas import tpu as pltpu
from jax.experimental.pallas import tpu_sc as plsc

_NUM_CORES = 2
_NUM_SUBCORES = 16
_NW = _NUM_CORES * _NUM_SUBCORES
_CHUNK = 504


def _sc_copy_body(rows_per_w):
    nfull = rows_per_w // _CHUNK
    tail = rows_per_w - nfull * _CHUNK
    sizes = [_CHUNK] * nfull + ([tail] if tail else [])
    starts = [i * _CHUNK for i in range(len(sizes))]
    nchunks = len(sizes)

    def body(x_hbm, o_hbm, buf0, buf1, isem0, isem1, osem0, osem1):
        bufs = (buf0, buf1)
        isems = (isem0, isem1)
        osems = (osem0, osem1)
        c = lax.axis_index("c")
        s = lax.axis_index("s")
        base = (s * _NUM_CORES + c) * rows_per_w

        def in_copy(i):
            b = i % 2
            return pltpu.make_async_copy(
                x_hbm.at[pl.ds(base + starts[i], sizes[i])],
                bufs[b].at[pl.ds(0, sizes[i])], isems[b])

        def out_copy(i):
            b = i % 2
            return pltpu.make_async_copy(
                bufs[b].at[pl.ds(0, sizes[i])],
                o_hbm.at[pl.ds(base + starts[i], sizes[i])], osems[b])

        in_copy(0).start()
        for i in range(nchunks):
            if i + 1 < nchunks:
                if i >= 1:
                    out_copy(i - 1).wait()
                in_copy(i + 1).start()
            in_copy(i).wait()
            out_copy(i).start()
        if nchunks >= 2:
            out_copy(nchunks - 2).wait()
        out_copy(nchunks - 1).wait()

    return body


def kernel(data, partitions):
    del partitions
    n, d = data.shape
    rows_per_w = n // _NW
    mesh = plsc.VectorSubcoreMesh(
        core_axis_name="c", subcore_axis_name="s",
        num_cores=_NUM_CORES, num_subcores=_NUM_SUBCORES)
    sc_copy = pl.kernel(
        _sc_copy_body(rows_per_w),
        out_type=jax.ShapeDtypeStruct((n, d), data.dtype),
        mesh=mesh,
        scratch_types=(
            [pltpu.VMEM((_CHUNK, d), jnp.float32)] * 2
            + [pltpu.SemaphoreType.DMA] * 4),
    )
    return sc_copy(data)

# --- scband reference (transcript-rebuilt; emitter-appended) ---
"""Pipeline reference for scband-dynamic-partition-mask-stitch-module-8057358648478 (READ-ONLY COPY).

The authoritative reference and input builder live on the scoring server;
editing this copy changes nothing except your own understanding.
"""

import jax, jax.numpy as jnp
import numpy as np

N = 1048576
D = 64
NUM_PARTS = 2

def setup_inputs(seed: int = 0) -> dict:
    key = jax.random.key(seed)
    k1, k2 = jax.random.split(key)
    data = jax.random.normal(k1, (N, D), dtype=jnp.float32)
    partitions = jax.random.randint(k2, (N,), 0, NUM_PARTS, dtype=jnp.int64)
    return {"data": data, "partitions": partitions}

def reference(data, partitions):
    # dynamic_partition(data, partitions, 2): split rows into 2 groups by
    # partition id, preserving within-group order. Implemented with a stable
    # argsort on partition ids: perm lists all partition-0 row indices first
    # (in original order), then all partition-1 row indices.
    perm = jnp.argsort(partitions, stable=True)
    # gathered == concat(dynamic_partition[0], dynamic_partition[1], axis=0)
    gathered = jnp.take(data, perm, axis=0)
    # dynamic_mask_stitch([p0, p1], partitions): scatter partitioned rows back
    # to their original positions according to the mask -> inverse permutation.
    out = jnp.zeros_like(data).at[perm].set(gathered)
    return out

if __name__ == "__main__":
    import jax
    _d = setup_inputs()
    print(jax.jit(kernel)(*tuple(_d.values())))

</pallas_src>

<mosaic_0001>
#map = affine_map<(d0, d1) -> (0, 0)>
module attributes {stable_mosaic.version = 14 : i64} {
  func.func @body(%arg0: i32, %arg1: i32, %arg2: memref<1048576x64xf32, #tpu.memory_space<hbm>>, %arg3: memref<1048576x64xf32, #tpu.memory_space<hbm>>, %arg4: memref<504x64xf32, #tpu.memory_space<vmem>>, %arg5: memref<504x64xf32, #tpu.memory_space<vmem>>, %arg6: memref<!tpu.dma_semaphore, #tpu.memory_space<semaphore_mem>>, %arg7: memref<!tpu.dma_semaphore, #tpu.memory_space<semaphore_mem>>, %arg8: memref<!tpu.dma_semaphore, #tpu.memory_space<semaphore_mem>>, %arg9: memref<!tpu.dma_semaphore, #tpu.memory_space<semaphore_mem>>) attributes {dimension_semantics = [#tpu.dimension_semantics<core_parallel>, #tpu.dimension_semantics<subcore_parallel>], iteration_bounds = array<i64: 2, 16>, scalar_prefetch = 0 : i64, scratch_operands = 6 : i64, tpu.core_type = #tpu.core_type<sc_vector_subcore>, window_params = [{transform_indices = #map}, {transform_indices = #map}]} {
    %mul3A = arith.constant 2 : i32
    %mul3A_0 = arith.muli %arg1, %mul3A : i32
    %add3A = arith.addi %mul3A_0, %arg0 : i32
    %mul3A_1 = arith.constant 32768 : i32
    %mul3A_2 = arith.muli %add3A, %mul3A_1 : i32
    %add3A_3 = arith.constant 0 : i32
    %add3A_4 = arith.addi %mul3A_2, %add3A_3 : i32
    %dma_start3A = arith.constant 0 : i32
    %dma_start3A_5 = arith.constant 0 : i32
    %dma_start3A_6 = tpu.memref_slice %arg4[%dma_start3A, %dma_start3A_5] : memref<504x64xf32, #tpu.memory_space<vmem>> -> memref<504x64xf32, #tpu.memory_space<vmem>>
    %dma_start3A_7 = arith.constant 0 : i32
    %dma_start3A_8 = tpu.memref_slice %arg2[%add3A_4, %dma_start3A_7] : memref<1048576x64xf32, #tpu.memory_space<hbm>> -> memref<504x64xf32, #tpu.memory_space<hbm>>
    %dma_start3A_9 = arith.constant 0 : i32
    %dma_start3A_10 = arith.constant 0 : i32
    %dma_start3A_11 = tpu.memref_slice %arg4[%dma_start3A_9, %dma_start3A_10] : memref<504x64xf32, #tpu.memory_space<vmem>> -> memref<504x64xf32, #tpu.memory_space<vmem>>
    %dma_start3A_12 = arith.constant 0 : i32
    %dma_start3A_13 = tpu.memref_slice %arg2[%add3A_4, %dma_start3A_12] : memref<1048576x64xf32, #tpu.memory_space<hbm>> -> memref<504x64xf32, #tpu.memory_space<hbm>>
    tpu.enqueue_dma source(%dma_start3A_13 : memref<504x64xf32, #tpu.memory_space<hbm>>) target(%dma_start3A_11 : memref<504x64xf32, #tpu.memory_space<vmem>>) target_semaphore(%arg6 : memref<!tpu.dma_semaphore, #tpu.memory_space<semaphore_mem>>)
    %add3A_14 = arith.constant 504 : i32
    %add3A_15 = arith.addi %mul3A_2, %add3A_14 : i32
    %dma_start3A_16 = arith.constant 0 : i32
    %dma_start3A_17 = arith.constant 0 : i32
    %dma_start3A_18 = tpu.memref_slice %arg5[%dma_start3A_16, %dma_start3A_17] : memref<504x64xf32, #tpu.memory_space<vmem>> -> memref<504x64xf32, #tpu.memory_space<vmem>>
    %dma_start3A_19 = arith.constant 0 : i32
    %dma_start3A_20 = tpu.memref_slice %arg2[%add3A_15, %dma_start3A_19] : memref<1048576x64xf32, #tpu.memory_space<hbm>> -> memref<504x64xf32, #tpu.memory_space<hbm>>
    %dma_start3A_21 = arith.constant 0 : i32
    %dma_start3A_22 = arith.constant 0 : i32
    %dma_start3A_23 = tpu.memref_slice %arg5[%dma_start3A_21, %dma_start3A_22] : memref<504x64xf32, #tpu.memory_space<vmem>> -> memref<504x64xf32, #tpu.memory_space<vmem>>
    %dma_start3A_24 = arith.constant 0 : i32
    %dma_start3A_25 = tpu.memref_slice %arg2[%add3A_15, %dma_start3A_24] : memref<1048576x64xf32, #tpu.memory_space<hbm>> -> memref<504x64xf32, #tpu.memory_space<hbm>>
    tpu.enqueue_dma source(%dma_start3A_25 : memref<504x64xf32, #tpu.memory_space<hbm>>) target(%dma_start3A_23 : memref<504x64xf32, #tpu.memory_space<vmem>>) target_semaphore(%arg7 : memref<!tpu.dma_semaphore, #tpu.memory_space<semaphore_mem>>)
    %add3A_26 = arith.constant 0 : i32
    %add3A_27 = arith.addi %mul3A_2, %add3A_26 : i32
    %dma_wait3A = arith.constant 0 : i32
    %dma_wait3A_28 = arith.constant 0 : i32
    %dma_wait3A_29 = tpu.memref_slice %arg4[%dma_wait3A, %dma_wait3A_28] : memref<504x64xf32, #tpu.memory_space<vmem>> -> memref<504x64xf32, #tpu.memory_space<vmem>>
    %dma_wait3A_30 = arith.constant 0 : i32
    %dma_wait3A_31 = tpu.memref_slice %arg2[%add3A_27, %dma_wait3A_30] : memref<1048576x64xf32, #tpu.memory_space<hbm>> -> memref<504x64xf32, #tpu.memory_space<hbm>>
    %dma_wait3A_32 = arith.constant 0 : i32
    %dma_wait3A_33 = arith.constant 0 : i32
    %dma_wait3A_34 = tpu.memref_slice %arg4[%dma_wait3A_32, %dma_wait3A_33] : memref<504x64xf32, #tpu.memory_space<vmem>> -> memref<504x64xf32, #tpu.memory_space<vmem>>
    %dma_wait3A_35 = arith.constant 0 : i32
    %dma_wait3A_36 = tpu.memref_slice %arg2[%add3A_27, %dma_wait3A_35] : memref<1048576x64xf32, #tpu.memory_space<hbm>> -> memref<504x64xf32, #tpu.memory_space<hbm>>
    tpu.wait_dma2 semaphore(%arg6 : memref<!tpu.dma_semaphore, #tpu.memory_space<semaphore_mem>>) src(%dma_wait3A_36 : memref<504x64xf32, #tpu.memory_space<hbm>>) dst(%dma_wait3A_34 : memref<504x64xf32, #tpu.memory_space<vmem>>)
    %add3A_37 = arith.constant 0 : i32
    %add3A_38 = arith.addi %mul3A_2, %add3A_37 : i32
    %dma_start3A_39 = arith.constant 0 : i32
    %dma_start3A_40 = arith.constant 0 : i32
    %dma_start3A_41 = tpu.memref_slice %arg4[%dma_start3A_39, %dma_start3A_40] : memref<504x64xf32, #tpu.memory_space<vmem>> -> memref<504x64xf32, #tpu.memory_space<vmem>>
    %dma_start3A_42 = arith.constant 0 : i32
    %dma_start3A_43 = tpu.memref_slice %arg3[%add3A_38, %dma_start3A_42] : memref<1048576x64xf32, #tpu.memory_space<hbm>> -> memref<504x64xf32, #tpu.memory_space<hbm>>
    %dma_start3A_44 = arith.constant 0 : i32
    %dma_start3A_45 = tpu.memref_slice %arg3[%add3A_38, %dma_start3A_44] : memref<1048576x64xf32, #tpu.memory_space<hbm>> -> memref<504x64xf32, #tpu.memory_space<hbm>>
    %dma_start3A_46 = arith.constant 0 : i32
    %dma_start3A_47 = arith.constant 0 : i32
    %dma_start3A_48 = tpu.memref_slice %arg4[%dma_start3A_46, %dma_start3A_47] : memref<504x64xf32, #tpu.memory_space<vmem>> -> memref<504x64xf32, #tpu.memory_space<vmem>>
    tpu.enqueue_dma source(%dma_start3A_48 : memref<504x64xf32, #tpu.memory_space<vmem>>) target(%dma_start3A_45 : memref<504x64xf32, #tpu.memory_space<hbm>>) target_semaphore(%arg8 : memref<!tpu.dma_semaphore, #tpu.memory_space<semaphore_mem>>)
    %add3A_49 = arith.constant 0 : i32
    %add3A_50 = arith.addi %mul3A_2, %add3A_49 : i32
    %dma_wait3A_51 = arith.constant 0 : i32
    %dma_wait3A_52 = arith.constant 0 : i32
    %dma_wait3A_53 = tpu.memref_slice %arg4[%dma_wait3A_51, %dma_wait3A_52] : memref<504x64xf32, #tpu.memory_space<vmem>> -> memref<504x64xf32, #tpu.memory_space<vmem>>
    %dma_wait3A_54 = arith.constant 0 : i32
    %dma_wait3A_55 = tpu.memref_slice %arg3[%add3A_50, %dma_wait3A_54] : memref<1048576x64xf32, #tpu.memory_space<hbm>> -> memref<504x64xf32, #tpu.memory_space<hbm>>
    %dma_wait3A_56 = arith.constant 0 : i32
    %dma_wait3A_57 = tpu.memref_slice %arg3[%add3A_50, %dma_wait3A_56] : memref<1048576x64xf32, #tpu.memory_space<hbm>> -> memref<504x64xf32, #tpu.memory_space<hbm>>
    %dma_wait3A_58 = arith.constant 0 : i32
    %dma_wait3A_59 = arith.constant 0 : i32
    %dma_wait3A_60 = tpu.memref_slice %arg4[%dma_wait3A_58, %dma_wait3A_59] : memref<504x64xf32, #tpu.memory_space<vmem>> -> memref<504x64xf32, #tpu.memory_space<vmem>>
    tpu.wait_dma2 semaphore(%arg8 : memref<!tpu.dma_semaphore, #tpu.memory_space<semaphore_mem>>) src(%dma_wait3A_60 : memref<504x64xf32, #tpu.memory_space<vmem>>) dst(%dma_wait3A_57 : memref<504x64xf32, #tpu.memory_space<hbm>>)
    %add3A_61 = arith.constant 1008 : i32
    %add3A_62 = arith.addi %mul3A_2, %add3A_61 : i32
    %dma_start3A_63 = arith.constant 0 : i32
    %dma_start3A_64 = arith.constant 0 : i32
    %dma_start3A_65 = tpu.memref_slice %arg4[%dma_start3A_63, %dma_start3A_64] : memref<504x64xf32, #tpu.memory_space<vmem>> -> memref<504x64xf32, #tpu.memory_space<vmem>>
    %dma_start3A_66 = arith.constant 0 : i32
    %dma_start3A_67 = tpu.memref_slice %arg2[%add3A_62, %dma_start3A_66] : memref<1048576x64xf32, #tpu.memory_space<hbm>> -> memref<504x64xf32, #tpu.memory_space<hbm>>
    %dma_start3A_68 = arith.constant 0 : i32
    %dma_start3A_69 = arith.constant 0 : i32
    %dma_start3A_70 = tpu.memref_slice %arg4[%dma_start3A_68, %dma_start3A_69] : memref<504x64xf32, #tpu.memory_space<vmem>> -> memref<504x64xf32, #tpu.memory_space<vmem>>
    %dma_start3A_71 = arith.constant 0 : i32
    %dma_start3A_72 = tpu.memref_slice %arg2[%add3A_62, %dma_start3A_71] : memref<1048576x64xf32, #tpu.memory_space<hbm>> -> memref<504x64xf32, #tpu.memory_space<hbm>>
    tpu.enqueue_dma source(%dma_start3A_72 : memref<504x64xf32, #tpu.memory_space<hbm>>) target(%dma_start3A_70 : memref<504x64xf32, #tpu.memory_space<vmem>>) target_semaphore(%arg6 : memref<!tpu.dma_semaphore, #tpu.memory_space<semaphore_mem>>)
    %add3A_73 = arith.constant 504 : i32
    %add3A_74 = arith.addi %mul3A_2, %add3A_73 : i32
    %dma_wait3A_75 = arith.constant 0 : i32
    %dma_wait3A_76 = arith.constant 0 : i32
    %dma_wait3A_77 = tpu.memref_slice %arg5[%dma_wait3A_75, %dma_wait3A_76] : memref<504x64xf32, #tpu.memory_space<vmem>> -> memref<504x64xf32, #tpu.memory_space<vmem>>
    %dma_wait3A_78 = arith.constant 0 : i32
    %dma_wait3A_79 = tpu.memref_slice %arg2[%add3A_74, %dma_wait3A_78] : memref<1048576x64xf32, #tpu.memory_space<hbm>> -> memref<504x64xf32, #tpu.memory_space<hbm>>
    %dma_wait3A_80 = arith.constant 0 : i32
    %dma_wait3A_81 = arith.constant 0 : i32
    %dma_wait3A_82 = tpu.memref_slice %arg5[%dma_wait3A_80, %dma_wait3A_81] : memref<504x64xf32, #tpu.memory_space<vmem>> -> memref<504x64xf32, #tpu.memory_space<vmem>>
    %dma_wait3A_83 = arith.constant 0 : i32
    %dma_wait3A_84 = tpu.memref_slice %arg2[%add3A_74, %dma_wait3A_83] : memref<1048576x64xf32, #tpu.memory_space<hbm>> -> memref<504x64xf32, #tpu.memory_space<hbm>>
    tpu.wait_dma2 semaphore(%arg7 : memref<!tpu.dma_semaphore, #tpu.memory_space<semaphore_mem>>) src(%dma_wait3A_84 : memref<504x64xf32, #tpu.memory_space<hbm>>) dst(%dma_wait3A_82 : memref<504x64xf32, #tpu.memory_space<vmem>>)
    %add3A_85 = arith.constant 504 : i32
    %add3A_86 = arith.addi %mul3A_2, %add3A_85 : i32
    %dma_start3A_87 = arith.constant 0 : i32
    %dma_start3A_88 = arith.constant 0 : i32
    %dma_start3A_89 = tpu.memref_slice %arg5[%dma_start3A_87, %dma_start3A_88] : memref<504x64xf32, #tpu.memory_space<vmem>> -> memref<504x64xf32, #tpu.memory_space<vmem>>
    %dma_start3A_90 = arith.constant 0 : i32
    %dma_start3A_91 = tpu.memref_slice %arg3[%add3A_86, %dma_start3A_90] : memref<1048576x64xf32, #tpu.memory_space<hbm>> -> memref<504x64xf32, #tpu.memory_space<hbm>>
    %dma_start3A_92 = arith.constant 0 : i32
    %dma_start3A_93 = tpu.memref_slice %arg3[%add3A_86, %dma_start3A_92] : memref<1048576x64xf32, #tpu.memory_space<hbm>> -> memref<504x64xf32, #tpu.memory_space<hbm>>
    %dma_start3A_94 = arith.constant 0 : i32
    %dma_start3A_95 = arith.constant 0 : i32
    %dma_start3A_96 = tpu.memref_slice %arg5[%dma_start3A_94, %dma_start3A_95] : memref<504x64xf32, #tpu.memory_space<vmem>> -> memref<504x64xf32, #tpu.memory_space<vmem>>
    tpu.enqueue_dma source(%dma_start3A_96 : memref<504x64xf32, #tpu.memory_space<vmem>>) target(%dma_start3A_93 : memref<504x64xf32, #tpu.memory_space<hbm>>) target_semaphore(%arg9 : memref<!tpu.dma_semaphore, #tpu.memory_space<semaphore_mem>>)
    %add3A_97 = arith.constant 504 : i32
    %add3A_98 = arith.addi %mul3A_2, %add3A_97 : i32
    %dma_wait3A_99 = arith.constant 0 : i32
    %dma_wait3A_100 = arith.constant 0 : i32
    %dma_wait3A_101 = tpu.memref_slice %arg5[%dma_wait3A_99, %dma_wait3A_100] : memref<504x64xf32, #tpu.memory_space<vmem>> -> memref<504x64xf32, #tpu.memory_space<vmem>>
    %dma_wait3A_102 = arith.constant 0 : i32
    %dma_wait3A_103 = tpu.memref_slice %arg3[%add3A_98, %dma_wait3A_102] : memref<1048576x64xf32, #tpu.memory_space<hbm>> -> memref<504x64xf32, #tpu.memory_space<hbm>>
    %dma_wait3A_104 = arith.constant 0 : i32
    %dma_wait3A_105 = tpu.memref_slice %arg3[%add3A_98, %dma_wait3A_104] : memref<1048576x64xf32, #tpu.memory_space<hbm>> -> memref<504x64xf32, #tpu.memory_space<hbm>>
    %dma_wait3A_106 = arith.constant 0 : i32
    %dma_wait3A_107 = arith.constant 0 : i32
    %dma_wait3A_108 = tpu.memref_slice %arg5[%dma_wait3A_106, %dma_wait3A_107] : memref<504x64xf32, #tpu.memory_space<vmem>> -> memref<504x64xf32, #tpu.memory_space<vmem>>
    tpu.wait_dma2 semaphore(%arg9 : memref<!tpu.dma_semaphore, #tpu.memory_space<semaphore_mem>>) src(%dma_wait3A_108 : memref<504x64xf32, #tpu.memory_space<vmem>>) dst(%dma_wait3A_105 : memref<504x64xf32, #tpu.memory_space<hbm>>)
    %add3A_109 = arith.constant 1512 : i32
    %add3A_110 = arith.addi %mul3A_2, %add3A_109 : i32
    %dma_start3A_111 = arith.constant 0 : i32
    %dma_start3A_112 = arith.constant 0 : i32
    %dma_start3A_113 = tpu.memref_slice %arg5[%dma_start3A_111, %dma_start3A_112] : memref<504x64xf32, #tpu.memory_space<vmem>> -> memref<504x64xf32, #tpu.memory_space<vmem>>
    %dma_start3A_114 = arith.constant 0 : i32
    %dma_start3A_115 = tpu.memref_slice %arg2[%add3A_110, %dma_start3A_114] : memref<1048576x64xf32, #tpu.memory_space<hbm>> -> memref<504x64xf32, #tpu.memory_space<hbm>>
    %dma_start3A_116 = arith.constant 0 : i32
    %dma_start3A_117 = arith.constant 0 : i32
    %dma_start3A_118 = tpu.memref_slice %arg5[%dma_start3A_116, %dma_start3A_117] : memref<504x64xf32, #tpu.memory_space<vmem>> -> memref<504x64xf32, #tpu.memory_space<vmem>>
    %dma_start3A_119 = arith.constant 0 : i32
    %dma_start3A_120 = tpu.memref_slice %arg2[%add3A_110, %dma_start3A_119] : memref<1048576x64xf32, #tpu.memory_space<hbm>> -> memref<504x64xf32, #tpu.memory_space<hbm>>
    tpu.enqueue_dma source(%dma_start3A_120 : memref<504x64xf32, #tpu.memory_space<hbm>>) target(%dma_start3A_118 : memref<504x64xf32, #tpu.memory_space<vmem>>) target_semaphore(%arg7 : memref<!tpu.dma_semaphore, #tpu.memory_space<semaphore_mem>>)
    %add3A_121 = arith.constant 1008 : i32
    %add3A_122 = arith.addi %mul3A_2, %add3A_121 : i32
    %dma_wait3A_123 = arith.constant 0 : i32
    %dma_wait3A_124 = arith.constant 0 : i32
    %dma_wait3A_125 = tpu.memref_slice %arg4[%dma_wait3A_123, %dma_wait3A_124] : memref<504x64xf32, #tpu.memory_space<vmem>> -> memref<504x64xf32, #tpu.memory_space<vmem>>
    %dma_wait3A_126 = arith.constant 0 : i32
    %dma_wait3A_127 = tpu.memref_slice %arg2[%add3A_122, %dma_wait3A_126] : memref<1048576x64xf32, #tpu.memory_space<hbm>> -> memref<504x64xf32, #tpu.memory_space<hbm>>
    %dma_wait3A_128 = arith.constant 0 : i32
    %dma_wait3A_129 = arith.constant 0 : i32
    %dma_wait3A_130 = tpu.memref_slice %arg4[%dma_wait3A_128, %dma_wait3A_129] : memref<504x64xf32, #tpu.memory_space<vmem>> -> memref<504x64xf32, #tpu.memory_space<vmem>>
    %dma_wait3A_131 = arith.constant 0 : i32
    %dma_wait3A_132 = tpu.memref_slice %arg2[%add3A_122, %dma_wait3A_131] : memref<1048576x64xf32, #tpu.memory_space<hbm>> -> memref<504x64xf32, #tpu.memory_space<hbm>>
    tpu.wait_dma2 semaphore(%arg6 : memref<!tpu.dma_semaphore, #tpu.memory_space<semaphore_mem>>) src(%dma_wait3A_132 : memref<504x64xf32, #tpu.memory_space<hbm>>) dst(%dma_wait3A_130 : memref<504x64xf32, #tpu.memory_space<vmem>>)
    %add3A_133 = arith.constant 1008 : i32
    %add3A_134 = arith.addi %mul3A_2, %add3A_133 : i32
    %dma_start3A_135 = arith.constant 0 : i32
    %dma_start3A_136 = arith.constant 0 : i32
    %dma_start3A_137 = tpu.memref_slice %arg4[%dma_start3A_135, %dma_start3A_136] : memref<504x64xf32, #tpu.memory_space<vmem>> -> memref<504x64xf32, #tpu.memory_space<vmem>>
    %dma_start3A_138 = arith.constant 0 : i32
    %dma_start3A_139 = tpu.memref_slice %arg3[%add3A_134, %dma_start3A_138] : memref<1048576x64xf32, #tpu.memory_space<hbm>> -> memref<504x64xf32, #tpu.memory_space<hbm>>
    %dma_start3A_140 = arith.constant 0 : i32
    %dma_start3A_141 = tpu.memref_slice %arg3[%add3A_134, %dma_start3A_140] : memref<1048576x64xf32, #tpu.memory_space<hbm>> -> memref<504x64xf32, #tpu.memory_space<hbm>>
    %dma_start3A_142 = arith.constant 0 : i32
    %dma_start3A_143 = arith.constant 0 : i32
    %dma_start3A_144 = tpu.memref_slice %arg4[%dma_start3A_142, %dma_start3A_143] : memref<504x64xf32, #tpu.memory_space<vmem>> -> memref<504x64xf32, #tpu.memory_space<vmem>>
    tpu.enqueue_dma source(%dma_start3A_144 : memref<504x64xf32, #tpu.memory_space<vmem>>) target(%dma_start3A_141 : memref<504x64xf32, #tpu.memory_space<hbm>>) target_semaphore(%arg8 : memref<!tpu.dma_semaphore, #tpu.memory_space<semaphore_mem>>)
    %add3A_145 = arith.constant 1008 : i32
    %add3A_146 = arith.addi %mul3A_2, %add3A_145 : i32
    %dma_wait3A_147 = arith.constant 0 : i32
    %dma_wait3A_148 = arith.constant 0 : i32
    %dma_wait3A_149 = tpu.memref_slice %arg4[%dma_wait3A_147, %dma_wait3A_148] : memref<504x64xf32, #tpu.memory_space<vmem>> -> memref<504x64xf32, #tpu.memory_space<vmem>>
    %dma_wait3A_150 = arith.constant 0 : i32
    %dma_wait3A_151 = tpu.memref_slice %arg3[%add3A_146, %dma_wait3A_150] : memref<1048576x64xf32, #tpu.memory_space<hbm>> -> memref<504x64xf32, #tpu.memory_space<hbm>>
    %dma_wait3A_152 = arith.constant 0 : i32
    %dma_wait3A_153 = tpu.memref_slice %arg3[%add3A_146, %dma_wait3A_152] : memref<1048576x64xf32, #tpu.memory_space<hbm>> -> memref<504x64xf32, #tpu.memory_space<hbm>>
    %dma_wait3A_154 = arith.constant 0 : i32
    %dma_wait3A_155 = arith.constant 0 : i32
    %dma_wait3A_156 = tpu.memref_slice %arg4[%dma_wait3A_154, %dma_wait3A_155] : memref<504x64xf32, #tpu.memory_space<vmem>> -> memref<504x64xf32, #tpu.memory_space<vmem>>
    tpu.wait_dma2 semaphore(%arg8 : memref<!tpu.dma_semaphore, #tpu.memory_space<semaphore_mem>>) src(%dma_wait3A_156 : memref<504x64xf32, #tpu.memory_space<vmem>>) dst(%dma_wait3A_153 : memref<504x64xf32, #tpu.memory_space<hbm>>)
    %add3A_157 = arith.constant 2016 : i32
    %add3A_158 = arith.addi %mul3A_2, %add3A_157 : i32
    %dma_start3A_159 = arith.constant 0 : i32
    %dma_start3A_160 = arith.constant 0 : i32
    %dma_start3A_161 = tpu.memref_slice %arg4[%dma_start3A_159, %dma_start3A_160] : memref<504x64xf32, #tpu.memory_space<vmem>> -> memref<504x64xf32, #tpu.memory_space<vmem>>
    %dma_start3A_162 = arith.constant 0 : i32
    %dma_start3A_163 = tpu.memref_slice %arg2[%add3A_158, %dma_start3A_162] : memref<1048576x64xf32, #tpu.memory_space<hbm>> -> memref<504x64xf32, #tpu.memory_space<hbm>>
    %dma_start3A_164 = arith.constant 0 : i32
    %dma_start3A_165 = arith.constant 0 : i32
    %dma_start3A_166 = tpu.memref_slice %arg4[%dma_start3A_164, %dma_start3A_165] : memref<504x64xf32, #tpu.memory_space<vmem>> -> memref<504x64xf32, #tpu.memory_space<vmem>>
    %dma_start3A_167 = arith.constant 0 : i32
    %dma_start3A_168 = tpu.memref_slice %arg2[%add3A_158, %dma_start3A_167] : memref<1048576x64xf32, #tpu.memory_space<hbm>> -> memref<504x64xf32, #tpu.memory_space<hbm>>
    tpu.enqueue_dma source(%dma_start3A_168 : memref<504x64xf32, #tpu.memory_space<hbm>>) target(%dma_start3A_166 : memref<504x64xf32, #tpu.memory_space<vmem>>) target_semaphore(%arg6 : memref<!tpu.dma_semaphore, #tpu.memory_space<semaphore_mem>>)
    %add3A_169 = arith.constant 1512 : i32
    %add3A_170 = arith.addi %mul3A_2, %add3A_169 : i32
    %dma_wait3A_171 = arith.constant 0 : i32
    %dma_wait3A_172 = arith.constant 0 : i32
    %dma_wait3A_173 = tpu.memref_slice %arg5[%dma_wait3A_171, %dma_wait3A_172] : memref<504x64xf32, #tpu.memory_space<vmem>> -> memref<504x64xf32, #tpu.memory_space<vmem>>
    %dma_wait3A_174 = arith.constant 0 : i32
    %dma_wait3A_175 = tpu.memref_slice %arg2[%add3A_170, %dma_wait3A_174] : memref<1048576x64xf32, #tpu.memory_space<hbm>> -> memref<504x64xf32, #tpu.memory_space<hbm>>
    %dma_wait3A_176 = arith.constant 0 : i32
    %dma_wait3A_177 = arith.constant 0 : i32
    %dma_wait3A_178 = tpu.memref_slice %arg5[%dma_wait3A_176, %dma_wait3A_177] : memref<504x64xf32, #tpu.memory_space<vmem>> -> memref<504x64xf32, #tpu.memory_space<vmem>>
    %dma_wait3A_179 = arith.constant 0 : i32
    %dma_wait3A_180 = tpu.memref_slice %arg2[%add3A_170, %dma_wait3A_179] : memref<1048576x64xf32, #tpu.memory_space<hbm>> -> memref<504x64xf32, #tpu.memory_space<hbm>>
    tpu.wait_dma2 semaphore(%arg7 : memref<!tpu.dma_semaphore, #tpu.memory_space<semaphore_mem>>) src(%dma_wait3A_180 : memref<504x64xf32, #tpu.memory_space<hbm>>) dst(%dma_wait3A_178 : memref<504x64xf32, #tpu.memory_space<vmem>>)
    %add3A_181 = arith.constant 1512 : i32
    %add3A_182 = arith.addi %mul3A_2, %add3A_181 : i32
    %dma_start3A_183 = arith.constant 0 : i32
    %dma_start3A_184 = arith.constant 0 : i32
    %dma_start3A_185 = tpu.memref_slice %arg5[%dma_start3A_183, %dma_start3A_184] : memref<504x64xf32, #tpu.memory_space<vmem>> -> memref<504x64xf32, #tpu.memory_space<vmem>>
    %dma_start3A_186 = arith.constant 0 : i32
    %dma_start3A_187 = tpu.memref_slice %arg3[%add3A_182, %dma_start3A_186] : memref<1048576x64xf32, #tpu.memory_space<hbm>> -> memref<504x64xf32, #tpu.memory_space<hbm>>
    %dma_start3A_188 = arith.constant 0 : i32
    %dma_start3A_189 = tpu.memref_slice %arg3[%add3A_182, %dma_start3A_188] : memref<1048576x64xf32, #tpu.memory_space<hbm>> -> memref<504x64xf32, #tpu.memory_space<hbm>>
    %dma_start3A_190 = arith.constant 0 : i32
    %dma_start3A_191 = arith.constant 0 : i32
    %dma_start3A_192 = tpu.memref_slice %arg5[%dma_start3A_190, %dma_start3A_191] : memref<504x64xf32, #tpu.memory_space<vmem>> -> memref<504x64xf32, #tpu.memory_space<vmem>>
    tpu.enqueue_dma source(%dma_start3A_192 : memref<504x64xf32, #tpu.memory_space<vmem>>) target(%dma_start3A_189 : memref<504x64xf32, #tpu.memory_space<hbm>>) target_semaphore(%arg9 : memref<!tpu.dma_semaphore, #tpu.memory_space<semaphore_mem>>)
    %add3A_193 = arith.constant 1512 : i32
    %add3A_194 = arith.addi %mul3A_2, %add3A_193 : i32
    %dma_wait3A_195 = arith.constant 0 : i32
    %dma_wait3A_196 = arith.constant 0 : i32
    %dma_wait3A_197 = tpu.memref_slice %arg5[%dma_wait3A_195, %dma_wait3A_196] : memref<504x64xf32, #tpu.memory_space<vmem>> -> memref<504x64xf32, #tpu.memory_space<vmem>>
    %dma_wait3A_198 = arith.constant 0 : i32
    %dma_wait3A_199 = tpu.memref_slice %arg3[%add3A_194, %dma_wait3A_198] : memref<1048576x64xf32, #tpu.memory_space<hbm>> -> memref<504x64xf32, #tpu.memory_space<hbm>>
    %dma_wait3A_200 = arith.constant 0 : i32
    %dma_wait3A_201 = tpu.memref_slice %arg3[%add3A_194, %dma_wait3A_200] : memref<1048576x64xf32, #tpu.memory_space<hbm>> -> memref<504x64xf32, #tpu.memory_space<hbm>>
    %dma_wait3A_202 = arith.constant 0 : i32
    %dma_wait3A_203 = arith.constant 0 : i32
    %dma_wait3A_204 = tpu.memref_slice %arg5[%dma_wait3A_202, %dma_wait3A_203] : memref<504x64xf32, #tpu.memory_space<vmem>> -> memref<504x64xf32, #tpu.memory_space<vmem>>
    tpu.wait_dma2 semaphore(%arg9 : memref<!tpu.dma_semaphore, #tpu.memory_space<semaphore_mem>>) src(%dma_wait3A_204 : memref<504x64xf32, #tpu.memory_space<vmem>>) dst(%dma_wait3A_201 : memref<504x64xf32, #tpu.memory_space<hbm>>)
    %add3A_205 = arith.constant 2520 : i32
    %add3A_206 = arith.addi %mul3A_2, %add3A_205 : i32
    %dma_start3A_207 = arith.constant 0 : i32
    %dma_start3A_208 = arith.constant 0 : i32
    %dma_start3A_209 = tpu.memref_slice %arg5[%dma_start3A_207, %dma_start3A_208] : memref<504x64xf32, #tpu.memory_space<vmem>> -> memref<504x64xf32, #tpu.memory_space<vmem>>
    %dma_start3A_210 = arith.constant 0 : i32
    %dma_start3A_211 = tpu.memref_slice %arg2[%add3A_206, %dma_start3A_210] : memref<1048576x64xf32, #tpu.memory_space<hbm>> -> memref<504x64xf32, #tpu.memory_space<hbm>>
    %dma_start3A_212 = arith.constant 0 : i32
    %dma_start3A_213 = arith.constant 0 : i32
    %dma_start3A_214 = tpu.memref_slice %arg5[%dma_start3A_212, %dma_start3A_213] : memref<504x64xf32, #tpu.memory_space<vmem>> -> memref<504x64xf32, #tpu.memory_space<vmem>>
    %dma_start3A_215 = arith.constant 0 : i32
    %dma_start3A_216 = tpu.memref_slice %arg2[%add3A_206, %dma_start3A_215] : memref<1048576x64xf32, #tpu.memory_space<hbm>> -> memref<504x64xf32, #tpu.memory_space<hbm>>
    tpu.enqueue_dma source(%dma_start3A_216 : memref<504x64xf32, #tpu.memory_space<hbm>>) target(%dma_start3A_214 : memref<504x64xf32, #tpu.memory_space<vmem>>) target_semaphore(%arg7 : memref<!tpu.dma_semaphore, #tpu.memory_space<semaphore_mem>>)
    %add3A_217 = arith.constant 2016 : i32
    %add3A_218 = arith.addi %mul3A_2, %add3A_217 : i32
    %dma_wait3A_219 = arith.constant 0 : i32
    %dma_wait3A_220 = arith.constant 0 : i32
    %dma_wait3A_221 = tpu.memref_slice %arg4[%dma_wait3A_219, %dma_wait3A_220] : memref<504x64xf32, #tpu.memory_space<vmem>> -> memref<504x64xf32, #tpu.memory_space<vmem>>
    %dma_wait3A_222 = arith.constant 0 : i32
    %dma_wait3A_223 = tpu.memref_slice %arg2[%add3A_218, %dma_wait3A_222] : memref<1048576x64xf32, #tpu.memory_space<hbm>> -> memref<504x64xf32, #tpu.memory_space<hbm>>
    %dma_wait3A_224 = arith.constant 0 : i32
    %dma_wait3A_225 = arith.constant 0 : i32
    %dma_wait3A_226 = tpu.memref_slice %arg4[%dma_wait3A_224, %dma_wait3A_225] : memref<504x64xf32, #tpu.memory_space<vmem>> -> memref<504x64xf32, #tpu.memory_space<vmem>>
    %dma_wait3A_227 = arith.constant 0 : i32
    %dma_wait3A_228 = tpu.memref_slice %arg2[%add3A_218, %dma_wait3A_227] : memref<1048576x64xf32, #tpu.memory_space<hbm>> -> memref<504x64xf32, #tpu.memory_space<hbm>>
    tpu.wait_dma2 semaphore(%arg6 : memref<!tpu.dma_semaphore, #tpu.memory_space<semaphore_mem>>) src(%dma_wait3A_228 : memref<504x64xf32, #tpu.memory_space<hbm>>) dst(%dma_wait3A_226 : memref<504x64xf32, #tpu.memory_space<vmem>>)
    %add3A_229 = arith.constant 2016 : i32
    %add3A_230 = arith.addi %mul3A_2, %add3A_229 : i32
    %dma_start3A_231 = arith.constant 0 : i32
    %dma_start3A_232 = arith.constant 0 : i32
    %dma_start3A_233 = tpu.memref_slice %arg4[%dma_start3A_231, %dma_start3A_232] : memref<504x64xf32, #tpu.memory_space<vmem>> -> memref<504x64xf32, #tpu.memory_space<vmem>>
    %dma_start3A_234 = arith.constant 0 : i32
    %dma_start3A_235 = tpu.memref_slice %arg3[%add3A_230, %dma_start3A_234] : memref<1048576x64xf32, #tpu.memory_space<hbm>> -> memref<504x64xf32, #tpu.memory_space<hbm>>
    %dma_start3A_236 = arith.constant 0 : i32
    %dma_start3A_237 = tpu.memref_slice %arg3[%add3A_230, %dma_start3A_236] : memref<1048576x64xf32, #tpu.memory_space<hbm>> -> memref<504x64xf32, #tpu.memory_space<hbm>>
    %dma_start3A_238 = arith.constant 0 : i32
    %dma_start3A_239 = arith.constant 0 : i32
    %dma_start3A_240 = tpu.memref_slice %arg4[%dma_start3A_238, %dma_start3A_239] : memref<504x64xf32, #tpu.memory_space<vmem>> -> memref<504x64xf32, #tpu.memory_space<vmem>>
    tpu.enqueue_dma source(%dma_start3A_240 : memref<504x64xf32, #tpu.memory_space<vmem>>) target(%dma_start3A_237 : memref<504x64xf32, #tpu.memory_space<hbm>>) target_semaphore(%arg8 : memref<!tpu.dma_semaphore, #tpu.memory_space<semaphore_mem>>)
    %add3A_241 = arith.constant 2016 : i32
    %add3A_242 = arith.addi %mul3A_2, %add3A_241 : i32
    %dma_wait3A_243 = arith.constant 0 : i32
    %dma_wait3A_244 = arith.constant 0 : i32
    %dma_wait3A_245 = tpu.memref_slice %arg4[%dma_wait3A_243, %dma_wait3A_244] : memref<504x64xf32, #tpu.memory_space<vmem>> -> memref<504x64xf32, #tpu.memory_space<vmem>>
    %dma_wait3A_246 = arith.constant 0 : i32
    %dma_wait3A_247 = tpu.memref_slice %arg3[%add3A_242, %dma_wait3A_246] : memref<1048576x64xf32, #tpu.memory_space<hbm>> -> memref<504x64xf32, #tpu.memory_space<hbm>>
    %dma_wait3A_248 = arith.constant 0 : i32
    %dma_wait3A_249 = tpu.memref_slice %arg3[%add3A_242, %dma_wait3A_248] : memref<1048576x64xf32, #tpu.memory_space<hbm>> -> memref<504x64xf32, #tpu.memory_space<hbm>>
    %dma_wait3A_250 = arith.constant 0 : i32
    %dma_wait3A_251 = arith.constant 0 : i32
    %dma_wait3A_252 = tpu.memref_slice %arg4[%dma_wait3A_250, %dma_wait3A_251] : memref<504x64xf32, #tpu.memory_space<vmem>> -> memref<504x64xf32, #tpu.memory_space<vmem>>
    tpu.wait_dma2 semaphore(%arg8 : memref<!tpu.dma_semaphore, #tpu.memory_space<semaphore_mem>>) src(%dma_wait3A_252 : memref<504x64xf32, #tpu.memory_space<vmem>>) dst(%dma_wait3A_249 : memref<504x64xf32, #tpu.memory_space<hbm>>)
    %add3A_253 = arith.constant 3024 : i32
    %add3A_254 = arith.addi %mul3A_2, %add3A_253 : i32
    %dma_start3A_255 = arith.constant 0 : i32
    %dma_start3A_256 = arith.constant 0 : i32
    %dma_start3A_257 = tpu.memref_slice %arg4[%dma_start3A_255, %dma_start3A_256] : memref<504x64xf32, #tpu.memory_space<vmem>> -> memref<504x64xf32, #tpu.memory_space<vmem>>
    %dma_start3A_258 = arith.constant 0 : i32
    %dma_start3A_259 = tpu.memref_slice %arg2[%add3A_254, %dma_start3A_258] : memref<1048576x64xf32, #tpu.memory_space<hbm>> -> memref<504x64xf32, #tpu.memory_space<hbm>>
    %dma_start3A_260 = arith.constant 0 : i32
    %dma_start3A_261 = arith.constant 0 : i32
    %dma_start3A_262 = tpu.memref_slice %arg4[%dma_start3A_260, %dma_start3A_261] : memref<504x64xf32, #tpu.memory_space<vmem>> -> memref<504x64xf32, #tpu.memory_space<vmem>>
    %dma_start3A_263 = arith.constant 0 : i32
    %dma_start3A_264 = tpu.memref_slice %arg2[%add3A_254, %dma_start3A_263] : memref<1048576x64xf32, #tpu.memory_space<hbm>> -> memref<504x64xf32, #tpu.memory_space<hbm>>
    tpu.enqueue_dma source(%dma_start3A_264 : memref<504x64xf32, #tpu.memory_space<hbm>>) target(%dma_start3A_262 : memref<504x64xf32, #tpu.memory_space<vmem>>) target_semaphore(%arg6 : memref<!tpu.dma_semaphore, #tpu.memory_space<semaphore_mem>>)
    %add3A_265 = arith.constant 2520 : i32
    %add3A_266 = arith.addi %mul3A_2, %add3A_265 : i32
    %dma_wait3A_267 = arith.constant 0 : i32
    %dma_wait3A_268 = arith.constant 0 : i32
    %dma_wait3A_269 = tpu.memref_slice %arg5[%dma_wait3A_267, %dma_wait3A_268] : memref<504x64xf32, #tpu.memory_space<vmem>> -> memref<504x64xf32, #tpu.memory_space<vmem>>
    %dma_wait3A_270 = arith.constant 0 : i32
    %dma_wait3A_271 = tpu.memref_slice %arg2[%add3A_266, %dma_wait3A_270] : memref<1048576x64xf32, #tpu.memory_space<hbm>> -> memref<504x64xf32, #tpu.memory_space<hbm>>
    %dma_wait3A_272 = arith.constant 0 : i32
    %dma_wait3A_273 = arith.constant 0 : i32
    %dma_wait3A_274 = tpu.memref_slice %arg5[%dma_wait3A_272, %dma_wait3A_273] : memref<504x64xf32, #tpu.memory_space<vmem>> -> memref<504x64xf32, #tpu.memory_space<vmem>>
    %dma_wait3A_275 = arith.constant 0 : i32
    %dma_wait3A_276 = tpu.memref_slice %arg2[%add3A_266, %dma_wait3A_275] : memref<1048576x64xf32, #tpu.memory_space<hbm>> -> memref<504x64xf32, #tpu.memory_space<hbm>>
    tpu.wait_dma2 semaphore(%arg7 : memref<!tpu.dma_semaphore, #tpu.memory_space<semaphore_mem>>) src(%dma_wait3A_276 : memref<504x64xf32, #tpu.memory_space<hbm>>) dst(%dma_wait3A_274 : memref<504x64xf32, #tpu.memory_space<vmem>>)
    %add3A_277 = arith.constant 2520 : i32
    %add3A_278 = arith.addi %mul3A_2, %add3A_277 : i32
    %dma_start3A_279 = arith.constant 0 : i32
    %dma_start3A_280 = arith.constant 0 : i32
    %dma_start3A_281 = tpu.memref_slice %arg5[%dma_start3A_279, %dma_start3A_280] : memref<504x64xf32, #tpu.memory_space<vmem>> -> memref<504x64xf32, #tpu.memory_space<vmem>>
    %dma_start3A_282 = arith.constant 0 : i32
    %dma_start3A_283 = tpu.memref_slice %arg3[%add3A_278, %dma_start3A_282] : memref<1048576x64xf32, #tpu.memory_space<hbm>> -> memref<504x64xf32, #tpu.memory_space<hbm>>
    %dma_start3A_284 = arith.constant 0 : i32
    %dma_start3A_285 = tpu.memref_slice %arg3[%add3A_278, %dma_start3A_284] : memref<1048576x64xf32, #tpu.memory_space<hbm>> -> memref<504x64xf32, #tpu.memory_space<hbm>>
    %dma_start3A_286 = arith.constant 0 : i32
    %dma_start3A_287 = arith.constant 0 : i32
    %dma_start3A_288 = tpu.memref_slice %arg5[%dma_start3A_286, %dma_start3A_287] : memref<504x64xf32, #tpu.memory_space<vmem>> -> memref<504x64xf32, #tpu.memory_space<vmem>>
    tpu.enqueue_dma source(%dma_start3A_288 : memref<504x64xf32, #tpu.memory_space<vmem>>) target(%dma_start3A_285 : memref<504x64xf32, #tpu.memory_space<hbm>>) target_semaphore(%arg9 : memref<!tpu.dma_semaphore, #tpu.memory_space<semaphore_mem>>)
    %add3A_289 = arith.constant 2520 : i32
    %add3A_290 = arith.addi %mul3A_2, %add3A_289 : i32
    %dma_wait3A_291 = arith.constant 0 : i32
    %dma_wait3A_292 = arith.constant 0 : i32
    %dma_wait3A_293 = tpu.memref_slice %arg5[%dma_wait3A_291, %dma_wait3A_292] : memref<504x64xf32, #tpu.memory_space<vmem>> -> memref<504x64xf32, #tpu.memory_space<vmem>>
    %dma_wait3A_294 = arith.constant 0 : i32
    %dma_wait3A_295 = tpu.memref_slice %arg3[%add3A_290, %dma_wait3A_294] : memref<1048576x64xf32, #tpu.memory_space<hbm>> -> memref<504x64xf32, #tpu.memory_space<hbm>>
    %dma_wait3A_296 = arith.constant 0 : i32
    %dma_wait3A_297 = tpu.memref_slice %arg3[%add3A_290, %dma_wait3A_296] : memref<1048576x64xf32, #tpu.memory_space<hbm>> -> memref<504x64xf32, #tpu.memory_space<hbm>>
    %dma_wait3A_298 = arith.constant 0 : i32
    %dma_wait3A_299 = arith.constant 0 : i32
    %dma_wait3A_300 = tpu.memref_slice %arg5[%dma_wait3A_298, %dma_wait3A_299] : memref<504x64xf32, #tpu.memory_space<vmem>> -> memref<504x64xf32, #tpu.memory_space<vmem>>
    tpu.wait_dma2 semaphore(%arg9 : memref<!tpu.dma_semaphore, #tpu.memory_space<semaphore_mem>>) src(%dma_wait3A_300 : memref<504x64xf32, #tpu.memory_space<vmem>>) dst(%dma_wait3A_297 : memref<504x64xf32, #tpu.memory_space<hbm>>)
    %add3A_301 = arith.constant 3528 : i32
    %add3A_302 = arith.addi %mul3A_2, %add3A_301 : i32
    %dma_start3A_303 = arith.constant 0 : i32
    %dma_start3A_304 = arith.constant 0 : i32
    %dma_start3A_305 = tpu.memref_slice %arg5[%dma_start3A_303, %dma_start3A_304] : memref<504x64xf32, #tpu.memory_space<vmem>> -> memref<504x64xf32, #tpu.memory_space<vmem>>
    %dma_start3A_306 = arith.constant 0 : i32
    %dma_start3A_307 = tpu.memref_slice %arg2[%add3A_302, %dma_start3A_306] : memref<1048576x64xf32, #tpu.memory_space<hbm>> -> memref<504x64xf32, #tpu.memory_space<hbm>>
    %dma_start3A_308 = arith.constant 0 : i32
    %dma_start3A_309 = arith.constant 0 : i32
    %dma_start3A_310 = tpu.memref_slice %arg5[%dma_start3A_308, %dma_start3A_309] : memref<504x64xf32, #tpu.memory_space<vmem>> -> memref<504x64xf32, #tpu.memory_space<vmem>>
    %dma_start3A_311 = arith.constant 0 : i32
    %dma_start3A_312 = tpu.memref_slice %arg2[%add3A_302, %dma_start3A_311] : memref<1048576x64xf32, #tpu.memory_space<hbm>> -> memref<504x64xf32, #tpu.memory_space<hbm>>
    tpu.enqueue_dma source(%dma_start3A_312 : memref<504x64xf32, #tpu.memory_space<hbm>>) target(%dma_start3A_310 : memref<504x64xf32, #tpu.memory_space<vmem>>) target_semaphore(%arg7 : memref<!tpu.dma_semaphore, #tpu.memory_space<semaphore_mem>>)
    %add3A_313 = arith.constant 3024 : i32
    %add3A_314 = arith.addi %mul3A_2, %add3A_313 : i32
    %dma_wait3A_315 = arith.constant 0 : i32
    %dma_wait3A_316 = arith.constant 0 : i32
    %dma_wait3A_317 = tpu.memref_slice %arg4[%dma_wait3A_315, %dma_wait3A_316] : memref<504x64xf32, #tpu.memory_space<vmem>> -> memref<504x64xf32, #tpu.memory_space<vmem>>
    %dma_wait3A_318 = arith.constant 0 : i32
    %dma_wait3A_319 = tpu.memref_slice %arg2[%add3A_314, %dma_wait3A_318] : memref<1048576x64xf32, #tpu.memory_space<hbm>> -> memref<504x64xf32, #tpu.memory_space<hbm>>
    %dma_wait3A_320 = arith.constant 0 : i32
    %dma_wait3A_321 = arith.constant 0 : i32
    %dma_wait3A_322 = tpu.memref_slice %arg4[%dma_wait3A_320, %dma_wait3A_321] : memref<504x64xf32, #tpu.memory_space<vmem>> -> memref<504x64xf32, #tpu.memory_space<vmem>>
    %dma_wait3A_323 = arith.constant 0 : i32
    %dma_wait3A_324 = tpu.memref_slice %arg2[%add3A_314, %dma_wait3A_323] : memref<1048576x64xf32, #tpu.memory_space<hbm>> -> memref<504x64xf32, #tpu.memory_space<hbm>>
    tpu.wait_dma2 semaphore(%arg6 : memref<!tpu.dma_semaphore, #tpu.memory_space<semaphore_mem>>) src(%dma_wait3A_324 : memref<504x64xf32, #tpu.memory_space<hbm>>) dst(%dma_wait3A_322 : memref<504x64xf32, #tpu.memory_space<vmem>>)
    %add3A_325 = arith.constant 3024 : i32
    %add3A_326 = arith.addi %mul3A_2, %add3A_325 : i32
    %dma_start3A_327 = arith.constant 0 : i32
    %dma_start3A_328 = arith.constant 0 : i32
    %dma_start3A_329 = tpu.memref_slice %arg4[%dma_start3A_327, %dma_start3A_328] : memref<504x64xf32, #tpu.memory_space<vmem>> -> memref<504x64xf32, #tpu.memory_space<vmem>>
    %dma_start3A_330 = arith.constant 0 : i32
    %dma_start3A_331 = tpu.memref_slice %arg3[%add3A_326, %dma_start3A_330] : memref<1048576x64xf32, #tpu.memory_space<hbm>> -> memref<504x64xf32, #tpu.memory_space<hbm>>
    %dma_start3A_332 = arith.constant 0 : i32
    %dma_start3A_333 = tpu.memref_slice %arg3[%add3A_326, %dma_start3A_332] : memref<1048576x64xf32, #tpu.memory_space<hbm>> -> memref<504x64xf32, #tpu.memory_space<hbm>>
    %dma_start3A_334 = arith.constant 0 : i32
    %dma_start3A_335 = arith.constant 0 : i32
    %dma_start3A_336 = tpu.memref_slice %arg4[%dma_start3A_334, %dma_start3A_335] : memref<504x64xf32, #tpu.memory_space<vmem>> -> memref<504x64xf32, #tpu.memory_space<vmem>>
    tpu.enqueue_dma source(%dma_start3A_336 : memref<504x64xf32, #tpu.memory_space<vmem>>) target(%dma_start3A_333 : memref<504x64xf32, #tpu.memory_space<hbm>>) target_semaphore(%arg8 : memref<!tpu.dma_semaphore, #tpu.memory_space<semaphore_mem>>)
    %add3A_337 = arith.constant 3024 : i32
    %add3A_338 = arith.addi %mul3A_2, %add3A_337 : i32
    %dma_wait3A_339 = arith.constant 0 : i32
    %dma_wait3A_340 = arith.constant 0 : i32
    %dma_wait3A_341 = tpu.memref_slice %arg4[%dma_wait3A_339, %dma_wait3A_340] : memref<504x64xf32, #tpu.memory_space<vmem>> -> memref<504x64xf32, #tpu.memory_space<vmem>>
    %dma_wait3A_342 = arith.constant 0 : i32
    %dma_wait3A_343 = tpu.memref_slice %arg3[%add3A_338, %dma_wait3A_342] : memref<1048576x64xf32, #tpu.memory_space<hbm>> -> memref<504x64xf32, #tpu.memory_space<hbm>>
    %dma_wait3A_344 = arith.constant 0 : i32
    %dma_wait3A_345 = tpu.memref_slice %arg3[%add3A_338, %dma_wait3A_344] : memref<1048576x64xf32, #tpu.memory_space<hbm>> -> memref<504x64xf32, #tpu.memory_space<hbm>>
    %dma_wait3A_346 = arith.constant 0 : i32
    %dma_wait3A_347 = arith.constant 0 : i32
    %dma_wait3A_348 = tpu.memref_slice %arg4[%dma_wait3A_346, %dma_wait3A_347] : memref<504x64xf32, #tpu.memory_space<vmem>> -> memref<504x64xf32, #tpu.memory_space<vmem>>
    tpu.wait_dma2 semaphore(%arg8 : memref<!tpu.dma_semaphore, #tpu.memory_space<semaphore_mem>>) src(%dma_wait3A_348 : memref<504x64xf32, #tpu.memory_space<vmem>>) dst(%dma_wait3A_345 : memref<504x64xf32, #tpu.memory_space<hbm>>)
    %add3A_349 = arith.constant 4032 : i32
    %add3A_350 = arith.addi %mul3A_2, %add3A_349 : i32
    %dma_start3A_351 = arith.constant 0 : i32
    %dma_start3A_352 = arith.constant 0 : i32
    %dma_start3A_353 = tpu.memref_slice %arg4[%dma_start3A_351, %dma_start3A_352] : memref<504x64xf32, #tpu.memory_space<vmem>> -> memref<504x64xf32, #tpu.memory_space<vmem>>
    %dma_start3A_354 = arith.constant 0 : i32
    %dma_start3A_355 = tpu.memref_slice %arg2[%add3A_350, %dma_start3A_354] : memref<1048576x64xf32, #tpu.memory_space<hbm>> -> memref<504x64xf32, #tpu.memory_space<hbm>>
    %dma_start3A_356 = arith.constant 0 : i32
    %dma_start3A_357 = arith.constant 0 : i32
    %dma_start3A_358 = tpu.memref_slice %arg4[%dma_start3A_356, %dma_start3A_357] : memref<504x64xf32, #tpu.memory_space<vmem>> -> memref<504x64xf32, #tpu.memory_space<vmem>>
    %dma_start3A_359 = arith.constant 0 : i32
    %dma_start3A_360 = tpu.memref_slice %arg2[%add3A_350, %dma_start3A_359] : memref<1048576x64xf32, #tpu.memory_space<hbm>> -> memref<504x64xf32, #tpu.memory_space<hbm>>
    tpu.enqueue_dma source(%dma_start3A_360 : memref<504x64xf32, #tpu.memory_space<hbm>>) target(%dma_start3A_358 : memref<504x64xf32, #tpu.memory_space<vmem>>) target_semaphore(%arg6 : memref<!tpu.dma_semaphore, #tpu.memory_space<semaphore_mem>>)
    %add3A_361 = arith.constant 3528 : i32
    %add3A_362 = arith.addi %mul3A_2, %add3A_361 : i32
    %dma_wait3A_363 = arith.constant 0 : i32
    %dma_wait3A_364 = arith.constant 0 : i32
    %dma_wait3A_365 = tpu.memref_slice %arg5[%dma_wait3A_363, %dma_wait3A_364] : memref<504x64xf32, #tpu.memory_space<vmem>> -> memref<504x64xf32, #tpu.memory_space<vmem>>
    %dma_wait3A_366 = arith.constant 0 : i32
    %dma_wait3A_367 = tpu.memref_slice %arg2[%add3A_362, %dma_wait3A_366] : memref<1048576x64xf32, #tpu.memory_space<hbm>> -> memref<504x64xf32, #tpu.memory_space<hbm>>
    %dma_wait3A_368 = arith.constant 0 : i32
    %dma_wait3A_369 = arith.constant 0 : i32
    %dma_wait3A_370 = tpu.memref_slice %arg5[%dma_wait3A_368, %dma_wait3A_369] : memref<504x64xf32, #tpu.memory_space<vmem>> -> memref<504x64xf32, #tpu.memory_space<vmem>>
    %dma_wait3A_371 = arith.constant 0 : i32
    %dma_wait3A_372 = tpu.memref_slice %arg2[%add3A_362, %dma_wait3A_371] : memref<1048576x64xf32, #tpu.memory_space<hbm>> -> memref<504x64xf32, #tpu.memory_space<hbm>>
    tpu.wait_dma2 semaphore(%arg7 : memref<!tpu.dma_semaphore, #tpu.memory_space<semaphore_mem>>) src(%dma_wait3A_372 : memref<504x64xf32, #tpu.memory_space<hbm>>) dst(%dma_wait3A_370 : memref<504x64xf32, #tpu.memory_space<vmem>>)
    %add3A_373 = arith.constant 3528 : i32
    %add3A_374 = arith.addi %mul3A_2, %add3A_373 : i32
    %dma_start3A_375 = arith.constant 0 : i32
    %dma_start3A_376 = arith.constant 0 : i32
    %dma_start3A_377 = tpu.memref_slice %arg5[%dma_start3A_375, %dma_start3A_376] : memref<504x64xf32, #tpu.memory_space<vmem>> -> memref<504x64xf32, #tpu.memory_space<vmem>>
    %dma_start3A_378 = arith.constant 0 : i32
    %dma_start3A_379 = tpu.memref_slice %arg3[%add3A_374, %dma_start3A_378] : memref<1048576x64xf32, #tpu.memory_space<hbm>> -> memref<504x64xf32, #tpu.memory_space<hbm>>
    %dma_start3A_380 = arith.constant 0 : i32
    %dma_start3A_381 = tpu.memref_slice %arg3[%add3A_374, %dma_start3A_380] : memref<1048576x64xf32, #tpu.memory_space<hbm>> -> memref<504x64xf32, #tpu.memory_space<hbm>>
    %dma_start3A_382 = arith.constant 0 : i32
    %dma_start3A_383 = arith.constant 0 : i32
    %dma_start3A_384 = tpu.memref_slice %arg5[%dma_start3A_382, %dma_start3A_383] : memref<504x64xf32, #tpu.memory_space<vmem>> -> memref<504x64xf32, #tpu.memory_space<vmem>>
    tpu.enqueue_dma source(%dma_start3A_384 : memref<504x64xf32, #tpu.memory_space<vmem>>) target(%dma_start3A_381 : memref<504x64xf32, #tpu.memory_space<hbm>>) target_semaphore(%arg9 : memref<!tpu.dma_semaphore, #tpu.memory_space<semaphore_mem>>)
    %add3A_385 = arith.constant 3528 : i32
    %add3A_386 = arith.addi %mul3A_2, %add3A_385 : i32
    %dma_wait3A_387 = arith.constant 0 : i32
    %dma_wait3A_388 = arith.constant 0 : i32
    %dma_wait3A_389 = tpu.memref_slice %arg5[%dma_wait3A_387, %dma_wait3A_388] : memref<504x64xf32, #tpu.memory_space<vmem>> -> memref<504x64xf32, #tpu.memory_space<vmem>>
    %dma_wait3A_390 = arith.constant 0 : i32
    %dma_wait3A_391 = tpu.memref_slice %arg3[%add3A_386, %dma_wait3A_390] : memref<1048576x64xf32, #tpu.memory_space<hbm>> -> memref<504x64xf32, #tpu.memory_space<hbm>>
    %dma_wait3A_392 = arith.constant 0 : i32
    %dma_wait3A_393 = tpu.memref_slice %arg3[%add3A_386, %dma_wait3A_392] : memref<1048576x64xf32, #tpu.memory_space<hbm>> -> memref<504x64xf32, #tpu.memory_space<hbm>>
    %dma_wait3A_394 = arith.constant 0 : i32
    %dma_wait3A_395 = arith.constant 0 : i32
    %dma_wait3A_396 = tpu.memref_slice %arg5[%dma_wait3A_394, %dma_wait3A_395] : memref<504x64xf32, #tpu.memory_space<vmem>> -> memref<504x64xf32, #tpu.memory_space<vmem>>
    tpu.wait_dma2 semaphore(%arg9 : memref<!tpu.dma_semaphore, #tpu.memory_space<semaphore_mem>>) src(%dma_wait3A_396 : memref<504x64xf32, #tpu.memory_space<vmem>>) dst(%dma_wait3A_393 : memref<504x64xf32, #tpu.memory_space<hbm>>)
    %add3A_397 = arith.constant 4536 : i32
    %add3A_398 = arith.addi %mul3A_2, %add3A_397 : i32
    %dma_start3A_399 = arith.constant 0 : i32
    %dma_start3A_400 = arith.constant 0 : i32
    %dma_start3A_401 = tpu.memref_slice %arg5[%dma_start3A_399, %dma_start3A_400] : memref<504x64xf32, #tpu.memory_space<vmem>> -> memref<504x64xf32, #tpu.memory_space<vmem>>
    %dma_start3A_402 = arith.constant 0 : i32
    %dma_start3A_403 = tpu.memref_slice %arg2[%add3A_398, %dma_start3A_402] : memref<1048576x64xf32, #tpu.memory_space<hbm>> -> memref<504x64xf32, #tpu.memory_space<hbm>>
    %dma_start3A_404 = arith.constant 0 : i32
    %dma_start3A_405 = arith.constant 0 : i32
    %dma_start3A_406 = tpu.memref_slice %arg5[%dma_start3A_404, %dma_start3A_405] : memref<504x64xf32, #tpu.memory_space<vmem>> -> memref<504x64xf32, #tpu.memory_space<vmem>>
    %dma_start3A_407 = arith.constant 0 : i32
    %dma_start3A_408 = tpu.memref_slice %arg2[%add3A_398, %dma_start3A_407] : memref<1048576x64xf32, #tpu.memory_space<hbm>> -> memref<504x64xf32, #tpu.memory_space<hbm>>
    tpu.enqueue_dma source(%dma_start3A_408 : memref<504x64xf32, #tpu.memory_space<hbm>>) target(%dma_start3A_406 : memref<504x64xf32, #tpu.memory_space<vmem>>) target_semaphore(%arg7 : memref<!tpu.dma_semaphore, #tpu.memory_space<semaphore_mem>>)
    %add3A_409 = arith.constant 4032 : i32
    %add3A_410 = arith.addi %mul3A_2, %add3A_409 : i32
    %dma_wait3A_411 = arith.constant 0 : i32
    %dma_wait3A_412 = arith.constant 0 : i32
    %dma_wait3A_413 = tpu.memref_slice %arg4[%dma_wait3A_411, %dma_wait3A_412] : memref<504x64xf32, #tpu.memory_space<vmem>> -> memref<504x64xf32, #tpu.memory_space<vmem>>
    %dma_wait3A_414 = arith.constant 0 : i32
    %dma_wait3A_415 = tpu.memref_slice %arg2[%add3A_410, %dma_wait3A_414] : memref<1048576x64xf32, #tpu.memory_space<hbm>> -> memref<504x64xf32, #tpu.memory_space<hbm>>
    %dma_wait3A_416 = arith.constant 0 : i32
    %dma_wait3A_417 = arith.constant 0 : i32
    %dma_wait3A_418 = tpu.memref_slice %arg4[%dma_wait3A_416, %dma_wait3A_417] : memref<504x64xf32, #tpu.memory_space<vmem>> -> memref<504x64xf32, #tpu.memory_space<vmem>>
    %dma_wait3A_419 = arith.constant 0 : i32
    %dma_wait3A_420 = tpu.memref_slice %arg2[%add3A_410, %dma_wait3A_419] : memref<1048576x64xf32, #tpu.memory_space<hbm>> -> memref<504x64xf32, #tpu.memory_space<hbm>>
    tpu.wait_dma2 semaphore(%arg6 : memref<!tpu.dma_semaphore, #tpu.memory_space<semaphore_mem>>) src(%dma_wait3A_420 : memref<504x64xf32, #tpu.memory_space<hbm>>) dst(%dma_wait3A_418 : memref<504x64xf32, #tpu.memory_space<vmem>>)
    %add3A_421 = arith.constant 4032 : i32
    %add3A_422 = arith.addi %mul3A_2, %add3A_421 : i32
    %dma_start3A_423 = arith.constant 0 : i32
    %dma_start3A_424 = arith.constant 0 : i32
    %dma_start3A_425 = tpu.memref_slice %arg4[%dma_start3A_423, %dma_start3A_424] : memref<504x64xf32, #tpu.memory_space<vmem>> -> memref<504x64xf32, #tpu.memory_space<vmem>>
    %dma_start3A_426 = arith.constant 0 : i32
    %dma_start3A_427 = tpu.memref_slice %arg3[%add3A_422, %dma_start3A_426] : memref<1048576x64xf32, #tpu.memory_space<hbm>> -> memref<504x64xf32, #tpu.memory_space<hbm>>
    %dma_start3A_428 = arith.constant 0 : i32
    %dma_start3A_429 = tpu.memref_slice %arg3[%add3A_422, %dma_start3A_428] : memref<1048576x64xf32, #tpu.memory_space<hbm>> -> memref<504x64xf32, #tpu.memory_space<hbm>>
    %dma_start3A_430 = arith.constant 0 : i32
    %dma_start3A_431 = arith.constant 0 : i32
    %dma_start3A_432 = tpu.memref_slice %arg4[%dma_start3A_430, %dma_start3A_431] : memref<504x64xf32, #tpu.memory_space<vmem>> -> memref<504x64xf32, #tpu.memory_space<vmem>>
    tpu.enqueue_dma source(%dma_start3A_432 : memref<504x64xf32, #tpu.memory_space<vmem>>) target(%dma_start3A_429 : memref<504x64xf32, #tpu.memory_space<hbm>>) target_semaphore(%arg8 : memref<!tpu.dma_semaphore, #tpu.memory_space<semaphore_mem>>)
    %add3A_433 = arith.constant 4032 : i32
    %add3A_434 = arith.addi %mul3A_2, %add3A_433 : i32
    %dma_wait3A_435 = arith.constant 0 : i32
    %dma_wait3A_436 = arith.constant 0 : i32
    %dma_wait3A_437 = tpu.memref_slice %arg4[%dma_wait3A_435, %dma_wait3A_436] : memref<504x64xf32, #tpu.memory_space<vmem>> -> memref<504x64xf32, #tpu.memory_space<vmem>>
    %dma_wait3A_438 = arith.constant 0 : i32
    %dma_wait3A_439 = tpu.memref_slice %arg3[%add3A_434, %dma_wait3A_438] : memref<1048576x64xf32, #tpu.memory_space<hbm>> -> memref<504x64xf32, #tpu.memory_space<hbm>>
    %dma_wait3A_440 = arith.constant 0 : i32
    %dma_wait3A_441 = tpu.memref_slice %arg3[%add3A_434, %dma_wait3A_440] : memref<1048576x64xf32, #tpu.memory_space<hbm>> -> memref<504x64xf32, #tpu.memory_space<hbm>>
    %dma_wait3A_442 = arith.constant 0 : i32
    %dma_wait3A_443 = arith.constant 0 : i32
    %dma_wait3A_444 = tpu.memref_slice %arg4[%dma_wait3A_442, %dma_wait3A_443] : memref<504x64xf32, #tpu.memory_space<vmem>> -> memref<504x64xf32, #tpu.memory_space<vmem>>
    tpu.wait_dma2 semaphore(%arg8 : memref<!tpu.dma_semaphore, #tpu.memory_space<semaphore_mem>>) src(%dma_wait3A_444 : memref<504x64xf32, #tpu.memory_space<vmem>>) dst(%dma_wait3A_441 : memref<504x64xf32, #tpu.memory_space<hbm>>)
    %add3A_445 = arith.constant 5040 : i32
    %add3A_446 = arith.addi %mul3A_2, %add3A_445 : i32
    %dma_start3A_447 = arith.constant 0 : i32
    %dma_start3A_448 = arith.constant 0 : i32
    %dma_start3A_449 = tpu.memref_slice %arg4[%dma_start3A_447, %dma_start3A_448] : memref<504x64xf32, #tpu.memory_space<vmem>> -> memref<504x64xf32, #tpu.memory_space<vmem>>
    %dma_start3A_450 = arith.constant 0 : i32
    %dma_start3A_451 = tpu.memref_slice %arg2[%add3A_446, %dma_start3A_450] : memref<1048576x64xf32, #tpu.memory_space<hbm>> -> memref<504x64xf32, #tpu.memory_space<hbm>>
    %dma_start3A_452 = arith.constant 0 : i32
    %dma_start3A_453 = arith.constant 0 : i32
    %dma_start3A_454 = tpu.memref_slice %arg4[%dma_start3A_452, %dma_start3A_453] : memref<504x64xf32, #tpu.memory_space<vmem>> -> memref<504x64xf32, #tpu.memory_space<vmem>>
    %dma_start3A_455 = arith.constant 0 : i32
    %dma_start3A_456 = tpu.memref_slice %arg2[%add3A_446, %dma_start3A_455] : memref<1048576x64xf32, #tpu.memory_space<hbm>> -> memref<504x64xf32, #tpu.memory_space<hbm>>
    tpu.enqueue_dma source(%dma_start3A_456 : memref<504x64xf32, #tpu.memory_space<hbm>>) target(%dma_start3A_454 : memref<504x64xf32, #tpu.memory_space<vmem>>) target_semaphore(%arg6 : memref<!tpu.dma_semaphore, #tpu.memory_space<semaphore_mem>>)
    %add3A_457 = arith.constant 4536 : i32
    %add3A_458 = arith.addi %mul3A_2, %add3A_457 : i32
    %dma_wait3A_459 = arith.constant 0 : i32
    %dma_wait3A_460 = arith.constant 0 : i32
    %dma_wait3A_461 = tpu.memref_slice %arg5[%dma_wait3A_459, %dma_wait3A_460] : memref<504x64xf32, #tpu.memory_space<vmem>> -> memref<504x64xf32, #tpu.memory_space<vmem>>
    %dma_wait3A_462 = arith.constant 0 : i32
    %dma_wait3A_463 = tpu.memref_slice %arg2[%add3A_458, %dma_wait3A_462] : memref<1048576x64xf32, #tpu.memory_space<hbm>> -> memref<504x64xf32, #tpu.memory_space<hbm>>
    %dma_wait3A_464 = arith.constant 0 : i32
    %dma_wait3A_465 = arith.constant 0 : i32
    %dma_wait3A_466 = tpu.memref_slice %arg5[%dma_wait3A_464, %dma_wait3A_465] : memref<504x64xf32, #tpu.memory_space<vmem>> -> memref<504x64xf32, #tpu.memory_space<vmem>>
    %dma_wait3A_467 = arith.constant 0 : i32
    %dma_wait3A_468 = tpu.memref_slice %arg2[%add3A_458, %dma_wait3A_467] : memref<1048576x64xf32, #tpu.memory_space<hbm>> -> memref<504x64xf32, #tpu.memory_space<hbm>>
    tpu.wait_dma2 semaphore(%arg7 : memref<!tpu.dma_semaphore, #tpu.memory_space<semaphore_mem>>) src(%dma_wait3A_468 : memref<504x64xf32, #tpu.memory_space<hbm>>) dst(%dma_wait3A_466 : memref<504x64xf32, #tpu.memory_space<vmem>>)
    %add3A_469 = arith.constant 4536 : i32
    %add3A_470 = arith.addi %mul3A_2, %add3A_469 : i32
    %dma_start3A_471 = arith.constant 0 : i32
    %dma_start3A_472 = arith.constant 0 : i32
    %dma_start3A_473 = tpu.memref_slice %arg5[%dma_start3A_471, %dma_start3A_472] : memref<504x64xf32, #tpu.memory_space<vmem>> -> memref<504x64xf32, #tpu.memory_space<vmem>>
    %dma_start3A_474 = arith.constant 0 : i32
    %dma_start3A_475 = tpu.memref_slice %arg3[%add3A_470, %dma_start3A_474] : memref<1048576x64xf32, #tpu.memory_space<hbm>> -> memref<504x64xf32, #tpu.memory_space<hbm>>
    %dma_start3A_476 = arith.constant 0 : i32
    %dma_start3A_477 = tpu.memref_slice %arg3[%add3A_470, %dma_start3A_476] : memref<1048576x64xf32, #tpu.memory_space<hbm>> -> memref<504x64xf32, #tpu.memory_space<hbm>>
    %dma_start3A_478 = arith.constant 0 : i32
    %dma_start3A_479 = arith.constant 0 : i32
    %dma_start3A_480 = tpu.memref_slice %arg5[%dma_start3A_478, %dma_start3A_479] : memref<504x64xf32, #tpu.memory_space<vmem>> -> memref<504x64xf32, #tpu.memory_space<vmem>>
    tpu.enqueue_dma source(%dma_start3A_480 : memref<504x64xf32, #tpu.memory_space<vmem>>) target(%dma_start3A_477 : memref<504x64xf32, #tpu.memory_space<hbm>>) target_semaphore(%arg9 : memref<!tpu.dma_semaphore, #tpu.memory_space<semaphore_mem>>)
    %add3A_481 = arith.constant 4536 : i32
    %add3A_482 = arith.addi %mul3A_2, %add3A_481 : i32
    %dma_wait3A_483 = arith.constant 0 : i32
    %dma_wait3A_484 = arith.constant 0 : i32
    %dma_wait3A_485 = tpu.memref_slice %arg5[%dma_wait3A_483, %dma_wait3A_484] : memref<504x64xf32, #tpu.memory_space<vmem>> -> memref<504x64xf32, #tpu.memory_space<vmem>>
    %dma_wait3A_486 = arith.constant 0 : i32
    %dma_wait3A_487 = tpu.memref_slice %arg3[%add3A_482, %dma_wait3A_486] : memref<1048576x64xf32, #tpu.memory_space<hbm>> -> memref<504x64xf32, #tpu.memory_space<hbm>>
    %dma_wait3A_488 = arith.constant 0 : i32
    %dma_wait3A_489 = tpu.memref_slice %arg3[%add3A_482, %dma_wait3A_488] : memref<1048576x64xf32, #tpu.memory_space<hbm>> -> memref<504x64xf32, #tpu.memory_space<hbm>>
    %dma_wait3A_490 = arith.constant 0 : i32
    %dma_wait3A_491 = arith.constant 0 : i32
    %dma_wait3A_492 = tpu.memref_slice %arg5[%dma_wait3A_490, %dma_wait3A_491] : memref<504x64xf32, #tpu.memory_space<vmem>> -> memref<504x64xf32, #tpu.memory_space<vmem>>
    tpu.wait_dma2 semaphore(%arg9 : memref<!tpu.dma_semaphore, #tpu.memory_space<semaphore_mem>>) src(%dma_wait3A_492 : memref<504x64xf32, #tpu.memory_space<vmem>>) dst(%dma_wait3A_489 : memref<504x64xf32, #tpu.memory_space<hbm>>)
    %add3A_493 = arith.constant 5544 : i32
    %add3A_494 = arith.addi %mul3A_2, %add3A_493 : i32
    %dma_start3A_495 = arith.constant 0 : i32
    %dma_start3A_496 = arith.constant 0 : i32
    %dma_start3A_497 = tpu.memref_slice %arg5[%dma_start3A_495, %dma_start3A_496] : memref<504x64xf32, #tpu.memory_space<vmem>> -> memref<504x64xf32, #tpu.memory_space<vmem>>
    %dma_start3A_498 = arith.constant 0 : i32
    %dma_start3A_499 = tpu.memref_slice %arg2[%add3A_494, %dma_start3A_498] : memref<1048576x64xf32, #tpu.memory_space<hbm>> -> memref<504x64xf32, #tpu.memory_space<hbm>>
    %dma_start3A_500 = arith.constant 0 : i32
    %dma_start3A_501 = arith.constant 0 : i32
    %dma_start3A_502 = tpu.memref_slice %arg5[%dma_start3A_500, %dma_start3A_501] : memref<504x64xf32, #tpu.memory_space<vmem>> -> memref<504x64xf32, #tpu.memory_space<vmem>>
    %dma_start3A_503 = arith.constant 0 : i32
    %dma_start3A_504 = tpu.memref_slice %arg2[%add3A_494, %dma_start3A_503] : memref<1048576x64xf32, #tpu.memory_space<hbm>> -> memref<504x64xf32, #tpu.memory_space<hbm>>
    tpu.enqueue_dma source(%dma_start3A_504 : memref<504x64xf32, #tpu.memory_space<hbm>>) target(%dma_start3A_502 : memref<504x64xf32, #tpu.memory_space<vmem>>) target_semaphore(%arg7 : memref<!tpu.dma_semaphore, #tpu.memory_space<semaphore_mem>>)
    %add3A_505 = arith.constant 5040 : i32
    %add3A_506 = arith.addi %mul3A_2, %add3A_505 : i32
    %dma_wait3A_507 = arith.constant 0 : i32
    %dma_wait3A_508 = arith.constant 0 : i32
    %dma_wait3A_509 = tpu.memref_slice %arg4[%dma_wait3A_507, %dma_wait3A_508] : memref<504x64xf32, #tpu.memory_space<vmem>> -> memref<504x64xf32, #tpu.memory_space<vmem>>
    %dma_wait3A_510 = arith.constant 0 : i32
    %dma_wait3A_511 = tpu.memref_slice %arg2[%add3A_506, %dma_wait3A_510] : memref<1048576x64xf32, #tpu.memory_space<hbm>> -> memref<504x64xf32, #tpu.memory_space<hbm>>
    %dma_wait3A_512 = arith.constant 0 : i32
    %dma_wait3A_513 = arith.constant 0 : i32
    %dma_wait3A_514 = tpu.memref_slice %arg4[%dma_wait3A_512, %dma_wait3A_513] : memref<504x64xf32, #tpu.memory_space<vmem>> -> memref<504x64xf32, #tpu.memory_space<vmem>>
    %dma_wait3A_515 = arith.constant 0 : i32
    %dma_wait3A_516 = tpu.memref_slice %arg2[%add3A_506, %dma_wait3A_515] : memref<1048576x64xf32, #tpu.memory_space<hbm>> -> memref<504x64xf32, #tpu.memory_space<hbm>>
    tpu.wait_dma2 semaphore(%arg6 : memref<!tpu.dma_semaphore, #tpu.memory_space<semaphore_mem>>) src(%dma_wait3A_516 : memref<504x64xf32, #tpu.memory_space<hbm>>) dst(%dma_wait3A_514 : memref<504x64xf32, #tpu.memory_space<vmem>>)
    %add3A_517 = arith.constant 5040 : i32
    %add3A_518 = arith.addi %mul3A_2, %add3A_517 : i32
    %dma_start3A_519 = arith.constant 0 : i32
    %dma_start3A_520 = arith.constant 0 : i32
    %dma_start3A_521 = tpu.memref_slice %arg4[%dma_start3A_519, %dma_start3A_520] : memref<504x64xf32, #tpu.memory_space<vmem>> -> memref<504x64xf32, #tpu.memory_space<vmem>>
    %dma_start3A_522 = arith.constant 0 : i32
    %dma_start3A_523 = tpu.memref_slice %arg3[%add3A_518, %dma_start3A_522] : memref<1048576x64xf32, #tpu.memory_space<hbm>> -> memref<504x64xf32, #tpu.memory_space<hbm>>
    %dma_start3A_524 = arith.constant 0 : i32
    %dma_start3A_525 = tpu.memref_slice %arg3[%add3A_518, %dma_start3A_524] : memref<1048576x64xf32, #tpu.memory_space<hbm>> -> memref<504x64xf32, #tpu.memory_space<hbm>>
    %dma_start3A_526 = arith.constant 0 : i32
    %dma_start3A_527 = arith.constant 0 : i32
    %dma_start3A_528 = tpu.memref_slice %arg4[%dma_start3A_526, %dma_start3A_527] : memref<504x64xf32, #tpu.memory_space<vmem>> -> memref<504x64xf32, #tpu.memory_space<vmem>>
    tpu.enqueue_dma source(%dma_start3A_528 : memref<504x64xf32, #tpu.memory_space<vmem>>) target(%dma_start3A_525 : memref<504x64xf32, #tpu.memory_space<hbm>>) target_semaphore(%arg8 : memref<!tpu.dma_semaphore, #tpu.memory_space<semaphore_mem>>)
    %add3A_529 = arith.constant 5040 : i32
    %add3A_530 = arith.addi %mul3A_2, %add3A_529 : i32
    %dma_wait3A_531 = arith.constant 0 : i32
    %dma_wait3A_532 = arith.constant 0 : i32
    %dma_wait3A_533 = tpu.memref_slice %arg4[%dma_wait3A_531, %dma_wait3A_532] : memref<504x64xf32, #tpu.memory_space<vmem>> -> memref<504x64xf32, #tpu.memory_space<vmem>>
    %dma_wait3A_534 = arith.constant 0 : i32
    %dma_wait3A_535 = tpu.memref_slice %arg3[%add3A_530, %dma_wait3A_534] : memref<1048576x64xf32, #tpu.memory_space<hbm>> -> memref<504x64xf32, #tpu.memory_space<hbm>>
    %dma_wait3A_536 = arith.constant 0 : i32
    %dma_wait3A_537 = tpu.memref_slice %arg3[%add3A_530, %dma_wait3A_536] : memref<1048576x64xf32, #tpu.memory_space<hbm>> -> memref<504x64xf32, #tpu.memory_space<hbm>>
    %dma_wait3A_538 = arith.constant 0 : i32
    %dma_wait3A_539 = arith.constant 0 : i32
    %dma_wait3A_540 = tpu.memref_slice %arg4[%dma_wait3A_538, %dma_wait3A_539] : memref<504x64xf32, #tpu.memory_space<vmem>> -> memref<504x64xf32, #tpu.memory_space<vmem>>
    tpu.wait_dma2 semaphore(%arg8 : memref<!tpu.dma_semaphore, #tpu.memory_space<semaphore_mem>>) src(%dma_wait3A_540 : memref<504x64xf32, #tpu.memory_space<vmem>>) dst(%dma_wait3A_537 : memref<504x64xf32, #tpu.memory_space<hbm>>)
    %add3A_541 = arith.constant 6048 : i32
    %add3A_542 = arith.addi %mul3A_2, %add3A_541 : i32
    %dma_start3A_543 = arith.constant 0 : i32
    %dma_start3A_544 = arith.constant 0 : i32
    %dma_start3A_545 = tpu.memref_slice %arg4[%dma_start3A_543, %dma_start3A_544] : memref<504x64xf32, #tpu.memory_space<vmem>> -> memref<504x64xf32, #tpu.memory_space<vmem>>
    %dma_start3A_546 = arith.constant 0 : i32
    %dma_start3A_547 = tpu.memref_slice %arg2[%add3A_542, %dma_start3A_546] : memref<1048576x64xf32, #tpu.memory_space<hbm>> -> memref<504x64xf32, #tpu.memory_space<hbm>>
    %dma_start3A_548 = arith.constant 0 : i32
    %dma_start3A_549 = arith.constant 0 : i32
    %dma_start3A_550 = tpu.memref_slice %arg4[%dma_start3A_548, %dma_start3A_549] : memref<504x64xf32, #tpu.memory_space<vmem>> -> memref<504x64xf32, #tpu.memory_space<vmem>>
    %dma_start3A_551 = arith.constant 0 : i32
    %dma_start3A_552 = tpu.memref_slice %arg2[%add3A_542, %dma_start3A_551] : memref<1048576x64xf32, #tpu.memory_space<hbm>> -> memref<504x64xf32, #tpu.memory_space<hbm>>
    tpu.enqueue_dma source(%dma_start3A_552 : memref<504x64xf32, #tpu.memory_space<hbm>>) target(%dma_start3A_550 : memref<504x64xf32, #tpu.memory_space<vmem>>) target_semaphore(%arg6 : memref<!tpu.dma_semaphore, #tpu.memory_space<semaphore_mem>>)
    %add3A_553 = arith.constant 5544 : i32
    %add3A_554 = arith.addi %mul3A_2, %add3A_553 : i32
    %dma_wait3A_555 = arith.constant 0 : i32
    %dma_wait3A_556 = arith.constant 0 : i32
    %dma_wait3A_557 = tpu.memref_slice %arg5[%dma_wait3A_555, %dma_wait3A_556] : memref<504x64xf32, #tpu.memory_space<vmem>> -> memref<504x64xf32, #tpu.memory_space<vmem>>
    %dma_wait3A_558 = arith.constant 0 : i32
    %dma_wait3A_559 = tpu.memref_slice %arg2[%add3A_554, %dma_wait3A_558] : memref<1048576x64xf32, #tpu.memory_space<hbm>> -> memref<504x64xf32, #tpu.memory_space<hbm>>
    %dma_wait3A_560 = arith.constant 0 : i32
    %dma_wait3A_561 = arith.constant 0 : i32
    %dma_wait3A_562 = tpu.memref_slice %arg5[%dma_wait3A_560, %dma_wait3A_561] : memref<504x64xf32, #tpu.memory_space<vmem>> -> memref<504x64xf32, #tpu.memory_space<vmem>>
    %dma_wait3A_563 = arith.constant 0 : i32
    %dma_wait3A_564 = tpu.memref_slice %arg2[%add3A_554, %dma_wait3A_563] : memref<1048576x64xf32, #tpu.memory_space<hbm>> -> memref<504x64xf32, #tpu.memory_space<hbm>>
    tpu.wait_dma2 semaphore(%arg7 : memref<!tpu.dma_semaphore, #tpu.memory_space<semaphore_mem>>) src(%dma_wait3A_564 : memref<504x64xf32, #tpu.memory_space<hbm>>) dst(%dma_wait3A_562 : memref<504x64xf32, #tpu.memory_space<vmem>>)
    %add3A_565 = arith.constant 5544 : i32
    %add3A_566 = arith.addi %mul3A_2, %add3A_565 : i32
    %dma_start3A_567 = arith.constant 0 : i32
    %dma_start3A_568 = arith.constant 0 : i32
    %dma_start3A_569 = tpu.memref_slice %arg5[%dma_start3A_567, %dma_start3A_568] : memref<504x64xf32, #tpu.memory_space<vmem>> -> memref<504x64xf32, #tpu.memory_space<vmem>>
    %dma_start3A_570 = arith.constant 0 : i32
    %dma_start3A_571 = tpu.memref_slice %arg3[%add3A_566, %dma_start3A_570] : memref<1048576x64xf32, #tpu.memory_space<hbm>> -> memref<504x64xf32, #tpu.memory_space<hbm>>
    %dma_start3A_572 = arith.constant 0 : i32
    %dma_start3A_573 = tpu.memref_slice %arg3[%add3A_566, %dma_start3A_572] : memref<1048576x64xf32, #tpu.memory_space<hbm>> -> memref<504x64xf32, #tpu.memory_space<hbm>>
    %dma_start3A_574 = arith.constant 0 : i32
    %dma_start3A_575 = arith.constant 0 : i32
    %dma_start3A_576 = tpu.memref_slice %arg5[%dma_start3A_574, %dma_start3A_575] : memref<504x64xf32, #tpu.memory_space<vmem>> -> memref<504x64xf32, #tpu.memory_space<vmem>>
    tpu.enqueue_dma source(%dma_start3A_576 : memref<504x64xf32, #tpu.memory_space<vmem>>) target(%dma_start3A_573 : memref<504x64xf32, #tpu.memory_space<hbm>>) target_semaphore(%arg9 : memref<!tpu.dma_semaphore, #tpu.memory_space<semaphore_mem>>)
    %add3A_577 = arith.constant 5544 : i32
    %add3A_578 = arith.addi %mul3A_2, %add3A_577 : i32
    %dma_wait3A_579 = arith.constant 0 : i32
    %dma_wait3A_580 = arith.constant 0 : i32
    %dma_wait3A_581 = tpu.memref_slice %arg5[%dma_wait3A_579, %dma_wait3A_580] : memref<504x64xf32, #tpu.memory_space<vmem>> -> memref<504x64xf32, #tpu.memory_space<vmem>>
    %dma_wait3A_582 = arith.constant 0 : i32
    %dma_wait3A_583 = tpu.memref_slice %arg3[%add3A_578, %dma_wait3A_582] : memref<1048576x64xf32, #tpu.memory_space<hbm>> -> memref<504x64xf32, #tpu.memory_space<hbm>>
    %dma_wait3A_584 = arith.constant 0 : i32
    %dma_wait3A_585 = tpu.memref_slice %arg3[%add3A_578, %dma_wait3A_584] : memref<1048576x64xf32, #tpu.memory_space<hbm>> -> memref<504x64xf32, #tpu.memory_space<hbm>>
    %dma_wait3A_586 = arith.constant 0 : i32
    %dma_wait3A_587 = arith.constant 0 : i32
    %dma_wait3A_588 = tpu.memref_slice %arg5[%dma_wait3A_586, %dma_wait3A_587] : memref<504x64xf32, #tpu.memory_space<vmem>> -> memref<504x64xf32, #tpu.memory_space<vmem>>
    tpu.wait_dma2 semaphore(%arg9 : memref<!tpu.dma_semaphore, #tpu.memory_space<semaphore_mem>>) src(%dma_wait3A_588 : memref<504x64xf32, #tpu.memory_space<vmem>>) dst(%dma_wait3A_585 : memref<504x64xf32, #tpu.memory_space<hbm>>)
    %add3A_589 = arith.constant 6552 : i32
    %add3A_590 = arith.addi %mul3A_2, %add3A_589 : i32
    %dma_start3A_591 = arith.constant 0 : i32
    %dma_start3A_592 = arith.constant 0 : i32
    %dma_start3A_593 = tpu.memref_slice %arg5[%dma_start3A_591, %dma_start3A_592] : memref<504x64xf32, #tpu.memory_space<vmem>> -> memref<504x64xf32, #tpu.memory_space<vmem>>
    %dma_start3A_594 = arith.constant 0 : i32
    %dma_start3A_595 = tpu.memref_slice %arg2[%add3A_590, %dma_start3A_594] : memref<1048576x64xf32, #tpu.memory_space<hbm>> -> memref<504x64xf32, #tpu.memory_space<hbm>>
    %dma_start3A_596 = arith.constant 0 : i32
    %dma_start3A_597 = arith.constant 0 : i32
    %dma_start3A_598 = tpu.memref_slice %arg5[%dma_start3A_596, %dma_start3A_597] : memref<504x64xf32, #tpu.memory_space<vmem>> -> memref<504x64xf32, #tpu.memory_space<vmem>>
    %dma_start3A_599 = arith.constant 0 : i32
    %dma_start3A_600 = tpu.memref_slice %arg2[%add3A_590, %dma_start3A_599] : memref<1048576x64xf32, #tpu.memory_space<hbm>> -> memref<504x64xf32, #tpu.memory_space<hbm>>
    tpu.enqueue_dma source(%dma_start3A_600 : memref<504x64xf32, #tpu.memory_space<hbm>>) target(%dma_start3A_598 : memref<504x64xf32, #tpu.memory_space<vmem>>) target_semaphore(%arg7 : memref<!tpu.dma_semaphore, #tpu.memory_space<semaphore_mem>>)
    %add3A_601 = arith.constant 6048 : i32
    %add3A_602 = arith.addi %mul3A_2, %add3A_601 : i32
    %dma_wait3A_603 = arith.constant 0 : i32
    %dma_wait3A_604 = arith.constant 0 : i32
    %dma_wait3A_605 = tpu.memref_slice %arg4[%dma_wait3A_603, %dma_wait3A_604] : memref<504x64xf32, #tpu.memory_space<vmem>> -> memref<504x64xf32, #tpu.memory_space<vmem>>
    %dma_wait3A_606 = arith.constant 0 : i32
    %dma_wait3A_607 = tpu.memref_slice %arg2[%add3A_602, %dma_wait3A_606] : memref<1048576x64xf32, #tpu.memory_space<hbm>> -> memref<504x64xf32, #tpu.memory_space<hbm>>
    %dma_wait3A_608 = arith.constant 0 : i32
    %dma_wait3A_609 = arith.constant 0 : i32
    %dma_wait3A_610 = tpu.memref_slice %arg4[%dma_wait3A_608, %dma_wait3A_609] : memref<504x64xf32, #tpu.memory_space<vmem>> -> memref<504x64xf32, #tpu.memory_space<vmem>>
    %dma_wait3A_611 = arith.constant 0 : i32
    %dma_wait3A_612 = tpu.memref_slice %arg2[%add3A_602, %dma_wait3A_611] : memref<1048576x64xf32, #tpu.memory_space<hbm>> -> memref<504x64xf32, #tpu.memory_space<hbm>>
    tpu.wait_dma2 semaphore(%arg6 : memref<!tpu.dma_semaphore, #tpu.memory_space<semaphore_mem>>) src(%dma_wait3A_612 : memref<504x64xf32, #tpu.memory_space<hbm>>) dst(%dma_wait3A_610 : memref<504x64xf32, #tpu.memory_space<vmem>>)
    %add3A_613 = arith.constant 6048 : i32
    %add3A_614 = arith.addi %mul3A_2, %add3A_613 : i32
    %dma_start3A_615 = arith.constant 0 : i32
    %dma_start3A_616 = arith.constant 0 : i32
    %dma_start3A_617 = tpu.memref_slice %arg4[%dma_start3A_615, %dma_start3A_616] : memref<504x64xf32, #tpu.memory_space<vmem>> -> memref<504x64xf32, #tpu.memory_space<vmem>>
    %dma_start3A_618 = arith.constant 0 : i32
    %dma_start3A_619 = tpu.memref_slice %arg3[%add3A_614, %dma_start3A_618] : memref<1048576x64xf32, #tpu.memory_space<hbm>> -> memref<504x64xf32, #tpu.memory_space<hbm>>
    %dma_start3A_620 = arith.constant 0 : i32
    %dma_start3A_621 = tpu.memref_slice %arg3[%add3A_614, %dma_start3A_620] : memref<1048576x64xf32, #tpu.memory_space<hbm>> -> memref<504x64xf32, #tpu.memory_space<hbm>>
    %dma_start3A_622 = arith.constant 0 : i32
    %dma_start3A_623 = arith.constant 0 : i32
    %dma_start3A_624 = tpu.memref_slice %arg4[%dma_start3A_622, %dma_start3A_623] : memref<504x64xf32, #tpu.memory_space<vmem>> -> memref<504x64xf32, #tpu.memory_space<vmem>>
    tpu.enqueue_dma source(%dma_start3A_624 : memref<504x64xf32, #tpu.memory_space<vmem>>) target(%dma_start3A_621 : memref<504x64xf32, #tpu.memory_space<hbm>>) target_semaphore(%arg8 : memref<!tpu.dma_semaphore, #tpu.memory_space<semaphore_mem>>)
    %add3A_625 = arith.constant 6048 : i32
    %add3A_626 = arith.addi %mul3A_2, %add3A_625 : i32
    %dma_wait3A_627 = arith.constant 0 : i32
    %dma_wait3A_628 = arith.constant 0 : i32
    %dma_wait3A_629 = tpu.memref_slice %arg4[%dma_wait3A_627, %dma_wait3A_628] : memref<504x64xf32, #tpu.memory_space<vmem>> -> memref<504x64xf32, #tpu.memory_space<vmem>>
    %dma_wait3A_630 = arith.constant 0 : i32
    %dma_wait3A_631 = tpu.memref_slice %arg3[%add3A_626, %dma_wait3A_630] : memref<1048576x64xf32, #tpu.memory_space<hbm>> -> memref<504x64xf32, #tpu.memory_space<hbm>>
    %dma_wait3A_632 = arith.constant 0 : i32
    %dma_wait3A_633 = tpu.memref_slice %arg3[%add3A_626, %dma_wait3A_632] : memref<1048576x64xf32, #tpu.memory_space<hbm>> -> memref<504x64xf32, #tpu.memory_space<hbm>>
    %dma_wait3A_634 = arith.constant 0 : i32
    %dma_wait3A_635 = arith.constant 0 : i32
    %dma_wait3A_636 = tpu.memref_slice %arg4[%dma_wait3A_634, %dma_wait3A_635] : memref<504x64xf32, #tpu.memory_space<vmem>> -> memref<504x64xf32, #tpu.memory_space<vmem>>
    tpu.wait_dma2 semaphore(%arg8 : memref<!tpu.dma_semaphore, #tpu.memory_space<semaphore_mem>>) src(%dma_wait3A_636 : memref<504x64xf32, #tpu.memory_space<vmem>>) dst(%dma_wait3A_633 : memref<504x64xf32, #tpu.memory_space<hbm>>)
    %add3A_637 = arith.constant 7056 : i32
    %add3A_638 = arith.addi %mul3A_2, %add3A_637 : i32
    %dma_start3A_639 = arith.constant 0 : i32
    %dma_start3A_640 = arith.constant 0 : i32
    %dma_start3A_641 = tpu.memref_slice %arg4[%dma_start3A_639, %dma_start3A_640] : memref<504x64xf32, #tpu.memory_space<vmem>> -> memref<504x64xf32, #tpu.memory_space<vmem>>
    %dma_start3A_642 = arith.constant 0 : i32
    %dma_start3A_643 = tpu.memref_slice %arg2[%add3A_638, %dma_start3A_642] : memref<1048576x64xf32, #tpu.memory_space<hbm>> -> memref<504x64xf32, #tpu.memory_space<hbm>>
    %dma_start3A_644 = arith.constant 0 : i32
    %dma_start3A_645 = arith.constant 0 : i32
    %dma_start3A_646 = tpu.memref_slice %arg4[%dma_start3A_644, %dma_start3A_645] : memref<504x64xf32, #tpu.memory_space<vmem>> -> memref<504x64xf32, #tpu.memory_space<vmem>>
    %dma_start3A_647 = arith.constant 0 : i32
    %dma_start3A_648 = tpu.memref_slice %arg2[%add3A_638, %dma_start3A_647] : memref<1048576x64xf32, #tpu.memory_space<hbm>> -> memref<504x64xf32, #tpu.memory_space<hbm>>
    tpu.enqueue_dma source(%dma_start3A_648 : memref<504x64xf32, #tpu.memory_space<hbm>>) target(%dma_start3A_646 : memref<504x64xf32, #tpu.memory_space<vmem>>) target_semaphore(%arg6 : memref<!tpu.dma_semaphore, #tpu.memory_space<semaphore_mem>>)
    %add3A_649 = arith.constant 6552 : i32
    %add3A_650 = arith.addi %mul3A_2, %add3A_649 : i32
    %dma_wait3A_651 = arith.constant 0 : i32
    %dma_wait3A_652 = arith.constant 0 : i32
    %dma_wait3A_653 = tpu.memref_slice %arg5[%dma_wait3A_651, %dma_wait3A_652] : memref<504x64xf32, #tpu.memory_space<vmem>> -> memref<504x64xf32, #tpu.memory_space<vmem>>
    %dma_wait3A_654 = arith.constant 0 : i32
    %dma_wait3A_655 = tpu.memref_slice %arg2[%add3A_650, %dma_wait3A_654] : memref<1048576x64xf32, #tpu.memory_space<hbm>> -> memref<504x64xf32, #tpu.memory_space<hbm>>
    %dma_wait3A_656 = arith.constant 0 : i32
    %dma_wait3A_657 = arith.constant 0 : i32
    %dma_wait3A_658 = tpu.memref_slice %arg5[%dma_wait3A_656, %dma_wait3A_657] : memref<504x64xf32, #tpu.memory_space<vmem>> -> memref<504x64xf32, #tpu.memory_space<vmem>>
    %dma_wait3A_659 = arith.constant 0 : i32
    %dma_wait3A_660 = tpu.memref_slice %arg2[%add3A_650, %dma_wait3A_659] : memref<1048576x64xf32, #tpu.memory_space<hbm>> -> memref<504x64xf32, #tpu.memory_space<hbm>>
    tpu.wait_dma2 semaphore(%arg7 : memref<!tpu.dma_semaphore, #tpu.memory_space<semaphore_mem>>) src(%dma_wait3A_660 : memref<504x64xf32, #tpu.memory_space<hbm>>) dst(%dma_wait3A_658 : memref<504x64xf32, #tpu.memory_space<vmem>>)
    %add3A_661 = arith.constant 6552 : i32
    %add3A_662 = arith.addi %mul3A_2, %add3A_661 : i32
    %dma_start3A_663 = arith.constant 0 : i32
    %dma_start3A_664 = arith.constant 0 : i32
    %dma_start3A_665 = tpu.memref_slice %arg5[%dma_start3A_663, %dma_start3A_664] : memref<504x64xf32, #tpu.memory_space<vmem>> -> memref<504x64xf32, #tpu.memory_space<vmem>>
    %dma_start3A_666 = arith.constant 0 : i32
    %dma_start3A_667 = tpu.memref_slice %arg3[%add3A_662, %dma_start3A_666] : memref<1048576x64xf32, #tpu.memory_space<hbm>> -> memref<504x64xf32, #tpu.memory_space<hbm>>
    %dma_start3A_668 = arith.constant 0 : i32
    %dma_start3A_669 = tpu.memref_slice %arg3[%add3A_662, %dma_start3A_668] : memref<1048576x64xf32, #tpu.memory_space<hbm>> -> memref<504x64xf32, #tpu.memory_space<hbm>>
    %dma_start3A_670 = arith.constant 0 : i32
    %dma_start3A_671 = arith.constant 0 : i32
    %dma_start3A_672 = tpu.memref_slice %arg5[%dma_start3A_670, %dma_start3A_671] : memref<504x64xf32, #tpu.memory_space<vmem>> -> memref<504x64xf32, #tpu.memory_space<vmem>>
    tpu.enqueue_dma source(%dma_start3A_672 : memref<504x64xf32, #tpu.memory_space<vmem>>) target(%dma_start3A_669 : memref<504x64xf32, #tpu.memory_space<hbm>>) target_semaphore(%arg9 : memref<!tpu.dma_semaphore, #tpu.memory_space<semaphore_mem>>)
    %add3A_673 = arith.constant 6552 : i32
    %add3A_674 = arith.addi %mul3A_2, %add3A_673 : i32
    %dma_wait3A_675 = arith.constant 0 : i32
    %dma_wait3A_676 = arith.constant 0 : i32
    %dma_wait3A_677 = tpu.memref_slice %arg5[%dma_wait3A_675, %dma_wait3A_676] : memref<504x64xf32, #tpu.memory_space<vmem>> -> memref<504x64xf32, #tpu.memory_space<vmem>>
    %dma_wait3A_678 = arith.constant 0 : i32
    %dma_wait3A_679 = tpu.memref_slice %arg3[%add3A_674, %dma_wait3A_678] : memref<1048576x64xf32, #tpu.memory_space<hbm>> -> memref<504x64xf32, #tpu.memory_space<hbm>>
    %dma_wait3A_680 = arith.constant 0 : i32
    %dma_wait3A_681 = tpu.memref_slice %arg3[%add3A_674, %dma_wait3A_680] : memref<1048576x64xf32, #tpu.memory_space<hbm>> -> memref<504x64xf32, #tpu.memory_space<hbm>>
    %dma_wait3A_682 = arith.constant 0 : i32
    %dma_wait3A_683 = arith.constant 0 : i32
    %dma_wait3A_684 = tpu.memref_slice %arg5[%dma_wait3A_682, %dma_wait3A_683] : memref<504x64xf32, #tpu.memory_space<vmem>> -> memref<504x64xf32, #tpu.memory_space<vmem>>
    tpu.wait_dma2 semaphore(%arg9 : memref<!tpu.dma_semaphore, #tpu.memory_space<semaphore_mem>>) src(%dma_wait3A_684 : memref<504x64xf32, #tpu.memory_space<vmem>>) dst(%dma_wait3A_681 : memref<504x64xf32, #tpu.memory_space<hbm>>)
    %add3A_685 = arith.constant 7560 : i32
    %add3A_686 = arith.addi %mul3A_2, %add3A_685 : i32
    %dma_start3A_687 = arith.constant 0 : i32
    %dma_start3A_688 = arith.constant 0 : i32
    %dma_start3A_689 = tpu.memref_slice %arg5[%dma_start3A_687, %dma_start3A_688] : memref<504x64xf32, #tpu.memory_space<vmem>> -> memref<504x64xf32, #tpu.memory_space<vmem>>
    %dma_start3A_690 = arith.constant 0 : i32
    %dma_start3A_691 = tpu.memref_slice %arg2[%add3A_686, %dma_start3A_690] : memref<1048576x64xf32, #tpu.memory_space<hbm>> -> memref<504x64xf32, #tpu.memory_space<hbm>>
    %dma_start3A_692 = arith.constant 0 : i32
    %dma_start3A_693 = arith.constant 0 : i32
    %dma_start3A_694 = tpu.memref_slice %arg5[%dma_start3A_692, %dma_start3A_693] : memref<504x64xf32, #tpu.memory_space<vmem>> -> memref<504x64xf32, #tpu.memory_space<vmem>>
    %dma_start3A_695 = arith.constant 0 : i32
    %dma_start3A_696 = tpu.memref_slice %arg2[%add3A_686, %dma_start3A_695] : memref<1048576x64xf32, #tpu.memory_space<hbm>> -> memref<504x64xf32, #tpu.memory_space<hbm>>
    tpu.enqueue_dma source(%dma_start3A_696 : memref<504x64xf32, #tpu.memory_space<hbm>>) target(%dma_start3A_694 : memref<504x64xf32, #tpu.memory_space<vmem>>) target_semaphore(%arg7 : memref<!tpu.dma_semaphore, #tpu.memory_space<semaphore_mem>>)
    %add3A_697 = arith.constant 7056 : i32
    %add3A_698 = arith.addi %mul3A_2, %add3A_697 : i32
    %dma_wait3A_699 = arith.constant 0 : i32
    %dma_wait3A_700 = arith.constant 0 : i32
    %dma_wait3A_701 = tpu.memref_slice %arg4[%dma_wait3A_699, %dma_wait3A_700] : memref<504x64xf32, #tpu.memory_space<vmem>> -> memref<504x64xf32, #tpu.memory_space<vmem>>
    %dma_wait3A_702 = arith.constant 0 : i32
    %dma_wait3A_703 = tpu.memref_slice %arg2[%add3A_698, %dma_wait3A_702] : memref<1048576x64xf32, #tpu.memory_space<hbm>> -> memref<504x64xf32, #tpu.memory_space<hbm>>
    %dma_wait3A_704 = arith.constant 0 : i32
    %dma_wait3A_705 = arith.constant 0 : i32
    %dma_wait3A_706 = tpu.memref_slice %arg4[%dma_wait3A_704, %dma_wait3A_705] : memref<504x64xf32, #tpu.memory_space<vmem>> -> memref<504x64xf32, #tpu.memory_space<vmem>>
    %dma_wait3A_707 = arith.constant 0 : i32
    %dma_wait3A_708 = tpu.memref_slice %arg2[%add3A_698, %dma_wait3A_707] : memref<1048576x64xf32, #tpu.memory_space<hbm>> -> memref<504x64xf32, #tpu.memory_space<hbm>>
    tpu.wait_dma2 semaphore(%arg6 : memref<!tpu.dma_semaphore, #tpu.memory_space<semaphore_mem>>) src(%dma_wait3A_708 : memref<504x64xf32, #tpu.memory_space<hbm>>) dst(%dma_wait3A_706 : memref<504x64xf32, #tpu.memory_space<vmem>>)
    %add3A_709 = arith.constant 7056 : i32
    %add3A_710 = arith.addi %mul3A_2, %add3A_709 : i32
    %dma_start3A_711 = arith.constant 0 : i32
    %dma_start3A_712 = arith.constant 0 : i32
    %dma_start3A_713 = tpu.memref_slice %arg4[%dma_start3A_711, %dma_start3A_712] : memref<504x64xf32, #tpu.memory_space<vmem>> -> memref<504x64xf32, #tpu.memory_space<vmem>>
    %dma_start3A_714 = arith.constant 0 : i32
    %dma_start3A_715 = tpu.memref_slice %arg3[%add3A_710, %dma_start3A_714] : memref<1048576x64xf32, #tpu.memory_space<hbm>> -> memref<504x64xf32, #tpu.memory_space<hbm>>
    %dma_start3A_716 = arith.constant 0 : i32
    %dma_start3A_717 = tpu.memref_slice %arg3[%add3A_710, %dma_start3A_716] : memref<1048576x64xf32, #tpu.memory_space<hbm>> -> memref<504x64xf32, #tpu.memory_space<hbm>>
    %dma_start3A_718 = arith.constant 0 : i32
    %dma_start3A_719 = arith.constant 0 : i32
    %dma_start3A_720 = tpu.memref_slice %arg4[%dma_start3A_718, %dma_start3A_719] : memref<504x64xf32, #tpu.memory_space<vmem>> -> memref<504x64xf32, #tpu.memory_space<vmem>>
    tpu.enqueue_dma source(%dma_start3A_720 : memref<504x64xf32, #tpu.memory_space<vmem>>) target(%dma_start3A_717 : memref<504x64xf32, #tpu.memory_space<hbm>>) target_semaphore(%arg8 : memref<!tpu.dma_semaphore, #tpu.memory_space<semaphore_mem>>)
    %add3A_721 = arith.constant 7056 : i32
    %add3A_722 = arith.addi %mul3A_2, %add3A_721 : i32
    %dma_wait3A_723 = arith.constant 0 : i32
    %dma_wait3A_724 = arith.constant 0 : i32
    %dma_wait3A_725 = tpu.memref_slice %arg4[%dma_wait3A_723, %dma_wait3A_724] : memref<504x64xf32, #tpu.memory_space<vmem>> -> memref<504x64xf32, #tpu.memory_space<vmem>>
    %dma_wait3A_726 = arith.constant 0 : i32
    %dma_wait3A_727 = tpu.memref_slice %arg3[%add3A_722, %dma_wait3A_726] : memref<1048576x64xf32, #tpu.memory_space<hbm>> -> memref<504x64xf32, #tpu.memory_space<hbm>>
    %dma_wait3A_728 = arith.constant 0 : i32
    %dma_wait3A_729 = tpu.memref_slice %arg3[%add3A_722, %dma_wait3A_728] : memref<1048576x64xf32, #tpu.memory_space<hbm>> -> memref<504x64xf32, #tpu.memory_space<hbm>>
    %dma_wait3A_730 = arith.constant 0 : i32
    %dma_wait3A_731 = arith.constant 0 : i32
    %dma_wait3A_732 = tpu.memref_slice %arg4[%dma_wait3A_730, %dma_wait3A_731] : memref<504x64xf32, #tpu.memory_space<vmem>> -> memref<504x64xf32, #tpu.memory_space<vmem>>
    tpu.wait_dma2 semaphore(%arg8 : memref<!tpu.dma_semaphore, #tpu.memory_space<semaphore_mem>>) src(%dma_wait3A_732 : memref<504x64xf32, #tpu.memory_space<vmem>>) dst(%dma_wait3A_729 : memref<504x64xf32, #tpu.memory_space<hbm>>)
    %add3A_733 = arith.constant 8064 : i32
    %add3A_734 = arith.addi %mul3A_2, %add3A_733 : i32
    %dma_start3A_735 = arith.constant 0 : i32
    %dma_start3A_736 = arith.constant 0 : i32
    %dma_start3A_737 = tpu.memref_slice %arg4[%dma_start3A_735, %dma_start3A_736] : memref<504x64xf32, #tpu.memory_space<vmem>> -> memref<504x64xf32, #tpu.memory_space<vmem>>
    %dma_start3A_738 = arith.constant 0 : i32
    %dma_start3A_739 = tpu.memref_slice %arg2[%add3A_734, %dma_start3A_738] : memref<1048576x64xf32, #tpu.memory_space<hbm>> -> memref<504x64xf32, #tpu.memory_space<hbm>>
    %dma_start3A_740 = arith.constant 0 : i32
    %dma_start3A_741 = arith.constant 0 : i32
    %dma_start3A_742 = tpu.memref_slice %arg4[%dma_start3A_740, %dma_start3A_741] : memref<504x64xf32, #tpu.memory_space<vmem>> -> memref<504x64xf32, #tpu.memory_space<vmem>>
    %dma_start3A_743 = arith.constant 0 : i32
    %dma_start3A_744 = tpu.memref_slice %arg2[%add3A_734, %dma_start3A_743] : memref<1048576x64xf32, #tpu.memory_space<hbm>> -> memref<504x64xf32, #tpu.memory_space<hbm>>
    tpu.enqueue_dma source(%dma_start3A_744 : memref<504x64xf32, #tpu.memory_space<hbm>>) target(%dma_start3A_742 : memref<504x64xf32, #tpu.memory_space<vmem>>) target_semaphore(%arg6 : memref<!tpu.dma_semaphore, #tpu.memory_space<semaphore_mem>>)
    %add3A_745 = arith.constant 7560 : i32
    %add3A_746 = arith.addi %mul3A_2, %add3A_745 : i32
    %dma_wait3A_747 = arith.constant 0 : i32
    %dma_wait3A_748 = arith.constant 0 : i32
    %dma_wait3A_749 = tpu.memref_slice %arg5[%dma_wait3A_747, %dma_wait3A_748] : memref<504x64xf32, #tpu.memory_space<vmem>> -> memref<504x64xf32, #tpu.memory_space<vmem>>
    %dma_wait3A_750 = arith.constant 0 : i32
    %dma_wait3A_751 = tpu.memref_slice %arg2[%add3A_746, %dma_wait3A_750] : memref<1048576x64xf32, #tpu.memory_space<hbm>> -> memref<504x64xf32, #tpu.memory_space<hbm>>
    %dma_wait3A_752 = arith.constant 0 : i32
    %dma_wait3A_753 = arith.constant 0 : i32
    %dma_wait3A_754 = tpu.memref_slice %arg5[%dma_wait3A_752, %dma_wait3A_753] : memref<504x64xf32, #tpu.memory_space<vmem>> -> memref<504x64xf32, #tpu.memory_space<vmem>>
    %dma_wait3A_755 = arith.constant 0 : i32
    %dma_wait3A_756 = tpu.memref_slice %arg2[%add3A_746, %dma_wait3A_755] : memref<1048576x64xf32, #tpu.memory_space<hbm>> -> memref<504x64xf32, #tpu.memory_space<hbm>>
    tpu.wait_dma2 semaphore(%arg7 : memref<!tpu.dma_semaphore, #tpu.memory_space<semaphore_mem>>) src(%dma_wait3A_756 : memref<504x64xf32, #tpu.memory_space<hbm>>) dst(%dma_wait3A_754 : memref<504x64xf32, #tpu.memory_space<vmem>>)
    %add3A_757 = arith.constant 7560 : i32
    %add3A_758 = arith.addi %mul3A_2, %add3A_757 : i32
    %dma_start3A_759 = arith.constant 0 : i32
    %dma_start3A_760 = arith.constant 0 : i32
    %dma_start3A_761 = tpu.memref_slice %arg5[%dma_start3A_759, %dma_start3A_760] : memref<504x64xf32, #tpu.memory_space<vmem>> -> memref<504x64xf32, #tpu.memory_space<vmem>>
    %dma_start3A_762 = arith.constant 0 : i32
    %dma_start3A_763 = tpu.memref_slice %arg3[%add3A_758, %dma_start3A_762] : memref<1048576x64xf32, #tpu.memory_space<hbm>> -> memref<504x64xf32, #tpu.memory_space<hbm>>
    %dma_start3A_764 = arith.constant 0 : i32
    %dma_start3A_765 = tpu.memref_slice %arg3[%add3A_758, %dma_start3A_764] : memref<1048576x64xf32, #tpu.memory_space<hbm>> -> memref<504x64xf32, #tpu.memory_space<hbm>>
    %dma_start3A_766 = arith.constant 0 : i32
    %dma_start3A_767 = arith.constant 0 : i32
    %dma_start3A_768 = tpu.memref_slice %arg5[%dma_start3A_766, %dma_start3A_767] : memref<504x64xf32, #tpu.memory_space<vmem>> -> memref<504x64xf32, #tpu.memory_space<vmem>>
    tpu.enqueue_dma source(%dma_start3A_768 : memref<504x64xf32, #tpu.memory_space<vmem>>) target(%dma_start3A_765 : memref<504x64xf32, #tpu.memory_space<hbm>>) target_semaphore(%arg9 : memref<!tpu.dma_semaphore, #tpu.memory_space<semaphore_mem>>)
    %add3A_769 = arith.constant 7560 : i32
    %add3A_770 = arith.addi %mul3A_2, %add3A_769 : i32
    %dma_wait3A_771 = arith.constant 0 : i32
    %dma_wait3A_772 = arith.constant 0 : i32
    %dma_wait3A_773 = tpu.memref_slice %arg5[%dma_wait3A_771, %dma_wait3A_772] : memref<504x64xf32, #tpu.memory_space<vmem>> -> memref<504x64xf32, #tpu.memory_space<vmem>>
    %dma_wait3A_774 = arith.constant 0 : i32
    %dma_wait3A_775 = tpu.memref_slice %arg3[%add3A_770, %dma_wait3A_774] : memref<1048576x64xf32, #tpu.memory_space<hbm>> -> memref<504x64xf32, #tpu.memory_space<hbm>>
    %dma_wait3A_776 = arith.constant 0 : i32
    %dma_wait3A_777 = tpu.memref_slice %arg3[%add3A_770, %dma_wait3A_776] : memref<1048576x64xf32, #tpu.memory_space<hbm>> -> memref<504x64xf32, #tpu.memory_space<hbm>>
    %dma_wait3A_778 = arith.constant 0 : i32
    %dma_wait3A_779 = arith.constant 0 : i32
    %dma_wait3A_780 = tpu.memref_slice %arg5[%dma_wait3A_778, %dma_wait3A_779] : memref<504x64xf32, #tpu.memory_space<vmem>> -> memref<504x64xf32, #tpu.memory_space<vmem>>
    tpu.wait_dma2 semaphore(%arg9 : memref<!tpu.dma_semaphore, #tpu.memory_space<semaphore_mem>>) src(%dma_wait3A_780 : memref<504x64xf32, #tpu.memory_space<vmem>>) dst(%dma_wait3A_777 : memref<504x64xf32, #tpu.memory_space<hbm>>)
    %add3A_781 = arith.constant 8568 : i32
    %add3A_782 = arith.addi %mul3A_2, %add3A_781 : i32
    %dma_start3A_783 = arith.constant 0 : i32
    %dma_start3A_784 = arith.constant 0 : i32
    %dma_start3A_785 = tpu.memref_slice %arg5[%dma_start3A_783, %dma_start3A_784] : memref<504x64xf32, #tpu.memory_space<vmem>> -> memref<504x64xf32, #tpu.memory_space<vmem>>
    %dma_start3A_786 = arith.constant 0 : i32
    %dma_start3A_787 = tpu.memref_slice %arg2[%add3A_782, %dma_start3A_786] : memref<1048576x64xf32, #tpu.memory_space<hbm>> -> memref<504x64xf32, #tpu.memory_space<hbm>>
    %dma_start3A_788 = arith.constant 0 : i32
    %dma_start3A_789 = arith.constant 0 : i32
    %dma_start3A_790 = tpu.memref_slice %arg5[%dma_start3A_788, %dma_start3A_789] : memref<504x64xf32, #tpu.memory_space<vmem>> -> memref<504x64xf32, #tpu.memory_space<vmem>>
    %dma_start3A_791 = arith.constant 0 : i32
    %dma_start3A_792 = tpu.memref_slice %arg2[%add3A_782, %dma_start3A_791] : memref<1048576x64xf32, #tpu.memory_space<hbm>> -> memref<504x64xf32, #tpu.memory_space<hbm>>
    tpu.enqueue_dma source(%dma_start3A_792 : memref<504x64xf32, #tpu.memory_space<hbm>>) target(%dma_start3A_790 : memref<504x64xf32, #tpu.memory_space<vmem>>) target_semaphore(%arg7 : memref<!tpu.dma_semaphore, #tpu.memory_space<semaphore_mem>>)
    %add3A_793 = arith.constant 8064 : i32
    %add3A_794 = arith.addi %mul3A_2, %add3A_793 : i32
    %dma_wait3A_795 = arith.constant 0 : i32
    %dma_wait3A_796 = arith.constant 0 : i32
    %dma_wait3A_797 = tpu.memref_slice %arg4[%dma_wait3A_795, %dma_wait3A_796] : memref<504x64xf32, #tpu.memory_space<vmem>> -> memref<504x64xf32, #tpu.memory_space<vmem>>
    %dma_wait3A_798 = arith.constant 0 : i32
    %dma_wait3A_799 = tpu.memref_slice %arg2[%add3A_794, %dma_wait3A_798] : memref<1048576x64xf32, #tpu.memory_space<hbm>> -> memref<504x64xf32, #tpu.memory_space<hbm>>
    %dma_wait3A_800 = arith.constant 0 : i32
    %dma_wait3A_801 = arith.constant 0 : i32
    %dma_wait3A_802 = tpu.memref_slice %arg4[%dma_wait3A_800, %dma_wait3A_801] : memref<504x64xf32, #tpu.memory_space<vmem>> -> memref<504x64xf32, #tpu.memory_space<vmem>>
    %dma_wait3A_803 = arith.constant 0 : i32
    %dma_wait3A_804 = tpu.memref_slice %arg2[%add3A_794, %dma_wait3A_803] : memref<1048576x64xf32, #tpu.memory_space<hbm>> -> memref<504x64xf32, #tpu.memory_space<hbm>>
    tpu.wait_dma2 semaphore(%arg6 : memref<!tpu.dma_semaphore, #tpu.memory_space<semaphore_mem>>) src(%dma_wait3A_804 : memref<504x64xf32, #tpu.memory_space<hbm>>) dst(%dma_wait3A_802 : memref<504x64xf32, #tpu.memory_space<vmem>>)
    %add3A_805 = arith.constant 8064 : i32
    %add3A_806 = arith.addi %mul3A_2, %add3A_805 : i32
    %dma_start3A_807 = arith.constant 0 : i32
    %dma_start3A_808 = arith.constant 0 : i32
    %dma_start3A_809 = tpu.memref_slice %arg4[%dma_start3A_807, %dma_start3A_808] : memref<504x64xf32, #tpu.memory_space<vmem>> -> memref<504x64xf32, #tpu.memory_space<vmem>>
    %dma_start3A_810 = arith.constant 0 : i32
    %dma_start3A_811 = tpu.memref_slice %arg3[%add3A_806, %dma_start3A_810] : memref<1048576x64xf32, #tpu.memory_space<hbm>> -> memref<504x64xf32, #tpu.memory_space<hbm>>
    %dma_start3A_812 = arith.constant 0 : i32
    %dma_start3A_813 = tpu.memref_slice %arg3[%add3A_806, %dma_start3A_812] : memref<1048576x64xf32, #tpu.memory_space<hbm>> -> memref<504x64xf32, #tpu.memory_space<hbm>>
    %dma_start3A_814 = arith.constant 0 : i32
    %dma_start3A_815 = arith.constant 0 : i32
    %dma_start3A_816 = tpu.memref_slice %arg4[%dma_start3A_814, %dma_start3A_815] : memref<504x64xf32, #tpu.memory_space<vmem>> -> memref<504x64xf32, #tpu.memory_space<vmem>>
    tpu.enqueue_dma source(%dma_start3A_816 : memref<504x64xf32, #tpu.memory_space<vmem>>) target(%dma_start3A_813 : memref<504x64xf32, #tpu.memory_space<hbm>>) target_semaphore(%arg8 : memref<!tpu.dma_semaphore, #tpu.memory_space<semaphore_mem>>)
    %add3A_817 = arith.constant 8064 : i32
    %add3A_818 = arith.addi %mul3A_2, %add3A_817 : i32
    %dma_wait3A_819 = arith.constant 0 : i32
    %dma_wait3A_820 = arith.constant 0 : i32
    %dma_wait3A_821 = tpu.memref_slice %arg4[%dma_wait3A_819, %dma_wait3A_820] : memref<504x64xf32, #tpu.memory_space<vmem>> -> memref<504x64xf32, #tpu.memory_space<vmem>>
    %dma_wait3A_822 = arith.constant 0 : i32
    %dma_wait3A_823 = tpu.memref_slice %arg3[%add3A_818, %dma_wait3A_822] : memref<1048576x64xf32, #tpu.memory_space<hbm>> -> memref<504x64xf32, #tpu.memory_space<hbm>>
    %dma_wait3A_824 = arith.constant 0 : i32
    %dma_wait3A_825 = tpu.memref_slice %arg3[%add3A_818, %dma_wait3A_824] : memref<1048576x64xf32, #tpu.memory_space<hbm>> -> memref<504x64xf32, #tpu.memory_space<hbm>>
    %dma_wait3A_826 = arith.constant 0 : i32
    %dma_wait3A_827 = arith.constant 0 : i32
    %dma_wait3A_828 = tpu.memref_slice %arg4[%dma_wait3A_826, %dma_wait3A_827] : memref<504x64xf32, #tpu.memory_space<vmem>> -> memref<504x64xf32, #tpu.memory_space<vmem>>
    tpu.wait_dma2 semaphore(%arg8 : memref<!tpu.dma_semaphore, #tpu.memory_space<semaphore_mem>>) src(%dma_wait3A_828 : memref<504x64xf32, #tpu.memory_space<vmem>>) dst(%dma_wait3A_825 : memref<504x64xf32, #tpu.memory_space<hbm>>)
    %add3A_829 = arith.constant 9072 : i32
    %add3A_830 = arith.addi %mul3A_2, %add3A_829 : i32
    %dma_start3A_831 = arith.constant 0 : i32
    %dma_start3A_832 = arith.constant 0 : i32
    %dma_start3A_833 = tpu.memref_slice %arg4[%dma_start3A_831, %dma_start3A_832] : memref<504x64xf32, #tpu.memory_space<vmem>> -> memref<504x64xf32, #tpu.memory_space<vmem>>
    %dma_start3A_834 = arith.constant 0 : i32
    %dma_start3A_835 = tpu.memref_slice %arg2[%add3A_830, %dma_start3A_834] : memref<1048576x64xf32, #tpu.memory_space<hbm>> -> memref<504x64xf32, #tpu.memory_space<hbm>>
    %dma_start3A_836 = arith.constant 0 : i32
    %dma_start3A_837 = arith.constant 0 : i32
    %dma_start3A_838 = tpu.memref_slice %arg4[%dma_start3A_836, %dma_start3A_837] : memref<504x64xf32, #tpu.memory_space<vmem>> -> memref<504x64xf32, #tpu.memory_space<vmem>>
    %dma_start3A_839 = arith.constant 0 : i32
    %dma_start3A_840 = tpu.memref_slice %arg2[%add3A_830, %dma_start3A_839] : memref<1048576x64xf32, #tpu.memory_space<hbm>> -> memref<504x64xf32, #tpu.memory_space<hbm>>
    tpu.enqueue_dma source(%dma_start3A_840 : memref<504x64xf32, #tpu.memory_space<hbm>>) target(%dma_start3A_838 : memref<504x64xf32, #tpu.memory_space<vmem>>) target_semaphore(%arg6 : memref<!tpu.dma_semaphore, #tpu.memory_space<semaphore_mem>>)
    %add3A_841 = arith.constant 8568 : i32
    %add3A_842 = arith.addi %mul3A_2, %add3A_841 : i32
    %dma_wait3A_843 = arith.constant 0 : i32
    %dma_wait3A_844 = arith.constant 0 : i32
    %dma_wait3A_845 = tpu.memref_slice %arg5[%dma_wait3A_843, %dma_wait3A_844] : memref<504x64xf32, #tpu.memory_space<vmem>> -> memref<504x64xf32, #tpu.memory_space<vmem>>
    %dma_wait3A_846 = arith.constant 0 : i32
    %dma_wait3A_847 = tpu.memref_slice %arg2[%add3A_842, %dma_wait3A_846] : memref<1048576x64xf32, #tpu.memory_space<hbm>> -> memref<504x64xf32, #tpu.memory_space<hbm>>
    %dma_wait3A_848 = arith.constant 0 : i32
    %dma_wait3A_849 = arith.constant 0 : i32
    %dma_wait3A_850 = tpu.memref_slice %arg5[%dma_wait3A_848, %dma_wait3A_849] : memref<504x64xf32, #tpu.memory_space<vmem>> -> memref<504x64xf32, #tpu.memory_space<vmem>>
    %dma_wait3A_851 = arith.constant 0 : i32
    %dma_wait3A_852 = tpu.memref_slice %arg2[%add3A_842, %dma_wait3A_851] : memref<1048576x64xf32, #tpu.memory_space<hbm>> -> memref<504x64xf32, #tpu.memory_space<hbm>>
    tpu.wait_dma2 semaphore(%arg7 : memref<!tpu.dma_semaphore, #tpu.memory_space<semaphore_mem>>) src(%dma_wait3A_852 : memref<504x64xf32, #tpu.memory_space<hbm>>) dst(%dma_wait3A_850 : memref<504x64xf32, #tpu.memory_space<vmem>>)
    %add3A_853 = arith.constant 8568 : i32
    %add3A_854 = arith.addi %mul3A_2, %add3A_853 : i32
    %dma_start3A_855 = arith.constant 0 : i32
    %dma_start3A_856 = arith.constant 0 : i32
    %dma_start3A_857 = tpu.memref_slice %arg5[%dma_start3A_855, %dma_start3A_856] : memref<504x64xf32, #tpu.memory_space<vmem>> -> memref<504x64xf32, #tpu.memory_space<vmem>>
    %dma_start3A_858 = arith.constant 0 : i32
    %dma_start3A_859 = tpu.memref_slice %arg3[%add3A_854, %dma_start3A_858] : memref<1048576x64xf32, #tpu.memory_space<hbm>> -> memref<504x64xf32, #tpu.memory_space<hbm>>
    %dma_start3A_860 = arith.constant 0 : i32
    %dma_start3A_861 = tpu.memref_slice %arg3[%add3A_854, %dma_start3A_860] : memref<1048576x64xf32, #tpu.memory_space<hbm>> -> memref<504x64xf32, #tpu.memory_space<hbm>>
    %dma_start3A_862 = arith.constant 0 : i32
    %dma_start3A_863 = arith.constant 0 : i32
    %dma_start3A_864 = tpu.memref_slice %arg5[%dma_start3A_862, %dma_start3A_863] : memref<504x64xf32, #tpu.memory_space<vmem>> -> memref<504x64xf32, #tpu.memory_space<vmem>>
    tpu.enqueue_dma source(%dma_start3A_864 : memref<504x64xf32, #tpu.memory_space<vmem>>) target(%dma_start3A_861 : memref<504x64xf32, #tpu.memory_space<hbm>>) target_semaphore(%arg9 : memref<!tpu.dma_semaphore, #tpu.memory_space<semaphore_mem>>)
    %add3A_865 = arith.constant 8568 : i32
    %add3A_866 = arith.addi %mul3A_2, %add3A_865 : i32
    %dma_wait3A_867 = arith.constant 0 : i32
    %dma_wait3A_868 = arith.constant 0 : i32
    %dma_wait3A_869 = tpu.memref_slice %arg5[%dma_wait3A_867, %dma_wait3A_868] : memref<504x64xf32, #tpu.memory_space<vmem>> -> memref<504x64xf32, #tpu.memory_space<vmem>>
    %dma_wait3A_870 = arith.constant 0 : i32
    %dma_wait3A_871 = tpu.memref_slice %arg3[%add3A_866, %dma_wait3A_870] : memref<1048576x64xf32, #tpu.memory_space<hbm>> -> memref<504x64xf32, #tpu.memory_space<hbm>>
    %dma_wait3A_872 = arith.constant 0 : i32
    %dma_wait3A_873 = tpu.memref_slice %arg3[%add3A_866, %dma_wait3A_872] : memref<1048576x64xf32, #tpu.memory_space<hbm>> -> memref<504x64xf32, #tpu.memory_space<hbm>>
    %dma_wait3A_874 = arith.constant 0 : i32
    %dma_wait3A_875 = arith.constant 0 : i32
    %dma_wait3A_876 = tpu.memref_slice %arg5[%dma_wait3A_874, %dma_wait3A_875] : memref<504x64xf32, #tpu.memory_space<vmem>> -> memref<504x64xf32, #tpu.memory_space<vmem>>
    tpu.wait_dma2 semaphore(%arg9 : memref<!tpu.dma_semaphore, #tpu.memory_space<semaphore_mem>>) src(%dma_wait3A_876 : memref<504x64xf32, #tpu.memory_space<vmem>>) dst(%dma_wait3A_873 : memref<504x64xf32, #tpu.memory_space<hbm>>)
    %add3A_877 = arith.constant 9576 : i32
    %add3A_878 = arith.addi %mul3A_2, %add3A_877 : i32
    %dma_start3A_879 = arith.constant 0 : i32
    %dma_start3A_880 = arith.constant 0 : i32
    %dma_start3A_881 = tpu.memref_slice %arg5[%dma_start3A_879, %dma_start3A_880] : memref<504x64xf32, #tpu.memory_space<vmem>> -> memref<504x64xf32, #tpu.memory_space<vmem>>
    %dma_start3A_882 = arith.constant 0 : i32
    %dma_start3A_883 = tpu.memref_slice %arg2[%add3A_878, %dma_start3A_882] : memref<1048576x64xf32, #tpu.memory_space<hbm>> -> memref<504x64xf32, #tpu.memory_space<hbm>>
    %dma_start3A_884 = arith.constant 0 : i32
    %dma_start3A_885 = arith.constant 0 : i32
    %dma_start3A_886 = tpu.memref_slice %arg5[%dma_start3A_884, %dma_start3A_885] : memref<504x64xf32, #tpu.memory_space<vmem>> -> memref<504x64xf32, #tpu.memory_space<vmem>>
    %dma_start3A_887 = arith.constant 0 : i32
    %dma_start3A_888 = tpu.memref_slice %arg2[%add3A_878, %dma_start3A_887] : memref<1048576x64xf32, #tpu.memory_space<hbm>> -> memref<504x64xf32, #tpu.memory_space<hbm>>
    tpu.enqueue_dma source(%dma_start3A_888 : memref<504x64xf32, #tpu.memory_space<hbm>>) target(%dma_start3A_886 : memref<504x64xf32, #tpu.memory_space<vmem>>) target_semaphore(%arg7 : memref<!tpu.dma_semaphore, #tpu.memory_space<semaphore_mem>>)
    %add3A_889 = arith.constant 9072 : i32
    %add3A_890 = arith.addi %mul3A_2, %add3A_889 : i32
    %dma_wait3A_891 = arith.constant 0 : i32
    %dma_wait3A_892 = arith.constant 0 : i32
    %dma_wait3A_893 = tpu.memref_slice %arg4[%dma_wait3A_891, %dma_wait3A_892] : memref<504x64xf32, #tpu.memory_space<vmem>> -> memref<504x64xf32, #tpu.memory_space<vmem>>
    %dma_wait3A_894 = arith.constant 0 : i32
    %dma_wait3A_895 = tpu.memref_slice %arg2[%add3A_890, %dma_wait3A_894] : memref<1048576x64xf32, #tpu.memory_space<hbm>> -> memref<504x64xf32, #tpu.memory_space<hbm>>
    %dma_wait3A_896 = arith.constant 0 : i32
    %dma_wait3A_897 = arith.constant 0 : i32
    %dma_wait3A_898 = tpu.memref_slice %arg4[%dma_wait3A_896, %dma_wait3A_897] : memref<504x64xf32, #tpu.memory_space<vmem>> -> memref<504x64xf32, #tpu.memory_space<vmem>>
    %dma_wait3A_899 = arith.constant 0 : i32
    %dma_wait3A_900 = tpu.memref_slice %arg2[%add3A_890, %dma_wait3A_899] : memref<1048576x64xf32, #tpu.memory_space<hbm>> -> memref<504x64xf32, #tpu.memory_space<hbm>>
    tpu.wait_dma2 semaphore(%arg6 : memref<!tpu.dma_semaphore, #tpu.memory_space<semaphore_mem>>) src(%dma_wait3A_900 : memref<504x64xf32, #tpu.memory_space<hbm>>) dst(%dma_wait3A_898 : memref<504x64xf32, #tpu.memory_space<vmem>>)
    %add3A_901 = arith.constant 9072 : i32
    %add3A_902 = arith.addi %mul3A_2, %add3A_901 : i32
    %dma_start3A_903 = arith.constant 0 : i32
    %dma_start3A_904 = arith.constant 0 : i32
    %dma_start3A_905 = tpu.memref_slice %arg4[%dma_start3A_903, %dma_start3A_904] : memref<504x64xf32, #tpu.memory_space<vmem>> -> memref<504x64xf32, #tpu.memory_space<vmem>>
    %dma_start3A_906 = arith.constant 0 : i32
    %dma_start3A_907 = tpu.memref_slice %arg3[%add3A_902, %dma_start3A_906] : memref<1048576x64xf32, #tpu.memory_space<hbm>> -> memref<504x64xf32, #tpu.memory_space<hbm>>
    %dma_start3A_908 = arith.constant 0 : i32
    %dma_start3A_909 = tpu.memref_slice %arg3[%add3A_902, %dma_start3A_908] : memref<1048576x64xf32, #tpu.memory_space<hbm>> -> memref<504x64xf32, #tpu.memory_space<hbm>>
    %dma_start3A_910 = arith.constant 0 : i32
    %dma_start3A_911 = arith.constant 0 : i32
    %dma_start3A_912 = tpu.memref_slice %arg4[%dma_start3A_910, %dma_start3A_911] : memref<504x64xf32, #tpu.memory_space<vmem>> -> memref<504x64xf32, #tpu.memory_space<vmem>>
    tpu.enqueue_dma source(%dma_start3A_912 : memref<504x64xf32, #tpu.memory_space<vmem>>) target(%dma_start3A_909 : memref<504x64xf32, #tpu.memory_space<hbm>>) target_semaphore(%arg8 : memref<!tpu.dma_semaphore, #tpu.memory_space<semaphore_mem>>)
    %add3A_913 = arith.constant 9072 : i32
    %add3A_914 = arith.addi %mul3A_2, %add3A_913 : i32
    %dma_wait3A_915 = arith.constant 0 : i32
    %dma_wait3A_916 = arith.constant 0 : i32
    %dma_wait3A_917 = tpu.memref_slice %arg4[%dma_wait3A_915, %dma_wait3A_916] : memref<504x64xf32, #tpu.memory_space<vmem>> -> memref<504x64xf32, #tpu.memory_space<vmem>>
    %dma_wait3A_918 = arith.constant 0 : i32
    %dma_wait3A_919 = tpu.memref_slice %arg3[%add3A_914, %dma_wait3A_918] : memref<1048576x64xf32, #tpu.memory_space<hbm>> -> memref<504x64xf32, #tpu.memory_space<hbm>>
    %dma_wait3A_920 = arith.constant 0 : i32
    %dma_wait3A_921 = tpu.memref_slice %arg3[%add3A_914, %dma_wait3A_920] : memref<1048576x64xf32, #tpu.memory_space<hbm>> -> memref<504x64xf32, #tpu.memory_space<hbm>>
    %dma_wait3A_922 = arith.constant 0 : i32
    %dma_wait3A_923 = arith.constant 0 : i32
    %dma_wait3A_924 = tpu.memref_slice %arg4[%dma_wait3A_922, %dma_wait3A_923] : memref<504x64xf32, #tpu.memory_space<vmem>> -> memref<504x64xf32, #tpu.memory_space<vmem>>
    tpu.wait_dma2 semaphore(%arg8 : memref<!tpu.dma_semaphore, #tpu.memory_space<semaphore_mem>>) src(%dma_wait3A_924 : memref<504x64xf32, #tpu.memory_space<vmem>>) dst(%dma_wait3A_921 : memref<504x64xf32, #tpu.memory_space<hbm>>)
    %add3A_925 = arith.constant 10080 : i32
    %add3A_926 = arith.addi %mul3A_2, %add3A_925 : i32
    %dma_start3A_927 = arith.constant 0 : i32
    %dma_start3A_928 = arith.constant 0 : i32
    %dma_start3A_929 = tpu.memref_slice %arg4[%dma_start3A_927, %dma_start3A_928] : memref<504x64xf32, #tpu.memory_space<vmem>> -> memref<504x64xf32, #tpu.memory_space<vmem>>
    %dma_start3A_930 = arith.constant 0 : i32
    %dma_start3A_931 = tpu.memref_slice %arg2[%add3A_926, %dma_start3A_930] : memref<1048576x64xf32, #tpu.memory_space<hbm>> -> memref<504x64xf32, #tpu.memory_space<hbm>>
    %dma_start3A_932 = arith.constant 0 : i32
    %dma_start3A_933 = arith.constant 0 : i32
    %dma_start3A_934 = tpu.memref_slice %arg4[%dma_start3A_932, %dma_start3A_933] : memref<504x64xf32, #tpu.memory_space<vmem>> -> memref<504x64xf32, #tpu.memory_space<vmem>>
    %dma_start3A_935 = arith.constant 0 : i32
    %dma_start3A_936 = tpu.memref_slice %arg2[%add3A_926, %dma_start3A_935] : memref<1048576x64xf32, #tpu.memory_space<hbm>> -> memref<504x64xf32, #tpu.memory_space<hbm>>
    tpu.enqueue_dma source(%dma_start3A_936 : memref<504x64xf32, #tpu.memory_space<hbm>>) target(%dma_start3A_934 : memref<504x64xf32, #tpu.memory_space<vmem>>) target_semaphore(%arg6 : memref<!tpu.dma_semaphore, #tpu.memory_space<semaphore_mem>>)
    %add3A_937 = arith.constant 9576 : i32
    %add3A_938 = arith.addi %mul3A_2, %add3A_937 : i32
    %dma_wait3A_939 = arith.constant 0 : i32
    %dma_wait3A_940 = arith.constant 0 : i32
    %dma_wait3A_941 = tpu.memref_slice %arg5[%dma_wait3A_939, %dma_wait3A_940] : memref<504x64xf32, #tpu.memory_space<vmem>> -> memref<504x64xf32, #tpu.memory_space<vmem>>
    %dma_wait3A_942 = arith.constant 0 : i32
    %dma_wait3A_943 = tpu.memref_slice %arg2[%add3A_938, %dma_wait3A_942] : memref<1048576x64xf32, #tpu.memory_space<hbm>> -> memref<504x64xf32, #tpu.memory_space<hbm>>
    %dma_wait3A_944 = arith.constant 0 : i32
    %dma_wait3A_945 = arith.constant 0 : i32
    %dma_wait3A_946 = tpu.memref_slice %arg5[%dma_wait3A_944, %dma_wait3A_945] : memref<504x64xf32, #tpu.memory_space<vmem>> -> memref<504x64xf32, #tpu.memory_space<vmem>>
    %dma_wait3A_947 = arith.constant 0 : i32
    %dma_wait3A_948 = tpu.memref_slice %arg2[%add3A_938, %dma_wait3A_947] : memref<1048576x64xf32, #tpu.memory_space<hbm>> -> memref<504x64xf32, #tpu.memory_space<hbm>>
    tpu.wait_dma2 semaphore(%arg7 : memref<!tpu.dma_semaphore, #tpu.memory_space<semaphore_mem>>) src(%dma_wait3A_948 : memref<504x64xf32, #tpu.memory_space<hbm>>) dst(%dma_wait3A_946 : memref<504x64xf32, #tpu.memory_space<vmem>>)
    %add3A_949 = arith.constant 9576 : i32
    %add3A_950 = arith.addi %mul3A_2, %add3A_949 : i32
    %dma_start3A_951 = arith.constant 0 : i32
    %dma_start3A_952 = arith.constant 0 : i32
    %dma_start3A_953 = tpu.memref_slice %arg5[%dma_start3A_951, %dma_start3A_952] : memref<504x64xf32, #tpu.memory_space<vmem>> -> memref<504x64xf32, #tpu.memory_space<vmem>>
    %dma_start3A_954 = arith.constant 0 : i32
    %dma_start3A_955 = tpu.memref_slice %arg3[%add3A_950, %dma_start3A_954] : memref<1048576x64xf32, #tpu.memory_space<hbm>> -> memref<504x64xf32, #tpu.memory_space<hbm>>
    %dma_start3A_956 = arith.constant 0 : i32
    %dma_start3A_957 = tpu.memref_slice %arg3[%add3A_950, %dma_start3A_956] : memref<1048576x64xf32, #tpu.memory_space<hbm>> -> memref<504x64xf32, #tpu.memory_space<hbm>>
    %dma_start3A_958 = arith.constant 0 : i32
    %dma_start3A_959 = arith.constant 0 : i32
    %dma_start3A_960 = tpu.memref_slice %arg5[%dma_start3A_958, %dma_start3A_959] : memref<504x64xf32, #tpu.memory_space<vmem>> -> memref<504x64xf32, #tpu.memory_space<vmem>>
    tpu.enqueue_dma source(%dma_start3A_960 : memref<504x64xf32, #tpu.memory_space<vmem>>) target(%dma_start3A_957 : memref<504x64xf32, #tpu.memory_space<hbm>>) target_semaphore(%arg9 : memref<!tpu.dma_semaphore, #tpu.memory_space<semaphore_mem>>)
    %add3A_961 = arith.constant 9576 : i32
    %add3A_962 = arith.addi %mul3A_2, %add3A_961 : i32
    %dma_wait3A_963 = arith.constant 0 : i32
    %dma_wait3A_964 = arith.constant 0 : i32
    %dma_wait3A_965 = tpu.memref_slice %arg5[%dma_wait3A_963, %dma_wait3A_964] : memref<504x64xf32, #tpu.memory_space<vmem>> -> memref<504x64xf32, #tpu.memory_space<vmem>>
    %dma_wait3A_966 = arith.constant 0 : i32
    %dma_wait3A_967 = tpu.memref_slice %arg3[%add3A_962, %dma_wait3A_966] : memref<1048576x64xf32, #tpu.memory_space<hbm>> -> memref<504x64xf32, #tpu.memory_space<hbm>>
    %dma_wait3A_968 = arith.constant 0 : i32
    %dma_wait3A_969 = tpu.memref_slice %arg3[%add3A_962, %dma_wait3A_968] : memref<1048576x64xf32, #tpu.memory_space<hbm>> -> memref<504x64xf32, #tpu.memory_space<hbm>>
    %dma_wait3A_970 = arith.constant 0 : i32
    %dma_wait3A_971 = arith.constant 0 : i32
    %dma_wait3A_972 = tpu.memref_slice %arg5[%dma_wait3A_970, %dma_wait3A_971] : memref<504x64xf32, #tpu.memory_space<vmem>> -> memref<504x64xf32, #tpu.memory_space<vmem>>
    tpu.wait_dma2 semaphore(%arg9 : memref<!tpu.dma_semaphore, #tpu.memory_space<semaphore_mem>>) src(%dma_wait3A_972 : memref<504x64xf32, #tpu.memory_space<vmem>>) dst(%dma_wait3A_969 : memref<504x64xf32, #tpu.memory_space<hbm>>)
    %add3A_973 = arith.constant 10584 : i32
    %add3A_974 = arith.addi %mul3A_2, %add3A_973 : i32
    %dma_start3A_975 = arith.constant 0 : i32
    %dma_start3A_976 = arith.constant 0 : i32
    %dma_start3A_977 = tpu.memref_slice %arg5[%dma_start3A_975, %dma_start3A_976] : memref<504x64xf32, #tpu.memory_space<vmem>> -> memref<504x64xf32, #tpu.memory_space<vmem>>
    %dma_start3A_978 = arith.constant 0 : i32
    %dma_start3A_979 = tpu.memref_slice %arg2[%add3A_974, %dma_start3A_978] : memref<1048576x64xf32, #tpu.memory_space<hbm>> -> memref<504x64xf32, #tpu.memory_space<hbm>>
    %dma_start3A_980 = arith.constant 0 : i32
    %dma_start3A_981 = arith.constant 0 : i32
    %dma_start3A_982 = tpu.memref_slice %arg5[%dma_start3A_980, %dma_start3A_981] : memref<504x64xf32, #tpu.memory_space<vmem>> -> memref<504x64xf32, #tpu.memory_space<vmem>>
    %dma_start3A_983 = arith.constant 0 : i32
    %dma_start3A_984 = tpu.memref_slice %arg2[%add3A_974, %dma_start3A_983] : memref<1048576x64xf32, #tpu.memory_space<hbm>> -> memref<504x64xf32, #tpu.memory_space<hbm>>
    tpu.enqueue_dma source(%dma_start3A_984 : memref<504x64xf32, #tpu.memory_space<hbm>>) target(%dma_start3A_982 : memref<504x64xf32, #tpu.memory_space<vmem>>) target_semaphore(%arg7 : memref<!tpu.dma_semaphore, #tpu.memory_space<semaphore_mem>>)
    %add3A_985 = arith.constant 10080 : i32
    %add3A_986 = arith.addi %mul3A_2, %add3A_985 : i32
    %dma_wait3A_987 = arith.constant 0 : i32
    %dma_wait3A_988 = arith.constant 0 : i32
    %dma_wait3A_989 = tpu.memref_slice %arg4[%dma_wait3A_987, %dma_wait3A_988] : memref<504x64xf32, #tpu.memory_space<vmem>> -> memref<504x64xf32, #tpu.memory_space<vmem>>
    %dma_wait3A_990 = arith.constant 0 : i32
    %dma_wait3A_991 = tpu.memref_slice %arg2[%add3A_986, %dma_wait3A_990] : memref<1048576x64xf32, #tpu.memory_space<hbm>> -> memref<504x64xf32, #tpu.memory_space<hbm>>
    %dma_wait3A_992 = arith.constant 0 : i32
    %dma_wait3A_993 = arith.constant 0 : i32
    %dma_wait3A_994 = tpu.memref_slice %arg4[%dma_wait3A_992, %dma_wait3A_993] : memref<504x64xf32, #tpu.memory_space<vmem>> -> memref<504x64xf32, #tpu.memory_space<vmem>>
    %dma_wait3A_995 = arith.constant 0 : i32
    %dma_wait3A_996 = tpu.memref_slice %arg2[%add3A_986, %dma_wait3A_995] : memref<1048576x64xf32, #tpu.memory_space<hbm>> -> memref<504x64xf32, #tpu.memory_space<hbm>>
    tpu.wait_dma2 semaphore(%arg6 : memref<!tpu.dma_semaphore, #tpu.memory_space<semaphore_mem>>) src(%dma_wait3A_996 : memref<504x64xf32, #tpu.memory_space<hbm>>) dst(%dma_wait3A_994 : memref<504x64xf32, #tpu.memory_space<vmem>>)
    %add3A_997 = arith.constant 10080 : i32
    %add3A_998 = arith.addi %mul3A_2, %add3A_997 : i32
    %dma_start3A_999 = arith.constant 0 : i32
    %dma_start3A_1000 = arith.constant 0 : i32
    %dma_start3A_1001 = tpu.memref_slice %arg4[%dma_start3A_999, %dma_start3A_1000] : memref<504x64xf32, #tpu.memory_space<vmem>> -> memref<504x64xf32, #tpu.memory_space<vmem>>
    %dma_start3A_1002 = arith.constant 0 : i32
    %dma_start3A_1003 = tpu.memref_slice %arg3[%add3A_998, %dma_start3A_1002] : memref<1048576x64xf32, #tpu.memory_space<hbm>> -> memref<504x64xf32, #tpu.memory_space<hbm>>
    %dma_start3A_1004 = arith.constant 0 : i32
    %dma_start3A_1005 = tpu.memref_slice %arg3[%add3A_998, %dma_start3A_1004] : memref<1048576x64xf32, #tpu.memory_space<hbm>> -> memref<504x64xf32, #tpu.memory_space<hbm>>
    %dma_start3A_1006 = arith.constant 0 : i32
    %dma_start3A_1007 = arith.constant 0 : i32
    %dma_start3A_1008 = tpu.memref_slice %arg4[%dma_start3A_1006, %dma_start3A_1007] : memref<504x64xf32, #tpu.memory_space<vmem>> -> memref<504x64xf32, #tpu.memory_space<vmem>>
    tpu.enqueue_dma source(%dma_start3A_1008 : memref<504x64xf32, #tpu.memory_space<vmem>>) target(%dma_start3A_1005 : memref<504x64xf32, #tpu.memory_space<hbm>>) target_semaphore(%arg8 : memref<!tpu.dma_semaphore, #tpu.memory_space<semaphore_mem>>)
    %add3A_1009 = arith.constant 10080 : i32
    %add3A_1010 = arith.addi %mul3A_2, %add3A_1009 : i32
    %dma_wait3A_1011 = arith.constant 0 : i32
    %dma_wait3A_1012 = arith.constant 0 : i32
    %dma_wait3A_1013 = tpu.memref_slice %arg4[%dma_wait3A_1011, %dma_wait3A_1012] : memref<504x64xf32, #tpu.memory_space<vmem>> -> memref<504x64xf32, #tpu.memory_space<vmem>>
    %dma_wait3A_1014 = arith.constant 0 : i32
    %dma_wait3A_1015 = tpu.memref_slice %arg3[%add3A_1010, %dma_wait3A_1014] : memref<1048576x64xf32, #tpu.memory_space<hbm>> -> memref<504x64xf32, #tpu.memory_space<hbm>>
    %dma_wait3A_1016 = arith.constant 0 : i32
    %dma_wait3A_1017 = tpu.memref_slice %arg3[%add3A_1010, %dma_wait3A_1016] : memref<1048576x64xf32, #tpu.memory_space<hbm>> -> memref<504x64xf32, #tpu.memory_space<hbm>>
    %dma_wait3A_1018 = arith.constant 0 : i32
    %dma_wait3A_1019 = arith.constant 0 : i32
    %dma_wait3A_1020 = tpu.memref_slice %arg4[%dma_wait3A_1018, %dma_wait3A_1019] : memref<504x64xf32, #tpu.memory_space<vmem>> -> memref<504x64xf32, #tpu.memory_space<vmem>>
    tpu.wait_dma2 semaphore(%arg8 : memref<!tpu.dma_semaphore, #tpu.memory_space<semaphore_mem>>) src(%dma_wait3A_1020 : memref<504x64xf32, #tpu.memory_space<vmem>>) dst(%dma_wait3A_1017 : memref<504x64xf32, #tpu.memory_space<hbm>>)
    %add3A_1021 = arith.constant 11088 : i32
    %add3A_1022 = arith.addi %mul3A_2, %add3A_1021 : i32
    %dma_start3A_1023 = arith.constant 0 : i32
    %dma_start3A_1024 = arith.constant 0 : i32
    %dma_start3A_1025 = tpu.memref_slice %arg4[%dma_start3A_1023, %dma_start3A_1024] : memref<504x64xf32, #tpu.memory_space<vmem>> -> memref<504x64xf32, #tpu.memory_space<vmem>>
    %dma_start3A_1026 = arith.constant 0 : i32
    %dma_start3A_1027 = tpu.memref_slice %arg2[%add3A_1022, %dma_start3A_1026] : memref<1048576x64xf32, #tpu.memory_space<hbm>> -> memref<504x64xf32, #tpu.memory_space<hbm>>
    %dma_start3A_1028 = arith.constant 0 : i32
    %dma_start3A_1029 = arith.constant 0 : i32
    %dma_start3A_1030 = tpu.memref_slice %arg4[%dma_start3A_1028, %dma_start3A_1029] : memref<504x64xf32, #tpu.memory_space<vmem>> -> memref<504x64xf32, #tpu.memory_space<vmem>>
    %dma_start3A_1031 = arith.constant 0 : i32
    %dma_start3A_1032 = tpu.memref_slice %arg2[%add3A_1022, %dma_start3A_1031] : memref<1048576x64xf32, #tpu.memory_space<hbm>> -> memref<504x64xf32, #tpu.memory_space<hbm>>
    tpu.enqueue_dma source(%dma_start3A_1032 : memref<504x64xf32, #tpu.memory_space<hbm>>) target(%dma_start3A_1030 : memref<504x64xf32, #tpu.memory_space<vmem>>) target_semaphore(%arg6 : memref<!tpu.dma_semaphore, #tpu.memory_space<semaphore_mem>>)
    %add3A_1033 = arith.constant 10584 : i32
    %add3A_1034 = arith.addi %mul3A_2, %add3A_1033 : i32
    %dma_wait3A_1035 = arith.constant 0 : i32
    %dma_wait3A_1036 = arith.constant 0 : i32
    %dma_wait3A_1037 = tpu.memref_slice %arg5[%dma_wait3A_1035, %dma_wait3A_1036] : memref<504x64xf32, #tpu.memory_space<vmem>> -> memref<504x64xf32, #tpu.memory_space<vmem>>
    %dma_wait3A_1038 = arith.constant 0 : i32
    %dma_wait3A_1039 = tpu.memref_slice %arg2[%add3A_1034, %dma_wait3A_1038] : memref<1048576x64xf32, #tpu.memory_space<hbm>> -> memref<504x64xf32, #tpu.memory_space<hbm>>
    %dma_wait3A_1040 = arith.constant 0 : i32
    %dma_wait3A_1041 = arith.constant 0 : i32
    %dma_wait3A_1042 = tpu.memref_slice %arg5[%dma_wait3A_1040, %dma_wait3A_1041] : memref<504x64xf32, #tpu.memory_space<vmem>> -> memref<504x64xf32, #tpu.memory_space<vmem>>
    %dma_wait3A_1043 = arith.constant 0 : i32
    %dma_wait3A_1044 = tpu.memref_slice %arg2[%add3A_1034, %dma_wait3A_1043] : memref<1048576x64xf32, #tpu.memory_space<hbm>> -> memref<504x64xf32, #tpu.memory_space<hbm>>
    tpu.wait_dma2 semaphore(%arg7 : memref<!tpu.dma_semaphore, #tpu.memory_space<semaphore_mem>>) src(%dma_wait3A_1044 : memref<504x64xf32, #tpu.memory_space<hbm>>) dst(%dma_wait3A_1042 : memref<504x64xf32, #tpu.memory_space<vmem>>)
    %add3A_1045 = arith.constant 10584 : i32
    %add3A_1046 = arith.addi %mul3A_2, %add3A_1045 : i32
    %dma_start3A_1047 = arith.constant 0 : i32
    %dma_start3A_1048 = arith.constant 0 : i32
    %dma_start3A_1049 = tpu.memref_slice %arg5[%dma_start3A_1047, %dma_start3A_1048] : memref<504x64xf32, #tpu.memory_space<vmem>> -> memref<504x64xf32, #tpu.memory_space<vmem>>
    %dma_start3A_1050 = arith.constant 0 : i32
    %dma_start3A_1051 = tpu.memref_slice %arg3[%add3A_1046, %dma_start3A_1050] : memref<1048576x64xf32, #tpu.memory_space<hbm>> -> memref<504x64xf32, #tpu.memory_space<hbm>>
    %dma_start3A_1052 = arith.constant 0 : i32
    %dma_start3A_1053 = tpu.memref_slice %arg3[%add3A_1046, %dma_start3A_1052] : memref<1048576x64xf32, #tpu.memory_space<hbm>> -> memref<504x64xf32, #tpu.memory_space<hbm>>
    %dma_start3A_1054 = arith.constant 0 : i32
    %dma_start3A_1055 = arith.constant 0 : i32
    %dma_start3A_1056 = tpu.memref_slice %arg5[%dma_start3A_1054, %dma_start3A_1055] : memref<504x64xf32, #tpu.memory_space<vmem>> -> memref<504x64xf32, #tpu.memory_space<vmem>>
    tpu.enqueue_dma source(%dma_start3A_1056 : memref<504x64xf32, #tpu.memory_space<vmem>>) target(%dma_start3A_1053 : memref<504x64xf32, #tpu.memory_space<hbm>>) target_semaphore(%arg9 : memref<!tpu.dma_semaphore, #tpu.memory_space<semaphore_mem>>)
    %add3A_1057 = arith.constant 10584 : i32
    %add3A_1058 = arith.addi %mul3A_2, %add3A_1057 : i32
    %dma_wait3A_1059 = arith.constant 0 : i32
    %dma_wait3A_1060 = arith.constant 0 : i32
    %dma_wait3A_1061 = tpu.memref_slice %arg5[%dma_wait3A_1059, %dma_wait3A_1060] : memref<504x64xf32, #tpu.memory_space<vmem>> -> memref<504x64xf32, #tpu.memory_space<vmem>>
    %dma_wait3A_1062 = arith.constant 0 : i32
    %dma_wait3A_1063 = tpu.memref_slice %arg3[%add3A_1058, %dma_wait3A_1062] : memref<1048576x64xf32, #tpu.memory_space<hbm>> -> memref<504x64xf32, #tpu.memory_space<hbm>>
    %dma_wait3A_1064 = arith.constant 0 : i32
    %dma_wait3A_1065 = tpu.memref_slice %arg3[%add3A_1058, %dma_wait3A_1064] : memref<1048576x64xf32, #tpu.memory_space<hbm>> -> memref<504x64xf32, #tpu.memory_space<hbm>>
    %dma_wait3A_1066 = arith.constant 0 : i32
    %dma_wait3A_1067 = arith.constant 0 : i32
    %dma_wait3A_1068 = tpu.memref_slice %arg5[%dma_wait3A_1066, %dma_wait3A_1067] : memref<504x64xf32, #tpu.memory_space<vmem>> -> memref<504x64xf32, #tpu.memory_space<vmem>>
    tpu.wait_dma2 semaphore(%arg9 : memref<!tpu.dma_semaphore, #tpu.memory_space<semaphore_mem>>) src(%dma_wait3A_1068 : memref<504x64xf32, #tpu.memory_space<vmem>>) dst(%dma_wait3A_1065 : memref<504x64xf32, #tpu.memory_space<hbm>>)
    %add3A_1069 = arith.constant 11592 : i32
    %add3A_1070 = arith.addi %mul3A_2, %add3A_1069 : i32
    %dma_start3A_1071 = arith.constant 0 : i32
    %dma_start3A_1072 = arith.constant 0 : i32
    %dma_start3A_1073 = tpu.memref_slice %arg5[%dma_start3A_1071, %dma_start3A_1072] : memref<504x64xf32, #tpu.memory_space<vmem>> -> memref<504x64xf32, #tpu.memory_space<vmem>>
    %dma_start3A_1074 = arith.constant 0 : i32
    %dma_start3A_1075 = tpu.memref_slice %arg2[%add3A_1070, %dma_start3A_1074] : memref<1048576x64xf32, #tpu.memory_space<hbm>> -> memref<504x64xf32, #tpu.memory_space<hbm>>
    %dma_start3A_1076 = arith.constant 0 : i32
    %dma_start3A_1077 = arith.constant 0 : i32
    %dma_start3A_1078 = tpu.memref_slice %arg5[%dma_start3A_1076, %dma_start3A_1077] : memref<504x64xf32, #tpu.memory_space<vmem>> -> memref<504x64xf32, #tpu.memory_space<vmem>>
    %dma_start3A_1079 = arith.constant 0 : i32
    %dma_start3A_1080 = tpu.memref_slice %arg2[%add3A_1070, %dma_start3A_1079] : memref<1048576x64xf32, #tpu.memory_space<hbm>> -> memref<504x64xf32, #tpu.memory_space<hbm>>
    tpu.enqueue_dma source(%dma_start3A_1080 : memref<504x64xf32, #tpu.memory_space<hbm>>) target(%dma_start3A_1078 : memref<504x64xf32, #tpu.memory_space<vmem>>) target_semaphore(%arg7 : memref<!tpu.dma_semaphore, #tpu.memory_space<semaphore_mem>>)
    %add3A_1081 = arith.constant 11088 : i32
    %add3A_1082 = arith.addi %mul3A_2, %add3A_1081 : i32
    %dma_wait3A_1083 = arith.constant 0 : i32
    %dma_wait3A_1084 = arith.constant 0 : i32
    %dma_wait3A_1085 = tpu.memref_slice %arg4[%dma_wait3A_1083, %dma_wait3A_1084] : memref<504x64xf32, #tpu.memory_space<vmem>> -> memref<504x64xf32, #tpu.memory_space<vmem>>
    %dma_wait3A_1086 = arith.constant 0 : i32
    %dma_wait3A_1087 = tpu.memref_slice %arg2[%add3A_1082, %dma_wait3A_1086] : memref<1048576x64xf32, #tpu.memory_space<hbm>> -> memref<504x64xf32, #tpu.memory_space<hbm>>
    %dma_wait3A_1088 = arith.constant 0 : i32
    %dma_wait3A_1089 = arith.constant 0 : i32
    %dma_wait3A_1090 = tpu.memref_slice %arg4[%dma_wait3A_1088, %dma_wait3A_1089] : memref<504x64xf32, #tpu.memory_space<vmem>> -> memref<504x64xf32, #tpu.memory_space<vmem>>
    %dma_wait3A_1091 = arith.constant 0 : i32
    %dma_wait3A_1092 = tpu.memref_slice %arg2[%add3A_1082, %dma_wait3A_1091] : memref<1048576x64xf32, #tpu.memory_space<hbm>> -> memref<504x64xf32, #tpu.memory_space<hbm>>
    tpu.wait_dma2 semaphore(%arg6 : memref<!tpu.dma_semaphore, #tpu.memory_space<semaphore_mem>>) src(%dma_wait3A_1092 : memref<504x64xf32, #tpu.memory_space<hbm>>) dst(%dma_wait3A_1090 : memref<504x64xf32, #tpu.memory_space<vmem>>)
    %add3A_1093 = arith.constant 11088 : i32
    %add3A_1094 = arith.addi %mul3A_2, %add3A_1093 : i32
    %dma_start3A_1095 = arith.constant 0 : i32
    %dma_start3A_1096 = arith.constant 0 : i32
    %dma_start3A_1097 = tpu.memref_slice %arg4[%dma_start3A_1095, %dma_start3A_1096] : memref<504x64xf32, #tpu.memory_space<vmem>> -> memref<504x64xf32, #tpu.memory_space<vmem>>
    %dma_start3A_1098 = arith.constant 0 : i32
    %dma_start3A_1099 = tpu.memref_slice %arg3[%add3A_1094, %dma_start3A_1098] : memref<1048576x64xf32, #tpu.memory_space<hbm>> -> memref<504x64xf32, #tpu.memory_space<hbm>>
    %dma_start3A_1100 = arith.constant 0 : i32
    %dma_start3A_1101 = tpu.memref_slice %arg3[%add3A_1094, %dma_start3A_1100] : memref<1048576x64xf32, #tpu.memory_space<hbm>> -> memref<504x64xf32, #tpu.memory_space<hbm>>
    %dma_start3A_1102 = arith.constant 0 : i32
    %dma_start3A_1103 = arith.constant 0 : i32
    %dma_start3A_1104 = tpu.memref_slice %arg4[%dma_start3A_1102, %dma_start3A_1103] : memref<504x64xf32, #tpu.memory_space<vmem>> -> memref<504x64xf32, #tpu.memory_space<vmem>>
    tpu.enqueue_dma source(%dma_start3A_1104 : memref<504x64xf32, #tpu.memory_space<vmem>>) target(%dma_start3A_1101 : memref<504x64xf32, #tpu.memory_space<hbm>>) target_semaphore(%arg8 : memref<!tpu.dma_semaphore, #tpu.memory_space<semaphore_mem>>)
    %add3A_1105 = arith.constant 11088 : i32
    %add3A_1106 = arith.addi %mul3A_2, %add3A_1105 : i32
    %dma_wait3A_1107 = arith.constant 0 : i32
    %dma_wait3A_1108 = arith.constant 0 : i32
    %dma_wait3A_1109 = tpu.memref_slice %arg4[%dma_wait3A_1107, %dma_wait3A_1108] : memref<504x64xf32, #tpu.memory_space<vmem>> -> memref<504x64xf32, #tpu.memory_space<vmem>>
    %dma_wait3A_1110 = arith.constant 0 : i32
    %dma_wait3A_1111 = tpu.memref_slice %arg3[%add3A_1106, %dma_wait3A_1110] : memref<1048576x64xf32, #tpu.memory_space<hbm>> -> memref<504x64xf32, #tpu.memory_space<hbm>>
    %dma_wait3A_1112 = arith.constant 0 : i32
    %dma_wait3A_1113 = tpu.memref_slice %arg3[%add3A_1106, %dma_wait3A_1112] : memref<1048576x64xf32, #tpu.memory_space<hbm>> -> memref<504x64xf32, #tpu.memory_space<hbm>>
    %dma_wait3A_1114 = arith.constant 0 : i32
    %dma_wait3A_1115 = arith.constant 0 : i32
    %dma_wait3A_1116 = tpu.memref_slice %arg4[%dma_wait3A_1114, %dma_wait3A_1115] : memref<504x64xf32, #tpu.memory_space<vmem>> -> memref<504x64xf32, #tpu.memory_space<vmem>>
    tpu.wait_dma2 semaphore(%arg8 : memref<!tpu.dma_semaphore, #tpu.memory_space<semaphore_mem>>) src(%dma_wait3A_1116 : memref<504x64xf32, #tpu.memory_space<vmem>>) dst(%dma_wait3A_1113 : memref<504x64xf32, #tpu.memory_space<hbm>>)
    %add3A_1117 = arith.constant 12096 : i32
    %add3A_1118 = arith.addi %mul3A_2, %add3A_1117 : i32
    %dma_start3A_1119 = arith.constant 0 : i32
    %dma_start3A_1120 = arith.constant 0 : i32
    %dma_start3A_1121 = tpu.memref_slice %arg4[%dma_start3A_1119, %dma_start3A_1120] : memref<504x64xf32, #tpu.memory_space<vmem>> -> memref<504x64xf32, #tpu.memory_space<vmem>>
    %dma_start3A_1122 = arith.constant 0 : i32
    %dma_start3A_1123 = tpu.memref_slice %arg2[%add3A_1118, %dma_start3A_1122] : memref<1048576x64xf32, #tpu.memory_space<hbm>> -> memref<504x64xf32, #tpu.memory_space<hbm>>
    %dma_start3A_1124 = arith.constant 0 : i32
    %dma_start3A_1125 = arith.constant 0 : i32
    %dma_start3A_1126 = tpu.memref_slice %arg4[%dma_start3A_1124, %dma_start3A_1125] : memref<504x64xf32, #tpu.memory_space<vmem>> -> memref<504x64xf32, #tpu.memory_space<vmem>>
    %dma_start3A_1127 = arith.constant 0 : i32
    %dma_start3A_1128 = tpu.memref_slice %arg2[%add3A_1118, %dma_start3A_1127] : memref<1048576x64xf32, #tpu.memory_space<hbm>> -> memref<504x64xf32, #tpu.memory_space<hbm>>
    tpu.enqueue_dma source(%dma_start3A_1128 : memref<504x64xf32, #tpu.memory_space<hbm>>) target(%dma_start3A_1126 : memref<504x64xf32, #tpu.memory_space<vmem>>) target_semaphore(%arg6 : memref<!tpu.dma_semaphore, #tpu.memory_space<semaphore_mem>>)
    %add3A_1129 = arith.constant 11592 : i32
    %add3A_1130 = arith.addi %mul3A_2, %add3A_1129 : i32
    %dma_wait3A_1131 = arith.constant 0 : i32
    %dma_wait3A_1132 = arith.constant 0 : i32
    %dma_wait3A_1133 = tpu.memref_slice %arg5[%dma_wait3A_1131, %dma_wait3A_1132] : memref<504x64xf32, #tpu.memory_space<vmem>> -> memref<504x64xf32, #tpu.memory_space<vmem>>
    %dma_wait3A_1134 = arith.constant 0 : i32
    %dma_wait3A_1135 = tpu.memref_slice %arg2[%add3A_1130, %dma_wait3A_1134] : memref<1048576x64xf32, #tpu.memory_space<hbm>> -> memref<504x64xf32, #tpu.memory_space<hbm>>
    %dma_wait3A_1136 = arith.constant 0 : i32
    %dma_wait3A_1137 = arith.constant 0 : i32
    %dma_wait3A_1138 = tpu.memref_slice %arg5[%dma_wait3A_1136, %dma_wait3A_1137] : memref<504x64xf32, #tpu.memory_space<vmem>> -> memref<504x64xf32, #tpu.memory_space<vmem>>
    %dma_wait3A_1139 = arith.constant 0 : i32
    %dma_wait3A_1140 = tpu.memref_slice %arg2[%add3A_1130, %dma_wait3A_1139] : memref<1048576x64xf32, #tpu.memory_space<hbm>> -> memref<504x64xf32, #tpu.memory_space<hbm>>
    tpu.wait_dma2 semaphore(%arg7 : memref<!tpu.dma_semaphore, #tpu.memory_space<semaphore_mem>>) src(%dma_wait3A_1140 : memref<504x64xf32, #tpu.memory_space<hbm>>) dst(%dma_wait3A_1138 : memref<504x64xf32, #tpu.memory_space<vmem>>)
    %add3A_1141 = arith.constant 11592 : i32
    %add3A_1142 = arith.addi %mul3A_2, %add3A_1141 : i32
    %dma_start3A_1143 = arith.constant 0 : i32
    %dma_start3A_1144 = arith.constant 0 : i32
    %dma_start3A_1145 = tpu.memref_slice %arg5[%dma_start3A_1143, %dma_start3A_1144] : memref<504x64xf32, #tpu.memory_space<vmem>> -> memref<504x64xf32, #tpu.memory_space<vmem>>
    %dma_start3A_1146 = arith.constant 0 : i32
    %dma_start3A_1147 = tpu.memref_slice %arg3[%add3A_1142, %dma_start3A_1146] : memref<1048576x64xf32, #tpu.memory_space<hbm>> -> memref<504x64xf32, #tpu.memory_space<hbm>>
    %dma_start3A_1148 = arith.constant 0 : i32
    %dma_start3A_1149 = tpu.memref_slice %arg3[%add3A_1142, %dma_start3A_1148] : memref<1048576x64xf32, #tpu.memory_space<hbm>> -> memref<504x64xf32, #tpu.memory_space<hbm>>
    %dma_start3A_1150 = arith.constant 0 : i32
    %dma_start3A_1151 = arith.constant 0 : i32
    %dma_start3A_1152 = tpu.memref_slice %arg5[%dma_start3A_1150, %dma_start3A_1151] : memref<504x64xf32, #tpu.memory_space<vmem>> -> memref<504x64xf32, #tpu.memory_space<vmem>>
    tpu.enqueue_dma source(%dma_start3A_1152 : memref<504x64xf32, #tpu.memory_space<vmem>>) target(%dma_start3A_1149 : memref<504x64xf32, #tpu.memory_space<hbm>>) target_semaphore(%arg9 : memref<!tpu.dma_semaphore, #tpu.memory_space<semaphore_mem>>)
    %add3A_1153 = arith.constant 11592 : i32
    %add3A_1154 = arith.addi %mul3A_2, %add3A_1153 : i32
    %dma_wait3A_1155 = arith.constant 0 : i32
    %dma_wait3A_1156 = arith.constant 0 : i32
    %dma_wait3A_1157 = tpu.memref_slice %arg5[%dma_wait3A_1155, %dma_wait3A_1156] : memref<504x64xf32, #tpu.memory_space<vmem>> -> memref<504x64xf32, #tpu.memory_space<vmem>>
    %dma_wait3A_1158 = arith.constant 0 : i32
    %dma_wait3A_1159 = tpu.memref_slice %arg3[%add3A_1154, %dma_wait3A_1158] : memref<1048576x64xf32, #tpu.memory_space<hbm>> -> memref<504x64xf32, #tpu.memory_space<hbm>>
    %dma_wait3A_1160 = arith.constant 0 : i32
    %dma_wait3A_1161 = tpu.memref_slice %arg3[%add3A_1154, %dma_wait3A_1160] : memref<1048576x64xf32, #tpu.memory_space<hbm>> -> memref<504x64xf32, #tpu.memory_space<hbm>>
    %dma_wait3A_1162 = arith.constant 0 : i32
    %dma_wait3A_1163 = arith.constant 0 : i32
    %dma_wait3A_1164 = tpu.memref_slice %arg5[%dma_wait3A_1162, %dma_wait3A_1163] : memref<504x64xf32, #tpu.memory_space<vmem>> -> memref<504x64xf32, #tpu.memory_space<vmem>>
    tpu.wait_dma2 semaphore(%arg9 : memref<!tpu.dma_semaphore, #tpu.memory_space<semaphore_mem>>) src(%dma_wait3A_1164 : memref<504x64xf32, #tpu.memory_space<vmem>>) dst(%dma_wait3A_1161 : memref<504x64xf32, #tpu.memory_space<hbm>>)
    %add3A_1165 = arith.constant 12600 : i32
    %add3A_1166 = arith.addi %mul3A_2, %add3A_1165 : i32
    %dma_start3A_1167 = arith.constant 0 : i32
    %dma_start3A_1168 = arith.constant 0 : i32
    %dma_start3A_1169 = tpu.memref_slice %arg5[%dma_start3A_1167, %dma_start3A_1168] : memref<504x64xf32, #tpu.memory_space<vmem>> -> memref<504x64xf32, #tpu.memory_space<vmem>>
    %dma_start3A_1170 = arith.constant 0 : i32
    %dma_start3A_1171 = tpu.memref_slice %arg2[%add3A_1166, %dma_start3A_1170] : memref<1048576x64xf32, #tpu.memory_space<hbm>> -> memref<504x64xf32, #tpu.memory_space<hbm>>
    %dma_start3A_1172 = arith.constant 0 : i32
    %dma_start3A_1173 = arith.constant 0 : i32
    %dma_start3A_1174 = tpu.memref_slice %arg5[%dma_start3A_1172, %dma_start3A_1173] : memref<504x64xf32, #tpu.memory_space<vmem>> -> memref<504x64xf32, #tpu.memory_space<vmem>>
    %dma_start3A_1175 = arith.constant 0 : i32
    %dma_start3A_1176 = tpu.memref_slice %arg2[%add3A_1166, %dma_start3A_1175] : memref<1048576x64xf32, #tpu.memory_space<hbm>> -> memref<504x64xf32, #tpu.memory_space<hbm>>
    tpu.enqueue_dma source(%dma_start3A_1176 : memref<504x64xf32, #tpu.memory_space<hbm>>) target(%dma_start3A_1174 : memref<504x64xf32, #tpu.memory_space<vmem>>) target_semaphore(%arg7 : memref<!tpu.dma_semaphore, #tpu.memory_space<semaphore_mem>>)
    %add3A_1177 = arith.constant 12096 : i32
    %add3A_1178 = arith.addi %mul3A_2, %add3A_1177 : i32
    %dma_wait3A_1179 = arith.constant 0 : i32
    %dma_wait3A_1180 = arith.constant 0 : i32
    %dma_wait3A_1181 = tpu.memref_slice %arg4[%dma_wait3A_1179, %dma_wait3A_1180] : memref<504x64xf32, #tpu.memory_space<vmem>> -> memref<504x64xf32, #tpu.memory_space<vmem>>
    %dma_wait3A_1182 = arith.constant 0 : i32
    %dma_wait3A_1183 = tpu.memref_slice %arg2[%add3A_1178, %dma_wait3A_1182] : memref<1048576x64xf32, #tpu.memory_space<hbm>> -> memref<504x64xf32, #tpu.memory_space<hbm>>
    %dma_wait3A_1184 = arith.constant 0 : i32
    %dma_wait3A_1185 = arith.constant 0 : i32
    %dma_wait3A_1186 = tpu.memref_slice %arg4[%dma_wait3A_1184, %dma_wait3A_1185] : memref<504x64xf32, #tpu.memory_space<vmem>> -> memref<504x64xf32, #tpu.memory_space<vmem>>
    %dma_wait3A_1187 = arith.constant 0 : i32
    %dma_wait3A_1188 = tpu.memref_slice %arg2[%add3A_1178, %dma_wait3A_1187] : memref<1048576x64xf32, #tpu.memory_space<hbm>> -> memref<504x64xf32, #tpu.memory_space<hbm>>
    tpu.wait_dma2 semaphore(%arg6 : memref<!tpu.dma_semaphore, #tpu.memory_space<semaphore_mem>>) src(%dma_wait3A_1188 : memref<504x64xf32, #tpu.memory_space<hbm>>) dst(%dma_wait3A_1186 : memref<504x64xf32, #tpu.memory_space<vmem>>)
    %add3A_1189 = arith.constant 12096 : i32
    %add3A_1190 = arith.addi %mul3A_2, %add3A_1189 : i32
    %dma_start3A_1191 = arith.constant 0 : i32
    %dma_start3A_1192 = arith.constant 0 : i32
    %dma_start3A_1193 = tpu.memref_slice %arg4[%dma_start3A_1191, %dma_start3A_1192] : memref<504x64xf32, #tpu.memory_space<vmem>> -> memref<504x64xf32, #tpu.memory_space<vmem>>
    %dma_start3A_1194 = arith.constant 0 : i32
    %dma_start3A_1195 = tpu.memref_slice %arg3[%add3A_1190, %dma_start3A_1194] : memref<1048576x64xf32, #tpu.memory_space<hbm>> -> memref<504x64xf32, #tpu.memory_space<hbm>>
    %dma_start3A_1196 = arith.constant 0 : i32
    %dma_start3A_1197 = tpu.memref_slice %arg3[%add3A_1190, %dma_start3A_1196] : memref<1048576x64xf32, #tpu.memory_space<hbm>> -> memref<504x64xf32, #tpu.memory_space<hbm>>
    %dma_start3A_1198 = arith.constant 0 : i32
    %dma_start3A_1199 = arith.constant 0 : i32
    %dma_start3A_1200 = tpu.memref_slice %arg4[%dma_start3A_1198, %dma_start3A_1199] : memref<504x64xf32, #tpu.memory_space<vmem>> -> memref<504x64xf32, #tpu.memory_space<vmem>>
    tpu.enqueue_dma source(%dma_start3A_1200 : memref<504x64xf32, #tpu.memory_space<vmem>>) target(%dma_start3A_1197 : memref<504x64xf32, #tpu.memory_space<hbm>>) target_semaphore(%arg8 : memref<!tpu.dma_semaphore, #tpu.memory_space<semaphore_mem>>)
    %add3A_1201 = arith.constant 12096 : i32
    %add3A_1202 = arith.addi %mul3A_2, %add3A_1201 : i32
    %dma_wait3A_1203 = arith.constant 0 : i32
    %dma_wait3A_1204 = arith.constant 0 : i32
    %dma_wait3A_1205 = tpu.memref_slice %arg4[%dma_wait3A_1203, %dma_wait3A_1204] : memref<504x64xf32, #tpu.memory_space<vmem>> -> memref<504x64xf32, #tpu.memory_space<vmem>>
    %dma_wait3A_1206 = arith.constant 0 : i32
    %dma_wait3A_1207 = tpu.memref_slice %arg3[%add3A_1202, %dma_wait3A_1206] : memref<1048576x64xf32, #tpu.memory_space<hbm>> -> memref<504x64xf32, #tpu.memory_space<hbm>>
    %dma_wait3A_1208 = arith.constant 0 : i32
    %dma_wait3A_1209 = tpu.memref_slice %arg3[%add3A_1202, %dma_wait3A_1208] : memref<1048576x64xf32, #tpu.memory_space<hbm>> -> memref<504x64xf32, #tpu.memory_space<hbm>>
    %dma_wait3A_1210 = arith.constant 0 : i32
    %dma_wait3A_1211 = arith.constant 0 : i32
    %dma_wait3A_1212 = tpu.memref_slice %arg4[%dma_wait3A_1210, %dma_wait3A_1211] : memref<504x64xf32, #tpu.memory_space<vmem>> -> memref<504x64xf32, #tpu.memory_space<vmem>>
    tpu.wait_dma2 semaphore(%arg8 : memref<!tpu.dma_semaphore, #tpu.memory_space<semaphore_mem>>) src(%dma_wait3A_1212 : memref<504x64xf32, #tpu.memory_space<vmem>>) dst(%dma_wait3A_1209 : memref<504x64xf32, #tpu.memory_space<hbm>>)
    %add3A_1213 = arith.constant 13104 : i32
    %add3A_1214 = arith.addi %mul3A_2, %add3A_1213 : i32
    %dma_start3A_1215 = arith.constant 0 : i32
    %dma_start3A_1216 = arith.constant 0 : i32
    %dma_start3A_1217 = tpu.memref_slice %arg4[%dma_start3A_1215, %dma_start3A_1216] : memref<504x64xf32, #tpu.memory_space<vmem>> -> memref<504x64xf32, #tpu.memory_space<vmem>>
    %dma_start3A_1218 = arith.constant 0 : i32
    %dma_start3A_1219 = tpu.memref_slice %arg2[%add3A_1214, %dma_start3A_1218] : memref<1048576x64xf32, #tpu.memory_space<hbm>> -> memref<504x64xf32, #tpu.memory_space<hbm>>
    %dma_start3A_1220 = arith.constant 0 : i32
    %dma_start3A_1221 = arith.constant 0 : i32
    %dma_start3A_1222 = tpu.memref_slice %arg4[%dma_start3A_1220, %dma_start3A_1221] : memref<504x64xf32, #tpu.memory_space<vmem>> -> memref<504x64xf32, #tpu.memory_space<vmem>>
    %dma_start3A_1223 = arith.constant 0 : i32
    %dma_start3A_1224 = tpu.memref_slice %arg2[%add3A_1214, %dma_start3A_1223] : memref<1048576x64xf32, #tpu.memory_space<hbm>> -> memref<504x64xf32, #tpu.memory_space<hbm>>
    tpu.enqueue_dma source(%dma_start3A_1224 : memref<504x64xf32, #tpu.memory_space<hbm>>) target(%dma_start3A_1222 : memref<504x64xf32, #tpu.memory_space<vmem>>) target_semaphore(%arg6 : memref<!tpu.dma_semaphore, #tpu.memory_space<semaphore_mem>>)
    %add3A_1225 = arith.constant 12600 : i32
    %add3A_1226 = arith.addi %mul3A_2, %add3A_1225 : i32
    %dma_wait3A_1227 = arith.constant 0 : i32
    %dma_wait3A_1228 = arith.constant 0 : i32
    %dma_wait3A_1229 = tpu.memref_slice %arg5[%dma_wait3A_1227, %dma_wait3A_1228] : memref<504x64xf32, #tpu.memory_space<vmem>> -> memref<504x64xf32, #tpu.memory_space<vmem>>
    %dma_wait3A_1230 = arith.constant 0 : i32
    %dma_wait3A_1231 = tpu.memref_slice %arg2[%add3A_1226, %dma_wait3A_1230] : memref<1048576x64xf32, #tpu.memory_space<hbm>> -> memref<504x64xf32, #tpu.memory_space<hbm>>
    %dma_wait3A_1232 = arith.constant 0 : i32
    %dma_wait3A_1233 = arith.constant 0 : i32
    %dma_wait3A_1234 = tpu.memref_slice %arg5[%dma_wait3A_1232, %dma_wait3A_1233] : memref<504x64xf32, #tpu.memory_space<vmem>> -> memref<504x64xf32, #tpu.memory_space<vmem>>
    %dma_wait3A_1235 = arith.constant 0 : i32
    %dma_wait3A_1236 = tpu.memref_slice %arg2[%add3A_1226, %dma_wait3A_1235] : memref<1048576x64xf32, #tpu.memory_space<hbm>> -> memref<504x64xf32, #tpu.memory_space<hbm>>
    tpu.wait_dma2 semaphore(%arg7 : memref<!tpu.dma_semaphore, #tpu.memory_space<semaphore_mem>>) src(%dma_wait3A_1236 : memref<504x64xf32, #tpu.memory_space<hbm>>) dst(%dma_wait3A_1234 : memref<504x64xf32, #tpu.memory_space<vmem>>)
    %add3A_1237 = arith.constant 12600 : i32
    %add3A_1238 = arith.addi %mul3A_2, %add3A_1237 : i32
    %dma_start3A_1239 = arith.constant 0 : i32
    %dma_start3A_1240 = arith.constant 0 : i32
    %dma_start3A_1241 = tpu.memref_slice %arg5[%dma_start3A_1239, %dma_start3A_1240] : memref<504x64xf32, #tpu.memory_space<vmem>> -> memref<504x64xf32, #tpu.memory_space<vmem>>
    %dma_start3A_1242 = arith.constant 0 : i32
    %dma_start3A_1243 = tpu.memref_slice %arg3[%add3A_1238, %dma_start3A_1242] : memref<1048576x64xf32, #tpu.memory_space<hbm>> -> memref<504x64xf32, #tpu.memory_space<hbm>>
    %dma_start3A_1244 = arith.constant 0 : i32
    %dma_start3A_1245 = tpu.memref_slice %arg3[%add3A_1238, %dma_start3A_1244] : memref<1048576x64xf32, #tpu.memory_space<hbm>> -> memref<504x64xf32, #tpu.memory_space<hbm>>
    %dma_start3A_1246 = arith.constant 0 : i32
    %dma_start3A_1247 = arith.constant 0 : i32
    %dma_start3A_1248 = tpu.memref_slice %arg5[%dma_start3A_1246, %dma_start3A_1247] : memref<504x64xf32, #tpu.memory_space<vmem>> -> memref<504x64xf32, #tpu.memory_space<vmem>>
    tpu.enqueue_dma source(%dma_start3A_1248 : memref<504x64xf32, #tpu.memory_space<vmem>>) target(%dma_start3A_1245 : memref<504x64xf32, #tpu.memory_space<hbm>>) target_semaphore(%arg9 : memref<!tpu.dma_semaphore, #tpu.memory_space<semaphore_mem>>)
    %add3A_1249 = arith.constant 12600 : i32
    %add3A_1250 = arith.addi %mul3A_2, %add3A_1249 : i32
    %dma_wait3A_1251 = arith.constant 0 : i32
    %dma_wait3A_1252 = arith.constant 0 : i32
    %dma_wait3A_1253 = tpu.memref_slice %arg5[%dma_wait3A_1251, %dma_wait3A_1252] : memref<504x64xf32, #tpu.memory_space<vmem>> -> memref<504x64xf32, #tpu.memory_space<vmem>>
    %dma_wait3A_1254 = arith.constant 0 : i32
    %dma_wait3A_1255 = tpu.memref_slice %arg3[%add3A_1250, %dma_wait3A_1254] : memref<1048576x64xf32, #tpu.memory_space<hbm>> -> memref<504x64xf32, #tpu.memory_space<hbm>>
    %dma_wait3A_1256 = arith.constant 0 : i32
    %dma_wait3A_1257 = tpu.memref_slice %arg3[%add3A_1250, %dma_wait3A_1256] : memref<1048576x64xf32, #tpu.memory_space<hbm>> -> memref<504x64xf32, #tpu.memory_space<hbm>>
    %dma_wait3A_1258 = arith.constant 0 : i32
    %dma_wait3A_1259 = arith.constant 0 : i32
    %dma_wait3A_1260 = tpu.memref_slice %arg5[%dma_wait3A_1258, %dma_wait3A_1259] : memref<504x64xf32, #tpu.memory_space<vmem>> -> memref<504x64xf32, #tpu.memory_space<vmem>>
    tpu.wait_dma2 semaphore(%arg9 : memref<!tpu.dma_semaphore, #tpu.memory_space<semaphore_mem>>) src(%dma_wait3A_1260 : memref<504x64xf32, #tpu.memory_space<vmem>>) dst(%dma_wait3A_1257 : memref<504x64xf32, #tpu.memory_space<hbm>>)
    %add3A_1261 = arith.constant 13608 : i32
    %add3A_1262 = arith.addi %mul3A_2, %add3A_1261 : i32
    %dma_start3A_1263 = arith.constant 0 : i32
    %dma_start3A_1264 = arith.constant 0 : i32
    %dma_start3A_1265 = tpu.memref_slice %arg5[%dma_start3A_1263, %dma_start3A_1264] : memref<504x64xf32, #tpu.memory_space<vmem>> -> memref<504x64xf32, #tpu.memory_space<vmem>>
    %dma_start3A_1266 = arith.constant 0 : i32
    %dma_start3A_1267 = tpu.memref_slice %arg2[%add3A_1262, %dma_start3A_1266] : memref<1048576x64xf32, #tpu.memory_space<hbm>> -> memref<504x64xf32, #tpu.memory_space<hbm>>
    %dma_start3A_1268 = arith.constant 0 : i32
    %dma_start3A_1269 = arith.constant 0 : i32
    %dma_start3A_1270 = tpu.memref_slice %arg5[%dma_start3A_1268, %dma_start3A_1269] : memref<504x64xf32, #tpu.memory_space<vmem>> -> memref<504x64xf32, #tpu.memory_space<vmem>>
    %dma_start3A_1271 = arith.constant 0 : i32
    %dma_start3A_1272 = tpu.memref_slice %arg2[%add3A_1262, %dma_start3A_1271] : memref<1048576x64xf32, #tpu.memory_space<hbm>> -> memref<504x64xf32, #tpu.memory_space<hbm>>
    tpu.enqueue_dma source(%dma_start3A_1272 : memref<504x64xf32, #tpu.memory_space<hbm>>) target(%dma_start3A_1270 : memref<504x64xf32, #tpu.memory_space<vmem>>) target_semaphore(%arg7 : memref<!tpu.dma_semaphore, #tpu.memory_space<semaphore_mem>>)
    %add3A_1273 = arith.constant 13104 : i32
    %add3A_1274 = arith.addi %mul3A_2, %add3A_1273 : i32
    %dma_wait3A_1275 = arith.constant 0 : i32
    %dma_wait3A_1276 = arith.constant 0 : i32
    %dma_wait3A_1277 = tpu.memref_slice %arg4[%dma_wait3A_1275, %dma_wait3A_1276] : memref<504x64xf32, #tpu.memory_space<vmem>> -> memref<504x64xf32, #tpu.memory_space<vmem>>
    %dma_wait3A_1278 = arith.constant 0 : i32
    %dma_wait3A_1279 = tpu.memref_slice %arg2[%add3A_1274, %dma_wait3A_1278] : memref<1048576x64xf32, #tpu.memory_space<hbm>> -> memref<504x64xf32, #tpu.memory_space<hbm>>
    %dma_wait3A_1280 = arith.constant 0 : i32
    %dma_wait3A_1281 = arith.constant 0 : i32
    %dma_wait3A_1282 = tpu.memref_slice %arg4[%dma_wait3A_1280, %dma_wait3A_1281] : memref<504x64xf32, #tpu.memory_space<vmem>> -> memref<504x64xf32, #tpu.memory_space<vmem>>
    %dma_wait3A_1283 = arith.constant 0 : i32
    %dma_wait3A_1284 = tpu.memref_slice %arg2[%add3A_1274, %dma_wait3A_1283] : memref<1048576x64xf32, #tpu.memory_space<hbm>> -> memref<504x64xf32, #tpu.memory_space<hbm>>
    tpu.wait_dma2 semaphore(%arg6 : memref<!tpu.dma_semaphore, #tpu.memory_space<semaphore_mem>>) src(%dma_wait3A_1284 : memref<504x64xf32, #tpu.memory_space<hbm>>) dst(%dma_wait3A_1282 : memref<504x64xf32, #tpu.memory_space<vmem>>)
    %add3A_1285 = arith.constant 13104 : i32
    %add3A_1286 = arith.addi %mul3A_2, %add3A_1285 : i32
    %dma_start3A_1287 = arith.constant 0 : i32
    %dma_start3A_1288 = arith.constant 0 : i32
    %dma_start3A_1289 = tpu.memref_slice %arg4[%dma_start3A_1287, %dma_start3A_1288] : memref<504x64xf32, #tpu.memory_space<vmem>> -> memref<504x64xf32, #tpu.memory_space<vmem>>
    %dma_start3A_1290 = arith.constant 0 : i32
    %dma_start3A_1291 = tpu.memref_slice %arg3[%add3A_1286, %dma_start3A_1290] : memref<1048576x64xf32, #tpu.memory_space<hbm>> -> memref<504x64xf32, #tpu.memory_space<hbm>>
    %dma_start3A_1292 = arith.constant 0 : i32
    %dma_start3A_1293 = tpu.memref_slice %arg3[%add3A_1286, %dma_start3A_1292] : memref<1048576x64xf32, #tpu.memory_space<hbm>> -> memref<504x64xf32, #tpu.memory_space<hbm>>
    %dma_start3A_1294 = arith.constant 0 : i32
    %dma_start3A_1295 = arith.constant 0 : i32
    %dma_start3A_1296 = tpu.memref_slice %arg4[%dma_start3A_1294, %dma_start3A_1295] : memref<504x64xf32, #tpu.memory_space<vmem>> -> memref<504x64xf32, #tpu.memory_space<vmem>>
    tpu.enqueue_dma source(%dma_start3A_1296 : memref<504x64xf32, #tpu.memory_space<vmem>>) target(%dma_start3A_1293 : memref<504x64xf32, #tpu.memory_space<hbm>>) target_semaphore(%arg8 : memref<!tpu.dma_semaphore, #tpu.memory_space<semaphore_mem>>)
    %add3A_1297 = arith.constant 13104 : i32
    %add3A_1298 = arith.addi %mul3A_2, %add3A_1297 : i32
    %dma_wait3A_1299 = arith.constant 0 : i32
    %dma_wait3A_1300 = arith.constant 0 : i32
    %dma_wait3A_1301 = tpu.memref_slice %arg4[%dma_wait3A_1299, %dma_wait3A_1300] : memref<504x64xf32, #tpu.memory_space<vmem>> -> memref<504x64xf32, #tpu.memory_space<vmem>>
    %dma_wait3A_1302 = arith.constant 0 : i32
    %dma_wait3A_1303 = tpu.memref_slice %arg3[%add3A_1298, %dma_wait3A_1302] : memref<1048576x64xf32, #tpu.memory_space<hbm>> -> memref<504x64xf32, #tpu.memory_space<hbm>>
    %dma_wait3A_1304 = arith.constant 0 : i32
    %dma_wait3A_1305 = tpu.memref_slice %arg3[%add3A_1298, %dma_wait3A_1304] : memref<1048576x64xf32, #tpu.memory_space<hbm>> -> memref<504x64xf32, #tpu.memory_space<hbm>>
    %dma_wait3A_1306 = arith.constant 0 : i32
    %dma_wait3A_1307 = arith.constant 0 : i32
    %dma_wait3A_1308 = tpu.memref_slice %arg4[%dma_wait3A_1306, %dma_wait3A_1307] : memref<504x64xf32, #tpu.memory_space<vmem>> -> memref<504x64xf32, #tpu.memory_space<vmem>>
    tpu.wait_dma2 semaphore(%arg8 : memref<!tpu.dma_semaphore, #tpu.memory_space<semaphore_mem>>) src(%dma_wait3A_1308 : memref<504x64xf32, #tpu.memory_space<vmem>>) dst(%dma_wait3A_1305 : memref<504x64xf32, #tpu.memory_space<hbm>>)
    %add3A_1309 = arith.constant 14112 : i32
    %add3A_1310 = arith.addi %mul3A_2, %add3A_1309 : i32
    %dma_start3A_1311 = arith.constant 0 : i32
    %dma_start3A_1312 = arith.constant 0 : i32
    %dma_start3A_1313 = tpu.memref_slice %arg4[%dma_start3A_1311, %dma_start3A_1312] : memref<504x64xf32, #tpu.memory_space<vmem>> -> memref<504x64xf32, #tpu.memory_space<vmem>>
    %dma_start3A_1314 = arith.constant 0 : i32
    %dma_start3A_1315 = tpu.memref_slice %arg2[%add3A_1310, %dma_start3A_1314] : memref<1048576x64xf32, #tpu.memory_space<hbm>> -> memref<504x64xf32, #tpu.memory_space<hbm>>
    %dma_start3A_1316 = arith.constant 0 : i32
    %dma_start3A_1317 = arith.constant 0 : i32
    %dma_start3A_1318 = tpu.memref_slice %arg4[%dma_start3A_1316, %dma_start3A_1317] : memref<504x64xf32, #tpu.memory_space<vmem>> -> memref<504x64xf32, #tpu.memory_space<vmem>>
    %dma_start3A_1319 = arith.constant 0 : i32
    %dma_start3A_1320 = tpu.memref_slice %arg2[%add3A_1310, %dma_start3A_1319] : memref<1048576x64xf32, #tpu.memory_space<hbm>> -> memref<504x64xf32, #tpu.memory_space<hbm>>
    tpu.enqueue_dma source(%dma_start3A_1320 : memref<504x64xf32, #tpu.memory_space<hbm>>) target(%dma_start3A_1318 : memref<504x64xf32, #tpu.memory_space<vmem>>) target_semaphore(%arg6 : memref<!tpu.dma_semaphore, #tpu.memory_space<semaphore_mem>>)
    %add3A_1321 = arith.constant 13608 : i32
    %add3A_1322 = arith.addi %mul3A_2, %add3A_1321 : i32
    %dma_wait3A_1323 = arith.constant 0 : i32
    %dma_wait3A_1324 = arith.constant 0 : i32
    %dma_wait3A_1325 = tpu.memref_slice %arg5[%dma_wait3A_1323, %dma_wait3A_1324] : memref<504x64xf32, #tpu.memory_space<vmem>> -> memref<504x64xf32, #tpu.memory_space<vmem>>
    %dma_wait3A_1326 = arith.constant 0 : i32
    %dma_wait3A_1327 = tpu.memref_slice %arg2[%add3A_1322, %dma_wait3A_1326] : memref<1048576x64xf32, #tpu.memory_space<hbm>> -> memref<504x64xf32, #tpu.memory_space<hbm>>
    %dma_wait3A_1328 = arith.constant 0 : i32
    %dma_wait3A_1329 = arith.constant 0 : i32
    %dma_wait3A_1330 = tpu.memref_slice %arg5[%dma_wait3A_1328, %dma_wait3A_1329] : memref<504x64xf32, #tpu.memory_space<vmem>> -> memref<504x64xf32, #tpu.memory_space<vmem>>
    %dma_wait3A_1331 = arith.constant 0 : i32
    %dma_wait3A_1332 = tpu.memref_slice %arg2[%add3A_1322, %dma_wait3A_1331] : memref<1048576x64xf32, #tpu.memory_space<hbm>> -> memref<504x64xf32, #tpu.memory_space<hbm>>
    tpu.wait_dma2 semaphore(%arg7 : memref<!tpu.dma_semaphore, #tpu.memory_space<semaphore_mem>>) src(%dma_wait3A_1332 : memref<504x64xf32, #tpu.memory_space<hbm>>) dst(%dma_wait3A_1330 : memref<504x64xf32, #tpu.memory_space<vmem>>)
    %add3A_1333 = arith.constant 13608 : i32
    %add3A_1334 = arith.addi %mul3A_2, %add3A_1333 : i32
    %dma_start3A_1335 = arith.constant 0 : i32
    %dma_start3A_1336 = arith.constant 0 : i32
    %dma_start3A_1337 = tpu.memref_slice %arg5[%dma_start3A_1335, %dma_start3A_1336] : memref<504x64xf32, #tpu.memory_space<vmem>> -> memref<504x64xf32, #tpu.memory_space<vmem>>
    %dma_start3A_1338 = arith.constant 0 : i32
    %dma_start3A_1339 = tpu.memref_slice %arg3[%add3A_1334, %dma_start3A_1338] : memref<1048576x64xf32, #tpu.memory_space<hbm>> -> memref<504x64xf32, #tpu.memory_space<hbm>>
    %dma_start3A_1340 = arith.constant 0 : i32
    %dma_start3A_1341 = tpu.memref_slice %arg3[%add3A_1334, %dma_start3A_1340] : memref<1048576x64xf32, #tpu.memory_space<hbm>> -> memref<504x64xf32, #tpu.memory_space<hbm>>
    %dma_start3A_1342 = arith.constant 0 : i32
    %dma_start3A_1343 = arith.constant 0 : i32
    %dma_start3A_1344 = tpu.memref_slice %arg5[%dma_start3A_1342, %dma_start3A_1343] : memref<504x64xf32, #tpu.memory_space<vmem>> -> memref<504x64xf32, #tpu.memory_space<vmem>>
    tpu.enqueue_dma source(%dma_start3A_1344 : memref<504x64xf32, #tpu.memory_space<vmem>>) target(%dma_start3A_1341 : memref<504x64xf32, #tpu.memory_space<hbm>>) target_semaphore(%arg9 : memref<!tpu.dma_semaphore, #tpu.memory_space<semaphore_mem>>)
    %add3A_1345 = arith.constant 13608 : i32
    %add3A_1346 = arith.addi %mul3A_2, %add3A_1345 : i32
    %dma_wait3A_1347 = arith.constant 0 : i32
    %dma_wait3A_1348 = arith.constant 0 : i32
    %dma_wait3A_1349 = tpu.memref_slice %arg5[%dma_wait3A_1347, %dma_wait3A_1348] : memref<504x64xf32, #tpu.memory_space<vmem>> -> memref<504x64xf32, #tpu.memory_space<vmem>>
    %dma_wait3A_1350 = arith.constant 0 : i32
    %dma_wait3A_1351 = tpu.memref_slice %arg3[%add3A_1346, %dma_wait3A_1350] : memref<1048576x64xf32, #tpu.memory_space<hbm>> -> memref<504x64xf32, #tpu.memory_space<hbm>>
    %dma_wait3A_1352 = arith.constant 0 : i32
    %dma_wait3A_1353 = tpu.memref_slice %arg3[%add3A_1346, %dma_wait3A_1352] : memref<1048576x64xf32, #tpu.memory_space<hbm>> -> memref<504x64xf32, #tpu.memory_space<hbm>>
    %dma_wait3A_1354 = arith.constant 0 : i32
    %dma_wait3A_1355 = arith.constant 0 : i32
    %dma_wait3A_1356 = tpu.memref_slice %arg5[%dma_wait3A_1354, %dma_wait3A_1355] : memref<504x64xf32, #tpu.memory_space<vmem>> -> memref<504x64xf32, #tpu.memory_space<vmem>>
    tpu.wait_dma2 semaphore(%arg9 : memref<!tpu.dma_semaphore, #tpu.memory_space<semaphore_mem>>) src(%dma_wait3A_1356 : memref<504x64xf32, #tpu.memory_space<vmem>>) dst(%dma_wait3A_1353 : memref<504x64xf32, #tpu.memory_space<hbm>>)
    %add3A_1357 = arith.constant 14616 : i32
    %add3A_1358 = arith.addi %mul3A_2, %add3A_1357 : i32
    %dma_start3A_1359 = arith.constant 0 : i32
    %dma_start3A_1360 = arith.constant 0 : i32
    %dma_start3A_1361 = tpu.memref_slice %arg5[%dma_start3A_1359, %dma_start3A_1360] : memref<504x64xf32, #tpu.memory_space<vmem>> -> memref<504x64xf32, #tpu.memory_space<vmem>>
    %dma_start3A_1362 = arith.constant 0 : i32
    %dma_start3A_1363 = tpu.memref_slice %arg2[%add3A_1358, %dma_start3A_1362] : memref<1048576x64xf32, #tpu.memory_space<hbm>> -> memref<504x64xf32, #tpu.memory_space<hbm>>
    %dma_start3A_1364 = arith.constant 0 : i32
    %dma_start3A_1365 = arith.constant 0 : i32
    %dma_start3A_1366 = tpu.memref_slice %arg5[%dma_start3A_1364, %dma_start3A_1365] : memref<504x64xf32, #tpu.memory_space<vmem>> -> memref<504x64xf32, #tpu.memory_space<vmem>>
    %dma_start3A_1367 = arith.constant 0 : i32
    %dma_start3A_1368 = tpu.memref_slice %arg2[%add3A_1358, %dma_start3A_1367] : memref<1048576x64xf32, #tpu.memory_space<hbm>> -> memref<504x64xf32, #tpu.memory_space<hbm>>
    tpu.enqueue_dma source(%dma_start3A_1368 : memref<504x64xf32, #tpu.memory_space<hbm>>) target(%dma_start3A_1366 : memref<504x64xf32, #tpu.memory_space<vmem>>) target_semaphore(%arg7 : memref<!tpu.dma_semaphore, #tpu.memory_space<semaphore_mem>>)
    %add3A_1369 = arith.constant 14112 : i32
    %add3A_1370 = arith.addi %mul3A_2, %add3A_1369 : i32
    %dma_wait3A_1371 = arith.constant 0 : i32
    %dma_wait3A_1372 = arith.constant 0 : i32
    %dma_wait3A_1373 = tpu.memref_slice %arg4[%dma_wait3A_1371, %dma_wait3A_1372] : memref<504x64xf32, #tpu.memory_space<vmem>> -> memref<504x64xf32, #tpu.memory_space<vmem>>
    %dma_wait3A_1374 = arith.constant 0 : i32
    %dma_wait3A_1375 = tpu.memref_slice %arg2[%add3A_1370, %dma_wait3A_1374] : memref<1048576x64xf32, #tpu.memory_space<hbm>> -> memref<504x64xf32, #tpu.memory_space<hbm>>
    %dma_wait3A_1376 = arith.constant 0 : i32
    %dma_wait3A_1377 = arith.constant 0 : i32
    %dma_wait3A_1378 = tpu.memref_slice %arg4[%dma_wait3A_1376, %dma_wait3A_1377] : memref<504x64xf32, #tpu.memory_space<vmem>> -> memref<504x64xf32, #tpu.memory_space<vmem>>
    %dma_wait3A_1379 = arith.constant 0 : i32
    %dma_wait3A_1380 = tpu.memref_slice %arg2[%add3A_1370, %dma_wait3A_1379] : memref<1048576x64xf32, #tpu.memory_space<hbm>> -> memref<504x64xf32, #tpu.memory_space<hbm>>
    tpu.wait_dma2 semaphore(%arg6 : memref<!tpu.dma_semaphore, #tpu.memory_space<semaphore_mem>>) src(%dma_wait3A_1380 : memref<504x64xf32, #tpu.memory_space<hbm>>) dst(%dma_wait3A_1378 : memref<504x64xf32, #tpu.memory_space<vmem>>)
    %add3A_1381 = arith.constant 14112 : i32
    %add3A_1382 = arith.addi %mul3A_2, %add3A_1381 : i32
    %dma_start3A_1383 = arith.constant 0 : i32
    %dma_start3A_1384 = arith.constant 0 : i32
    %dma_start3A_1385 = tpu.memref_slice %arg4[%dma_start3A_1383, %dma_start3A_1384] : memref<504x64xf32, #tpu.memory_space<vmem>> -> memref<504x64xf32, #tpu.memory_space<vmem>>
    %dma_start3A_1386 = arith.constant 0 : i32
    %dma_start3A_1387 = tpu.memref_slice %arg3[%add3A_1382, %dma_start3A_1386] : memref<1048576x64xf32, #tpu.memory_space<hbm>> -> memref<504x64xf32, #tpu.memory_space<hbm>>
    %dma_start3A_1388 = arith.constant 0 : i32
    %dma_start3A_1389 = tpu.memref_slice %arg3[%add3A_1382, %dma_start3A_1388] : memref<1048576x64xf32, #tpu.memory_space<hbm>> -> memref<504x64xf32, #tpu.memory_space<hbm>>
    %dma_start3A_1390 = arith.constant 0 : i32
    %dma_start3A_1391 = arith.constant 0 : i32
    %dma_start3A_1392 = tpu.memref_slice %arg4[%dma_start3A_1390, %dma_start3A_1391] : memref<504x64xf32, #tpu.memory_space<vmem>> -> memref<504x64xf32, #tpu.memory_space<vmem>>
    tpu.enqueue_dma source(%dma_start3A_1392 : memref<504x64xf32, #tpu.memory_space<vmem>>) target(%dma_start3A_1389 : memref<504x64xf32, #tpu.memory_space<hbm>>) target_semaphore(%arg8 : memref<!tpu.dma_semaphore, #tpu.memory_space<semaphore_mem>>)
    %add3A_1393 = arith.constant 14112 : i32
    %add3A_1394 = arith.addi %mul3A_2, %add3A_1393 : i32
    %dma_wait3A_1395 = arith.constant 0 : i32
    %dma_wait3A_1396 = arith.constant 0 : i32
    %dma_wait3A_1397 = tpu.memref_slice %arg4[%dma_wait3A_1395, %dma_wait3A_1396] : memref<504x64xf32, #tpu.memory_space<vmem>> -> memref<504x64xf32, #tpu.memory_space<vmem>>
    %dma_wait3A_1398 = arith.constant 0 : i32
    %dma_wait3A_1399 = tpu.memref_slice %arg3[%add3A_1394, %dma_wait3A_1398] : memref<1048576x64xf32, #tpu.memory_space<hbm>> -> memref<504x64xf32, #tpu.memory_space<hbm>>
    %dma_wait3A_1400 = arith.constant 0 : i32
    %dma_wait3A_1401 = tpu.memref_slice %arg3[%add3A_1394, %dma_wait3A_1400] : memref<1048576x64xf32, #tpu.memory_space<hbm>> -> memref<504x64xf32, #tpu.memory_space<hbm>>
    %dma_wait3A_1402 = arith.constant 0 : i32
    %dma_wait3A_1403 = arith.constant 0 : i32
    %dma_wait3A_1404 = tpu.memref_slice %arg4[%dma_wait3A_1402, %dma_wait3A_1403] : memref<504x64xf32, #tpu.memory_space<vmem>> -> memref<504x64xf32, #tpu.memory_space<vmem>>
    tpu.wait_dma2 semaphore(%arg8 : memref<!tpu.dma_semaphore, #tpu.memory_space<semaphore_mem>>) src(%dma_wait3A_1404 : memref<504x64xf32, #tpu.memory_space<vmem>>) dst(%dma_wait3A_1401 : memref<504x64xf32, #tpu.memory_space<hbm>>)
    %add3A_1405 = arith.constant 15120 : i32
    %add3A_1406 = arith.addi %mul3A_2, %add3A_1405 : i32
    %dma_start3A_1407 = arith.constant 0 : i32
    %dma_start3A_1408 = arith.constant 0 : i32
    %dma_start3A_1409 = tpu.memref_slice %arg4[%dma_start3A_1407, %dma_start3A_1408] : memref<504x64xf32, #tpu.memory_space<vmem>> -> memref<504x64xf32, #tpu.memory_space<vmem>>
    %dma_start3A_1410 = arith.constant 0 : i32
    %dma_start3A_1411 = tpu.memref_slice %arg2[%add3A_1406, %dma_start3A_1410] : memref<1048576x64xf32, #tpu.memory_space<hbm>> -> memref<504x64xf32, #tpu.memory_space<hbm>>
    %dma_start3A_1412 = arith.constant 0 : i32
    %dma_start3A_1413 = arith.constant 0 : i32
    %dma_start3A_1414 = tpu.memref_slice %arg4[%dma_start3A_1412, %dma_start3A_1413] : memref<504x64xf32, #tpu.memory_space<vmem>> -> memref<504x64xf32, #tpu.memory_space<vmem>>
    %dma_start3A_1415 = arith.constant 0 : i32
    %dma_start3A_1416 = tpu.memref_slice %arg2[%add3A_1406, %dma_start3A_1415] : memref<1048576x64xf32, #tpu.memory_space<hbm>> -> memref<504x64xf32, #tpu.memory_space<hbm>>
    tpu.enqueue_dma source(%dma_start3A_1416 : memref<504x64xf32, #tpu.memory_space<hbm>>) target(%dma_start3A_1414 : memref<504x64xf32, #tpu.memory_space<vmem>>) target_semaphore(%arg6 : memref<!tpu.dma_semaphore, #tpu.memory_space<semaphore_mem>>)
    %add3A_1417 = arith.constant 14616 : i32
    %add3A_1418 = arith.addi %mul3A_2, %add3A_1417 : i32
    %dma_wait3A_1419 = arith.constant 0 : i32
    %dma_wait3A_1420 = arith.constant 0 : i32
    %dma_wait3A_1421 = tpu.memref_slice %arg5[%dma_wait3A_1419, %dma_wait3A_1420] : memref<504x64xf32, #tpu.memory_space<vmem>> -> memref<504x64xf32, #tpu.memory_space<vmem>>
    %dma_wait3A_1422 = arith.constant 0 : i32
    %dma_wait3A_1423 = tpu.memref_slice %arg2[%add3A_1418, %dma_wait3A_1422] : memref<1048576x64xf32, #tpu.memory_space<hbm>> -> memref<504x64xf32, #tpu.memory_space<hbm>>
    %dma_wait3A_1424 = arith.constant 0 : i32
    %dma_wait3A_1425 = arith.constant 0 : i32
    %dma_wait3A_1426 = tpu.memref_slice %arg5[%dma_wait3A_1424, %dma_wait3A_1425] : memref<504x64xf32, #tpu.memory_space<vmem>> -> memref<504x64xf32, #tpu.memory_space<vmem>>
    %dma_wait3A_1427 = arith.constant 0 : i32
    %dma_wait3A_1428 = tpu.memref_slice %arg2[%add3A_1418, %dma_wait3A_1427] : memref<1048576x64xf32, #tpu.memory_space<hbm>> -> memref<504x64xf32, #tpu.memory_space<hbm>>
    tpu.wait_dma2 semaphore(%arg7 : memref<!tpu.dma_semaphore, #tpu.memory_space<semaphore_mem>>) src(%dma_wait3A_1428 : memref<504x64xf32, #tpu.memory_space<hbm>>) dst(%dma_wait3A_1426 : memref<504x64xf32, #tpu.memory_space<vmem>>)
    %add3A_1429 = arith.constant 14616 : i32
    %add3A_1430 = arith.addi %mul3A_2, %add3A_1429 : i32
    %dma_start3A_1431 = arith.constant 0 : i32
    %dma_start3A_1432 = arith.constant 0 : i32
    %dma_start3A_1433 = tpu.memref_slice %arg5[%dma_start3A_1431, %dma_start3A_1432] : memref<504x64xf32, #tpu.memory_space<vmem>> -> memref<504x64xf32, #tpu.memory_space<vmem>>
    %dma_start3A_1434 = arith.constant 0 : i32
    %dma_start3A_1435 = tpu.memref_slice %arg3[%add3A_1430, %dma_start3A_1434] : memref<1048576x64xf32, #tpu.memory_space<hbm>> -> memref<504x64xf32, #tpu.memory_space<hbm>>
    %dma_start3A_1436 = arith.constant 0 : i32
    %dma_start3A_1437 = tpu.memref_slice %arg3[%add3A_1430, %dma_start3A_1436] : memref<1048576x64xf32, #tpu.memory_space<hbm>> -> memref<504x64xf32, #tpu.memory_space<hbm>>
    %dma_start3A_1438 = arith.constant 0 : i32
    %dma_start3A_1439 = arith.constant 0 : i32
    %dma_start3A_1440 = tpu.memref_slice %arg5[%dma_start3A_1438, %dma_start3A_1439] : memref<504x64xf32, #tpu.memory_space<vmem>> -> memref<504x64xf32, #tpu.memory_space<vmem>>
    tpu.enqueue_dma source(%dma_start3A_1440 : memref<504x64xf32, #tpu.memory_space<vmem>>) target(%dma_start3A_1437 : memref<504x64xf32, #tpu.memory_space<hbm>>) target_semaphore(%arg9 : memref<!tpu.dma_semaphore, #tpu.memory_space<semaphore_mem>>)
    %add3A_1441 = arith.constant 14616 : i32
    %add3A_1442 = arith.addi %mul3A_2, %add3A_1441 : i32
    %dma_wait3A_1443 = arith.constant 0 : i32
    %dma_wait3A_1444 = arith.constant 0 : i32
    %dma_wait3A_1445 = tpu.memref_slice %arg5[%dma_wait3A_1443, %dma_wait3A_1444] : memref<504x64xf32, #tpu.memory_space<vmem>> -> memref<504x64xf32, #tpu.memory_space<vmem>>
    %dma_wait3A_1446 = arith.constant 0 : i32
    %dma_wait3A_1447 = tpu.memref_slice %arg3[%add3A_1442, %dma_wait3A_1446] : memref<1048576x64xf32, #tpu.memory_space<hbm>> -> memref<504x64xf32, #tpu.memory_space<hbm>>
    %dma_wait3A_1448 = arith.constant 0 : i32
    %dma_wait3A_1449 = tpu.memref_slice %arg3[%add3A_1442, %dma_wait3A_1448] : memref<1048576x64xf32, #tpu.memory_space<hbm>> -> memref<504x64xf32, #tpu.memory_space<hbm>>
    %dma_wait3A_1450 = arith.constant 0 : i32
    %dma_wait3A_1451 = arith.constant 0 : i32
    %dma_wait3A_1452 = tpu.memref_slice %arg5[%dma_wait3A_1450, %dma_wait3A_1451] : memref<504x64xf32, #tpu.memory_space<vmem>> -> memref<504x64xf32, #tpu.memory_space<vmem>>
    tpu.wait_dma2 semaphore(%arg9 : memref<!tpu.dma_semaphore, #tpu.memory_space<semaphore_mem>>) src(%dma_wait3A_1452 : memref<504x64xf32, #tpu.memory_space<vmem>>) dst(%dma_wait3A_1449 : memref<504x64xf32, #tpu.memory_space<hbm>>)
    %add3A_1453 = arith.constant 15624 : i32
    %add3A_1454 = arith.addi %mul3A_2, %add3A_1453 : i32
    %dma_start3A_1455 = arith.constant 0 : i32
    %dma_start3A_1456 = arith.constant 0 : i32
    %dma_start3A_1457 = tpu.memref_slice %arg5[%dma_start3A_1455, %dma_start3A_1456] : memref<504x64xf32, #tpu.memory_space<vmem>> -> memref<504x64xf32, #tpu.memory_space<vmem>>
    %dma_start3A_1458 = arith.constant 0 : i32
    %dma_start3A_1459 = tpu.memref_slice %arg2[%add3A_1454, %dma_start3A_1458] : memref<1048576x64xf32, #tpu.memory_space<hbm>> -> memref<504x64xf32, #tpu.memory_space<hbm>>
    %dma_start3A_1460 = arith.constant 0 : i32
    %dma_start3A_1461 = arith.constant 0 : i32
    %dma_start3A_1462 = tpu.memref_slice %arg5[%dma_start3A_1460, %dma_start3A_1461] : memref<504x64xf32, #tpu.memory_space<vmem>> -> memref<504x64xf32, #tpu.memory_space<vmem>>
    %dma_start3A_1463 = arith.constant 0 : i32
    %dma_start3A_1464 = tpu.memref_slice %arg2[%add3A_1454, %dma_start3A_1463] : memref<1048576x64xf32, #tpu.memory_space<hbm>> -> memref<504x64xf32, #tpu.memory_space<hbm>>
    tpu.enqueue_dma source(%dma_start3A_1464 : memref<504x64xf32, #tpu.memory_space<hbm>>) target(%dma_start3A_1462 : memref<504x64xf32, #tpu.memory_space<vmem>>) target_semaphore(%arg7 : memref<!tpu.dma_semaphore, #tpu.memory_space<semaphore_mem>>)
    %add3A_1465 = arith.constant 15120 : i32
    %add3A_1466 = arith.addi %mul3A_2, %add3A_1465 : i32
    %dma_wait3A_1467 = arith.constant 0 : i32
    %dma_wait3A_1468 = arith.constant 0 : i32
    %dma_wait3A_1469 = tpu.memref_slice %arg4[%dma_wait3A_1467, %dma_wait3A_1468] : memref<504x64xf32, #tpu.memory_space<vmem>> -> memref<504x64xf32, #tpu.memory_space<vmem>>
    %dma_wait3A_1470 = arith.constant 0 : i32
    %dma_wait3A_1471 = tpu.memref_slice %arg2[%add3A_1466, %dma_wait3A_1470] : memref<1048576x64xf32, #tpu.memory_space<hbm>> -> memref<504x64xf32, #tpu.memory_space<hbm>>
    %dma_wait3A_1472 = arith.constant 0 : i32
    %dma_wait3A_1473 = arith.constant 0 : i32
    %dma_wait3A_1474 = tpu.memref_slice %arg4[%dma_wait3A_1472, %dma_wait3A_1473] : memref<504x64xf32, #tpu.memory_space<vmem>> -> memref<504x64xf32, #tpu.memory_space<vmem>>
    %dma_wait3A_1475 = arith.constant 0 : i32
    %dma_wait3A_1476 = tpu.memref_slice %arg2[%add3A_1466, %dma_wait3A_1475] : memref<1048576x64xf32, #tpu.memory_space<hbm>> -> memref<504x64xf32, #tpu.memory_space<hbm>>
    tpu.wait_dma2 semaphore(%arg6 : memref<!tpu.dma_semaphore, #tpu.memory_space<semaphore_mem>>) src(%dma_wait3A_1476 : memref<504x64xf32, #tpu.memory_space<hbm>>) dst(%dma_wait3A_1474 : memref<504x64xf32, #tpu.memory_space<vmem>>)
    %add3A_1477 = arith.constant 15120 : i32
    %add3A_1478 = arith.addi %mul3A_2, %add3A_1477 : i32
    %dma_start3A_1479 = arith.constant 0 : i32
    %dma_start3A_1480 = arith.constant 0 : i32
    %dma_start3A_1481 = tpu.memref_slice %arg4[%dma_start3A_1479, %dma_start3A_1480] : memref<504x64xf32, #tpu.memory_space<vmem>> -> memref<504x64xf32, #tpu.memory_space<vmem>>
    %dma_start3A_1482 = arith.constant 0 : i32
    %dma_start3A_1483 = tpu.memref_slice %arg3[%add3A_1478, %dma_start3A_1482] : memref<1048576x64xf32, #tpu.memory_space<hbm>> -> memref<504x64xf32, #tpu.memory_space<hbm>>
    %dma_start3A_1484 = arith.constant 0 : i32
    %dma_start3A_1485 = tpu.memref_slice %arg3[%add3A_1478, %dma_start3A_1484] : memref<1048576x64xf32, #tpu.memory_space<hbm>> -> memref<504x64xf32, #tpu.memory_space<hbm>>
    %dma_start3A_1486 = arith.constant 0 : i32
    %dma_start3A_1487 = arith.constant 0 : i32
    %dma_start3A_1488 = tpu.memref_slice %arg4[%dma_start3A_1486, %dma_start3A_1487] : memref<504x64xf32, #tpu.memory_space<vmem>> -> memref<504x64xf32, #tpu.memory_space<vmem>>
    tpu.enqueue_dma source(%dma_start3A_1488 : memref<504x64xf32, #tpu.memory_space<vmem>>) target(%dma_start3A_1485 : memref<504x64xf32, #tpu.memory_space<hbm>>) target_semaphore(%arg8 : memref<!tpu.dma_semaphore, #tpu.memory_space<semaphore_mem>>)
    %add3A_1489 = arith.constant 15120 : i32
    %add3A_1490 = arith.addi %mul3A_2, %add3A_1489 : i32
    %dma_wait3A_1491 = arith.constant 0 : i32
    %dma_wait3A_1492 = arith.constant 0 : i32
    %dma_wait3A_1493 = tpu.memref_slice %arg4[%dma_wait3A_1491, %dma_wait3A_1492] : memref<504x64xf32, #tpu.memory_space<vmem>> -> memref<504x64xf32, #tpu.memory_space<vmem>>
    %dma_wait3A_1494 = arith.constant 0 : i32
    %dma_wait3A_1495 = tpu.memref_slice %arg3[%add3A_1490, %dma_wait3A_1494] : memref<1048576x64xf32, #tpu.memory_space<hbm>> -> memref<504x64xf32, #tpu.memory_space<hbm>>
    %dma_wait3A_1496 = arith.constant 0 : i32
    %dma_wait3A_1497 = tpu.memref_slice %arg3[%add3A_1490, %dma_wait3A_1496] : memref<1048576x64xf32, #tpu.memory_space<hbm>> -> memref<504x64xf32, #tpu.memory_space<hbm>>
    %dma_wait3A_1498 = arith.constant 0 : i32
    %dma_wait3A_1499 = arith.constant 0 : i32
    %dma_wait3A_1500 = tpu.memref_slice %arg4[%dma_wait3A_1498, %dma_wait3A_1499] : memref<504x64xf32, #tpu.memory_space<vmem>> -> memref<504x64xf32, #tpu.memory_space<vmem>>
    tpu.wait_dma2 semaphore(%arg8 : memref<!tpu.dma_semaphore, #tpu.memory_space<semaphore_mem>>) src(%dma_wait3A_1500 : memref<504x64xf32, #tpu.memory_space<vmem>>) dst(%dma_wait3A_1497 : memref<504x64xf32, #tpu.memory_space<hbm>>)
    %add3A_1501 = arith.constant 16128 : i32
    %add3A_1502 = arith.addi %mul3A_2, %add3A_1501 : i32
    %dma_start3A_1503 = arith.constant 0 : i32
    %dma_start3A_1504 = arith.constant 0 : i32
    %dma_start3A_1505 = tpu.memref_slice %arg4[%dma_start3A_1503, %dma_start3A_1504] : memref<504x64xf32, #tpu.memory_space<vmem>> -> memref<504x64xf32, #tpu.memory_space<vmem>>
    %dma_start3A_1506 = arith.constant 0 : i32
    %dma_start3A_1507 = tpu.memref_slice %arg2[%add3A_1502, %dma_start3A_1506] : memref<1048576x64xf32, #tpu.memory_space<hbm>> -> memref<504x64xf32, #tpu.memory_space<hbm>>
    %dma_start3A_1508 = arith.constant 0 : i32
    %dma_start3A_1509 = arith.constant 0 : i32
    %dma_start3A_1510 = tpu.memref_slice %arg4[%dma_start3A_1508, %dma_start3A_1509] : memref<504x64xf32, #tpu.memory_space<vmem>> -> memref<504x64xf32, #tpu.memory_space<vmem>>
    %dma_start3A_1511 = arith.constant 0 : i32
    %dma_start3A_1512 = tpu.memref_slice %arg2[%add3A_1502, %dma_start3A_1511] : memref<1048576x64xf32, #tpu.memory_space<hbm>> -> memref<504x64xf32, #tpu.memory_space<hbm>>
    tpu.enqueue_dma source(%dma_start3A_1512 : memref<504x64xf32, #tpu.memory_space<hbm>>) target(%dma_start3A_1510 : memref<504x64xf32, #tpu.memory_space<vmem>>) target_semaphore(%arg6 : memref<!tpu.dma_semaphore, #tpu.memory_space<semaphore_mem>>)
    %add3A_1513 = arith.constant 15624 : i32
    %add3A_1514 = arith.addi %mul3A_2, %add3A_1513 : i32
    %dma_wait3A_1515 = arith.constant 0 : i32
    %dma_wait3A_1516 = arith.constant 0 : i32
    %dma_wait3A_1517 = tpu.memref_slice %arg5[%dma_wait3A_1515, %dma_wait3A_1516] : memref<504x64xf32, #tpu.memory_space<vmem>> -> memref<504x64xf32, #tpu.memory_space<vmem>>
    %dma_wait3A_1518 = arith.constant 0 : i32
    %dma_wait3A_1519 = tpu.memref_slice %arg2[%add3A_1514, %dma_wait3A_1518] : memref<1048576x64xf32, #tpu.memory_space<hbm>> -> memref<504x64xf32, #tpu.memory_space<hbm>>
    %dma_wait3A_1520 = arith.constant 0 : i32
    %dma_wait3A_1521 = arith.constant 0 : i32
    %dma_wait3A_1522 = tpu.memref_slice %arg5[%dma_wait3A_1520, %dma_wait3A_1521] : memref<504x64xf32, #tpu.memory_space<vmem>> -> memref<504x64xf32, #tpu.memory_space<vmem>>
    %dma_wait3A_1523 = arith.constant 0 : i32
    %dma_wait3A_1524 = tpu.memref_slice %arg2[%add3A_1514, %dma_wait3A_1523] : memref<1048576x64xf32, #tpu.memory_space<hbm>> -> memref<504x64xf32, #tpu.memory_space<hbm>>
    tpu.wait_dma2 semaphore(%arg7 : memref<!tpu.dma_semaphore, #tpu.memory_space<semaphore_mem>>) src(%dma_wait3A_1524 : memref<504x64xf32, #tpu.memory_space<hbm>>) dst(%dma_wait3A_1522 : memref<504x64xf32, #tpu.memory_space<vmem>>)
    %add3A_1525 = arith.constant 15624 : i32
    %add3A_1526 = arith.addi %mul3A_2, %add3A_1525 : i32
    %dma_start3A_1527 = arith.constant 0 : i32
    %dma_start3A_1528 = arith.constant 0 : i32
    %dma_start3A_1529 = tpu.memref_slice %arg5[%dma_start3A_1527, %dma_start3A_1528] : memref<504x64xf32, #tpu.memory_space<vmem>> -> memref<504x64xf32, #tpu.memory_space<vmem>>
    %dma_start3A_1530 = arith.constant 0 : i32
    %dma_start3A_1531 = tpu.memref_slice %arg3[%add3A_1526, %dma_start3A_1530] : memref<1048576x64xf32, #tpu.memory_space<hbm>> -> memref<504x64xf32, #tpu.memory_space<hbm>>
    %dma_start3A_1532 = arith.constant 0 : i32
    %dma_start3A_1533 = tpu.memref_slice %arg3[%add3A_1526, %dma_start3A_1532] : memref<1048576x64xf32, #tpu.memory_space<hbm>> -> memref<504x64xf32, #tpu.memory_space<hbm>>
    %dma_start3A_1534 = arith.constant 0 : i32
    %dma_start3A_1535 = arith.constant 0 : i32
    %dma_start3A_1536 = tpu.memref_slice %arg5[%dma_start3A_1534, %dma_start3A_1535] : memref<504x64xf32, #tpu.memory_space<vmem>> -> memref<504x64xf32, #tpu.memory_space<vmem>>
    tpu.enqueue_dma source(%dma_start3A_1536 : memref<504x64xf32, #tpu.memory_space<vmem>>) target(%dma_start3A_1533 : memref<504x64xf32, #tpu.memory_space<hbm>>) target_semaphore(%arg9 : memref<!tpu.dma_semaphore, #tpu.memory_space<semaphore_mem>>)
    %add3A_1537 = arith.constant 15624 : i32
    %add3A_1538 = arith.addi %mul3A_2, %add3A_1537 : i32
    %dma_wait3A_1539 = arith.constant 0 : i32
    %dma_wait3A_1540 = arith.constant 0 : i32
    %dma_wait3A_1541 = tpu.memref_slice %arg5[%dma_wait3A_1539, %dma_wait3A_1540] : memref<504x64xf32, #tpu.memory_space<vmem>> -> memref<504x64xf32, #tpu.memory_space<vmem>>
    %dma_wait3A_1542 = arith.constant 0 : i32
    %dma_wait3A_1543 = tpu.memref_slice %arg3[%add3A_1538, %dma_wait3A_1542] : memref<1048576x64xf32, #tpu.memory_space<hbm>> -> memref<504x64xf32, #tpu.memory_space<hbm>>
    %dma_wait3A_1544 = arith.constant 0 : i32
    %dma_wait3A_1545 = tpu.memref_slice %arg3[%add3A_1538, %dma_wait3A_1544] : memref<1048576x64xf32, #tpu.memory_space<hbm>> -> memref<504x64xf32, #tpu.memory_space<hbm>>
    %dma_wait3A_1546 = arith.constant 0 : i32
    %dma_wait3A_1547 = arith.constant 0 : i32
    %dma_wait3A_1548 = tpu.memref_slice %arg5[%dma_wait3A_1546, %dma_wait3A_1547] : memref<504x64xf32, #tpu.memory_space<vmem>> -> memref<504x64xf32, #tpu.memory_space<vmem>>
    tpu.wait_dma2 semaphore(%arg9 : memref<!tpu.dma_semaphore, #tpu.memory_space<semaphore_mem>>) src(%dma_wait3A_1548 : memref<504x64xf32, #tpu.memory_space<vmem>>) dst(%dma_wait3A_1545 : memref<504x64xf32, #tpu.memory_space<hbm>>)
    %add3A_1549 = arith.constant 16632 : i32
    %add3A_1550 = arith.addi %mul3A_2, %add3A_1549 : i32
    %dma_start3A_1551 = arith.constant 0 : i32
    %dma_start3A_1552 = arith.constant 0 : i32
    %dma_start3A_1553 = tpu.memref_slice %arg5[%dma_start3A_1551, %dma_start3A_1552] : memref<504x64xf32, #tpu.memory_space<vmem>> -> memref<504x64xf32, #tpu.memory_space<vmem>>
    %dma_start3A_1554 = arith.constant 0 : i32
    %dma_start3A_1555 = tpu.memref_slice %arg2[%add3A_1550, %dma_start3A_1554] : memref<1048576x64xf32, #tpu.memory_space<hbm>> -> memref<504x64xf32, #tpu.memory_space<hbm>>
    %dma_start3A_1556 = arith.constant 0 : i32
    %dma_start3A_1557 = arith.constant 0 : i32
    %dma_start3A_1558 = tpu.memref_slice %arg5[%dma_start3A_1556, %dma_start3A_1557] : memref<504x64xf32, #tpu.memory_space<vmem>> -> memref<504x64xf32, #tpu.memory_space<vmem>>
    %dma_start3A_1559 = arith.constant 0 : i32
    %dma_start3A_1560 = tpu.memref_slice %arg2[%add3A_1550, %dma_start3A_1559] : memref<1048576x64xf32, #tpu.memory_space<hbm>> -> memref<504x64xf32, #tpu.memory_space<hbm>>
    tpu.enqueue_dma source(%dma_start3A_1560 : memref<504x64xf32, #tpu.memory_space<hbm>>) target(%dma_start3A_1558 : memref<504x64xf32, #tpu.memory_space<vmem>>) target_semaphore(%arg7 : memref<!tpu.dma_semaphore, #tpu.memory_space<semaphore_mem>>)
    %add3A_1561 = arith.constant 16128 : i32
    %add3A_1562 = arith.addi %mul3A_2, %add3A_1561 : i32
    %dma_wait3A_1563 = arith.constant 0 : i32
    %dma_wait3A_1564 = arith.constant 0 : i32
    %dma_wait3A_1565 = tpu.memref_slice %arg4[%dma_wait3A_1563, %dma_wait3A_1564] : memref<504x64xf32, #tpu.memory_space<vmem>> -> memref<504x64xf32, #tpu.memory_space<vmem>>
    %dma_wait3A_1566 = arith.constant 0 : i32
    %dma_wait3A_1567 = tpu.memref_slice %arg2[%add3A_1562, %dma_wait3A_1566] : memref<1048576x64xf32, #tpu.memory_space<hbm>> -> memref<504x64xf32, #tpu.memory_space<hbm>>
    %dma_wait3A_1568 = arith.constant 0 : i32
    %dma_wait3A_1569 = arith.constant 0 : i32
    %dma_wait3A_1570 = tpu.memref_slice %arg4[%dma_wait3A_1568, %dma_wait3A_1569] : memref<504x64xf32, #tpu.memory_space<vmem>> -> memref<504x64xf32, #tpu.memory_space<vmem>>
    %dma_wait3A_1571 = arith.constant 0 : i32
    %dma_wait3A_1572 = tpu.memref_slice %arg2[%add3A_1562, %dma_wait3A_1571] : memref<1048576x64xf32, #tpu.memory_space<hbm>> -> memref<504x64xf32, #tpu.memory_space<hbm>>
    tpu.wait_dma2 semaphore(%arg6 : memref<!tpu.dma_semaphore, #tpu.memory_space<semaphore_mem>>) src(%dma_wait3A_1572 : memref<504x64xf32, #tpu.memory_space<hbm>>) dst(%dma_wait3A_1570 : memref<504x64xf32, #tpu.memory_space<vmem>>)
    %add3A_1573 = arith.constant 16128 : i32
    %add3A_1574 = arith.addi %mul3A_2, %add3A_1573 : i32
    %dma_start3A_1575 = arith.constant 0 : i32
    %dma_start3A_1576 = arith.constant 0 : i32
    %dma_start3A_1577 = tpu.memref_slice %arg4[%dma_start3A_1575, %dma_start3A_1576] : memref<504x64xf32, #tpu.memory_space<vmem>> -> memref<504x64xf32, #tpu.memory_space<vmem>>
    %dma_start3A_1578 = arith.constant 0 : i32
    %dma_start3A_1579 = tpu.memref_slice %arg3[%add3A_1574, %dma_start3A_1578] : memref<1048576x64xf32, #tpu.memory_space<hbm>> -> memref<504x64xf32, #tpu.memory_space<hbm>>
    %dma_start3A_1580 = arith.constant 0 : i32
    %dma_start3A_1581 = tpu.memref_slice %arg3[%add3A_1574, %dma_start3A_1580] : memref<1048576x64xf32, #tpu.memory_space<hbm>> -> memref<504x64xf32, #tpu.memory_space<hbm>>
    %dma_start3A_1582 = arith.constant 0 : i32
    %dma_start3A_1583 = arith.constant 0 : i32
    %dma_start3A_1584 = tpu.memref_slice %arg4[%dma_start3A_1582, %dma_start3A_1583] : memref<504x64xf32, #tpu.memory_space<vmem>> -> memref<504x64xf32, #tpu.memory_space<vmem>>
    tpu.enqueue_dma source(%dma_start3A_1584 : memref<504x64xf32, #tpu.memory_space<vmem>>) target(%dma_start3A_1581 : memref<504x64xf32, #tpu.memory_space<hbm>>) target_semaphore(%arg8 : memref<!tpu.dma_semaphore, #tpu.memory_space<semaphore_mem>>)
    %add3A_1585 = arith.constant 16128 : i32
    %add3A_1586 = arith.addi %mul3A_2, %add3A_1585 : i32
    %dma_wait3A_1587 = arith.constant 0 : i32
    %dma_wait3A_1588 = arith.constant 0 : i32
    %dma_wait3A_1589 = tpu.memref_slice %arg4[%dma_wait3A_1587, %dma_wait3A_1588] : memref<504x64xf32, #tpu.memory_space<vmem>> -> memref<504x64xf32, #tpu.memory_space<vmem>>
    %dma_wait3A_1590 = arith.constant 0 : i32
    %dma_wait3A_1591 = tpu.memref_slice %arg3[%add3A_1586, %dma_wait3A_1590] : memref<1048576x64xf32, #tpu.memory_space<hbm>> -> memref<504x64xf32, #tpu.memory_space<hbm>>
    %dma_wait3A_1592 = arith.constant 0 : i32
    %dma_wait3A_1593 = tpu.memref_slice %arg3[%add3A_1586, %dma_wait3A_1592] : memref<1048576x64xf32, #tpu.memory_space<hbm>> -> memref<504x64xf32, #tpu.memory_space<hbm>>
    %dma_wait3A_1594 = arith.constant 0 : i32
    %dma_wait3A_1595 = arith.constant 0 : i32
    %dma_wait3A_1596 = tpu.memref_slice %arg4[%dma_wait3A_1594, %dma_wait3A_1595] : memref<504x64xf32, #tpu.memory_space<vmem>> -> memref<504x64xf32, #tpu.memory_space<vmem>>
    tpu.wait_dma2 semaphore(%arg8 : memref<!tpu.dma_semaphore, #tpu.memory_space<semaphore_mem>>) src(%dma_wait3A_1596 : memref<504x64xf32, #tpu.memory_space<vmem>>) dst(%dma_wait3A_1593 : memref<504x64xf32, #tpu.memory_space<hbm>>)
    %add3A_1597 = arith.constant 17136 : i32
    %add3A_1598 = arith.addi %mul3A_2, %add3A_1597 : i32
    %dma_start3A_1599 = arith.constant 0 : i32
    %dma_start3A_1600 = arith.constant 0 : i32
    %dma_start3A_1601 = tpu.memref_slice %arg4[%dma_start3A_1599, %dma_start3A_1600] : memref<504x64xf32, #tpu.memory_space<vmem>> -> memref<504x64xf32, #tpu.memory_space<vmem>>
    %dma_start3A_1602 = arith.constant 0 : i32
    %dma_start3A_1603 = tpu.memref_slice %arg2[%add3A_1598, %dma_start3A_1602] : memref<1048576x64xf32, #tpu.memory_space<hbm>> -> memref<504x64xf32, #tpu.memory_space<hbm>>
    %dma_start3A_1604 = arith.constant 0 : i32
    %dma_start3A_1605 = arith.constant 0 : i32
    %dma_start3A_1606 = tpu.memref_slice %arg4[%dma_start3A_1604, %dma_start3A_1605] : memref<504x64xf32, #tpu.memory_space<vmem>> -> memref<504x64xf32, #tpu.memory_space<vmem>>
    %dma_start3A_1607 = arith.constant 0 : i32
    %dma_start3A_1608 = tpu.memref_slice %arg2[%add3A_1598, %dma_start3A_1607] : memref<1048576x64xf32, #tpu.memory_space<hbm>> -> memref<504x64xf32, #tpu.memory_space<hbm>>
    tpu.enqueue_dma source(%dma_start3A_1608 : memref<504x64xf32, #tpu.memory_space<hbm>>) target(%dma_start3A_1606 : memref<504x64xf32, #tpu.memory_space<vmem>>) target_semaphore(%arg6 : memref<!tpu.dma_semaphore, #tpu.memory_space<semaphore_mem>>)
    %add3A_1609 = arith.constant 16632 : i32
    %add3A_1610 = arith.addi %mul3A_2, %add3A_1609 : i32
    %dma_wait3A_1611 = arith.constant 0 : i32
    %dma_wait3A_1612 = arith.constant 0 : i32
    %dma_wait3A_1613 = tpu.memref_slice %arg5[%dma_wait3A_1611, %dma_wait3A_1612] : memref<504x64xf32, #tpu.memory_space<vmem>> -> memref<504x64xf32, #tpu.memory_space<vmem>>
    %dma_wait3A_1614 = arith.constant 0 : i32
    %dma_wait3A_1615 = tpu.memref_slice %arg2[%add3A_1610, %dma_wait3A_1614] : memref<1048576x64xf32, #tpu.memory_space<hbm>> -> memref<504x64xf32, #tpu.memory_space<hbm>>
    %dma_wait3A_1616 = arith.constant 0 : i32
    %dma_wait3A_1617 = arith.constant 0 : i32
    %dma_wait3A_1618 = tpu.memref_slice %arg5[%dma_wait3A_1616, %dma_wait3A_1617] : memref<504x64xf32, #tpu.memory_space<vmem>> -> memref<504x64xf32, #tpu.memory_space<vmem>>
    %dma_wait3A_1619 = arith.constant 0 : i32
    %dma_wait3A_1620 = tpu.memref_slice %arg2[%add3A_1610, %dma_wait3A_1619] : memref<1048576x64xf32, #tpu.memory_space<hbm>> -> memref<504x64xf32, #tpu.memory_space<hbm>>
    tpu.wait_dma2 semaphore(%arg7 : memref<!tpu.dma_semaphore, #tpu.memory_space<semaphore_mem>>) src(%dma_wait3A_1620 : memref<504x64xf32, #tpu.memory_space<hbm>>) dst(%dma_wait3A_1618 : memref<504x64xf32, #tpu.memory_space<vmem>>)
    %add3A_1621 = arith.constant 16632 : i32
    %add3A_1622 = arith.addi %mul3A_2, %add3A_1621 : i32
    %dma_start3A_1623 = arith.constant 0 : i32
    %dma_start3A_1624 = arith.constant 0 : i32
    %dma_start3A_1625 = tpu.memref_slice %arg5[%dma_start3A_1623, %dma_start3A_1624] : memref<504x64xf32, #tpu.memory_space<vmem>> -> memref<504x64xf32, #tpu.memory_space<vmem>>
    %dma_start3A_1626 = arith.constant 0 : i32
    %dma_start3A_1627 = tpu.memref_slice %arg3[%add3A_1622, %dma_start3A_1626] : memref<1048576x64xf32, #tpu.memory_space<hbm>> -> memref<504x64xf32, #tpu.memory_space<hbm>>
    %dma_start3A_1628 = arith.constant 0 : i32
    %dma_start3A_1629 = tpu.memref_slice %arg3[%add3A_1622, %dma_start3A_1628] : memref<1048576x64xf32, #tpu.memory_space<hbm>> -> memref<504x64xf32, #tpu.memory_space<hbm>>
    %dma_start3A_1630 = arith.constant 0 : i32
    %dma_start3A_1631 = arith.constant 0 : i32
    %dma_start3A_1632 = tpu.memref_slice %arg5[%dma_start3A_1630, %dma_start3A_1631] : memref<504x64xf32, #tpu.memory_space<vmem>> -> memref<504x64xf32, #tpu.memory_space<vmem>>
    tpu.enqueue_dma source(%dma_start3A_1632 : memref<504x64xf32, #tpu.memory_space<vmem>>) target(%dma_start3A_1629 : memref<504x64xf32, #tpu.memory_space<hbm>>) target_semaphore(%arg9 : memref<!tpu.dma_semaphore, #tpu.memory_space<semaphore_mem>>)
    %add3A_1633 = arith.constant 16632 : i32
    %add3A_1634 = arith.addi %mul3A_2, %add3A_1633 : i32
    %dma_wait3A_1635 = arith.constant 0 : i32
    %dma_wait3A_1636 = arith.constant 0 : i32
    %dma_wait3A_1637 = tpu.memref_slice %arg5[%dma_wait3A_1635, %dma_wait3A_1636] : memref<504x64xf32, #tpu.memory_space<vmem>> -> memref<504x64xf32, #tpu.memory_space<vmem>>
    %dma_wait3A_1638 = arith.constant 0 : i32
    %dma_wait3A_1639 = tpu.memref_slice %arg3[%add3A_1634, %dma_wait3A_1638] : memref<1048576x64xf32, #tpu.memory_space<hbm>> -> memref<504x64xf32, #tpu.memory_space<hbm>>
    %dma_wait3A_1640 = arith.constant 0 : i32
    %dma_wait3A_1641 = tpu.memref_slice %arg3[%add3A_1634, %dma_wait3A_1640] : memref<1048576x64xf32, #tpu.memory_space<hbm>> -> memref<504x64xf32, #tpu.memory_space<hbm>>
    %dma_wait3A_1642 = arith.constant 0 : i32
    %dma_wait3A_1643 = arith.constant 0 : i32
    %dma_wait3A_1644 = tpu.memref_slice %arg5[%dma_wait3A_1642, %dma_wait3A_1643] : memref<504x64xf32, #tpu.memory_space<vmem>> -> memref<504x64xf32, #tpu.memory_space<vmem>>
    tpu.wait_dma2 semaphore(%arg9 : memref<!tpu.dma_semaphore, #tpu.memory_space<semaphore_mem>>) src(%dma_wait3A_1644 : memref<504x64xf32, #tpu.memory_space<vmem>>) dst(%dma_wait3A_1641 : memref<504x64xf32, #tpu.memory_space<hbm>>)
    %add3A_1645 = arith.constant 17640 : i32
    %add3A_1646 = arith.addi %mul3A_2, %add3A_1645 : i32
    %dma_start3A_1647 = arith.constant 0 : i32
    %dma_start3A_1648 = arith.constant 0 : i32
    %dma_start3A_1649 = tpu.memref_slice %arg5[%dma_start3A_1647, %dma_start3A_1648] : memref<504x64xf32, #tpu.memory_space<vmem>> -> memref<504x64xf32, #tpu.memory_space<vmem>>
    %dma_start3A_1650 = arith.constant 0 : i32
    %dma_start3A_1651 = tpu.memref_slice %arg2[%add3A_1646, %dma_start3A_1650] : memref<1048576x64xf32, #tpu.memory_space<hbm>> -> memref<504x64xf32, #tpu.memory_space<hbm>>
    %dma_start3A_1652 = arith.constant 0 : i32
    %dma_start3A_1653 = arith.constant 0 : i32
    %dma_start3A_1654 = tpu.memref_slice %arg5[%dma_start3A_1652, %dma_start3A_1653] : memref<504x64xf32, #tpu.memory_space<vmem>> -> memref<504x64xf32, #tpu.memory_space<vmem>>
    %dma_start3A_1655 = arith.constant 0 : i32
    %dma_start3A_1656 = tpu.memref_slice %arg2[%add3A_1646, %dma_start3A_1655] : memref<1048576x64xf32, #tpu.memory_space<hbm>> -> memref<504x64xf32, #tpu.memory_space<hbm>>
    tpu.enqueue_dma source(%dma_start3A_1656 : memref<504x64xf32, #tpu.memory_space<hbm>>) target(%dma_start3A_1654 : memref<504x64xf32, #tpu.memory_space<vmem>>) target_semaphore(%arg7 : memref<!tpu.dma_semaphore, #tpu.memory_space<semaphore_mem>>)
    %add3A_1657 = arith.constant 17136 : i32
    %add3A_1658 = arith.addi %mul3A_2, %add3A_1657 : i32
    %dma_wait3A_1659 = arith.constant 0 : i32
    %dma_wait3A_1660 = arith.constant 0 : i32
    %dma_wait3A_1661 = tpu.memref_slice %arg4[%dma_wait3A_1659, %dma_wait3A_1660] : memref<504x64xf32, #tpu.memory_space<vmem>> -> memref<504x64xf32, #tpu.memory_space<vmem>>
    %dma_wait3A_1662 = arith.constant 0 : i32
    %dma_wait3A_1663 = tpu.memref_slice %arg2[%add3A_1658, %dma_wait3A_1662] : memref<1048576x64xf32, #tpu.memory_space<hbm>> -> memref<504x64xf32, #tpu.memory_space<hbm>>
    %dma_wait3A_1664 = arith.constant 0 : i32
    %dma_wait3A_1665 = arith.constant 0 : i32
    %dma_wait3A_1666 = tpu.memref_slice %arg4[%dma_wait3A_1664, %dma_wait3A_1665] : memref<504x64xf32, #tpu.memory_space<vmem>> -> memref<504x64xf32, #tpu.memory_space<vmem>>
    %dma_wait3A_1667 = arith.constant 0 : i32
    %dma_wait3A_1668 = tpu.memref_slice %arg2[%add3A_1658, %dma_wait3A_1667] : memref<1048576x64xf32, #tpu.memory_space<hbm>> -> memref<504x64xf32, #tpu.memory_space<hbm>>
    tpu.wait_dma2 semaphore(%arg6 : memref<!tpu.dma_semaphore, #tpu.memory_space<semaphore_mem>>) src(%dma_wait3A_1668 : memref<504x64xf32, #tpu.memory_space<hbm>>) dst(%dma_wait3A_1666 : memref<504x64xf32, #tpu.memory_space<vmem>>)
    %add3A_1669 = arith.constant 17136 : i32
    %add3A_1670 = arith.addi %mul3A_2, %add3A_1669 : i32
    %dma_start3A_1671 = arith.constant 0 : i32
    %dma_start3A_1672 = arith.constant 0 : i32
    %dma_start3A_1673 = tpu.memref_slice %arg4[%dma_start3A_1671, %dma_start3A_1672] : memref<504x64xf32, #tpu.memory_space<vmem>> -> memref<504x64xf32, #tpu.memory_space<vmem>>
    %dma_start3A_1674 = arith.constant 0 : i32
    %dma_start3A_1675 = tpu.memref_slice %arg3[%add3A_1670, %dma_start3A_1674] : memref<1048576x64xf32, #tpu.memory_space<hbm>> -> memref<504x64xf32, #tpu.memory_space<hbm>>
    %dma_start3A_1676 = arith.constant 0 : i32
    %dma_start3A_1677 = tpu.memref_slice %arg3[%add3A_1670, %dma_start3A_1676] : memref<1048576x64xf32, #tpu.memory_space<hbm>> -> memref<504x64xf32, #tpu.memory_space<hbm>>
    %dma_start3A_1678 = arith.constant 0 : i32
    %dma_start3A_1679 = arith.constant 0 : i32
    %dma_start3A_1680 = tpu.memref_slice %arg4[%dma_start3A_1678, %dma_start3A_1679] : memref<504x64xf32, #tpu.memory_space<vmem>> -> memref<504x64xf32, #tpu.memory_space<vmem>>
    tpu.enqueue_dma source(%dma_start3A_1680 : memref<504x64xf32, #tpu.memory_space<vmem>>) target(%dma_start3A_1677 : memref<504x64xf32, #tpu.memory_space<hbm>>) target_semaphore(%arg8 : memref<!tpu.dma_semaphore, #tpu.memory_space<semaphore_mem>>)
    %add3A_1681 = arith.constant 17136 : i32
    %add3A_1682 = arith.addi %mul3A_2, %add3A_1681 : i32
    %dma_wait3A_1683 = arith.constant 0 : i32
    %dma_wait3A_1684 = arith.constant 0 : i32
    %dma_wait3A_1685 = tpu.memref_slice %arg4[%dma_wait3A_1683, %dma_wait3A_1684] : memref<504x64xf32, #tpu.memory_space<vmem>> -> memref<504x64xf32, #tpu.memory_space<vmem>>
    %dma_wait3A_1686 = arith.constant 0 : i32
    %dma_wait3A_1687 = tpu.memref_slice %arg3[%add3A_1682, %dma_wait3A_1686] : memref<1048576x64xf32, #tpu.memory_space<hbm>> -> memref<504x64xf32, #tpu.memory_space<hbm>>
    %dma_wait3A_1688 = arith.constant 0 : i32
    %dma_wait3A_1689 = tpu.memref_slice %arg3[%add3A_1682, %dma_wait3A_1688] : memref<1048576x64xf32, #tpu.memory_space<hbm>> -> memref<504x64xf32, #tpu.memory_space<hbm>>
    %dma_wait3A_1690 = arith.constant 0 : i32
    %dma_wait3A_1691 = arith.constant 0 : i32
    %dma_wait3A_1692 = tpu.memref_slice %arg4[%dma_wait3A_1690, %dma_wait3A_1691] : memref<504x64xf32, #tpu.memory_space<vmem>> -> memref<504x64xf32, #tpu.memory_space<vmem>>
    tpu.wait_dma2 semaphore(%arg8 : memref<!tpu.dma_semaphore, #tpu.memory_space<semaphore_mem>>) src(%dma_wait3A_1692 : memref<504x64xf32, #tpu.memory_space<vmem>>) dst(%dma_wait3A_1689 : memref<504x64xf32, #tpu.memory_space<hbm>>)
    %add3A_1693 = arith.constant 18144 : i32
    %add3A_1694 = arith.addi %mul3A_2, %add3A_1693 : i32
    %dma_start3A_1695 = arith.constant 0 : i32
    %dma_start3A_1696 = arith.constant 0 : i32
    %dma_start3A_1697 = tpu.memref_slice %arg4[%dma_start3A_1695, %dma_start3A_1696] : memref<504x64xf32, #tpu.memory_space<vmem>> -> memref<504x64xf32, #tpu.memory_space<vmem>>
    %dma_start3A_1698 = arith.constant 0 : i32
    %dma_start3A_1699 = tpu.memref_slice %arg2[%add3A_1694, %dma_start3A_1698] : memref<1048576x64xf32, #tpu.memory_space<hbm>> -> memref<504x64xf32, #tpu.memory_space<hbm>>
    %dma_start3A_1700 = arith.constant 0 : i32
    %dma_start3A_1701 = arith.constant 0 : i32
    %dma_start3A_1702 = tpu.memref_slice %arg4[%dma_start3A_1700, %dma_start3A_1701] : memref<504x64xf32, #tpu.memory_space<vmem>> -> memref<504x64xf32, #tpu.memory_space<vmem>>
    %dma_start3A_1703 = arith.constant 0 : i32
    %dma_start3A_1704 = tpu.memref_slice %arg2[%add3A_1694, %dma_start3A_1703] : memref<1048576x64xf32, #tpu.memory_space<hbm>> -> memref<504x64xf32, #tpu.memory_space<hbm>>
    tpu.enqueue_dma source(%dma_start3A_1704 : memref<504x64xf32, #tpu.memory_space<hbm>>) target(%dma_start3A_1702 : memref<504x64xf32, #tpu.memory_space<vmem>>) target_semaphore(%arg6 : memref<!tpu.dma_semaphore, #tpu.memory_space<semaphore_mem>>)
    %add3A_1705 = arith.constant 17640 : i32
    %add3A_1706 = arith.addi %mul3A_2, %add3A_1705 : i32
    %dma_wait3A_1707 = arith.constant 0 : i32
    %dma_wait3A_1708 = arith.constant 0 : i32
    %dma_wait3A_1709 = tpu.memref_slice %arg5[%dma_wait3A_1707, %dma_wait3A_1708] : memref<504x64xf32, #tpu.memory_space<vmem>> -> memref<504x64xf32, #tpu.memory_space<vmem>>
    %dma_wait3A_1710 = arith.constant 0 : i32
    %dma_wait3A_1711 = tpu.memref_slice %arg2[%add3A_1706, %dma_wait3A_1710] : memref<1048576x64xf32, #tpu.memory_space<hbm>> -> memref<504x64xf32, #tpu.memory_space<hbm>>
    %dma_wait3A_1712 = arith.constant 0 : i32
    %dma_wait3A_1713 = arith.constant 0 : i32
    %dma_wait3A_1714 = tpu.memref_slice %arg5[%dma_wait3A_1712, %dma_wait3A_1713] : memref<504x64xf32, #tpu.memory_space<vmem>> -> memref<504x64xf32, #tpu.memory_space<vmem>>
    %dma_wait3A_1715 = arith.constant 0 : i32
    %dma_wait3A_1716 = tpu.memref_slice %arg2[%add3A_1706, %dma_wait3A_1715] : memref<1048576x64xf32, #tpu.memory_space<hbm>> -> memref<504x64xf32, #tpu.memory_space<hbm>>
    tpu.wait_dma2 semaphore(%arg7 : memref<!tpu.dma_semaphore, #tpu.memory_space<semaphore_mem>>) src(%dma_wait3A_1716 : memref<504x64xf32, #tpu.memory_space<hbm>>) dst(%dma_wait3A_1714 : memref<504x64xf32, #tpu.memory_space<vmem>>)
    %add3A_1717 = arith.constant 17640 : i32
    %add3A_1718 = arith.addi %mul3A_2, %add3A_1717 : i32
    %dma_start3A_1719 = arith.constant 0 : i32
    %dma_start3A_1720 = arith.constant 0 : i32
    %dma_start3A_1721 = tpu.memref_slice %arg5[%dma_start3A_1719, %dma_start3A_1720] : memref<504x64xf32, #tpu.memory_space<vmem>> -> memref<504x64xf32, #tpu.memory_space<vmem>>
    %dma_start3A_1722 = arith.constant 0 : i32
    %dma_start3A_1723 = tpu.memref_slice %arg3[%add3A_1718, %dma_start3A_1722] : memref<1048576x64xf32, #tpu.memory_space<hbm>> -> memref<504x64xf32, #tpu.memory_space<hbm>>
    %dma_start3A_1724 = arith.constant 0 : i32
    %dma_start3A_1725 = tpu.memref_slice %arg3[%add3A_1718, %dma_start3A_1724] : memref<1048576x64xf32, #tpu.memory_space<hbm>> -> memref<504x64xf32, #tpu.memory_space<hbm>>
    %dma_start3A_1726 = arith.constant 0 : i32
    %dma_start3A_1727 = arith.constant 0 : i32
    %dma_start3A_1728 = tpu.memref_slice %arg5[%dma_start3A_1726, %dma_start3A_1727] : memref<504x64xf32, #tpu.memory_space<vmem>> -> memref<504x64xf32, #tpu.memory_space<vmem>>
    tpu.enqueue_dma source(%dma_start3A_1728 : memref<504x64xf32, #tpu.memory_space<vmem>>) target(%dma_start3A_1725 : memref<504x64xf32, #tpu.memory_space<hbm>>) target_semaphore(%arg9 : memref<!tpu.dma_semaphore, #tpu.memory_space<semaphore_mem>>)
    %add3A_1729 = arith.constant 17640 : i32
    %add3A_1730 = arith.addi %mul3A_2, %add3A_1729 : i32
    %dma_wait3A_1731 = arith.constant 0 : i32
    %dma_wait3A_1732 = arith.constant 0 : i32
    %dma_wait3A_1733 = tpu.memref_slice %arg5[%dma_wait3A_1731, %dma_wait3A_1732] : memref<504x64xf32, #tpu.memory_space<vmem>> -> memref<504x64xf32, #tpu.memory_space<vmem>>
    %dma_wait3A_1734 = arith.constant 0 : i32
    %dma_wait3A_1735 = tpu.memref_slice %arg3[%add3A_1730, %dma_wait3A_1734] : memref<1048576x64xf32, #tpu.memory_space<hbm>> -> memref<504x64xf32, #tpu.memory_space<hbm>>
    %dma_wait3A_1736 = arith.constant 0 : i32
    %dma_wait3A_1737 = tpu.memref_slice %arg3[%add3A_1730, %dma_wait3A_1736] : memref<1048576x64xf32, #tpu.memory_space<hbm>> -> memref<504x64xf32, #tpu.memory_space<hbm>>
    %dma_wait3A_1738 = arith.constant 0 : i32
    %dma_wait3A_1739 = arith.constant 0 : i32
    %dma_wait3A_1740 = tpu.memref_slice %arg5[%dma_wait3A_1738, %dma_wait3A_1739] : memref<504x64xf32, #tpu.memory_space<vmem>> -> memref<504x64xf32, #tpu.memory_space<vmem>>
    tpu.wait_dma2 semaphore(%arg9 : memref<!tpu.dma_semaphore, #tpu.memory_space<semaphore_mem>>) src(%dma_wait3A_1740 : memref<504x64xf32, #tpu.memory_space<vmem>>) dst(%dma_wait3A_1737 : memref<504x64xf32, #tpu.memory_space<hbm>>)
    %add3A_1741 = arith.constant 18648 : i32
    %add3A_1742 = arith.addi %mul3A_2, %add3A_1741 : i32
    %dma_start3A_1743 = arith.constant 0 : i32
    %dma_start3A_1744 = arith.constant 0 : i32
    %dma_start3A_1745 = tpu.memref_slice %arg5[%dma_start3A_1743, %dma_start3A_1744] : memref<504x64xf32, #tpu.memory_space<vmem>> -> memref<504x64xf32, #tpu.memory_space<vmem>>
    %dma_start3A_1746 = arith.constant 0 : i32
    %dma_start3A_1747 = tpu.memref_slice %arg2[%add3A_1742, %dma_start3A_1746] : memref<1048576x64xf32, #tpu.memory_space<hbm>> -> memref<504x64xf32, #tpu.memory_space<hbm>>
    %dma_start3A_1748 = arith.constant 0 : i32
    %dma_start3A_1749 = arith.constant 0 : i32
    %dma_start3A_1750 = tpu.memref_slice %arg5[%dma_start3A_1748, %dma_start3A_1749] : memref<504x64xf32, #tpu.memory_space<vmem>> -> memref<504x64xf32, #tpu.memory_space<vmem>>
    %dma_start3A_1751 = arith.constant 0 : i32
    %dma_start3A_1752 = tpu.memref_slice %arg2[%add3A_1742, %dma_start3A_1751] : memref<1048576x64xf32, #tpu.memory_space<hbm>> -> memref<504x64xf32, #tpu.memory_space<hbm>>
    tpu.enqueue_dma source(%dma_start3A_1752 : memref<504x64xf32, #tpu.memory_space<hbm>>) target(%dma_start3A_1750 : memref<504x64xf32, #tpu.memory_space<vmem>>) target_semaphore(%arg7 : memref<!tpu.dma_semaphore, #tpu.memory_space<semaphore_mem>>)
    %add3A_1753 = arith.constant 18144 : i32
    %add3A_1754 = arith.addi %mul3A_2, %add3A_1753 : i32
    %dma_wait3A_1755 = arith.constant 0 : i32
    %dma_wait3A_1756 = arith.constant 0 : i32
    %dma_wait3A_1757 = tpu.memref_slice %arg4[%dma_wait3A_1755, %dma_wait3A_1756] : memref<504x64xf32, #tpu.memory_space<vmem>> -> memref<504x64xf32, #tpu.memory_space<vmem>>
    %dma_wait3A_1758 = arith.constant 0 : i32
    %dma_wait3A_1759 = tpu.memref_slice %arg2[%add3A_1754, %dma_wait3A_1758] : memref<1048576x64xf32, #tpu.memory_space<hbm>> -> memref<504x64xf32, #tpu.memory_space<hbm>>
    %dma_wait3A_1760 = arith.constant 0 : i32
    %dma_wait3A_1761 = arith.constant 0 : i32
    %dma_wait3A_1762 = tpu.memref_slice %arg4[%dma_wait3A_1760, %dma_wait3A_1761] : memref<504x64xf32, #tpu.memory_space<vmem>> -> memref<504x64xf32, #tpu.memory_space<vmem>>
    %dma_wait3A_1763 = arith.constant 0 : i32
    %dma_wait3A_1764 = tpu.memref_slice %arg2[%add3A_1754, %dma_wait3A_1763] : memref<1048576x64xf32, #tpu.memory_space<hbm>> -> memref<504x64xf32, #tpu.memory_space<hbm>>
    tpu.wait_dma2 semaphore(%arg6 : memref<!tpu.dma_semaphore, #tpu.memory_space<semaphore_mem>>) src(%dma_wait3A_1764 : memref<504x64xf32, #tpu.memory_space<hbm>>) dst(%dma_wait3A_1762 : memref<504x64xf32, #tpu.memory_space<vmem>>)
    %add3A_1765 = arith.constant 18144 : i32
    %add3A_1766 = arith.addi %mul3A_2, %add3A_1765 : i32
    %dma_start3A_1767 = arith.constant 0 : i32
    %dma_start3A_1768 = arith.constant 0 : i32
    %dma_start3A_1769 = tpu.memref_slice %arg4[%dma_start3A_1767, %dma_start3A_1768] : memref<504x64xf32, #tpu.memory_space<vmem>> -> memref<504x64xf32, #tpu.memory_space<vmem>>
    %dma_start3A_1770 = arith.constant 0 : i32
    %dma_start3A_1771 = tpu.memref_slice %arg3[%add3A_1766, %dma_start3A_1770] : memref<1048576x64xf32, #tpu.memory_space<hbm>> -> memref<504x64xf32, #tpu.memory_space<hbm>>
    %dma_start3A_1772 = arith.constant 0 : i32
    %dma_start3A_1773 = tpu.memref_slice %arg3[%add3A_1766, %dma_start3A_1772] : memref<1048576x64xf32, #tpu.memory_space<hbm>> -> memref<504x64xf32, #tpu.memory_space<hbm>>
    %dma_start3A_1774 = arith.constant 0 : i32
    %dma_start3A_1775 = arith.constant 0 : i32
    %dma_start3A_1776 = tpu.memref_slice %arg4[%dma_start3A_1774, %dma_start3A_1775] : memref<504x64xf32, #tpu.memory_space<vmem>> -> memref<504x64xf32, #tpu.memory_space<vmem>>
    tpu.enqueue_dma source(%dma_start3A_1776 : memref<504x64xf32, #tpu.memory_space<vmem>>) target(%dma_start3A_1773 : memref<504x64xf32, #tpu.memory_space<hbm>>) target_semaphore(%arg8 : memref<!tpu.dma_semaphore, #tpu.memory_space<semaphore_mem>>)
    %add3A_1777 = arith.constant 18144 : i32
    %add3A_1778 = arith.addi %mul3A_2, %add3A_1777 : i32
    %dma_wait3A_1779 = arith.constant 0 : i32
    %dma_wait3A_1780 = arith.constant 0 : i32
    %dma_wait3A_1781 = tpu.memref_slice %arg4[%dma_wait3A_1779, %dma_wait3A_1780] : memref<504x64xf32, #tpu.memory_space<vmem>> -> memref<504x64xf32, #tpu.memory_space<vmem>>
    %dma_wait3A_1782 = arith.constant 0 : i32
    %dma_wait3A_1783 = tpu.memref_slice %arg3[%add3A_1778, %dma_wait3A_1782] : memref<1048576x64xf32, #tpu.memory_space<hbm>> -> memref<504x64xf32, #tpu.memory_space<hbm>>
    %dma_wait3A_1784 = arith.constant 0 : i32
    %dma_wait3A_1785 = tpu.memref_slice %arg3[%add3A_1778, %dma_wait3A_1784] : memref<1048576x64xf32, #tpu.memory_space<hbm>> -> memref<504x64xf32, #tpu.memory_space<hbm>>
    %dma_wait3A_1786 = arith.constant 0 : i32
    %dma_wait3A_1787 = arith.constant 0 : i32
    %dma_wait3A_1788 = tpu.memref_slice %arg4[%dma_wait3A_1786, %dma_wait3A_1787] : memref<504x64xf32, #tpu.memory_space<vmem>> -> memref<504x64xf32, #tpu.memory_space<vmem>>
    tpu.wait_dma2 semaphore(%arg8 : memref<!tpu.dma_semaphore, #tpu.memory_space<semaphore_mem>>) src(%dma_wait3A_1788 : memref<504x64xf32, #tpu.memory_space<vmem>>) dst(%dma_wait3A_1785 : memref<504x64xf32, #tpu.memory_space<hbm>>)
    %add3A_1789 = arith.constant 19152 : i32
    %add3A_1790 = arith.addi %mul3A_2, %add3A_1789 : i32
    %dma_start3A_1791 = arith.constant 0 : i32
    %dma_start3A_1792 = arith.constant 0 : i32
    %dma_start3A_1793 = tpu.memref_slice %arg4[%dma_start3A_1791, %dma_start3A_1792] : memref<504x64xf32, #tpu.memory_space<vmem>> -> memref<504x64xf32, #tpu.memory_space<vmem>>
    %dma_start3A_1794 = arith.constant 0 : i32
    %dma_start3A_1795 = tpu.memref_slice %arg2[%add3A_1790, %dma_start3A_1794] : memref<1048576x64xf32, #tpu.memory_space<hbm>> -> memref<504x64xf32, #tpu.memory_space<hbm>>
    %dma_start3A_1796 = arith.constant 0 : i32
    %dma_start3A_1797 = arith.constant 0 : i32
    %dma_start3A_1798 = tpu.memref_slice %arg4[%dma_start3A_1796, %dma_start3A_1797] : memref<504x64xf32, #tpu.memory_space<vmem>> -> memref<504x64xf32, #tpu.memory_space<vmem>>
    %dma_start3A_1799 = arith.constant 0 : i32
    %dma_start3A_1800 = tpu.memref_slice %arg2[%add3A_1790, %dma_start3A_1799] : memref<1048576x64xf32, #tpu.memory_space<hbm>> -> memref<504x64xf32, #tpu.memory_space<hbm>>
    tpu.enqueue_dma source(%dma_start3A_1800 : memref<504x64xf32, #tpu.memory_space<hbm>>) target(%dma_start3A_1798 : memref<504x64xf32, #tpu.memory_space<vmem>>) target_semaphore(%arg6 : memref<!tpu.dma_semaphore, #tpu.memory_space<semaphore_mem>>)
    %add3A_1801 = arith.constant 18648 : i32
    %add3A_1802 = arith.addi %mul3A_2, %add3A_1801 : i32
    %dma_wait3A_1803 = arith.constant 0 : i32
    %dma_wait3A_1804 = arith.constant 0 : i32
    %dma_wait3A_1805 = tpu.memref_slice %arg5[%dma_wait3A_1803, %dma_wait3A_1804] : memref<504x64xf32, #tpu.memory_space<vmem>> -> memref<504x64xf32, #tpu.memory_space<vmem>>
    %dma_wait3A_1806 = arith.constant 0 : i32
    %dma_wait3A_1807 = tpu.memref_slice %arg2[%add3A_1802, %dma_wait3A_1806] : memref<1048576x64xf32, #tpu.memory_space<hbm>> -> memref<504x64xf32, #tpu.memory_space<hbm>>
    %dma_wait3A_1808 = arith.constant 0 : i32
    %dma_wait3A_1809 = arith.constant 0 : i32
    %dma_wait3A_1810 = tpu.memref_slice %arg5[%dma_wait3A_1808, %dma_wait3A_1809] : memref<504x64xf32, #tpu.memory_space<vmem>> -> memref<504x64xf32, #tpu.memory_space<vmem>>
    %dma_wait3A_1811 = arith.constant 0 : i32
    %dma_wait3A_1812 = tpu.memref_slice %arg2[%add3A_1802, %dma_wait3A_1811] : memref<1048576x64xf32, #tpu.memory_space<hbm>> -> memref<504x64xf32, #tpu.memory_space<hbm>>
    tpu.wait_dma2 semaphore(%arg7 : memref<!tpu.dma_semaphore, #tpu.memory_space<semaphore_mem>>) src(%dma_wait3A_1812 : memref<504x64xf32, #tpu.memory_space<hbm>>) dst(%dma_wait3A_1810 : memref<504x64xf32, #tpu.memory_space<vmem>>)
    %add3A_1813 = arith.constant 18648 : i32
    %add3A_1814 = arith.addi %mul3A_2, %add3A_1813 : i32
    %dma_start3A_1815 = arith.constant 0 : i32
    %dma_start3A_1816 = arith.constant 0 : i32
    %dma_start3A_1817 = tpu.memref_slice %arg5[%dma_start3A_1815, %dma_start3A_1816] : memref<504x64xf32, #tpu.memory_space<vmem>> -> memref<504x64xf32, #tpu.memory_space<vmem>>
    %dma_start3A_1818 = arith.constant 0 : i32
    %dma_start3A_1819 = tpu.memref_slice %arg3[%add3A_1814, %dma_start3A_1818] : memref<1048576x64xf32, #tpu.memory_space<hbm>> -> memref<504x64xf32, #tpu.memory_space<hbm>>
    %dma_start3A_1820 = arith.constant 0 : i32
    %dma_start3A_1821 = tpu.memref_slice %arg3[%add3A_1814, %dma_start3A_1820] : memref<1048576x64xf32, #tpu.memory_space<hbm>> -> memref<504x64xf32, #tpu.memory_space<hbm>>
    %dma_start3A_1822 = arith.constant 0 : i32
    %dma_start3A_1823 = arith.constant 0 : i32
    %dma_start3A_1824 = tpu.memref_slice %arg5[%dma_start3A_1822, %dma_start3A_1823] : memref<504x64xf32, #tpu.memory_space<vmem>> -> memref<504x64xf32, #tpu.memory_space<vmem>>
    tpu.enqueue_dma source(%dma_start3A_1824 : memref<504x64xf32, #tpu.memory_space<vmem>>) target(%dma_start3A_1821 : memref<504x64xf32, #tpu.memory_space<hbm>>) target_semaphore(%arg9 : memref<!tpu.dma_semaphore, #tpu.memory_space<semaphore_mem>>)
    %add3A_1825 = arith.constant 18648 : i32
    %add3A_1826 = arith.addi %mul3A_2, %add3A_1825 : i32
    %dma_wait3A_1827 = arith.constant 0 : i32
    %dma_wait3A_1828 = arith.constant 0 : i32
    %dma_wait3A_1829 = tpu.memref_slice %arg5[%dma_wait3A_1827, %dma_wait3A_1828] : memref<504x64xf32, #tpu.memory_space<vmem>> -> memref<504x64xf32, #tpu.memory_space<vmem>>
    %dma_wait3A_1830 = arith.constant 0 : i32
    %dma_wait3A_1831 = tpu.memref_slice %arg3[%add3A_1826, %dma_wait3A_1830] : memref<1048576x64xf32, #tpu.memory_space<hbm>> -> memref<504x64xf32, #tpu.memory_space<hbm>>
    %dma_wait3A_1832 = arith.constant 0 : i32
    %dma_wait3A_1833 = tpu.memref_slice %arg3[%add3A_1826, %dma_wait3A_1832] : memref<1048576x64xf32, #tpu.memory_space<hbm>> -> memref<504x64xf32, #tpu.memory_space<hbm>>
    %dma_wait3A_1834 = arith.constant 0 : i32
    %dma_wait3A_1835 = arith.constant 0 : i32
    %dma_wait3A_1836 = tpu.memref_slice %arg5[%dma_wait3A_1834, %dma_wait3A_1835] : memref<504x64xf32, #tpu.memory_space<vmem>> -> memref<504x64xf32, #tpu.memory_space<vmem>>
    tpu.wait_dma2 semaphore(%arg9 : memref<!tpu.dma_semaphore, #tpu.memory_space<semaphore_mem>>) src(%dma_wait3A_1836 : memref<504x64xf32, #tpu.memory_space<vmem>>) dst(%dma_wait3A_1833 : memref<504x64xf32, #tpu.memory_space<hbm>>)
    %add3A_1837 = arith.constant 19656 : i32
    %add3A_1838 = arith.addi %mul3A_2, %add3A_1837 : i32
    %dma_start3A_1839 = arith.constant 0 : i32
    %dma_start3A_1840 = arith.constant 0 : i32
    %dma_start3A_1841 = tpu.memref_slice %arg5[%dma_start3A_1839, %dma_start3A_1840] : memref<504x64xf32, #tpu.memory_space<vmem>> -> memref<504x64xf32, #tpu.memory_space<vmem>>
    %dma_start3A_1842 = arith.constant 0 : i32
    %dma_start3A_1843 = tpu.memref_slice %arg2[%add3A_1838, %dma_start3A_1842] : memref<1048576x64xf32, #tpu.memory_space<hbm>> -> memref<504x64xf32, #tpu.memory_space<hbm>>
    %dma_start3A_1844 = arith.constant 0 : i32
    %dma_start3A_1845 = arith.constant 0 : i32
    %dma_start3A_1846 = tpu.memref_slice %arg5[%dma_start3A_1844, %dma_start3A_1845] : memref<504x64xf32, #tpu.memory_space<vmem>> -> memref<504x64xf32, #tpu.memory_space<vmem>>
    %dma_start3A_1847 = arith.constant 0 : i32
    %dma_start3A_1848 = tpu.memref_slice %arg2[%add3A_1838, %dma_start3A_1847] : memref<1048576x64xf32, #tpu.memory_space<hbm>> -> memref<504x64xf32, #tpu.memory_space<hbm>>
    tpu.enqueue_dma source(%dma_start3A_1848 : memref<504x64xf32, #tpu.memory_space<hbm>>) target(%dma_start3A_1846 : memref<504x64xf32, #tpu.memory_space<vmem>>) target_semaphore(%arg7 : memref<!tpu.dma_semaphore, #tpu.memory_space<semaphore_mem>>)
    %add3A_1849 = arith.constant 19152 : i32
    %add3A_1850 = arith.addi %mul3A_2, %add3A_1849 : i32
    %dma_wait3A_1851 = arith.constant 0 : i32
    %dma_wait3A_1852 = arith.constant 0 : i32
    %dma_wait3A_1853 = tpu.memref_slice %arg4[%dma_wait3A_1851, %dma_wait3A_1852] : memref<504x64xf32, #tpu.memory_space<vmem>> -> memref<504x64xf32, #tpu.memory_space<vmem>>
    %dma_wait3A_1854 = arith.constant 0 : i32
    %dma_wait3A_1855 = tpu.memref_slice %arg2[%add3A_1850, %dma_wait3A_1854] : memref<1048576x64xf32, #tpu.memory_space<hbm>> -> memref<504x64xf32, #tpu.memory_space<hbm>>
    %dma_wait3A_1856 = arith.constant 0 : i32
    %dma_wait3A_1857 = arith.constant 0 : i32
    %dma_wait3A_1858 = tpu.memref_slice %arg4[%dma_wait3A_1856, %dma_wait3A_1857] : memref<504x64xf32, #tpu.memory_space<vmem>> -> memref<504x64xf32, #tpu.memory_space<vmem>>
    %dma_wait3A_1859 = arith.constant 0 : i32
    %dma_wait3A_1860 = tpu.memref_slice %arg2[%add3A_1850, %dma_wait3A_1859] : memref<1048576x64xf32, #tpu.memory_space<hbm>> -> memref<504x64xf32, #tpu.memory_space<hbm>>
    tpu.wait_dma2 semaphore(%arg6 : memref<!tpu.dma_semaphore, #tpu.memory_space<semaphore_mem>>) src(%dma_wait3A_1860 : memref<504x64xf32, #tpu.memory_space<hbm>>) dst(%dma_wait3A_1858 : memref<504x64xf32, #tpu.memory_space<vmem>>)
    %add3A_1861 = arith.constant 19152 : i32
    %add3A_1862 = arith.addi %mul3A_2, %add3A_1861 : i32
    %dma_start3A_1863 = arith.constant 0 : i32
    %dma_start3A_1864 = arith.constant 0 : i32
    %dma_start3A_1865 = tpu.memref_slice %arg4[%dma_start3A_1863, %dma_start3A_1864] : memref<504x64xf32, #tpu.memory_space<vmem>> -> memref<504x64xf32, #tpu.memory_space<vmem>>
    %dma_start3A_1866 = arith.constant 0 : i32
    %dma_start3A_1867 = tpu.memref_slice %arg3[%add3A_1862, %dma_start3A_1866] : memref<1048576x64xf32, #tpu.memory_space<hbm>> -> memref<504x64xf32, #tpu.memory_space<hbm>>
    %dma_start3A_1868 = arith.constant 0 : i32
    %dma_start3A_1869 = tpu.memref_slice %arg3[%add3A_1862, %dma_start3A_1868] : memref<1048576x64xf32, #tpu.memory_space<hbm>> -> memref<504x64xf32, #tpu.memory_space<hbm>>
    %dma_start3A_1870 = arith.constant 0 : i32
    %dma_start3A_1871 = arith.constant 0 : i32
    %dma_start3A_1872 = tpu.memref_slice %arg4[%dma_start3A_1870, %dma_start3A_1871] : memref<504x64xf32, #tpu.memory_space<vmem>> -> memref<504x64xf32, #tpu.memory_space<vmem>>
    tpu.enqueue_dma source(%dma_start3A_1872 : memref<504x64xf32, #tpu.memory_space<vmem>>) target(%dma_start3A_1869 : memref<504x64xf32, #tpu.memory_space<hbm>>) target_semaphore(%arg8 : memref<!tpu.dma_semaphore, #tpu.memory_space<semaphore_mem>>)
    %add3A_1873 = arith.constant 19152 : i32
    %add3A_1874 = arith.addi %mul3A_2, %add3A_1873 : i32
    %dma_wait3A_1875 = arith.constant 0 : i32
    %dma_wait3A_1876 = arith.constant 0 : i32
    %dma_wait3A_1877 = tpu.memref_slice %arg4[%dma_wait3A_1875, %dma_wait3A_1876] : memref<504x64xf32, #tpu.memory_space<vmem>> -> memref<504x64xf32, #tpu.memory_space<vmem>>
    %dma_wait3A_1878 = arith.constant 0 : i32
    %dma_wait3A_1879 = tpu.memref_slice %arg3[%add3A_1874, %dma_wait3A_1878] : memref<1048576x64xf32, #tpu.memory_space<hbm>> -> memref<504x64xf32, #tpu.memory_space<hbm>>
    %dma_wait3A_1880 = arith.constant 0 : i32
    %dma_wait3A_1881 = tpu.memref_slice %arg3[%add3A_1874, %dma_wait3A_1880] : memref<1048576x64xf32, #tpu.memory_space<hbm>> -> memref<504x64xf32, #tpu.memory_space<hbm>>
    %dma_wait3A_1882 = arith.constant 0 : i32
    %dma_wait3A_1883 = arith.constant 0 : i32
    %dma_wait3A_1884 = tpu.memref_slice %arg4[%dma_wait3A_1882, %dma_wait3A_1883] : memref<504x64xf32, #tpu.memory_space<vmem>> -> memref<504x64xf32, #tpu.memory_space<vmem>>
    tpu.wait_dma2 semaphore(%arg8 : memref<!tpu.dma_semaphore, #tpu.memory_space<semaphore_mem>>) src(%dma_wait3A_1884 : memref<504x64xf32, #tpu.memory_space<vmem>>) dst(%dma_wait3A_1881 : memref<504x64xf32, #tpu.memory_space<hbm>>)
    %add3A_1885 = arith.constant 20160 : i32
    %add3A_1886 = arith.addi %mul3A_2, %add3A_1885 : i32
    %dma_start3A_1887 = arith.constant 0 : i32
    %dma_start3A_1888 = arith.constant 0 : i32
    %dma_start3A_1889 = tpu.memref_slice %arg4[%dma_start3A_1887, %dma_start3A_1888] : memref<504x64xf32, #tpu.memory_space<vmem>> -> memref<504x64xf32, #tpu.memory_space<vmem>>
    %dma_start3A_1890 = arith.constant 0 : i32
    %dma_start3A_1891 = tpu.memref_slice %arg2[%add3A_1886, %dma_start3A_1890] : memref<1048576x64xf32, #tpu.memory_space<hbm>> -> memref<504x64xf32, #tpu.memory_space<hbm>>
    %dma_start3A_1892 = arith.constant 0 : i32
    %dma_start3A_1893 = arith.constant 0 : i32
    %dma_start3A_1894 = tpu.memref_slice %arg4[%dma_start3A_1892, %dma_start3A_1893] : memref<504x64xf32, #tpu.memory_space<vmem>> -> memref<504x64xf32, #tpu.memory_space<vmem>>
    %dma_start3A_1895 = arith.constant 0 : i32
    %dma_start3A_1896 = tpu.memref_slice %arg2[%add3A_1886, %dma_start3A_1895] : memref<1048576x64xf32, #tpu.memory_space<hbm>> -> memref<504x64xf32, #tpu.memory_space<hbm>>
    tpu.enqueue_dma source(%dma_start3A_1896 : memref<504x64xf32, #tpu.memory_space<hbm>>) target(%dma_start3A_1894 : memref<504x64xf32, #tpu.memory_space<vmem>>) target_semaphore(%arg6 : memref<!tpu.dma_semaphore, #tpu.memory_space<semaphore_mem>>)
    %add3A_1897 = arith.constant 19656 : i32
    %add3A_1898 = arith.addi %mul3A_2, %add3A_1897 : i32
    %dma_wait3A_1899 = arith.constant 0 : i32
    %dma_wait3A_1900 = arith.constant 0 : i32
    %dma_wait3A_1901 = tpu.memref_slice %arg5[%dma_wait3A_1899, %dma_wait3A_1900] : memref<504x64xf32, #tpu.memory_space<vmem>> -> memref<504x64xf32, #tpu.memory_space<vmem>>
    %dma_wait3A_1902 = arith.constant 0 : i32
    %dma_wait3A_1903 = tpu.memref_slice %arg2[%add3A_1898, %dma_wait3A_1902] : memref<1048576x64xf32, #tpu.memory_space<hbm>> -> memref<504x64xf32, #tpu.memory_space<hbm>>
    %dma_wait3A_1904 = arith.constant 0 : i32
    %dma_wait3A_1905 = arith.constant 0 : i32
    %dma_wait3A_1906 = tpu.memref_slice %arg5[%dma_wait3A_1904, %dma_wait3A_1905] : memref<504x64xf32, #tpu.memory_space<vmem>> -> memref<504x64xf32, #tpu.memory_space<vmem>>
    %dma_wait3A_1907 = arith.constant 0 : i32
    %dma_wait3A_1908 = tpu.memref_slice %arg2[%add3A_1898, %dma_wait3A_1907] : memref<1048576x64xf32, #tpu.memory_space<hbm>> -> memref<504x64xf32, #tpu.memory_space<hbm>>
    tpu.wait_dma2 semaphore(%arg7 : memref<!tpu.dma_semaphore, #tpu.memory_space<semaphore_mem>>) src(%dma_wait3A_1908 : memref<504x64xf32, #tpu.memory_space<hbm>>) dst(%dma_wait3A_1906 : memref<504x64xf32, #tpu.memory_space<vmem>>)
    %add3A_1909 = arith.constant 19656 : i32
    %add3A_1910 = arith.addi %mul3A_2, %add3A_1909 : i32
    %dma_start3A_1911 = arith.constant 0 : i32
    %dma_start3A_1912 = arith.constant 0 : i32
    %dma_start3A_1913 = tpu.memref_slice %arg5[%dma_start3A_1911, %dma_start3A_1912] : memref<504x64xf32, #tpu.memory_space<vmem>> -> memref<504x64xf32, #tpu.memory_space<vmem>>
    %dma_start3A_1914 = arith.constant 0 : i32
    %dma_start3A_1915 = tpu.memref_slice %arg3[%add3A_1910, %dma_start3A_1914] : memref<1048576x64xf32, #tpu.memory_space<hbm>> -> memref<504x64xf32, #tpu.memory_space<hbm>>
    %dma_start3A_1916 = arith.constant 0 : i32
    %dma_start3A_1917 = tpu.memref_slice %arg3[%add3A_1910, %dma_start3A_1916] : memref<1048576x64xf32, #tpu.memory_space<hbm>> -> memref<504x64xf32, #tpu.memory_space<hbm>>
    %dma_start3A_1918 = arith.constant 0 : i32
    %dma_start3A_1919 = arith.constant 0 : i32
    %dma_start3A_1920 = tpu.memref_slice %arg5[%dma_start3A_1918, %dma_start3A_1919] : memref<504x64xf32, #tpu.memory_space<vmem>> -> memref<504x64xf32, #tpu.memory_space<vmem>>
    tpu.enqueue_dma source(%dma_start3A_1920 : memref<504x64xf32, #tpu.memory_space<vmem>>) target(%dma_start3A_1917 : memref<504x64xf32, #tpu.memory_space<hbm>>) target_semaphore(%arg9 : memref<!tpu.dma_semaphore, #tpu.memory_space<semaphore_mem>>)
    %add3A_1921 = arith.constant 19656 : i32
    %add3A_1922 = arith.addi %mul3A_2, %add3A_1921 : i32
    %dma_wait3A_1923 = arith.constant 0 : i32
    %dma_wait3A_1924 = arith.constant 0 : i32
    %dma_wait3A_1925 = tpu.memref_slice %arg5[%dma_wait3A_1923, %dma_wait3A_1924] : memref<504x64xf32, #tpu.memory_space<vmem>> -> memref<504x64xf32, #tpu.memory_space<vmem>>
    %dma_wait3A_1926 = arith.constant 0 : i32
    %dma_wait3A_1927 = tpu.memref_slice %arg3[%add3A_1922, %dma_wait3A_1926] : memref<1048576x64xf32, #tpu.memory_space<hbm>> -> memref<504x64xf32, #tpu.memory_space<hbm>>
    %dma_wait3A_1928 = arith.constant 0 : i32
    %dma_wait3A_1929 = tpu.memref_slice %arg3[%add3A_1922, %dma_wait3A_1928] : memref<1048576x64xf32, #tpu.memory_space<hbm>> -> memref<504x64xf32, #tpu.memory_space<hbm>>
    %dma_wait3A_1930 = arith.constant 0 : i32
    %dma_wait3A_1931 = arith.constant 0 : i32
    %dma_wait3A_1932 = tpu.memref_slice %arg5[%dma_wait3A_1930, %dma_wait3A_1931] : memref<504x64xf32, #tpu.memory_space<vmem>> -> memref<504x64xf32, #tpu.memory_space<vmem>>
    tpu.wait_dma2 semaphore(%arg9 : memref<!tpu.dma_semaphore, #tpu.memory_space<semaphore_mem>>) src(%dma_wait3A_1932 : memref<504x64xf32, #tpu.memory_space<vmem>>) dst(%dma_wait3A_1929 : memref<504x64xf32, #tpu.memory_space<hbm>>)
    %add3A_1933 = arith.constant 20664 : i32
    %add3A_1934 = arith.addi %mul3A_2, %add3A_1933 : i32
    %dma_start3A_1935 = arith.constant 0 : i32
    %dma_start3A_1936 = arith.constant 0 : i32
    %dma_start3A_1937 = tpu.memref_slice %arg5[%dma_start3A_1935, %dma_start3A_1936] : memref<504x64xf32, #tpu.memory_space<vmem>> -> memref<504x64xf32, #tpu.memory_space<vmem>>
    %dma_start3A_1938 = arith.constant 0 : i32
    %dma_start3A_1939 = tpu.memref_slice %arg2[%add3A_1934, %dma_start3A_1938] : memref<1048576x64xf32, #tpu.memory_space<hbm>> -> memref<504x64xf32, #tpu.memory_space<hbm>>
    %dma_start3A_1940 = arith.constant 0 : i32
    %dma_start3A_1941 = arith.constant 0 : i32
    %dma_start3A_1942 = tpu.memref_slice %arg5[%dma_start3A_1940, %dma_start3A_1941] : memref<504x64xf32, #tpu.memory_space<vmem>> -> memref<504x64xf32, #tpu.memory_space<vmem>>
    %dma_start3A_1943 = arith.constant 0 : i32
    %dma_start3A_1944 = tpu.memref_slice %arg2[%add3A_1934, %dma_start3A_1943] : memref<1048576x64xf32, #tpu.memory_space<hbm>> -> memref<504x64xf32, #tpu.memory_space<hbm>>
    tpu.enqueue_dma source(%dma_start3A_1944 : memref<504x64xf32, #tpu.memory_space<hbm>>) target(%dma_start3A_1942 : memref<504x64xf32, #tpu.memory_space<vmem>>) target_semaphore(%arg7 : memref<!tpu.dma_semaphore, #tpu.memory_space<semaphore_mem>>)
    %add3A_1945 = arith.constant 20160 : i32
    %add3A_1946 = arith.addi %mul3A_2, %add3A_1945 : i32
    %dma_wait3A_1947 = arith.constant 0 : i32
    %dma_wait3A_1948 = arith.constant 0 : i32
    %dma_wait3A_1949 = tpu.memref_slice %arg4[%dma_wait3A_1947, %dma_wait3A_1948] : memref<504x64xf32, #tpu.memory_space<vmem>> -> memref<504x64xf32, #tpu.memory_space<vmem>>
    %dma_wait3A_1950 = arith.constant 0 : i32
    %dma_wait3A_1951 = tpu.memref_slice %arg2[%add3A_1946, %dma_wait3A_1950] : memref<1048576x64xf32, #tpu.memory_space<hbm>> -> memref<504x64xf32, #tpu.memory_space<hbm>>
    %dma_wait3A_1952 = arith.constant 0 : i32
    %dma_wait3A_1953 = arith.constant 0 : i32
    %dma_wait3A_1954 = tpu.memref_slice %arg4[%dma_wait3A_1952, %dma_wait3A_1953] : memref<504x64xf32, #tpu.memory_space<vmem>> -> memref<504x64xf32, #tpu.memory_space<vmem>>
    %dma_wait3A_1955 = arith.constant 0 : i32
    %dma_wait3A_1956 = tpu.memref_slice %arg2[%add3A_1946, %dma_wait3A_1955] : memref<1048576x64xf32, #tpu.memory_space<hbm>> -> memref<504x64xf32, #tpu.memory_space<hbm>>
    tpu.wait_dma2 semaphore(%arg6 : memref<!tpu.dma_semaphore, #tpu.memory_space<semaphore_mem>>) src(%dma_wait3A_1956 : memref<504x64xf32, #tpu.memory_space<hbm>>) dst(%dma_wait3A_1954 : memref<504x64xf32, #tpu.memory_space<vmem>>)
    %add3A_1957 = arith.constant 20160 : i32
    %add3A_1958 = arith.addi %mul3A_2, %add3A_1957 : i32
    %dma_start3A_1959 = arith.constant 0 : i32
    %dma_start3A_1960 = arith.constant 0 : i32
    %dma_start3A_1961 = tpu.memref_slice %arg4[%dma_start3A_1959, %dma_start3A_1960] : memref<504x64xf32, #tpu.memory_space<vmem>> -> memref<504x64xf32, #tpu.memory_space<vmem>>
    %dma_start3A_1962 = arith.constant 0 : i32
    %dma_start3A_1963 = tpu.memref_slice %arg3[%add3A_1958, %dma_start3A_1962] : memref<1048576x64xf32, #tpu.memory_space<hbm>> -> memref<504x64xf32, #tpu.memory_space<hbm>>
    %dma_start3A_1964 = arith.constant 0 : i32
    %dma_start3A_1965 = tpu.memref_slice %arg3[%add3A_1958, %dma_start3A_1964] : memref<1048576x64xf32, #tpu.memory_space<hbm>> -> memref<504x64xf32, #tpu.memory_space<hbm>>
    %dma_start3A_1966 = arith.constant 0 : i32
    %dma_start3A_1967 = arith.constant 0 : i32
    %dma_start3A_1968 = tpu.memref_slice %arg4[%dma_start3A_1966, %dma_start3A_1967] : memref<504x64xf32, #tpu.memory_space<vmem>> -> memref<504x64xf32, #tpu.memory_space<vmem>>
    tpu.enqueue_dma source(%dma_start3A_1968 : memref<504x64xf32, #tpu.memory_space<vmem>>) target(%dma_start3A_1965 : memref<504x64xf32, #tpu.memory_space<hbm>>) target_semaphore(%arg8 : memref<!tpu.dma_semaphore, #tpu.memory_space<semaphore_mem>>)
    %add3A_1969 = arith.constant 20160 : i32
    %add3A_1970 = arith.addi %mul3A_2, %add3A_1969 : i32
    %dma_wait3A_1971 = arith.constant 0 : i32
    %dma_wait3A_1972 = arith.constant 0 : i32
    %dma_wait3A_1973 = tpu.memref_slice %arg4[%dma_wait3A_1971, %dma_wait3A_1972] : memref<504x64xf32, #tpu.memory_space<vmem>> -> memref<504x64xf32, #tpu.memory_space<vmem>>
    %dma_wait3A_1974 = arith.constant 0 : i32
    %dma_wait3A_1975 = tpu.memref_slice %arg3[%add3A_1970, %dma_wait3A_1974] : memref<1048576x64xf32, #tpu.memory_space<hbm>> -> memref<504x64xf32, #tpu.memory_space<hbm>>
    %dma_wait3A_1976 = arith.constant 0 : i32
    %dma_wait3A_1977 = tpu.memref_slice %arg3[%add3A_1970, %dma_wait3A_1976] : memref<1048576x64xf32, #tpu.memory_space<hbm>> -> memref<504x64xf32, #tpu.memory_space<hbm>>
    %dma_wait3A_1978 = arith.constant 0 : i32
    %dma_wait3A_1979 = arith.constant 0 : i32
    %dma_wait3A_1980 = tpu.memref_slice %arg4[%dma_wait3A_1978, %dma_wait3A_1979] : memref<504x64xf32, #tpu.memory_space<vmem>> -> memref<504x64xf32, #tpu.memory_space<vmem>>
    tpu.wait_dma2 semaphore(%arg8 : memref<!tpu.dma_semaphore, #tpu.memory_space<semaphore_mem>>) src(%dma_wait3A_1980 : memref<504x64xf32, #tpu.memory_space<vmem>>) dst(%dma_wait3A_1977 : memref<504x64xf32, #tpu.memory_space<hbm>>)
    %add3A_1981 = arith.constant 21168 : i32
    %add3A_1982 = arith.addi %mul3A_2, %add3A_1981 : i32
    %dma_start3A_1983 = arith.constant 0 : i32
    %dma_start3A_1984 = arith.constant 0 : i32
    %dma_start3A_1985 = tpu.memref_slice %arg4[%dma_start3A_1983, %dma_start3A_1984] : memref<504x64xf32, #tpu.memory_space<vmem>> -> memref<504x64xf32, #tpu.memory_space<vmem>>
    %dma_start3A_1986 = arith.constant 0 : i32
    %dma_start3A_1987 = tpu.memref_slice %arg2[%add3A_1982, %dma_start3A_1986] : memref<1048576x64xf32, #tpu.memory_space<hbm>> -> memref<504x64xf32, #tpu.memory_space<hbm>>
    %dma_start3A_1988 = arith.constant 0 : i32
    %dma_start3A_1989 = arith.constant 0 : i32
    %dma_start3A_1990 = tpu.memref_slice %arg4[%dma_start3A_1988, %dma_start3A_1989] : memref<504x64xf32, #tpu.memory_space<vmem>> -> memref<504x64xf32, #tpu.memory_space<vmem>>
    %dma_start3A_1991 = arith.constant 0 : i32
    %dma_start3A_1992 = tpu.memref_slice %arg2[%add3A_1982, %dma_start3A_1991] : memref<1048576x64xf32, #tpu.memory_space<hbm>> -> memref<504x64xf32, #tpu.memory_space<hbm>>
    tpu.enqueue_dma source(%dma_start3A_1992 : memref<504x64xf32, #tpu.memory_space<hbm>>) target(%dma_start3A_1990 : memref<504x64xf32, #tpu.memory_space<vmem>>) target_semaphore(%arg6 : memref<!tpu.dma_semaphore, #tpu.memory_space<semaphore_mem>>)
    %add3A_1993 = arith.constant 20664 : i32
    %add3A_1994 = arith.addi %mul3A_2, %add3A_1993 : i32
    %dma_wait3A_1995 = arith.constant 0 : i32
    %dma_wait3A_1996 = arith.constant 0 : i32
    %dma_wait3A_1997 = tpu.memref_slice %arg5[%dma_wait3A_1995, %dma_wait3A_1996] : memref<504x64xf32, #tpu.memory_space<vmem>> -> memref<504x64xf32, #tpu.memory_space<vmem>>
    %dma_wait3A_1998 = arith.constant 0 : i32
    %dma_wait3A_1999 = tpu.memref_slice %arg2[%add3A_1994, %dma_wait3A_1998] : memref<1048576x64xf32, #tpu.memory_space<hbm>> -> memref<504x64xf32, #tpu.memory_space<hbm>>
    %dma_wait3A_2000 = arith.constant 0 : i32
    %dma_wait3A_2001 = arith.constant 0 : i32
    %dma_wait3A_2002 = tpu.memref_slice %arg5[%dma_wait3A_2000, %dma_wait3A_2001] : memref<504x64xf32, #tpu.memory_space<vmem>> -> memref<504x64xf32, #tpu.memory_space<vmem>>
    %dma_wait3A_2003 = arith.constant 0 : i32
    %dma_wait3A_2004 = tpu.memref_slice %arg2[%add3A_1994, %dma_wait3A_2003] : memref<1048576x64xf32, #tpu.memory_space<hbm>> -> memref<504x64xf32, #tpu.memory_space<hbm>>
    tpu.wait_dma2 semaphore(%arg7 : memref<!tpu.dma_semaphore, #tpu.memory_space<semaphore_mem>>) src(%dma_wait3A_2004 : memref<504x64xf32, #tpu.memory_space<hbm>>) dst(%dma_wait3A_2002 : memref<504x64xf32, #tpu.memory_space<vmem>>)
    %add3A_2005 = arith.constant 20664 : i32
    %add3A_2006 = arith.addi %mul3A_2, %add3A_2005 : i32
    %dma_start3A_2007 = arith.constant 0 : i32
    %dma_start3A_2008 = arith.constant 0 : i32
    %dma_start3A_2009 = tpu.memref_slice %arg5[%dma_start3A_2007, %dma_start3A_2008] : memref<504x64xf32, #tpu.memory_space<vmem>> -> memref<504x64xf32, #tpu.memory_space<vmem>>
    %dma_start3A_2010 = arith.constant 0 : i32
    %dma_start3A_2011 = tpu.memref_slice %arg3[%add3A_2006, %dma_start3A_2010] : memref<1048576x64xf32, #tpu.memory_space<hbm>> -> memref<504x64xf32, #tpu.memory_space<hbm>>
    %dma_start3A_2012 = arith.constant 0 : i32
    %dma_start3A_2013 = tpu.memref_slice %arg3[%add3A_2006, %dma_start3A_2012] : memref<1048576x64xf32, #tpu.memory_space<hbm>> -> memref<504x64xf32, #tpu.memory_space<hbm>>
    %dma_start3A_2014 = arith.constant 0 : i32
    %dma_start3A_2015 = arith.constant 0 : i32
    %dma_start3A_2016 = tpu.memref_slice %arg5[%dma_start3A_2014, %dma_start3A_2015] : memref<504x64xf32, #tpu.memory_space<vmem>> -> memref<504x64xf32, #tpu.memory_space<vmem>>
    tpu.enqueue_dma source(%dma_start3A_2016 : memref<504x64xf32, #tpu.memory_space<vmem>>) target(%dma_start3A_2013 : memref<504x64xf32, #tpu.memory_space<hbm>>) target_semaphore(%arg9 : memref<!tpu.dma_semaphore, #tpu.memory_space<semaphore_mem>>)
    %add3A_2017 = arith.constant 20664 : i32
    %add3A_2018 = arith.addi %mul3A_2, %add3A_2017 : i32
    %dma_wait3A_2019 = arith.constant 0 : i32
    %dma_wait3A_2020 = arith.constant 0 : i32
    %dma_wait3A_2021 = tpu.memref_slice %arg5[%dma_wait3A_2019, %dma_wait3A_2020] : memref<504x64xf32, #tpu.memory_space<vmem>> -> memref<504x64xf32, #tpu.memory_space<vmem>>
    %dma_wait3A_2022 = arith.constant 0 : i32
    %dma_wait3A_2023 = tpu.memref_slice %arg3[%add3A_2018, %dma_wait3A_2022] : memref<1048576x64xf32, #tpu.memory_space<hbm>> -> memref<504x64xf32, #tpu.memory_space<hbm>>
    %dma_wait3A_2024 = arith.constant 0 : i32
    %dma_wait3A_2025 = tpu.memref_slice %arg3[%add3A_2018, %dma_wait3A_2024] : memref<1048576x64xf32, #tpu.memory_space<hbm>> -> memref<504x64xf32, #tpu.memory_space<hbm>>
    %dma_wait3A_2026 = arith.constant 0 : i32
    %dma_wait3A_2027 = arith.constant 0 : i32
    %dma_wait3A_2028 = tpu.memref_slice %arg5[%dma_wait3A_2026, %dma_wait3A_2027] : memref<504x64xf32, #tpu.memory_space<vmem>> -> memref<504x64xf32, #tpu.memory_space<vmem>>
    tpu.wait_dma2 semaphore(%arg9 : memref<!tpu.dma_semaphore, #tpu.memory_space<semaphore_mem>>) src(%dma_wait3A_2028 : memref<504x64xf32, #tpu.memory_space<vmem>>) dst(%dma_wait3A_2025 : memref<504x64xf32, #tpu.memory_space<hbm>>)
    %add3A_2029 = arith.constant 21672 : i32
    %add3A_2030 = arith.addi %mul3A_2, %add3A_2029 : i32
    %dma_start3A_2031 = arith.constant 0 : i32
    %dma_start3A_2032 = arith.constant 0 : i32
    %dma_start3A_2033 = tpu.memref_slice %arg5[%dma_start3A_2031, %dma_start3A_2032] : memref<504x64xf32, #tpu.memory_space<vmem>> -> memref<504x64xf32, #tpu.memory_space<vmem>>
    %dma_start3A_2034 = arith.constant 0 : i32
    %dma_start3A_2035 = tpu.memref_slice %arg2[%add3A_2030, %dma_start3A_2034] : memref<1048576x64xf32, #tpu.memory_space<hbm>> -> memref<504x64xf32, #tpu.memory_space<hbm>>
    %dma_start3A_2036 = arith.constant 0 : i32
    %dma_start3A_2037 = arith.constant 0 : i32
    %dma_start3A_2038 = tpu.memref_slice %arg5[%dma_start3A_2036, %dma_start3A_2037] : memref<504x64xf32, #tpu.memory_space<vmem>> -> memref<504x64xf32, #tpu.memory_space<vmem>>
    %dma_start3A_2039 = arith.constant 0 : i32
    %dma_start3A_2040 = tpu.memref_slice %arg2[%add3A_2030, %dma_start3A_2039] : memref<1048576x64xf32, #tpu.memory_space<hbm>> -> memref<504x64xf32, #tpu.memory_space<hbm>>
    tpu.enqueue_dma source(%dma_start3A_2040 : memref<504x64xf32, #tpu.memory_space<hbm>>) target(%dma_start3A_2038 : memref<504x64xf32, #tpu.memory_space<vmem>>) target_semaphore(%arg7 : memref<!tpu.dma_semaphore, #tpu.memory_space<semaphore_mem>>)
    %add3A_2041 = arith.constant 21168 : i32
    %add3A_2042 = arith.addi %mul3A_2, %add3A_2041 : i32
    %dma_wait3A_2043 = arith.constant 0 : i32
    %dma_wait3A_2044 = arith.constant 0 : i32
    %dma_wait3A_2045 = tpu.memref_slice %arg4[%dma_wait3A_2043, %dma_wait3A_2044] : memref<504x64xf32, #tpu.memory_space<vmem>> -> memref<504x64xf32, #tpu.memory_space<vmem>>
    %dma_wait3A_2046 = arith.constant 0 : i32
    %dma_wait3A_2047 = tpu.memref_slice %arg2[%add3A_2042, %dma_wait3A_2046] : memref<1048576x64xf32, #tpu.memory_space<hbm>> -> memref<504x64xf32, #tpu.memory_space<hbm>>
    %dma_wait3A_2048 = arith.constant 0 : i32
    %dma_wait3A_2049 = arith.constant 0 : i32
    %dma_wait3A_2050 = tpu.memref_slice %arg4[%dma_wait3A_2048, %dma_wait3A_2049] : memref<504x64xf32, #tpu.memory_space<vmem>> -> memref<504x64xf32, #tpu.memory_space<vmem>>
    %dma_wait3A_2051 = arith.constant 0 : i32
    %dma_wait3A_2052 = tpu.memref_slice %arg2[%add3A_2042, %dma_wait3A_2051] : memref<1048576x64xf32, #tpu.memory_space<hbm>> -> memref<504x64xf32, #tpu.memory_space<hbm>>
    tpu.wait_dma2 semaphore(%arg6 : memref<!tpu.dma_semaphore, #tpu.memory_space<semaphore_mem>>) src(%dma_wait3A_2052 : memref<504x64xf32, #tpu.memory_space<hbm>>) dst(%dma_wait3A_2050 : memref<504x64xf32, #tpu.memory_space<vmem>>)
    %add3A_2053 = arith.constant 21168 : i32
    %add3A_2054 = arith.addi %mul3A_2, %add3A_2053 : i32
    %dma_start3A_2055 = arith.constant 0 : i32
    %dma_start3A_2056 = arith.constant 0 : i32
    %dma_start3A_2057 = tpu.memref_slice %arg4[%dma_start3A_2055, %dma_start3A_2056] : memref<504x64xf32, #tpu.memory_space<vmem>> -> memref<504x64xf32, #tpu.memory_space<vmem>>
    %dma_start3A_2058 = arith.constant 0 : i32
    %dma_start3A_2059 = tpu.memref_slice %arg3[%add3A_2054, %dma_start3A_2058] : memref<1048576x64xf32, #tpu.memory_space<hbm>> -> memref<504x64xf32, #tpu.memory_space<hbm>>
    %dma_start3A_2060 = arith.constant 0 : i32
    %dma_start3A_2061 = tpu.memref_slice %arg3[%add3A_2054, %dma_start3A_2060] : memref<1048576x64xf32, #tpu.memory_space<hbm>> -> memref<504x64xf32, #tpu.memory_space<hbm>>
    %dma_start3A_2062 = arith.constant 0 : i32
    %dma_start3A_2063 = arith.constant 0 : i32
    %dma_start3A_2064 = tpu.memref_slice %arg4[%dma_start3A_2062, %dma_start3A_2063] : memref<504x64xf32, #tpu.memory_space<vmem>> -> memref<504x64xf32, #tpu.memory_space<vmem>>
    tpu.enqueue_dma source(%dma_start3A_2064 : memref<504x64xf32, #tpu.memory_space<vmem>>) target(%dma_start3A_2061 : memref<504x64xf32, #tpu.memory_space<hbm>>) target_semaphore(%arg8 : memref<!tpu.dma_semaphore, #tpu.memory_space<semaphore_mem>>)
    %add3A_2065 = arith.constant 21168 : i32
    %add3A_2066 = arith.addi %mul3A_2, %add3A_2065 : i32
    %dma_wait3A_2067 = arith.constant 0 : i32
    %dma_wait3A_2068 = arith.constant 0 : i32
    %dma_wait3A_2069 = tpu.memref_slice %arg4[%dma_wait3A_2067, %dma_wait3A_2068] : memref<504x64xf32, #tpu.memory_space<vmem>> -> memref<504x64xf32, #tpu.memory_space<vmem>>
    %dma_wait3A_2070 = arith.constant 0 : i32
    %dma_wait3A_2071 = tpu.memref_slice %arg3[%add3A_2066, %dma_wait3A_2070] : memref<1048576x64xf32, #tpu.memory_space<hbm>> -> memref<504x64xf32, #tpu.memory_space<hbm>>
    %dma_wait3A_2072 = arith.constant 0 : i32
    %dma_wait3A_2073 = tpu.memref_slice %arg3[%add3A_2066, %dma_wait3A_2072] : memref<1048576x64xf32, #tpu.memory_space<hbm>> -> memref<504x64xf32, #tpu.memory_space<hbm>>
    %dma_wait3A_2074 = arith.constant 0 : i32
    %dma_wait3A_2075 = arith.constant 0 : i32
    %dma_wait3A_2076 = tpu.memref_slice %arg4[%dma_wait3A_2074, %dma_wait3A_2075] : memref<504x64xf32, #tpu.memory_space<vmem>> -> memref<504x64xf32, #tpu.memory_space<vmem>>
    tpu.wait_dma2 semaphore(%arg8 : memref<!tpu.dma_semaphore, #tpu.memory_space<semaphore_mem>>) src(%dma_wait3A_2076 : memref<504x64xf32, #tpu.memory_space<vmem>>) dst(%dma_wait3A_2073 : memref<504x64xf32, #tpu.memory_space<hbm>>)
    %add3A_2077 = arith.constant 22176 : i32
    %add3A_2078 = arith.addi %mul3A_2, %add3A_2077 : i32
    %dma_start3A_2079 = arith.constant 0 : i32
    %dma_start3A_2080 = arith.constant 0 : i32
    %dma_start3A_2081 = tpu.memref_slice %arg4[%dma_start3A_2079, %dma_start3A_2080] : memref<504x64xf32, #tpu.memory_space<vmem>> -> memref<504x64xf32, #tpu.memory_space<vmem>>
    %dma_start3A_2082 = arith.constant 0 : i32
    %dma_start3A_2083 = tpu.memref_slice %arg2[%add3A_2078, %dma_start3A_2082] : memref<1048576x64xf32, #tpu.memory_space<hbm>> -> memref<504x64xf32, #tpu.memory_space<hbm>>
    %dma_start3A_2084 = arith.constant 0 : i32
    %dma_start3A_2085 = arith.constant 0 : i32
    %dma_start3A_2086 = tpu.memref_slice %arg4[%dma_start3A_2084, %dma_start3A_2085] : memref<504x64xf32, #tpu.memory_space<vmem>> -> memref<504x64xf32, #tpu.memory_space<vmem>>
    %dma_start3A_2087 = arith.constant 0 : i32
    %dma_start3A_2088 = tpu.memref_slice %arg2[%add3A_2078, %dma_start3A_2087] : memref<1048576x64xf32, #tpu.memory_space<hbm>> -> memref<504x64xf32, #tpu.memory_space<hbm>>
    tpu.enqueue_dma source(%dma_start3A_2088 : memref<504x64xf32, #tpu.memory_space<hbm>>) target(%dma_start3A_2086 : memref<504x64xf32, #tpu.memory_space<vmem>>) target_semaphore(%arg6 : memref<!tpu.dma_semaphore, #tpu.memory_space<semaphore_mem>>)
    %add3A_2089 = arith.constant 21672 : i32
    %add3A_2090 = arith.addi %mul3A_2, %add3A_2089 : i32
    %dma_wait3A_2091 = arith.constant 0 : i32
    %dma_wait3A_2092 = arith.constant 0 : i32
    %dma_wait3A_2093 = tpu.memref_slice %arg5[%dma_wait3A_2091, %dma_wait3A_2092] : memref<504x64xf32, #tpu.memory_space<vmem>> -> memref<504x64xf32, #tpu.memory_space<vmem>>
    %dma_wait3A_2094 = arith.constant 0 : i32
    %dma_wait3A_2095 = tpu.memref_slice %arg2[%add3A_2090, %dma_wait3A_2094] : memref<1048576x64xf32, #tpu.memory_space<hbm>> -> memref<504x64xf32, #tpu.memory_space<hbm>>
    %dma_wait3A_2096 = arith.constant 0 : i32
    %dma_wait3A_2097 = arith.constant 0 : i32
    %dma_wait3A_2098 = tpu.memref_slice %arg5[%dma_wait3A_2096, %dma_wait3A_2097] : memref<504x64xf32, #tpu.memory_space<vmem>> -> memref<504x64xf32, #tpu.memory_space<vmem>>
    %dma_wait3A_2099 = arith.constant 0 : i32
    %dma_wait3A_2100 = tpu.memref_slice %arg2[%add3A_2090, %dma_wait3A_2099] : memref<1048576x64xf32, #tpu.memory_space<hbm>> -> memref<504x64xf32, #tpu.memory_space<hbm>>
    tpu.wait_dma2 semaphore(%arg7 : memref<!tpu.dma_semaphore, #tpu.memory_space<semaphore_mem>>) src(%dma_wait3A_2100 : memref<504x64xf32, #tpu.memory_space<hbm>>) dst(%dma_wait3A_2098 : memref<504x64xf32, #tpu.memory_space<vmem>>)
    %add3A_2101 = arith.constant 21672 : i32
    %add3A_2102 = arith.addi %mul3A_2, %add3A_2101 : i32
    %dma_start3A_2103 = arith.constant 0 : i32
    %dma_start3A_2104 = arith.constant 0 : i32
    %dma_start3A_2105 = tpu.memref_slice %arg5[%dma_start3A_2103, %dma_start3A_2104] : memref<504x64xf32, #tpu.memory_space<vmem>> -> memref<504x64xf32, #tpu.memory_space<vmem>>
    %dma_start3A_2106 = arith.constant 0 : i32
    %dma_start3A_2107 = tpu.memref_slice %arg3[%add3A_2102, %dma_start3A_2106] : memref<1048576x64xf32, #tpu.memory_space<hbm>> -> memref<504x64xf32, #tpu.memory_space<hbm>>
    %dma_start3A_2108 = arith.constant 0 : i32
    %dma_start3A_2109 = tpu.memref_slice %arg3[%add3A_2102, %dma_start3A_2108] : memref<1048576x64xf32, #tpu.memory_space<hbm>> -> memref<504x64xf32, #tpu.memory_space<hbm>>
    %dma_start3A_2110 = arith.constant 0 : i32
    %dma_start3A_2111 = arith.constant 0 : i32
    %dma_start3A_2112 = tpu.memref_slice %arg5[%dma_start3A_2110, %dma_start3A_2111] : memref<504x64xf32, #tpu.memory_space<vmem>> -> memref<504x64xf32, #tpu.memory_space<vmem>>
    tpu.enqueue_dma source(%dma_start3A_2112 : memref<504x64xf32, #tpu.memory_space<vmem>>) target(%dma_start3A_2109 : memref<504x64xf32, #tpu.memory_space<hbm>>) target_semaphore(%arg9 : memref<!tpu.dma_semaphore, #tpu.memory_space<semaphore_mem>>)
    %add3A_2113 = arith.constant 21672 : i32
    %add3A_2114 = arith.addi %mul3A_2, %add3A_2113 : i32
    %dma_wait3A_2115 = arith.constant 0 : i32
    %dma_wait3A_2116 = arith.constant 0 : i32
    %dma_wait3A_2117 = tpu.memref_slice %arg5[%dma_wait3A_2115, %dma_wait3A_2116] : memref<504x64xf32, #tpu.memory_space<vmem>> -> memref<504x64xf32, #tpu.memory_space<vmem>>
    %dma_wait3A_2118 = arith.constant 0 : i32
    %dma_wait3A_2119 = tpu.memref_slice %arg3[%add3A_2114, %dma_wait3A_2118] : memref<1048576x64xf32, #tpu.memory_space<hbm>> -> memref<504x64xf32, #tpu.memory_space<hbm>>
    %dma_wait3A_2120 = arith.constant 0 : i32
    %dma_wait3A_2121 = tpu.memref_slice %arg3[%add3A_2114, %dma_wait3A_2120] : memref<1048576x64xf32, #tpu.memory_space<hbm>> -> memref<504x64xf32, #tpu.memory_space<hbm>>
    %dma_wait3A_2122 = arith.constant 0 : i32
    %dma_wait3A_2123 = arith.constant 0 : i32
    %dma_wait3A_2124 = tpu.memref_slice %arg5[%dma_wait3A_2122, %dma_wait3A_2123] : memref<504x64xf32, #tpu.memory_space<vmem>> -> memref<504x64xf32, #tpu.memory_space<vmem>>
    tpu.wait_dma2 semaphore(%arg9 : memref<!tpu.dma_semaphore, #tpu.memory_space<semaphore_mem>>) src(%dma_wait3A_2124 : memref<504x64xf32, #tpu.memory_space<vmem>>) dst(%dma_wait3A_2121 : memref<504x64xf32, #tpu.memory_space<hbm>>)
    %add3A_2125 = arith.constant 22680 : i32
    %add3A_2126 = arith.addi %mul3A_2, %add3A_2125 : i32
    %dma_start3A_2127 = arith.constant 0 : i32
    %dma_start3A_2128 = arith.constant 0 : i32
    %dma_start3A_2129 = tpu.memref_slice %arg5[%dma_start3A_2127, %dma_start3A_2128] : memref<504x64xf32, #tpu.memory_space<vmem>> -> memref<504x64xf32, #tpu.memory_space<vmem>>
    %dma_start3A_2130 = arith.constant 0 : i32
    %dma_start3A_2131 = tpu.memref_slice %arg2[%add3A_2126, %dma_start3A_2130] : memref<1048576x64xf32, #tpu.memory_space<hbm>> -> memref<504x64xf32, #tpu.memory_space<hbm>>
    %dma_start3A_2132 = arith.constant 0 : i32
    %dma_start3A_2133 = arith.constant 0 : i32
    %dma_start3A_2134 = tpu.memref_slice %arg5[%dma_start3A_2132, %dma_start3A_2133] : memref<504x64xf32, #tpu.memory_space<vmem>> -> memref<504x64xf32, #tpu.memory_space<vmem>>
    %dma_start3A_2135 = arith.constant 0 : i32
    %dma_start3A_2136 = tpu.memref_slice %arg2[%add3A_2126, %dma_start3A_2135] : memref<1048576x64xf32, #tpu.memory_space<hbm>> -> memref<504x64xf32, #tpu.memory_space<hbm>>
    tpu.enqueue_dma source(%dma_start3A_2136 : memref<504x64xf32, #tpu.memory_space<hbm>>) target(%dma_start3A_2134 : memref<504x64xf32, #tpu.memory_space<vmem>>) target_semaphore(%arg7 : memref<!tpu.dma_semaphore, #tpu.memory_space<semaphore_mem>>)
    %add3A_2137 = arith.constant 22176 : i32
    %add3A_2138 = arith.addi %mul3A_2, %add3A_2137 : i32
    %dma_wait3A_2139 = arith.constant 0 : i32
    %dma_wait3A_2140 = arith.constant 0 : i32
    %dma_wait3A_2141 = tpu.memref_slice %arg4[%dma_wait3A_2139, %dma_wait3A_2140] : memref<504x64xf32, #tpu.memory_space<vmem>> -> memref<504x64xf32, #tpu.memory_space<vmem>>
    %dma_wait3A_2142 = arith.constant 0 : i32
    %dma_wait3A_2143 = tpu.memref_slice %arg2[%add3A_2138, %dma_wait3A_2142] : memref<1048576x64xf32, #tpu.memory_space<hbm>> -> memref<504x64xf32, #tpu.memory_space<hbm>>
    %dma_wait3A_2144 = arith.constant 0 : i32
    %dma_wait3A_2145 = arith.constant 0 : i32
    %dma_wait3A_2146 = tpu.memref_slice %arg4[%dma_wait3A_2144, %dma_wait3A_2145] : memref<504x64xf32, #tpu.memory_space<vmem>> -> memref<504x64xf32, #tpu.memory_space<vmem>>
    %dma_wait3A_2147 = arith.constant 0 : i32
    %dma_wait3A_2148 = tpu.memref_slice %arg2[%add3A_2138, %dma_wait3A_2147] : memref<1048576x64xf32, #tpu.memory_space<hbm>> -> memref<504x64xf32, #tpu.memory_space<hbm>>
    tpu.wait_dma2 semaphore(%arg6 : memref<!tpu.dma_semaphore, #tpu.memory_space<semaphore_mem>>) src(%dma_wait3A_2148 : memref<504x64xf32, #tpu.memory_space<hbm>>) dst(%dma_wait3A_2146 : memref<504x64xf32, #tpu.memory_space<vmem>>)
    %add3A_2149 = arith.constant 22176 : i32
    %add3A_2150 = arith.addi %mul3A_2, %add3A_2149 : i32
    %dma_start3A_2151 = arith.constant 0 : i32
    %dma_start3A_2152 = arith.constant 0 : i32
    %dma_start3A_2153 = tpu.memref_slice %arg4[%dma_start3A_2151, %dma_start3A_2152] : memref<504x64xf32, #tpu.memory_space<vmem>> -> memref<504x64xf32, #tpu.memory_space<vmem>>
    %dma_start3A_2154 = arith.constant 0 : i32
    %dma_start3A_2155 = tpu.memref_slice %arg3[%add3A_2150, %dma_start3A_2154] : memref<1048576x64xf32, #tpu.memory_space<hbm>> -> memref<504x64xf32, #tpu.memory_space<hbm>>
    %dma_start3A_2156 = arith.constant 0 : i32
    %dma_start3A_2157 = tpu.memref_slice %arg3[%add3A_2150, %dma_start3A_2156] : memref<1048576x64xf32, #tpu.memory_space<hbm>> -> memref<504x64xf32, #tpu.memory_space<hbm>>
    %dma_start3A_2158 = arith.constant 0 : i32
    %dma_start3A_2159 = arith.constant 0 : i32
    %dma_start3A_2160 = tpu.memref_slice %arg4[%dma_start3A_2158, %dma_start3A_2159] : memref<504x64xf32, #tpu.memory_space<vmem>> -> memref<504x64xf32, #tpu.memory_space<vmem>>
    tpu.enqueue_dma source(%dma_start3A_2160 : memref<504x64xf32, #tpu.memory_space<vmem>>) target(%dma_start3A_2157 : memref<504x64xf32, #tpu.memory_space<hbm>>) target_semaphore(%arg8 : memref<!tpu.dma_semaphore, #tpu.memory_space<semaphore_mem>>)
    %add3A_2161 = arith.constant 22176 : i32
    %add3A_2162 = arith.addi %mul3A_2, %add3A_2161 : i32
    %dma_wait3A_2163 = arith.constant 0 : i32
    %dma_wait3A_2164 = arith.constant 0 : i32
    %dma_wait3A_2165 = tpu.memref_slice %arg4[%dma_wait3A_2163, %dma_wait3A_2164] : memref<504x64xf32, #tpu.memory_space<vmem>> -> memref<504x64xf32, #tpu.memory_space<vmem>>
    %dma_wait3A_2166 = arith.constant 0 : i32
    %dma_wait3A_2167 = tpu.memref_slice %arg3[%add3A_2162, %dma_wait3A_2166] : memref<1048576x64xf32, #tpu.memory_space<hbm>> -> memref<504x64xf32, #tpu.memory_space<hbm>>
    %dma_wait3A_2168 = arith.constant 0 : i32
    %dma_wait3A_2169 = tpu.memref_slice %arg3[%add3A_2162, %dma_wait3A_2168] : memref<1048576x64xf32, #tpu.memory_space<hbm>> -> memref<504x64xf32, #tpu.memory_space<hbm>>
    %dma_wait3A_2170 = arith.constant 0 : i32
    %dma_wait3A_2171 = arith.constant 0 : i32
    %dma_wait3A_2172 = tpu.memref_slice %arg4[%dma_wait3A_2170, %dma_wait3A_2171] : memref<504x64xf32, #tpu.memory_space<vmem>> -> memref<504x64xf32, #tpu.memory_space<vmem>>
    tpu.wait_dma2 semaphore(%arg8 : memref<!tpu.dma_semaphore, #tpu.memory_space<semaphore_mem>>) src(%dma_wait3A_2172 : memref<504x64xf32, #tpu.memory_space<vmem>>) dst(%dma_wait3A_2169 : memref<504x64xf32, #tpu.memory_space<hbm>>)
    %add3A_2173 = arith.constant 23184 : i32
    %add3A_2174 = arith.addi %mul3A_2, %add3A_2173 : i32
    %dma_start3A_2175 = arith.constant 0 : i32
    %dma_start3A_2176 = arith.constant 0 : i32
    %dma_start3A_2177 = tpu.memref_slice %arg4[%dma_start3A_2175, %dma_start3A_2176] : memref<504x64xf32, #tpu.memory_space<vmem>> -> memref<504x64xf32, #tpu.memory_space<vmem>>
    %dma_start3A_2178 = arith.constant 0 : i32
    %dma_start3A_2179 = tpu.memref_slice %arg2[%add3A_2174, %dma_start3A_2178] : memref<1048576x64xf32, #tpu.memory_space<hbm>> -> memref<504x64xf32, #tpu.memory_space<hbm>>
    %dma_start3A_2180 = arith.constant 0 : i32
    %dma_start3A_2181 = arith.constant 0 : i32
    %dma_start3A_2182 = tpu.memref_slice %arg4[%dma_start3A_2180, %dma_start3A_2181] : memref<504x64xf32, #tpu.memory_space<vmem>> -> memref<504x64xf32, #tpu.memory_space<vmem>>
    %dma_start3A_2183 = arith.constant 0 : i32
    %dma_start3A_2184 = tpu.memref_slice %arg2[%add3A_2174, %dma_start3A_2183] : memref<1048576x64xf32, #tpu.memory_space<hbm>> -> memref<504x64xf32, #tpu.memory_space<hbm>>
    tpu.enqueue_dma source(%dma_start3A_2184 : memref<504x64xf32, #tpu.memory_space<hbm>>) target(%dma_start3A_2182 : memref<504x64xf32, #tpu.memory_space<vmem>>) target_semaphore(%arg6 : memref<!tpu.dma_semaphore, #tpu.memory_space<semaphore_mem>>)
    %add3A_2185 = arith.constant 22680 : i32
    %add3A_2186 = arith.addi %mul3A_2, %add3A_2185 : i32
    %dma_wait3A_2187 = arith.constant 0 : i32
    %dma_wait3A_2188 = arith.constant 0 : i32
    %dma_wait3A_2189 = tpu.memref_slice %arg5[%dma_wait3A_2187, %dma_wait3A_2188] : memref<504x64xf32, #tpu.memory_space<vmem>> -> memref<504x64xf32, #tpu.memory_space<vmem>>
    %dma_wait3A_2190 = arith.constant 0 : i32
    %dma_wait3A_2191 = tpu.memref_slice %arg2[%add3A_2186, %dma_wait3A_2190] : memref<1048576x64xf32, #tpu.memory_space<hbm>> -> memref<504x64xf32, #tpu.memory_space<hbm>>
    %dma_wait3A_2192 = arith.constant 0 : i32
    %dma_wait3A_2193 = arith.constant 0 : i32
    %dma_wait3A_2194 = tpu.memref_slice %arg5[%dma_wait3A_2192, %dma_wait3A_2193] : memref<504x64xf32, #tpu.memory_space<vmem>> -> memref<504x64xf32, #tpu.memory_space<vmem>>
    %dma_wait3A_2195 = arith.constant 0 : i32
    %dma_wait3A_2196 = tpu.memref_slice %arg2[%add3A_2186, %dma_wait3A_2195] : memref<1048576x64xf32, #tpu.memory_space<hbm>> -> memref<504x64xf32, #tpu.memory_space<hbm>>
    tpu.wait_dma2 semaphore(%arg7 : memref<!tpu.dma_semaphore, #tpu.memory_space<semaphore_mem>>) src(%dma_wait3A_2196 : memref<504x64xf32, #tpu.memory_space<hbm>>) dst(%dma_wait3A_2194 : memref<504x64xf32, #tpu.memory_space<vmem>>)
    %add3A_2197 = arith.constant 22680 : i32
    %add3A_2198 = arith.addi %mul3A_2, %add3A_2197 : i32
    %dma_start3A_2199 = arith.constant 0 : i32
    %dma_start3A_2200 = arith.constant 0 : i32
    %dma_start3A_2201 = tpu.memref_slice %arg5[%dma_start3A_2199, %dma_start3A_2200] : memref<504x64xf32, #tpu.memory_space<vmem>> -> memref<504x64xf32, #tpu.memory_space<vmem>>
    %dma_start3A_2202 = arith.constant 0 : i32
    %dma_start3A_2203 = tpu.memref_slice %arg3[%add3A_2198, %dma_start3A_2202] : memref<1048576x64xf32, #tpu.memory_space<hbm>> -> memref<504x64xf32, #tpu.memory_space<hbm>>
    %dma_start3A_2204 = arith.constant 0 : i32
    %dma_start3A_2205 = tpu.memref_slice %arg3[%add3A_2198, %dma_start3A_2204] : memref<1048576x64xf32, #tpu.memory_space<hbm>> -> memref<504x64xf32, #tpu.memory_space<hbm>>
    %dma_start3A_2206 = arith.constant 0 : i32
    %dma_start3A_2207 = arith.constant 0 : i32
    %dma_start3A_2208 = tpu.memref_slice %arg5[%dma_start3A_2206, %dma_start3A_2207] : memref<504x64xf32, #tpu.memory_space<vmem>> -> memref<504x64xf32, #tpu.memory_space<vmem>>
    tpu.enqueue_dma source(%dma_start3A_2208 : memref<504x64xf32, #tpu.memory_space<vmem>>) target(%dma_start3A_2205 : memref<504x64xf32, #tpu.memory_space<hbm>>) target_semaphore(%arg9 : memref<!tpu.dma_semaphore, #tpu.memory_space<semaphore_mem>>)
    %add3A_2209 = arith.constant 22680 : i32
    %add3A_2210 = arith.addi %mul3A_2, %add3A_2209 : i32
    %dma_wait3A_2211 = arith.constant 0 : i32
    %dma_wait3A_2212 = arith.constant 0 : i32
    %dma_wait3A_2213 = tpu.memref_slice %arg5[%dma_wait3A_2211, %dma_wait3A_2212] : memref<504x64xf32, #tpu.memory_space<vmem>> -> memref<504x64xf32, #tpu.memory_space<vmem>>
    %dma_wait3A_2214 = arith.constant 0 : i32
    %dma_wait3A_2215 = tpu.memref_slice %arg3[%add3A_2210, %dma_wait3A_2214] : memref<1048576x64xf32, #tpu.memory_space<hbm>> -> memref<504x64xf32, #tpu.memory_space<hbm>>
    %dma_wait3A_2216 = arith.constant 0 : i32
    %dma_wait3A_2217 = tpu.memref_slice %arg3[%add3A_2210, %dma_wait3A_2216] : memref<1048576x64xf32, #tpu.memory_space<hbm>> -> memref<504x64xf32, #tpu.memory_space<hbm>>
    %dma_wait3A_2218 = arith.constant 0 : i32
    %dma_wait3A_2219 = arith.constant 0 : i32
    %dma_wait3A_2220 = tpu.memref_slice %arg5[%dma_wait3A_2218, %dma_wait3A_2219] : memref<504x64xf32, #tpu.memory_space<vmem>> -> memref<504x64xf32, #tpu.memory_space<vmem>>
    tpu.wait_dma2 semaphore(%arg9 : memref<!tpu.dma_semaphore, #tpu.memory_space<semaphore_mem>>) src(%dma_wait3A_2220 : memref<504x64xf32, #tpu.memory_space<vmem>>) dst(%dma_wait3A_2217 : memref<504x64xf32, #tpu.memory_space<hbm>>)
    %add3A_2221 = arith.constant 23688 : i32
    %add3A_2222 = arith.addi %mul3A_2, %add3A_2221 : i32
    %dma_start3A_2223 = arith.constant 0 : i32
    %dma_start3A_2224 = arith.constant 0 : i32
    %dma_start3A_2225 = tpu.memref_slice %arg5[%dma_start3A_2223, %dma_start3A_2224] : memref<504x64xf32, #tpu.memory_space<vmem>> -> memref<504x64xf32, #tpu.memory_space<vmem>>
    %dma_start3A_2226 = arith.constant 0 : i32
    %dma_start3A_2227 = tpu.memref_slice %arg2[%add3A_2222, %dma_start3A_2226] : memref<1048576x64xf32, #tpu.memory_space<hbm>> -> memref<504x64xf32, #tpu.memory_space<hbm>>
    %dma_start3A_2228 = arith.constant 0 : i32
    %dma_start3A_2229 = arith.constant 0 : i32
    %dma_start3A_2230 = tpu.memref_slice %arg5[%dma_start3A_2228, %dma_start3A_2229] : memref<504x64xf32, #tpu.memory_space<vmem>> -> memref<504x64xf32, #tpu.memory_space<vmem>>
    %dma_start3A_2231 = arith.constant 0 : i32
    %dma_start3A_2232 = tpu.memref_slice %arg2[%add3A_2222, %dma_start3A_2231] : memref<1048576x64xf32, #tpu.memory_space<hbm>> -> memref<504x64xf32, #tpu.memory_space<hbm>>
    tpu.enqueue_dma source(%dma_start3A_2232 : memref<504x64xf32, #tpu.memory_space<hbm>>) target(%dma_start3A_2230 : memref<504x64xf32, #tpu.memory_space<vmem>>) target_semaphore(%arg7 : memref<!tpu.dma_semaphore, #tpu.memory_space<semaphore_mem>>)
    %add3A_2233 = arith.constant 23184 : i32
    %add3A_2234 = arith.addi %mul3A_2, %add3A_2233 : i32
    %dma_wait3A_2235 = arith.constant 0 : i32
    %dma_wait3A_2236 = arith.constant 0 : i32
    %dma_wait3A_2237 = tpu.memref_slice %arg4[%dma_wait3A_2235, %dma_wait3A_2236] : memref<504x64xf32, #tpu.memory_space<vmem>> -> memref<504x64xf32, #tpu.memory_space<vmem>>
    %dma_wait3A_2238 = arith.constant 0 : i32
    %dma_wait3A_2239 = tpu.memref_slice %arg2[%add3A_2234, %dma_wait3A_2238] : memref<1048576x64xf32, #tpu.memory_space<hbm>> -> memref<504x64xf32, #tpu.memory_space<hbm>>
    %dma_wait3A_2240 = arith.constant 0 : i32
    %dma_wait3A_2241 = arith.constant 0 : i32
    %dma_wait3A_2242 = tpu.memref_slice %arg4[%dma_wait3A_2240, %dma_wait3A_2241] : memref<504x64xf32, #tpu.memory_space<vmem>> -> memref<504x64xf32, #tpu.memory_space<vmem>>
    %dma_wait3A_2243 = arith.constant 0 : i32
    %dma_wait3A_2244 = tpu.memref_slice %arg2[%add3A_2234, %dma_wait3A_2243] : memref<1048576x64xf32, #tpu.memory_space<hbm>> -> memref<504x64xf32, #tpu.memory_space<hbm>>
    tpu.wait_dma2 semaphore(%arg6 : memref<!tpu.dma_semaphore, #tpu.memory_space<semaphore_mem>>) src(%dma_wait3A_2244 : memref<504x64xf32, #tpu.memory_space<hbm>>) dst(%dma_wait3A_2242 : memref<504x64xf32, #tpu.memory_space<vmem>>)
    %add3A_2245 = arith.constant 23184 : i32
    %add3A_2246 = arith.addi %mul3A_2, %add3A_2245 : i32
    %dma_start3A_2247 = arith.constant 0 : i32
    %dma_start3A_2248 = arith.constant 0 : i32
    %dma_start3A_2249 = tpu.memref_slice %arg4[%dma_start3A_2247, %dma_start3A_2248] : memref<504x64xf32, #tpu.memory_space<vmem>> -> memref<504x64xf32, #tpu.memory_space<vmem>>
    %dma_start3A_2250 = arith.constant 0 : i32
    %dma_start3A_2251 = tpu.memref_slice %arg3[%add3A_2246, %dma_start3A_2250] : memref<1048576x64xf32, #tpu.memory_space<hbm>> -> memref<504x64xf32, #tpu.memory_space<hbm>>
    %dma_start3A_2252 = arith.constant 0 : i32
    %dma_start3A_2253 = tpu.memref_slice %arg3[%add3A_2246, %dma_start3A_2252] : memref<1048576x64xf32, #tpu.memory_space<hbm>> -> memref<504x64xf32, #tpu.memory_space<hbm>>
    %dma_start3A_2254 = arith.constant 0 : i32
    %dma_start3A_2255 = arith.constant 0 : i32
    %dma_start3A_2256 = tpu.memref_slice %arg4[%dma_start3A_2254, %dma_start3A_2255] : memref<504x64xf32, #tpu.memory_space<vmem>> -> memref<504x64xf32, #tpu.memory_space<vmem>>
    tpu.enqueue_dma source(%dma_start3A_2256 : memref<504x64xf32, #tpu.memory_space<vmem>>) target(%dma_start3A_2253 : memref<504x64xf32, #tpu.memory_space<hbm>>) target_semaphore(%arg8 : memref<!tpu.dma_semaphore, #tpu.memory_space<semaphore_mem>>)
    %add3A_2257 = arith.constant 23184 : i32
    %add3A_2258 = arith.addi %mul3A_2, %add3A_2257 : i32
    %dma_wait3A_2259 = arith.constant 0 : i32
    %dma_wait3A_2260 = arith.constant 0 : i32
    %dma_wait3A_2261 = tpu.memref_slice %arg4[%dma_wait3A_2259, %dma_wait3A_2260] : memref<504x64xf32, #tpu.memory_space<vmem>> -> memref<504x64xf32, #tpu.memory_space<vmem>>
    %dma_wait3A_2262 = arith.constant 0 : i32
    %dma_wait3A_2263 = tpu.memref_slice %arg3[%add3A_2258, %dma_wait3A_2262] : memref<1048576x64xf32, #tpu.memory_space<hbm>> -> memref<504x64xf32, #tpu.memory_space<hbm>>
    %dma_wait3A_2264 = arith.constant 0 : i32
    %dma_wait3A_2265 = tpu.memref_slice %arg3[%add3A_2258, %dma_wait3A_2264] : memref<1048576x64xf32, #tpu.memory_space<hbm>> -> memref<504x64xf32, #tpu.memory_space<hbm>>
    %dma_wait3A_2266 = arith.constant 0 : i32
    %dma_wait3A_2267 = arith.constant 0 : i32
    %dma_wait3A_2268 = tpu.memref_slice %arg4[%dma_wait3A_2266, %dma_wait3A_2267] : memref<504x64xf32, #tpu.memory_space<vmem>> -> memref<504x64xf32, #tpu.memory_space<vmem>>
    tpu.wait_dma2 semaphore(%arg8 : memref<!tpu.dma_semaphore, #tpu.memory_space<semaphore_mem>>) src(%dma_wait3A_2268 : memref<504x64xf32, #tpu.memory_space<vmem>>) dst(%dma_wait3A_2265 : memref<504x64xf32, #tpu.memory_space<hbm>>)
    %add3A_2269 = arith.constant 24192 : i32
    %add3A_2270 = arith.addi %mul3A_2, %add3A_2269 : i32
    %dma_start3A_2271 = arith.constant 0 : i32
    %dma_start3A_2272 = arith.constant 0 : i32
    %dma_start3A_2273 = tpu.memref_slice %arg4[%dma_start3A_2271, %dma_start3A_2272] : memref<504x64xf32, #tpu.memory_space<vmem>> -> memref<504x64xf32, #tpu.memory_space<vmem>>
    %dma_start3A_2274 = arith.constant 0 : i32
    %dma_start3A_2275 = tpu.memref_slice %arg2[%add3A_2270, %dma_start3A_2274] : memref<1048576x64xf32, #tpu.memory_space<hbm>> -> memref<504x64xf32, #tpu.memory_space<hbm>>
    %dma_start3A_2276 = arith.constant 0 : i32
    %dma_start3A_2277 = arith.constant 0 : i32
    %dma_start3A_2278 = tpu.memref_slice %arg4[%dma_start3A_2276, %dma_start3A_2277] : memref<504x64xf32, #tpu.memory_space<vmem>> -> memref<504x64xf32, #tpu.memory_space<vmem>>
    %dma_start3A_2279 = arith.constant 0 : i32
    %dma_start3A_2280 = tpu.memref_slice %arg2[%add3A_2270, %dma_start3A_2279] : memref<1048576x64xf32, #tpu.memory_space<hbm>> -> memref<504x64xf32, #tpu.memory_space<hbm>>
    tpu.enqueue_dma source(%dma_start3A_2280 : memref<504x64xf32, #tpu.memory_space<hbm>>) target(%dma_start3A_2278 : memref<504x64xf32, #tpu.memory_space<vmem>>) target_semaphore(%arg6 : memref<!tpu.dma_semaphore, #tpu.memory_space<semaphore_mem>>)
    %add3A_2281 = arith.constant 23688 : i32
    %add3A_2282 = arith.addi %mul3A_2, %add3A_2281 : i32
    %dma_wait3A_2283 = arith.constant 0 : i32
    %dma_wait3A_2284 = arith.constant 0 : i32
    %dma_wait3A_2285 = tpu.memref_slice %arg5[%dma_wait3A_2283, %dma_wait3A_2284] : memref<504x64xf32, #tpu.memory_space<vmem>> -> memref<504x64xf32, #tpu.memory_space<vmem>>
    %dma_wait3A_2286 = arith.constant 0 : i32
    %dma_wait3A_2287 = tpu.memref_slice %arg2[%add3A_2282, %dma_wait3A_2286] : memref<1048576x64xf32, #tpu.memory_space<hbm>> -> memref<504x64xf32, #tpu.memory_space<hbm>>
    %dma_wait3A_2288 = arith.constant 0 : i32
    %dma_wait3A_2289 = arith.constant 0 : i32
    %dma_wait3A_2290 = tpu.memref_slice %arg5[%dma_wait3A_2288, %dma_wait3A_2289] : memref<504x64xf32, #tpu.memory_space<vmem>> -> memref<504x64xf32, #tpu.memory_space<vmem>>
    %dma_wait3A_2291 = arith.constant 0 : i32
    %dma_wait3A_2292 = tpu.memref_slice %arg2[%add3A_2282, %dma_wait3A_2291] : memref<1048576x64xf32, #tpu.memory_space<hbm>> -> memref<504x64xf32, #tpu.memory_space<hbm>>
    tpu.wait_dma2 semaphore(%arg7 : memref<!tpu.dma_semaphore, #tpu.memory_space<semaphore_mem>>) src(%dma_wait3A_2292 : memref<504x64xf32, #tpu.memory_space<hbm>>) dst(%dma_wait3A_2290 : memref<504x64xf32, #tpu.memory_space<vmem>>)
    %add3A_2293 = arith.constant 23688 : i32
    %add3A_2294 = arith.addi %mul3A_2, %add3A_2293 : i32
    %dma_start3A_2295 = arith.constant 0 : i32
    %dma_start3A_2296 = arith.constant 0 : i32
    %dma_start3A_2297 = tpu.memref_slice %arg5[%dma_start3A_2295, %dma_start3A_2296] : memref<504x64xf32, #tpu.memory_space<vmem>> -> memref<504x64xf32, #tpu.memory_space<vmem>>
    %dma_start3A_2298 = arith.constant 0 : i32
    %dma_start3A_2299 = tpu.memref_slice %arg3[%add3A_2294, %dma_start3A_2298] : memref<1048576x64xf32, #tpu.memory_space<hbm>> -> memref<504x64xf32, #tpu.memory_space<hbm>>
    %dma_start3A_2300 = arith.constant 0 : i32
    %dma_start3A_2301 = tpu.memref_slice %arg3[%add3A_2294, %dma_start3A_2300] : memref<1048576x64xf32, #tpu.memory_space<hbm>> -> memref<504x64xf32, #tpu.memory_space<hbm>>
    %dma_start3A_2302 = arith.constant 0 : i32
    %dma_start3A_2303 = arith.constant 0 : i32
    %dma_start3A_2304 = tpu.memref_slice %arg5[%dma_start3A_2302, %dma_start3A_2303] : memref<504x64xf32, #tpu.memory_space<vmem>> -> memref<504x64xf32, #tpu.memory_space<vmem>>
    tpu.enqueue_dma source(%dma_start3A_2304 : memref<504x64xf32, #tpu.memory_space<vmem>>) target(%dma_start3A_2301 : memref<504x64xf32, #tpu.memory_space<hbm>>) target_semaphore(%arg9 : memref<!tpu.dma_semaphore, #tpu.memory_space<semaphore_mem>>)
    %add3A_2305 = arith.constant 23688 : i32
    %add3A_2306 = arith.addi %mul3A_2, %add3A_2305 : i32
    %dma_wait3A_2307 = arith.constant 0 : i32
    %dma_wait3A_2308 = arith.constant 0 : i32
    %dma_wait3A_2309 = tpu.memref_slice %arg5[%dma_wait3A_2307, %dma_wait3A_2308] : memref<504x64xf32, #tpu.memory_space<vmem>> -> memref<504x64xf32, #tpu.memory_space<vmem>>
    %dma_wait3A_2310 = arith.constant 0 : i32
    %dma_wait3A_2311 = tpu.memref_slice %arg3[%add3A_2306, %dma_wait3A_2310] : memref<1048576x64xf32, #tpu.memory_space<hbm>> -> memref<504x64xf32, #tpu.memory_space<hbm>>
    %dma_wait3A_2312 = arith.constant 0 : i32
    %dma_wait3A_2313 = tpu.memref_slice %arg3[%add3A_2306, %dma_wait3A_2312] : memref<1048576x64xf32, #tpu.memory_space<hbm>> -> memref<504x64xf32, #tpu.memory_space<hbm>>
    %dma_wait3A_2314 = arith.constant 0 : i32
    %dma_wait3A_2315 = arith.constant 0 : i32
    %dma_wait3A_2316 = tpu.memref_slice %arg5[%dma_wait3A_2314, %dma_wait3A_2315] : memref<504x64xf32, #tpu.memory_space<vmem>> -> memref<504x64xf32, #tpu.memory_space<vmem>>
    tpu.wait_dma2 semaphore(%arg9 : memref<!tpu.dma_semaphore, #tpu.memory_space<semaphore_mem>>) src(%dma_wait3A_2316 : memref<504x64xf32, #tpu.memory_space<vmem>>) dst(%dma_wait3A_2313 : memref<504x64xf32, #tpu.memory_space<hbm>>)
    %add3A_2317 = arith.constant 24696 : i32
    %add3A_2318 = arith.addi %mul3A_2, %add3A_2317 : i32
    %dma_start3A_2319 = arith.constant 0 : i32
    %dma_start3A_2320 = arith.constant 0 : i32
    %dma_start3A_2321 = tpu.memref_slice %arg5[%dma_start3A_2319, %dma_start3A_2320] : memref<504x64xf32, #tpu.memory_space<vmem>> -> memref<504x64xf32, #tpu.memory_space<vmem>>
    %dma_start3A_2322 = arith.constant 0 : i32
    %dma_start3A_2323 = tpu.memref_slice %arg2[%add3A_2318, %dma_start3A_2322] : memref<1048576x64xf32, #tpu.memory_space<hbm>> -> memref<504x64xf32, #tpu.memory_space<hbm>>
    %dma_start3A_2324 = arith.constant 0 : i32
    %dma_start3A_2325 = arith.constant 0 : i32
    %dma_start3A_2326 = tpu.memref_slice %arg5[%dma_start3A_2324, %dma_start3A_2325] : memref<504x64xf32, #tpu.memory_space<vmem>> -> memref<504x64xf32, #tpu.memory_space<vmem>>
    %dma_start3A_2327 = arith.constant 0 : i32
    %dma_start3A_2328 = tpu.memref_slice %arg2[%add3A_2318, %dma_start3A_2327] : memref<1048576x64xf32, #tpu.memory_space<hbm>> -> memref<504x64xf32, #tpu.memory_space<hbm>>
    tpu.enqueue_dma source(%dma_start3A_2328 : memref<504x64xf32, #tpu.memory_space<hbm>>) target(%dma_start3A_2326 : memref<504x64xf32, #tpu.memory_space<vmem>>) target_semaphore(%arg7 : memref<!tpu.dma_semaphore, #tpu.memory_space<semaphore_mem>>)
    %add3A_2329 = arith.constant 24192 : i32
    %add3A_2330 = arith.addi %mul3A_2, %add3A_2329 : i32
    %dma_wait3A_2331 = arith.constant 0 : i32
    %dma_wait3A_2332 = arith.constant 0 : i32
    %dma_wait3A_2333 = tpu.memref_slice %arg4[%dma_wait3A_2331, %dma_wait3A_2332] : memref<504x64xf32, #tpu.memory_space<vmem>> -> memref<504x64xf32, #tpu.memory_space<vmem>>
    %dma_wait3A_2334 = arith.constant 0 : i32
    %dma_wait3A_2335 = tpu.memref_slice %arg2[%add3A_2330, %dma_wait3A_2334] : memref<1048576x64xf32, #tpu.memory_space<hbm>> -> memref<504x64xf32, #tpu.memory_space<hbm>>
    %dma_wait3A_2336 = arith.constant 0 : i32
    %dma_wait3A_2337 = arith.constant 0 : i32
    %dma_wait3A_2338 = tpu.memref_slice %arg4[%dma_wait3A_2336, %dma_wait3A_2337] : memref<504x64xf32, #tpu.memory_space<vmem>> -> memref<504x64xf32, #tpu.memory_space<vmem>>
    %dma_wait3A_2339 = arith.constant 0 : i32
    %dma_wait3A_2340 = tpu.memref_slice %arg2[%add3A_2330, %dma_wait3A_2339] : memref<1048576x64xf32, #tpu.memory_space<hbm>> -> memref<504x64xf32, #tpu.memory_space<hbm>>
    tpu.wait_dma2 semaphore(%arg6 : memref<!tpu.dma_semaphore, #tpu.memory_space<semaphore_mem>>) src(%dma_wait3A_2340 : memref<504x64xf32, #tpu.memory_space<hbm>>) dst(%dma_wait3A_2338 : memref<504x64xf32, #tpu.memory_space<vmem>>)
    %add3A_2341 = arith.constant 24192 : i32
    %add3A_2342 = arith.addi %mul3A_2, %add3A_2341 : i32
    %dma_start3A_2343 = arith.constant 0 : i32
    %dma_start3A_2344 = arith.constant 0 : i32
    %dma_start3A_2345 = tpu.memref_slice %arg4[%dma_start3A_2343, %dma_start3A_2344] : memref<504x64xf32, #tpu.memory_space<vmem>> -> memref<504x64xf32, #tpu.memory_space<vmem>>
    %dma_start3A_2346 = arith.constant 0 : i32
    %dma_start3A_2347 = tpu.memref_slice %arg3[%add3A_2342, %dma_start3A_2346] : memref<1048576x64xf32, #tpu.memory_space<hbm>> -> memref<504x64xf32, #tpu.memory_space<hbm>>
    %dma_start3A_2348 = arith.constant 0 : i32
    %dma_start3A_2349 = tpu.memref_slice %arg3[%add3A_2342, %dma_start3A_2348] : memref<1048576x64xf32, #tpu.memory_space<hbm>> -> memref<504x64xf32, #tpu.memory_space<hbm>>
    %dma_start3A_2350 = arith.constant 0 : i32
    %dma_start3A_2351 = arith.constant 0 : i32
    %dma_start3A_2352 = tpu.memref_slice %arg4[%dma_start3A_2350, %dma_start3A_2351] : memref<504x64xf32, #tpu.memory_space<vmem>> -> memref<504x64xf32, #tpu.memory_space<vmem>>
    tpu.enqueue_dma source(%dma_start3A_2352 : memref<504x64xf32, #tpu.memory_space<vmem>>) target(%dma_start3A_2349 : memref<504x64xf32, #tpu.memory_space<hbm>>) target_semaphore(%arg8 : memref<!tpu.dma_semaphore, #tpu.memory_space<semaphore_mem>>)
    %add3A_2353 = arith.constant 24192 : i32
    %add3A_2354 = arith.addi %mul3A_2, %add3A_2353 : i32
    %dma_wait3A_2355 = arith.constant 0 : i32
    %dma_wait3A_2356 = arith.constant 0 : i32
    %dma_wait3A_2357 = tpu.memref_slice %arg4[%dma_wait3A_2355, %dma_wait3A_2356] : memref<504x64xf32, #tpu.memory_space<vmem>> -> memref<504x64xf32, #tpu.memory_space<vmem>>
    %dma_wait3A_2358 = arith.constant 0 : i32
    %dma_wait3A_2359 = tpu.memref_slice %arg3[%add3A_2354, %dma_wait3A_2358] : memref<1048576x64xf32, #tpu.memory_space<hbm>> -> memref<504x64xf32, #tpu.memory_space<hbm>>
    %dma_wait3A_2360 = arith.constant 0 : i32
    %dma_wait3A_2361 = tpu.memref_slice %arg3[%add3A_2354, %dma_wait3A_2360] : memref<1048576x64xf32, #tpu.memory_space<hbm>> -> memref<504x64xf32, #tpu.memory_space<hbm>>
    %dma_wait3A_2362 = arith.constant 0 : i32
    %dma_wait3A_2363 = arith.constant 0 : i32
    %dma_wait3A_2364 = tpu.memref_slice %arg4[%dma_wait3A_2362, %dma_wait3A_2363] : memref<504x64xf32, #tpu.memory_space<vmem>> -> memref<504x64xf32, #tpu.memory_space<vmem>>
    tpu.wait_dma2 semaphore(%arg8 : memref<!tpu.dma_semaphore, #tpu.memory_space<semaphore_mem>>) src(%dma_wait3A_2364 : memref<504x64xf32, #tpu.memory_space<vmem>>) dst(%dma_wait3A_2361 : memref<504x64xf32, #tpu.memory_space<hbm>>)
    %add3A_2365 = arith.constant 25200 : i32
    %add3A_2366 = arith.addi %mul3A_2, %add3A_2365 : i32
    %dma_start3A_2367 = arith.constant 0 : i32
    %dma_start3A_2368 = arith.constant 0 : i32
    %dma_start3A_2369 = tpu.memref_slice %arg4[%dma_start3A_2367, %dma_start3A_2368] : memref<504x64xf32, #tpu.memory_space<vmem>> -> memref<504x64xf32, #tpu.memory_space<vmem>>
    %dma_start3A_2370 = arith.constant 0 : i32
    %dma_start3A_2371 = tpu.memref_slice %arg2[%add3A_2366, %dma_start3A_2370] : memref<1048576x64xf32, #tpu.memory_space<hbm>> -> memref<504x64xf32, #tpu.memory_space<hbm>>
    %dma_start3A_2372 = arith.constant 0 : i32
    %dma_start3A_2373 = arith.constant 0 : i32
    %dma_start3A_2374 = tpu.memref_slice %arg4[%dma_start3A_2372, %dma_start3A_2373] : memref<504x64xf32, #tpu.memory_space<vmem>> -> memref<504x64xf32, #tpu.memory_space<vmem>>
    %dma_start3A_2375 = arith.constant 0 : i32
    %dma_start3A_2376 = tpu.memref_slice %arg2[%add3A_2366, %dma_start3A_2375] : memref<1048576x64xf32, #tpu.memory_space<hbm>> -> memref<504x64xf32, #tpu.memory_space<hbm>>
    tpu.enqueue_dma source(%dma_start3A_2376 : memref<504x64xf32, #tpu.memory_space<hbm>>) target(%dma_start3A_2374 : memref<504x64xf32, #tpu.memory_space<vmem>>) target_semaphore(%arg6 : memref<!tpu.dma_semaphore, #tpu.memory_space<semaphore_mem>>)
    %add3A_2377 = arith.constant 24696 : i32
    %add3A_2378 = arith.addi %mul3A_2, %add3A_2377 : i32
    %dma_wait3A_2379 = arith.constant 0 : i32
    %dma_wait3A_2380 = arith.constant 0 : i32
    %dma_wait3A_2381 = tpu.memref_slice %arg5[%dma_wait3A_2379, %dma_wait3A_2380] : memref<504x64xf32, #tpu.memory_space<vmem>> -> memref<504x64xf32, #tpu.memory_space<vmem>>
    %dma_wait3A_2382 = arith.constant 0 : i32
    %dma_wait3A_2383 = tpu.memref_slice %arg2[%add3A_2378, %dma_wait3A_2382] : memref<1048576x64xf32, #tpu.memory_space<hbm>> -> memref<504x64xf32, #tpu.memory_space<hbm>>
    %dma_wait3A_2384 = arith.constant 0 : i32
    %dma_wait3A_2385 = arith.constant 0 : i32
    %dma_wait3A_2386 = tpu.memref_slice %arg5[%dma_wait3A_2384, %dma_wait3A_2385] : memref<504x64xf32, #tpu.memory_space<vmem>> -> memref<504x64xf32, #tpu.memory_space<vmem>>
    %dma_wait3A_2387 = arith.constant 0 : i32
    %dma_wait3A_2388 = tpu.memref_slice %arg2[%add3A_2378, %dma_wait3A_2387] : memref<1048576x64xf32, #tpu.memory_space<hbm>> -> memref<504x64xf32, #tpu.memory_space<hbm>>
    tpu.wait_dma2 semaphore(%arg7 : memref<!tpu.dma_semaphore, #tpu.memory_space<semaphore_mem>>) src(%dma_wait3A_2388 : memref<504x64xf32, #tpu.memory_space<hbm>>) dst(%dma_wait3A_2386 : memref<504x64xf32, #tpu.memory_space<vmem>>)
    %add3A_2389 = arith.constant 24696 : i32
    %add3A_2390 = arith.addi %mul3A_2, %add3A_2389 : i32
    %dma_start3A_2391 = arith.constant 0 : i32
    %dma_start3A_2392 = arith.constant 0 : i32
    %dma_start3A_2393 = tpu.memref_slice %arg5[%dma_start3A_2391, %dma_start3A_2392] : memref<504x64xf32, #tpu.memory_space<vmem>> -> memref<504x64xf32, #tpu.memory_space<vmem>>
    %dma_start3A_2394 = arith.constant 0 : i32
    %dma_start3A_2395 = tpu.memref_slice %arg3[%add3A_2390, %dma_start3A_2394] : memref<1048576x64xf32, #tpu.memory_space<hbm>> -> memref<504x64xf32, #tpu.memory_space<hbm>>
    %dma_start3A_2396 = arith.constant 0 : i32
    %dma_start3A_2397 = tpu.memref_slice %arg3[%add3A_2390, %dma_start3A_2396] : memref<1048576x64xf32, #tpu.memory_space<hbm>> -> memref<504x64xf32, #tpu.memory_space<hbm>>
    %dma_start3A_2398 = arith.constant 0 : i32
    %dma_start3A_2399 = arith.constant 0 : i32
    %dma_start3A_2400 = tpu.memref_slice %arg5[%dma_start3A_2398, %dma_start3A_2399] : memref<504x64xf32, #tpu.memory_space<vmem>> -> memref<504x64xf32, #tpu.memory_space<vmem>>
    tpu.enqueue_dma source(%dma_start3A_2400 : memref<504x64xf32, #tpu.memory_space<vmem>>) target(%dma_start3A_2397 : memref<504x64xf32, #tpu.memory_space<hbm>>) target_semaphore(%arg9 : memref<!tpu.dma_semaphore, #tpu.memory_space<semaphore_mem>>)
    %add3A_2401 = arith.constant 24696 : i32
    %add3A_2402 = arith.addi %mul3A_2, %add3A_2401 : i32
    %dma_wait3A_2403 = arith.constant 0 : i32
    %dma_wait3A_2404 = arith.constant 0 : i32
    %dma_wait3A_2405 = tpu.memref_slice %arg5[%dma_wait3A_2403, %dma_wait3A_2404] : memref<504x64xf32, #tpu.memory_space<vmem>> -> memref<504x64xf32, #tpu.memory_space<vmem>>
    %dma_wait3A_2406 = arith.constant 0 : i32
    %dma_wait3A_2407 = tpu.memref_slice %arg3[%add3A_2402, %dma_wait3A_2406] : memref<1048576x64xf32, #tpu.memory_space<hbm>> -> memref<504x64xf32, #tpu.memory_space<hbm>>
    %dma_wait3A_2408 = arith.constant 0 : i32
    %dma_wait3A_2409 = tpu.memref_slice %arg3[%add3A_2402, %dma_wait3A_2408] : memref<1048576x64xf32, #tpu.memory_space<hbm>> -> memref<504x64xf32, #tpu.memory_space<hbm>>
    %dma_wait3A_2410 = arith.constant 0 : i32
    %dma_wait3A_2411 = arith.constant 0 : i32
    %dma_wait3A_2412 = tpu.memref_slice %arg5[%dma_wait3A_2410, %dma_wait3A_2411] : memref<504x64xf32, #tpu.memory_space<vmem>> -> memref<504x64xf32, #tpu.memory_space<vmem>>
    tpu.wait_dma2 semaphore(%arg9 : memref<!tpu.dma_semaphore, #tpu.memory_space<semaphore_mem>>) src(%dma_wait3A_2412 : memref<504x64xf32, #tpu.memory_space<vmem>>) dst(%dma_wait3A_2409 : memref<504x64xf32, #tpu.memory_space<hbm>>)
    %add3A_2413 = arith.constant 25704 : i32
    %add3A_2414 = arith.addi %mul3A_2, %add3A_2413 : i32
    %dma_start3A_2415 = arith.constant 0 : i32
    %dma_start3A_2416 = arith.constant 0 : i32
    %dma_start3A_2417 = tpu.memref_slice %arg5[%dma_start3A_2415, %dma_start3A_2416] : memref<504x64xf32, #tpu.memory_space<vmem>> -> memref<504x64xf32, #tpu.memory_space<vmem>>
    %dma_start3A_2418 = arith.constant 0 : i32
    %dma_start3A_2419 = tpu.memref_slice %arg2[%add3A_2414, %dma_start3A_2418] : memref<1048576x64xf32, #tpu.memory_space<hbm>> -> memref<504x64xf32, #tpu.memory_space<hbm>>
    %dma_start3A_2420 = arith.constant 0 : i32
    %dma_start3A_2421 = arith.constant 0 : i32
    %dma_start3A_2422 = tpu.memref_slice %arg5[%dma_start3A_2420, %dma_start3A_2421] : memref<504x64xf32, #tpu.memory_space<vmem>> -> memref<504x64xf32, #tpu.memory_space<vmem>>
    %dma_start3A_2423 = arith.constant 0 : i32
    %dma_start3A_2424 = tpu.memref_slice %arg2[%add3A_2414, %dma_start3A_2423] : memref<1048576x64xf32, #tpu.memory_space<hbm>> -> memref<504x64xf32, #tpu.memory_space<hbm>>
    tpu.enqueue_dma source(%dma_start3A_2424 : memref<504x64xf32, #tpu.memory_space<hbm>>) target(%dma_start3A_2422 : memref<504x64xf32, #tpu.memory_space<vmem>>) target_semaphore(%arg7 : memref<!tpu.dma_semaphore, #tpu.memory_space<semaphore_mem>>)
    %add3A_2425 = arith.constant 25200 : i32
    %add3A_2426 = arith.addi %mul3A_2, %add3A_2425 : i32
    %dma_wait3A_2427 = arith.constant 0 : i32
    %dma_wait3A_2428 = arith.constant 0 : i32
    %dma_wait3A_2429 = tpu.memref_slice %arg4[%dma_wait3A_2427, %dma_wait3A_2428] : memref<504x64xf32, #tpu.memory_space<vmem>> -> memref<504x64xf32, #tpu.memory_space<vmem>>
    %dma_wait3A_2430 = arith.constant 0 : i32
    %dma_wait3A_2431 = tpu.memref_slice %arg2[%add3A_2426, %dma_wait3A_2430] : memref<1048576x64xf32, #tpu.memory_space<hbm>> -> memref<504x64xf32, #tpu.memory_space<hbm>>
    %dma_wait3A_2432 = arith.constant 0 : i32
    %dma_wait3A_2433 = arith.constant 0 : i32
    %dma_wait3A_2434 = tpu.memref_slice %arg4[%dma_wait3A_2432, %dma_wait3A_2433] : memref<504x64xf32, #tpu.memory_space<vmem>> -> memref<504x64xf32, #tpu.memory_space<vmem>>
    %dma_wait3A_2435 = arith.constant 0 : i32
    %dma_wait3A_2436 = tpu.memref_slice %arg2[%add3A_2426, %dma_wait3A_2435] : memref<1048576x64xf32, #tpu.memory_space<hbm>> -> memref<504x64xf32, #tpu.memory_space<hbm>>
    tpu.wait_dma2 semaphore(%arg6 : memref<!tpu.dma_semaphore, #tpu.memory_space<semaphore_mem>>) src(%dma_wait3A_2436 : memref<504x64xf32, #tpu.memory_space<hbm>>) dst(%dma_wait3A_2434 : memref<504x64xf32, #tpu.memory_space<vmem>>)
    %add3A_2437 = arith.constant 25200 : i32
    %add3A_2438 = arith.addi %mul3A_2, %add3A_2437 : i32
    %dma_start3A_2439 = arith.constant 0 : i32
    %dma_start3A_2440 = arith.constant 0 : i32
    %dma_start3A_2441 = tpu.memref_slice %arg4[%dma_start3A_2439, %dma_start3A_2440] : memref<504x64xf32, #tpu.memory_space<vmem>> -> memref<504x64xf32, #tpu.memory_space<vmem>>
    %dma_start3A_2442 = arith.constant 0 : i32
    %dma_start3A_2443 = tpu.memref_slice %arg3[%add3A_2438, %dma_start3A_2442] : memref<1048576x64xf32, #tpu.memory_space<hbm>> -> memref<504x64xf32, #tpu.memory_space<hbm>>
    %dma_start3A_2444 = arith.constant 0 : i32
    %dma_start3A_2445 = tpu.memref_slice %arg3[%add3A_2438, %dma_start3A_2444] : memref<1048576x64xf32, #tpu.memory_space<hbm>> -> memref<504x64xf32, #tpu.memory_space<hbm>>
    %dma_start3A_2446 = arith.constant 0 : i32
    %dma_start3A_2447 = arith.constant 0 : i32
    %dma_start3A_2448 = tpu.memref_slice %arg4[%dma_start3A_2446, %dma_start3A_2447] : memref<504x64xf32, #tpu.memory_space<vmem>> -> memref<504x64xf32, #tpu.memory_space<vmem>>
    tpu.enqueue_dma source(%dma_start3A_2448 : memref<504x64xf32, #tpu.memory_space<vmem>>) target(%dma_start3A_2445 : memref<504x64xf32, #tpu.memory_space<hbm>>) target_semaphore(%arg8 : memref<!tpu.dma_semaphore, #tpu.memory_space<semaphore_mem>>)
    %add3A_2449 = arith.constant 25200 : i32
    %add3A_2450 = arith.addi %mul3A_2, %add3A_2449 : i32
    %dma_wait3A_2451 = arith.constant 0 : i32
    %dma_wait3A_2452 = arith.constant 0 : i32
    %dma_wait3A_2453 = tpu.memref_slice %arg4[%dma_wait3A_2451, %dma_wait3A_2452] : memref<504x64xf32, #tpu.memory_space<vmem>> -> memref<504x64xf32, #tpu.memory_space<vmem>>
    %dma_wait3A_2454 = arith.constant 0 : i32
    %dma_wait3A_2455 = tpu.memref_slice %arg3[%add3A_2450, %dma_wait3A_2454] : memref<1048576x64xf32, #tpu.memory_space<hbm>> -> memref<504x64xf32, #tpu.memory_space<hbm>>
    %dma_wait3A_2456 = arith.constant 0 : i32
    %dma_wait3A_2457 = tpu.memref_slice %arg3[%add3A_2450, %dma_wait3A_2456] : memref<1048576x64xf32, #tpu.memory_space<hbm>> -> memref<504x64xf32, #tpu.memory_space<hbm>>
    %dma_wait3A_2458 = arith.constant 0 : i32
    %dma_wait3A_2459 = arith.constant 0 : i32
    %dma_wait3A_2460 = tpu.memref_slice %arg4[%dma_wait3A_2458, %dma_wait3A_2459] : memref<504x64xf32, #tpu.memory_space<vmem>> -> memref<504x64xf32, #tpu.memory_space<vmem>>
    tpu.wait_dma2 semaphore(%arg8 : memref<!tpu.dma_semaphore, #tpu.memory_space<semaphore_mem>>) src(%dma_wait3A_2460 : memref<504x64xf32, #tpu.memory_space<vmem>>) dst(%dma_wait3A_2457 : memref<504x64xf32, #tpu.memory_space<hbm>>)
    %add3A_2461 = arith.constant 26208 : i32
    %add3A_2462 = arith.addi %mul3A_2, %add3A_2461 : i32
    %dma_start3A_2463 = arith.constant 0 : i32
    %dma_start3A_2464 = arith.constant 0 : i32
    %dma_start3A_2465 = tpu.memref_slice %arg4[%dma_start3A_2463, %dma_start3A_2464] : memref<504x64xf32, #tpu.memory_space<vmem>> -> memref<504x64xf32, #tpu.memory_space<vmem>>
    %dma_start3A_2466 = arith.constant 0 : i32
    %dma_start3A_2467 = tpu.memref_slice %arg2[%add3A_2462, %dma_start3A_2466] : memref<1048576x64xf32, #tpu.memory_space<hbm>> -> memref<504x64xf32, #tpu.memory_space<hbm>>
    %dma_start3A_2468 = arith.constant 0 : i32
    %dma_start3A_2469 = arith.constant 0 : i32
    %dma_start3A_2470 = tpu.memref_slice %arg4[%dma_start3A_2468, %dma_start3A_2469] : memref<504x64xf32, #tpu.memory_space<vmem>> -> memref<504x64xf32, #tpu.memory_space<vmem>>
    %dma_start3A_2471 = arith.constant 0 : i32
    %dma_start3A_2472 = tpu.memref_slice %arg2[%add3A_2462, %dma_start3A_2471] : memref<1048576x64xf32, #tpu.memory_space<hbm>> -> memref<504x64xf32, #tpu.memory_space<hbm>>
    tpu.enqueue_dma source(%dma_start3A_2472 : memref<504x64xf32, #tpu.memory_space<hbm>>) target(%dma_start3A_2470 : memref<504x64xf32, #tpu.memory_space<vmem>>) target_semaphore(%arg6 : memref<!tpu.dma_semaphore, #tpu.memory_space<semaphore_mem>>)
    %add3A_2473 = arith.constant 25704 : i32
    %add3A_2474 = arith.addi %mul3A_2, %add3A_2473 : i32
    %dma_wait3A_2475 = arith.constant 0 : i32
    %dma_wait3A_2476 = arith.constant 0 : i32
    %dma_wait3A_2477 = tpu.memref_slice %arg5[%dma_wait3A_2475, %dma_wait3A_2476] : memref<504x64xf32, #tpu.memory_space<vmem>> -> memref<504x64xf32, #tpu.memory_space<vmem>>
    %dma_wait3A_2478 = arith.constant 0 : i32
    %dma_wait3A_2479 = tpu.memref_slice %arg2[%add3A_2474, %dma_wait3A_2478] : memref<1048576x64xf32, #tpu.memory_space<hbm>> -> memref<504x64xf32, #tpu.memory_space<hbm>>
    %dma_wait3A_2480 = arith.constant 0 : i32
    %dma_wait3A_2481 = arith.constant 0 : i32
    %dma_wait3A_2482 = tpu.memref_slice %arg5[%dma_wait3A_2480, %dma_wait3A_2481] : memref<504x64xf32, #tpu.memory_space<vmem>> -> memref<504x64xf32, #tpu.memory_space<vmem>>
    %dma_wait3A_2483 = arith.constant 0 : i32
    %dma_wait3A_2484 = tpu.memref_slice %arg2[%add3A_2474, %dma_wait3A_2483] : memref<1048576x64xf32, #tpu.memory_space<hbm>> -> memref<504x64xf32, #tpu.memory_space<hbm>>
    tpu.wait_dma2 semaphore(%arg7 : memref<!tpu.dma_semaphore, #tpu.memory_space<semaphore_mem>>) src(%dma_wait3A_2484 : memref<504x64xf32, #tpu.memory_space<hbm>>) dst(%dma_wait3A_2482 : memref<504x64xf32, #tpu.memory_space<vmem>>)
    %add3A_2485 = arith.constant 25704 : i32
    %add3A_2486 = arith.addi %mul3A_2, %add3A_2485 : i32
    %dma_start3A_2487 = arith.constant 0 : i32
    %dma_start3A_2488 = arith.constant 0 : i32
    %dma_start3A_2489 = tpu.memref_slice %arg5[%dma_start3A_2487, %dma_start3A_2488] : memref<504x64xf32, #tpu.memory_space<vmem>> -> memref<504x64xf32, #tpu.memory_space<vmem>>
    %dma_start3A_2490 = arith.constant 0 : i32
    %dma_start3A_2491 = tpu.memref_slice %arg3[%add3A_2486, %dma_start3A_2490] : memref<1048576x64xf32, #tpu.memory_space<hbm>> -> memref<504x64xf32, #tpu.memory_space<hbm>>
    %dma_start3A_2492 = arith.constant 0 : i32
    %dma_start3A_2493 = tpu.memref_slice %arg3[%add3A_2486, %dma_start3A_2492] : memref<1048576x64xf32, #tpu.memory_space<hbm>> -> memref<504x64xf32, #tpu.memory_space<hbm>>
    %dma_start3A_2494 = arith.constant 0 : i32
    %dma_start3A_2495 = arith.constant 0 : i32
    %dma_start3A_2496 = tpu.memref_slice %arg5[%dma_start3A_2494, %dma_start3A_2495] : memref<504x64xf32, #tpu.memory_space<vmem>> -> memref<504x64xf32, #tpu.memory_space<vmem>>
    tpu.enqueue_dma source(%dma_start3A_2496 : memref<504x64xf32, #tpu.memory_space<vmem>>) target(%dma_start3A_2493 : memref<504x64xf32, #tpu.memory_space<hbm>>) target_semaphore(%arg9 : memref<!tpu.dma_semaphore, #tpu.memory_space<semaphore_mem>>)
    %add3A_2497 = arith.constant 25704 : i32
    %add3A_2498 = arith.addi %mul3A_2, %add3A_2497 : i32
    %dma_wait3A_2499 = arith.constant 0 : i32
    %dma_wait3A_2500 = arith.constant 0 : i32
    %dma_wait3A_2501 = tpu.memref_slice %arg5[%dma_wait3A_2499, %dma_wait3A_2500] : memref<504x64xf32, #tpu.memory_space<vmem>> -> memref<504x64xf32, #tpu.memory_space<vmem>>
    %dma_wait3A_2502 = arith.constant 0 : i32
    %dma_wait3A_2503 = tpu.memref_slice %arg3[%add3A_2498, %dma_wait3A_2502] : memref<1048576x64xf32, #tpu.memory_space<hbm>> -> memref<504x64xf32, #tpu.memory_space<hbm>>
    %dma_wait3A_2504 = arith.constant 0 : i32
    %dma_wait3A_2505 = tpu.memref_slice %arg3[%add3A_2498, %dma_wait3A_2504] : memref<1048576x64xf32, #tpu.memory_space<hbm>> -> memref<504x64xf32, #tpu.memory_space<hbm>>
    %dma_wait3A_2506 = arith.constant 0 : i32
    %dma_wait3A_2507 = arith.constant 0 : i32
    %dma_wait3A_2508 = tpu.memref_slice %arg5[%dma_wait3A_2506, %dma_wait3A_2507] : memref<504x64xf32, #tpu.memory_space<vmem>> -> memref<504x64xf32, #tpu.memory_space<vmem>>
    tpu.wait_dma2 semaphore(%arg9 : memref<!tpu.dma_semaphore, #tpu.memory_space<semaphore_mem>>) src(%dma_wait3A_2508 : memref<504x64xf32, #tpu.memory_space<vmem>>) dst(%dma_wait3A_2505 : memref<504x64xf32, #tpu.memory_space<hbm>>)
    %add3A_2509 = arith.constant 26712 : i32
    %add3A_2510 = arith.addi %mul3A_2, %add3A_2509 : i32
    %dma_start3A_2511 = arith.constant 0 : i32
    %dma_start3A_2512 = arith.constant 0 : i32
    %dma_start3A_2513 = tpu.memref_slice %arg5[%dma_start3A_2511, %dma_start3A_2512] : memref<504x64xf32, #tpu.memory_space<vmem>> -> memref<504x64xf32, #tpu.memory_space<vmem>>
    %dma_start3A_2514 = arith.constant 0 : i32
    %dma_start3A_2515 = tpu.memref_slice %arg2[%add3A_2510, %dma_start3A_2514] : memref<1048576x64xf32, #tpu.memory_space<hbm>> -> memref<504x64xf32, #tpu.memory_space<hbm>>
    %dma_start3A_2516 = arith.constant 0 : i32
    %dma_start3A_2517 = arith.constant 0 : i32
    %dma_start3A_2518 = tpu.memref_slice %arg5[%dma_start3A_2516, %dma_start3A_2517] : memref<504x64xf32, #tpu.memory_space<vmem>> -> memref<504x64xf32, #tpu.memory_space<vmem>>
    %dma_start3A_2519 = arith.constant 0 : i32
    %dma_start3A_2520 = tpu.memref_slice %arg2[%add3A_2510, %dma_start3A_2519] : memref<1048576x64xf32, #tpu.memory_space<hbm>> -> memref<504x64xf32, #tpu.memory_space<hbm>>
    tpu.enqueue_dma source(%dma_start3A_2520 : memref<504x64xf32, #tpu.memory_space<hbm>>) target(%dma_start3A_2518 : memref<504x64xf32, #tpu.memory_space<vmem>>) target_semaphore(%arg7 : memref<!tpu.dma_semaphore, #tpu.memory_space<semaphore_mem>>)
    %add3A_2521 = arith.constant 26208 : i32
    %add3A_2522 = arith.addi %mul3A_2, %add3A_2521 : i32
    %dma_wait3A_2523 = arith.constant 0 : i32
    %dma_wait3A_2524 = arith.constant 0 : i32
    %dma_wait3A_2525 = tpu.memref_slice %arg4[%dma_wait3A_2523, %dma_wait3A_2524] : memref<504x64xf32, #tpu.memory_space<vmem>> -> memref<504x64xf32, #tpu.memory_space<vmem>>
    %dma_wait3A_2526 = arith.constant 0 : i32
    %dma_wait3A_2527 = tpu.memref_slice %arg2[%add3A_2522, %dma_wait3A_2526] : memref<1048576x64xf32, #tpu.memory_space<hbm>> -> memref<504x64xf32, #tpu.memory_space<hbm>>
    %dma_wait3A_2528 = arith.constant 0 : i32
    %dma_wait3A_2529 = arith.constant 0 : i32
    %dma_wait3A_2530 = tpu.memref_slice %arg4[%dma_wait3A_2528, %dma_wait3A_2529] : memref<504x64xf32, #tpu.memory_space<vmem>> -> memref<504x64xf32, #tpu.memory_space<vmem>>
    %dma_wait3A_2531 = arith.constant 0 : i32
    %dma_wait3A_2532 = tpu.memref_slice %arg2[%add3A_2522, %dma_wait3A_2531] : memref<1048576x64xf32, #tpu.memory_space<hbm>> -> memref<504x64xf32, #tpu.memory_space<hbm>>
    tpu.wait_dma2 semaphore(%arg6 : memref<!tpu.dma_semaphore, #tpu.memory_space<semaphore_mem>>) src(%dma_wait3A_2532 : memref<504x64xf32, #tpu.memory_space<hbm>>) dst(%dma_wait3A_2530 : memref<504x64xf32, #tpu.memory_space<vmem>>)
    %add3A_2533 = arith.constant 26208 : i32
    %add3A_2534 = arith.addi %mul3A_2, %add3A_2533 : i32
    %dma_start3A_2535 = arith.constant 0 : i32
    %dma_start3A_2536 = arith.constant 0 : i32
    %dma_start3A_2537 = tpu.memref_slice %arg4[%dma_start3A_2535, %dma_start3A_2536] : memref<504x64xf32, #tpu.memory_space<vmem>> -> memref<504x64xf32, #tpu.memory_space<vmem>>
    %dma_start3A_2538 = arith.constant 0 : i32
    %dma_start3A_2539 = tpu.memref_slice %arg3[%add3A_2534, %dma_start3A_2538] : memref<1048576x64xf32, #tpu.memory_space<hbm>> -> memref<504x64xf32, #tpu.memory_space<hbm>>
    %dma_start3A_2540 = arith.constant 0 : i32
    %dma_start3A_2541 = tpu.memref_slice %arg3[%add3A_2534, %dma_start3A_2540] : memref<1048576x64xf32, #tpu.memory_space<hbm>> -> memref<504x64xf32, #tpu.memory_space<hbm>>
    %dma_start3A_2542 = arith.constant 0 : i32
    %dma_start3A_2543 = arith.constant 0 : i32
    %dma_start3A_2544 = tpu.memref_slice %arg4[%dma_start3A_2542, %dma_start3A_2543] : memref<504x64xf32, #tpu.memory_space<vmem>> -> memref<504x64xf32, #tpu.memory_space<vmem>>
    tpu.enqueue_dma source(%dma_start3A_2544 : memref<504x64xf32, #tpu.memory_space<vmem>>) target(%dma_start3A_2541 : memref<504x64xf32, #tpu.memory_space<hbm>>) target_semaphore(%arg8 : memref<!tpu.dma_semaphore, #tpu.memory_space<semaphore_mem>>)
    %add3A_2545 = arith.constant 26208 : i32
    %add3A_2546 = arith.addi %mul3A_2, %add3A_2545 : i32
    %dma_wait3A_2547 = arith.constant 0 : i32
    %dma_wait3A_2548 = arith.constant 0 : i32
    %dma_wait3A_2549 = tpu.memref_slice %arg4[%dma_wait3A_2547, %dma_wait3A_2548] : memref<504x64xf32, #tpu.memory_space<vmem>> -> memref<504x64xf32, #tpu.memory_space<vmem>>
    %dma_wait3A_2550 = arith.constant 0 : i32
    %dma_wait3A_2551 = tpu.memref_slice %arg3[%add3A_2546, %dma_wait3A_2550] : memref<1048576x64xf32, #tpu.memory_space<hbm>> -> memref<504x64xf32, #tpu.memory_space<hbm>>
    %dma_wait3A_2552 = arith.constant 0 : i32
    %dma_wait3A_2553 = tpu.memref_slice %arg3[%add3A_2546, %dma_wait3A_2552] : memref<1048576x64xf32, #tpu.memory_space<hbm>> -> memref<504x64xf32, #tpu.memory_space<hbm>>
    %dma_wait3A_2554 = arith.constant 0 : i32
    %dma_wait3A_2555 = arith.constant 0 : i32
    %dma_wait3A_2556 = tpu.memref_slice %arg4[%dma_wait3A_2554, %dma_wait3A_2555] : memref<504x64xf32, #tpu.memory_space<vmem>> -> memref<504x64xf32, #tpu.memory_space<vmem>>
    tpu.wait_dma2 semaphore(%arg8 : memref<!tpu.dma_semaphore, #tpu.memory_space<semaphore_mem>>) src(%dma_wait3A_2556 : memref<504x64xf32, #tpu.memory_space<vmem>>) dst(%dma_wait3A_2553 : memref<504x64xf32, #tpu.memory_space<hbm>>)
    %add3A_2557 = arith.constant 27216 : i32
    %add3A_2558 = arith.addi %mul3A_2, %add3A_2557 : i32
    %dma_start3A_2559 = arith.constant 0 : i32
    %dma_start3A_2560 = arith.constant 0 : i32
    %dma_start3A_2561 = tpu.memref_slice %arg4[%dma_start3A_2559, %dma_start3A_2560] : memref<504x64xf32, #tpu.memory_space<vmem>> -> memref<504x64xf32, #tpu.memory_space<vmem>>
    %dma_start3A_2562 = arith.constant 0 : i32
    %dma_start3A_2563 = tpu.memref_slice %arg2[%add3A_2558, %dma_start3A_2562] : memref<1048576x64xf32, #tpu.memory_space<hbm>> -> memref<504x64xf32, #tpu.memory_space<hbm>>
    %dma_start3A_2564 = arith.constant 0 : i32
    %dma_start3A_2565 = arith.constant 0 : i32
    %dma_start3A_2566 = tpu.memref_slice %arg4[%dma_start3A_2564, %dma_start3A_2565] : memref<504x64xf32, #tpu.memory_space<vmem>> -> memref<504x64xf32, #tpu.memory_space<vmem>>
    %dma_start3A_2567 = arith.constant 0 : i32
    %dma_start3A_2568 = tpu.memref_slice %arg2[%add3A_2558, %dma_start3A_2567] : memref<1048576x64xf32, #tpu.memory_space<hbm>> -> memref<504x64xf32, #tpu.memory_space<hbm>>
    tpu.enqueue_dma source(%dma_start3A_2568 : memref<504x64xf32, #tpu.memory_space<hbm>>) target(%dma_start3A_2566 : memref<504x64xf32, #tpu.memory_space<vmem>>) target_semaphore(%arg6 : memref<!tpu.dma_semaphore, #tpu.memory_space<semaphore_mem>>)
    %add3A_2569 = arith.constant 26712 : i32
    %add3A_2570 = arith.addi %mul3A_2, %add3A_2569 : i32
    %dma_wait3A_2571 = arith.constant 0 : i32
    %dma_wait3A_2572 = arith.constant 0 : i32
    %dma_wait3A_2573 = tpu.memref_slice %arg5[%dma_wait3A_2571, %dma_wait3A_2572] : memref<504x64xf32, #tpu.memory_space<vmem>> -> memref<504x64xf32, #tpu.memory_space<vmem>>
    %dma_wait3A_2574 = arith.constant 0 : i32
    %dma_wait3A_2575 = tpu.memref_slice %arg2[%add3A_2570, %dma_wait3A_2574] : memref<1048576x64xf32, #tpu.memory_space<hbm>> -> memref<504x64xf32, #tpu.memory_space<hbm>>
    %dma_wait3A_2576 = arith.constant 0 : i32
    %dma_wait3A_2577 = arith.constant 0 : i32
    %dma_wait3A_2578 = tpu.memref_slice %arg5[%dma_wait3A_2576, %dma_wait3A_2577] : memref<504x64xf32, #tpu.memory_space<vmem>> -> memref<504x64xf32, #tpu.memory_space<vmem>>
    %dma_wait3A_2579 = arith.constant 0 : i32
    %dma_wait3A_2580 = tpu.memref_slice %arg2[%add3A_2570, %dma_wait3A_2579] : memref<1048576x64xf32, #tpu.memory_space<hbm>> -> memref<504x64xf32, #tpu.memory_space<hbm>>
    tpu.wait_dma2 semaphore(%arg7 : memref<!tpu.dma_semaphore, #tpu.memory_space<semaphore_mem>>) src(%dma_wait3A_2580 : memref<504x64xf32, #tpu.memory_space<hbm>>) dst(%dma_wait3A_2578 : memref<504x64xf32, #tpu.memory_space<vmem>>)
    %add3A_2581 = arith.constant 26712 : i32
    %add3A_2582 = arith.addi %mul3A_2, %add3A_2581 : i32
    %dma_start3A_2583 = arith.constant 0 : i32
    %dma_start3A_2584 = arith.constant 0 : i32
    %dma_start3A_2585 = tpu.memref_slice %arg5[%dma_start3A_2583, %dma_start3A_2584] : memref<504x64xf32, #tpu.memory_space<vmem>> -> memref<504x64xf32, #tpu.memory_space<vmem>>
    %dma_start3A_2586 = arith.constant 0 : i32
    %dma_start3A_2587 = tpu.memref_slice %arg3[%add3A_2582, %dma_start3A_2586] : memref<1048576x64xf32, #tpu.memory_space<hbm>> -> memref<504x64xf32, #tpu.memory_space<hbm>>
    %dma_start3A_2588 = arith.constant 0 : i32
    %dma_start3A_2589 = tpu.memref_slice %arg3[%add3A_2582, %dma_start3A_2588] : memref<1048576x64xf32, #tpu.memory_space<hbm>> -> memref<504x64xf32, #tpu.memory_space<hbm>>
    %dma_start3A_2590 = arith.constant 0 : i32
    %dma_start3A_2591 = arith.constant 0 : i32
    %dma_start3A_2592 = tpu.memref_slice %arg5[%dma_start3A_2590, %dma_start3A_2591] : memref<504x64xf32, #tpu.memory_space<vmem>> -> memref<504x64xf32, #tpu.memory_space<vmem>>
    tpu.enqueue_dma source(%dma_start3A_2592 : memref<504x64xf32, #tpu.memory_space<vmem>>) target(%dma_start3A_2589 : memref<504x64xf32, #tpu.memory_space<hbm>>) target_semaphore(%arg9 : memref<!tpu.dma_semaphore, #tpu.memory_space<semaphore_mem>>)
    %add3A_2593 = arith.constant 26712 : i32
    %add3A_2594 = arith.addi %mul3A_2, %add3A_2593 : i32
    %dma_wait3A_2595 = arith.constant 0 : i32
    %dma_wait3A_2596 = arith.constant 0 : i32
    %dma_wait3A_2597 = tpu.memref_slice %arg5[%dma_wait3A_2595, %dma_wait3A_2596] : memref<504x64xf32, #tpu.memory_space<vmem>> -> memref<504x64xf32, #tpu.memory_space<vmem>>
    %dma_wait3A_2598 = arith.constant 0 : i32
    %dma_wait3A_2599 = tpu.memref_slice %arg3[%add3A_2594, %dma_wait3A_2598] : memref<1048576x64xf32, #tpu.memory_space<hbm>> -> memref<504x64xf32, #tpu.memory_space<hbm>>
    %dma_wait3A_2600 = arith.constant 0 : i32
    %dma_wait3A_2601 = tpu.memref_slice %arg3[%add3A_2594, %dma_wait3A_2600] : memref<1048576x64xf32, #tpu.memory_space<hbm>> -> memref<504x64xf32, #tpu.memory_space<hbm>>
    %dma_wait3A_2602 = arith.constant 0 : i32
    %dma_wait3A_2603 = arith.constant 0 : i32
    %dma_wait3A_2604 = tpu.memref_slice %arg5[%dma_wait3A_2602, %dma_wait3A_2603] : memref<504x64xf32, #tpu.memory_space<vmem>> -> memref<504x64xf32, #tpu.memory_space<vmem>>
    tpu.wait_dma2 semaphore(%arg9 : memref<!tpu.dma_semaphore, #tpu.memory_space<semaphore_mem>>) src(%dma_wait3A_2604 : memref<504x64xf32, #tpu.memory_space<vmem>>) dst(%dma_wait3A_2601 : memref<504x64xf32, #tpu.memory_space<hbm>>)
    %add3A_2605 = arith.constant 27720 : i32
    %add3A_2606 = arith.addi %mul3A_2, %add3A_2605 : i32
    %dma_start3A_2607 = arith.constant 0 : i32
    %dma_start3A_2608 = arith.constant 0 : i32
    %dma_start3A_2609 = tpu.memref_slice %arg5[%dma_start3A_2607, %dma_start3A_2608] : memref<504x64xf32, #tpu.memory_space<vmem>> -> memref<504x64xf32, #tpu.memory_space<vmem>>
    %dma_start3A_2610 = arith.constant 0 : i32
    %dma_start3A_2611 = tpu.memref_slice %arg2[%add3A_2606, %dma_start3A_2610] : memref<1048576x64xf32, #tpu.memory_space<hbm>> -> memref<504x64xf32, #tpu.memory_space<hbm>>
    %dma_start3A_2612 = arith.constant 0 : i32
    %dma_start3A_2613 = arith.constant 0 : i32
    %dma_start3A_2614 = tpu.memref_slice %arg5[%dma_start3A_2612, %dma_start3A_2613] : memref<504x64xf32, #tpu.memory_space<vmem>> -> memref<504x64xf32, #tpu.memory_space<vmem>>
    %dma_start3A_2615 = arith.constant 0 : i32
    %dma_start3A_2616 = tpu.memref_slice %arg2[%add3A_2606, %dma_start3A_2615] : memref<1048576x64xf32, #tpu.memory_space<hbm>> -> memref<504x64xf32, #tpu.memory_space<hbm>>
    tpu.enqueue_dma source(%dma_start3A_2616 : memref<504x64xf32, #tpu.memory_space<hbm>>) target(%dma_start3A_2614 : memref<504x64xf32, #tpu.memory_space<vmem>>) target_semaphore(%arg7 : memref<!tpu.dma_semaphore, #tpu.memory_space<semaphore_mem>>)
    %add3A_2617 = arith.constant 27216 : i32
    %add3A_2618 = arith.addi %mul3A_2, %add3A_2617 : i32
    %dma_wait3A_2619 = arith.constant 0 : i32
    %dma_wait3A_2620 = arith.constant 0 : i32
    %dma_wait3A_2621 = tpu.memref_slice %arg4[%dma_wait3A_2619, %dma_wait3A_2620] : memref<504x64xf32, #tpu.memory_space<vmem>> -> memref<504x64xf32, #tpu.memory_space<vmem>>
    %dma_wait3A_2622 = arith.constant 0 : i32
    %dma_wait3A_2623 = tpu.memref_slice %arg2[%add3A_2618, %dma_wait3A_2622] : memref<1048576x64xf32, #tpu.memory_space<hbm>> -> memref<504x64xf32, #tpu.memory_space<hbm>>
    %dma_wait3A_2624 = arith.constant 0 : i32
    %dma_wait3A_2625 = arith.constant 0 : i32
    %dma_wait3A_2626 = tpu.memref_slice %arg4[%dma_wait3A_2624, %dma_wait3A_2625] : memref<504x64xf32, #tpu.memory_space<vmem>> -> memref<504x64xf32, #tpu.memory_space<vmem>>
    %dma_wait3A_2627 = arith.constant 0 : i32
    %dma_wait3A_2628 = tpu.memref_slice %arg2[%add3A_2618, %dma_wait3A_2627] : memref<1048576x64xf32, #tpu.memory_space<hbm>> -> memref<504x64xf32, #tpu.memory_space<hbm>>
    tpu.wait_dma2 semaphore(%arg6 : memref<!tpu.dma_semaphore, #tpu.memory_space<semaphore_mem>>) src(%dma_wait3A_2628 : memref<504x64xf32, #tpu.memory_space<hbm>>) dst(%dma_wait3A_2626 : memref<504x64xf32, #tpu.memory_space<vmem>>)
    %add3A_2629 = arith.constant 27216 : i32
    %add3A_2630 = arith.addi %mul3A_2, %add3A_2629 : i32
    %dma_start3A_2631 = arith.constant 0 : i32
    %dma_start3A_2632 = arith.constant 0 : i32
    %dma_start3A_2633 = tpu.memref_slice %arg4[%dma_start3A_2631, %dma_start3A_2632] : memref<504x64xf32, #tpu.memory_space<vmem>> -> memref<504x64xf32, #tpu.memory_space<vmem>>
    %dma_start3A_2634 = arith.constant 0 : i32
    %dma_start3A_2635 = tpu.memref_slice %arg3[%add3A_2630, %dma_start3A_2634] : memref<1048576x64xf32, #tpu.memory_space<hbm>> -> memref<504x64xf32, #tpu.memory_space<hbm>>
    %dma_start3A_2636 = arith.constant 0 : i32
    %dma_start3A_2637 = tpu.memref_slice %arg3[%add3A_2630, %dma_start3A_2636] : memref<1048576x64xf32, #tpu.memory_space<hbm>> -> memref<504x64xf32, #tpu.memory_space<hbm>>
    %dma_start3A_2638 = arith.constant 0 : i32
    %dma_start3A_2639 = arith.constant 0 : i32
    %dma_start3A_2640 = tpu.memref_slice %arg4[%dma_start3A_2638, %dma_start3A_2639] : memref<504x64xf32, #tpu.memory_space<vmem>> -> memref<504x64xf32, #tpu.memory_space<vmem>>
    tpu.enqueue_dma source(%dma_start3A_2640 : memref<504x64xf32, #tpu.memory_space<vmem>>) target(%dma_start3A_2637 : memref<504x64xf32, #tpu.memory_space<hbm>>) target_semaphore(%arg8 : memref<!tpu.dma_semaphore, #tpu.memory_space<semaphore_mem>>)
    %add3A_2641 = arith.constant 27216 : i32
    %add3A_2642 = arith.addi %mul3A_2, %add3A_2641 : i32
    %dma_wait3A_2643 = arith.constant 0 : i32
    %dma_wait3A_2644 = arith.constant 0 : i32
    %dma_wait3A_2645 = tpu.memref_slice %arg4[%dma_wait3A_2643, %dma_wait3A_2644] : memref<504x64xf32, #tpu.memory_space<vmem>> -> memref<504x64xf32, #tpu.memory_space<vmem>>
    %dma_wait3A_2646 = arith.constant 0 : i32
    %dma_wait3A_2647 = tpu.memref_slice %arg3[%add3A_2642, %dma_wait3A_2646] : memref<1048576x64xf32, #tpu.memory_space<hbm>> -> memref<504x64xf32, #tpu.memory_space<hbm>>
    %dma_wait3A_2648 = arith.constant 0 : i32
    %dma_wait3A_2649 = tpu.memref_slice %arg3[%add3A_2642, %dma_wait3A_2648] : memref<1048576x64xf32, #tpu.memory_space<hbm>> -> memref<504x64xf32, #tpu.memory_space<hbm>>
    %dma_wait3A_2650 = arith.constant 0 : i32
    %dma_wait3A_2651 = arith.constant 0 : i32
    %dma_wait3A_2652 = tpu.memref_slice %arg4[%dma_wait3A_2650, %dma_wait3A_2651] : memref<504x64xf32, #tpu.memory_space<vmem>> -> memref<504x64xf32, #tpu.memory_space<vmem>>
    tpu.wait_dma2 semaphore(%arg8 : memref<!tpu.dma_semaphore, #tpu.memory_space<semaphore_mem>>) src(%dma_wait3A_2652 : memref<504x64xf32, #tpu.memory_space<vmem>>) dst(%dma_wait3A_2649 : memref<504x64xf32, #tpu.memory_space<hbm>>)
    %add3A_2653 = arith.constant 28224 : i32
    %add3A_2654 = arith.addi %mul3A_2, %add3A_2653 : i32
    %dma_start3A_2655 = arith.constant 0 : i32
    %dma_start3A_2656 = arith.constant 0 : i32
    %dma_start3A_2657 = tpu.memref_slice %arg4[%dma_start3A_2655, %dma_start3A_2656] : memref<504x64xf32, #tpu.memory_space<vmem>> -> memref<504x64xf32, #tpu.memory_space<vmem>>
    %dma_start3A_2658 = arith.constant 0 : i32
    %dma_start3A_2659 = tpu.memref_slice %arg2[%add3A_2654, %dma_start3A_2658] : memref<1048576x64xf32, #tpu.memory_space<hbm>> -> memref<504x64xf32, #tpu.memory_space<hbm>>
    %dma_start3A_2660 = arith.constant 0 : i32
    %dma_start3A_2661 = arith.constant 0 : i32
    %dma_start3A_2662 = tpu.memref_slice %arg4[%dma_start3A_2660, %dma_start3A_2661] : memref<504x64xf32, #tpu.memory_space<vmem>> -> memref<504x64xf32, #tpu.memory_space<vmem>>
    %dma_start3A_2663 = arith.constant 0 : i32
    %dma_start3A_2664 = tpu.memref_slice %arg2[%add3A_2654, %dma_start3A_2663] : memref<1048576x64xf32, #tpu.memory_space<hbm>> -> memref<504x64xf32, #tpu.memory_space<hbm>>
    tpu.enqueue_dma source(%dma_start3A_2664 : memref<504x64xf32, #tpu.memory_space<hbm>>) target(%dma_start3A_2662 : memref<504x64xf32, #tpu.memory_space<vmem>>) target_semaphore(%arg6 : memref<!tpu.dma_semaphore, #tpu.memory_space<semaphore_mem>>)
    %add3A_2665 = arith.constant 27720 : i32
    %add3A_2666 = arith.addi %mul3A_2, %add3A_2665 : i32
    %dma_wait3A_2667 = arith.constant 0 : i32
    %dma_wait3A_2668 = arith.constant 0 : i32
    %dma_wait3A_2669 = tpu.memref_slice %arg5[%dma_wait3A_2667, %dma_wait3A_2668] : memref<504x64xf32, #tpu.memory_space<vmem>> -> memref<504x64xf32, #tpu.memory_space<vmem>>
    %dma_wait3A_2670 = arith.constant 0 : i32
    %dma_wait3A_2671 = tpu.memref_slice %arg2[%add3A_2666, %dma_wait3A_2670] : memref<1048576x64xf32, #tpu.memory_space<hbm>> -> memref<504x64xf32, #tpu.memory_space<hbm>>
    %dma_wait3A_2672 = arith.constant 0 : i32
    %dma_wait3A_2673 = arith.constant 0 : i32
    %dma_wait3A_2674 = tpu.memref_slice %arg5[%dma_wait3A_2672, %dma_wait3A_2673] : memref<504x64xf32, #tpu.memory_space<vmem>> -> memref<504x64xf32, #tpu.memory_space<vmem>>
    %dma_wait3A_2675 = arith.constant 0 : i32
    %dma_wait3A_2676 = tpu.memref_slice %arg2[%add3A_2666, %dma_wait3A_2675] : memref<1048576x64xf32, #tpu.memory_space<hbm>> -> memref<504x64xf32, #tpu.memory_space<hbm>>
    tpu.wait_dma2 semaphore(%arg7 : memref<!tpu.dma_semaphore, #tpu.memory_space<semaphore_mem>>) src(%dma_wait3A_2676 : memref<504x64xf32, #tpu.memory_space<hbm>>) dst(%dma_wait3A_2674 : memref<504x64xf32, #tpu.memory_space<vmem>>)
    %add3A_2677 = arith.constant 27720 : i32
    %add3A_2678 = arith.addi %mul3A_2, %add3A_2677 : i32
    %dma_start3A_2679 = arith.constant 0 : i32
    %dma_start3A_2680 = arith.constant 0 : i32
    %dma_start3A_2681 = tpu.memref_slice %arg5[%dma_start3A_2679, %dma_start3A_2680] : memref<504x64xf32, #tpu.memory_space<vmem>> -> memref<504x64xf32, #tpu.memory_space<vmem>>
    %dma_start3A_2682 = arith.constant 0 : i32
    %dma_start3A_2683 = tpu.memref_slice %arg3[%add3A_2678, %dma_start3A_2682] : memref<1048576x64xf32, #tpu.memory_space<hbm>> -> memref<504x64xf32, #tpu.memory_space<hbm>>
    %dma_start3A_2684 = arith.constant 0 : i32
    %dma_start3A_2685 = tpu.memref_slice %arg3[%add3A_2678, %dma_start3A_2684] : memref<1048576x64xf32, #tpu.memory_space<hbm>> -> memref<504x64xf32, #tpu.memory_space<hbm>>
    %dma_start3A_2686 = arith.constant 0 : i32
    %dma_start3A_2687 = arith.constant 0 : i32
    %dma_start3A_2688 = tpu.memref_slice %arg5[%dma_start3A_2686, %dma_start3A_2687] : memref<504x64xf32, #tpu.memory_space<vmem>> -> memref<504x64xf32, #tpu.memory_space<vmem>>
    tpu.enqueue_dma source(%dma_start3A_2688 : memref<504x64xf32, #tpu.memory_space<vmem>>) target(%dma_start3A_2685 : memref<504x64xf32, #tpu.memory_space<hbm>>) target_semaphore(%arg9 : memref<!tpu.dma_semaphore, #tpu.memory_space<semaphore_mem>>)
    %add3A_2689 = arith.constant 27720 : i32
    %add3A_2690 = arith.addi %mul3A_2, %add3A_2689 : i32
    %dma_wait3A_2691 = arith.constant 0 : i32
    %dma_wait3A_2692 = arith.constant 0 : i32
    %dma_wait3A_2693 = tpu.memref_slice %arg5[%dma_wait3A_2691, %dma_wait3A_2692] : memref<504x64xf32, #tpu.memory_space<vmem>> -> memref<504x64xf32, #tpu.memory_space<vmem>>
    %dma_wait3A_2694 = arith.constant 0 : i32
    %dma_wait3A_2695 = tpu.memref_slice %arg3[%add3A_2690, %dma_wait3A_2694] : memref<1048576x64xf32, #tpu.memory_space<hbm>> -> memref<504x64xf32, #tpu.memory_space<hbm>>
    %dma_wait3A_2696 = arith.constant 0 : i32
    %dma_wait3A_2697 = tpu.memref_slice %arg3[%add3A_2690, %dma_wait3A_2696] : memref<1048576x64xf32, #tpu.memory_space<hbm>> -> memref<504x64xf32, #tpu.memory_space<hbm>>
    %dma_wait3A_2698 = arith.constant 0 : i32
    %dma_wait3A_2699 = arith.constant 0 : i32
    %dma_wait3A_2700 = tpu.memref_slice %arg5[%dma_wait3A_2698, %dma_wait3A_2699] : memref<504x64xf32, #tpu.memory_space<vmem>> -> memref<504x64xf32, #tpu.memory_space<vmem>>
    tpu.wait_dma2 semaphore(%arg9 : memref<!tpu.dma_semaphore, #tpu.memory_space<semaphore_mem>>) src(%dma_wait3A_2700 : memref<504x64xf32, #tpu.memory_space<vmem>>) dst(%dma_wait3A_2697 : memref<504x64xf32, #tpu.memory_space<hbm>>)
    %add3A_2701 = arith.constant 28728 : i32
    %add3A_2702 = arith.addi %mul3A_2, %add3A_2701 : i32
    %dma_start3A_2703 = arith.constant 0 : i32
    %dma_start3A_2704 = arith.constant 0 : i32
    %dma_start3A_2705 = tpu.memref_slice %arg5[%dma_start3A_2703, %dma_start3A_2704] : memref<504x64xf32, #tpu.memory_space<vmem>> -> memref<504x64xf32, #tpu.memory_space<vmem>>
    %dma_start3A_2706 = arith.constant 0 : i32
    %dma_start3A_2707 = tpu.memref_slice %arg2[%add3A_2702, %dma_start3A_2706] : memref<1048576x64xf32, #tpu.memory_space<hbm>> -> memref<504x64xf32, #tpu.memory_space<hbm>>
    %dma_start3A_2708 = arith.constant 0 : i32
    %dma_start3A_2709 = arith.constant 0 : i32
    %dma_start3A_2710 = tpu.memref_slice %arg5[%dma_start3A_2708, %dma_start3A_2709] : memref<504x64xf32, #tpu.memory_space<vmem>> -> memref<504x64xf32, #tpu.memory_space<vmem>>
    %dma_start3A_2711 = arith.constant 0 : i32
    %dma_start3A_2712 = tpu.memref_slice %arg2[%add3A_2702, %dma_start3A_2711] : memref<1048576x64xf32, #tpu.memory_space<hbm>> -> memref<504x64xf32, #tpu.memory_space<hbm>>
    tpu.enqueue_dma source(%dma_start3A_2712 : memref<504x64xf32, #tpu.memory_space<hbm>>) target(%dma_start3A_2710 : memref<504x64xf32, #tpu.memory_space<vmem>>) target_semaphore(%arg7 : memref<!tpu.dma_semaphore, #tpu.memory_space<semaphore_mem>>)
    %add3A_2713 = arith.constant 28224 : i32
    %add3A_2714 = arith.addi %mul3A_2, %add3A_2713 : i32
    %dma_wait3A_2715 = arith.constant 0 : i32
    %dma_wait3A_2716 = arith.constant 0 : i32
    %dma_wait3A_2717 = tpu.memref_slice %arg4[%dma_wait3A_2715, %dma_wait3A_2716] : memref<504x64xf32, #tpu.memory_space<vmem>> -> memref<504x64xf32, #tpu.memory_space<vmem>>
    %dma_wait3A_2718 = arith.constant 0 : i32
    %dma_wait3A_2719 = tpu.memref_slice %arg2[%add3A_2714, %dma_wait3A_2718] : memref<1048576x64xf32, #tpu.memory_space<hbm>> -> memref<504x64xf32, #tpu.memory_space<hbm>>
    %dma_wait3A_2720 = arith.constant 0 : i32
    %dma_wait3A_2721 = arith.constant 0 : i32
    %dma_wait3A_2722 = tpu.memref_slice %arg4[%dma_wait3A_2720, %dma_wait3A_2721] : memref<504x64xf32, #tpu.memory_space<vmem>> -> memref<504x64xf32, #tpu.memory_space<vmem>>
    %dma_wait3A_2723 = arith.constant 0 : i32
    %dma_wait3A_2724 = tpu.memref_slice %arg2[%add3A_2714, %dma_wait3A_2723] : memref<1048576x64xf32, #tpu.memory_space<hbm>> -> memref<504x64xf32, #tpu.memory_space<hbm>>
    tpu.wait_dma2 semaphore(%arg6 : memref<!tpu.dma_semaphore, #tpu.memory_space<semaphore_mem>>) src(%dma_wait3A_2724 : memref<504x64xf32, #tpu.memory_space<hbm>>) dst(%dma_wait3A_2722 : memref<504x64xf32, #tpu.memory_space<vmem>>)
    %add3A_2725 = arith.constant 28224 : i32
    %add3A_2726 = arith.addi %mul3A_2, %add3A_2725 : i32
    %dma_start3A_2727 = arith.constant 0 : i32
    %dma_start3A_2728 = arith.constant 0 : i32
    %dma_start3A_2729 = tpu.memref_slice %arg4[%dma_start3A_2727, %dma_start3A_2728] : memref<504x64xf32, #tpu.memory_space<vmem>> -> memref<504x64xf32, #tpu.memory_space<vmem>>
    %dma_start3A_2730 = arith.constant 0 : i32
    %dma_start3A_2731 = tpu.memref_slice %arg3[%add3A_2726, %dma_start3A_2730] : memref<1048576x64xf32, #tpu.memory_space<hbm>> -> memref<504x64xf32, #tpu.memory_space<hbm>>
    %dma_start3A_2732 = arith.constant 0 : i32
    %dma_start3A_2733 = tpu.memref_slice %arg3[%add3A_2726, %dma_start3A_2732] : memref<1048576x64xf32, #tpu.memory_space<hbm>> -> memref<504x64xf32, #tpu.memory_space<hbm>>
    %dma_start3A_2734 = arith.constant 0 : i32
    %dma_start3A_2735 = arith.constant 0 : i32
    %dma_start3A_2736 = tpu.memref_slice %arg4[%dma_start3A_2734, %dma_start3A_2735] : memref<504x64xf32, #tpu.memory_space<vmem>> -> memref<504x64xf32, #tpu.memory_space<vmem>>
    tpu.enqueue_dma source(%dma_start3A_2736 : memref<504x64xf32, #tpu.memory_space<vmem>>) target(%dma_start3A_2733 : memref<504x64xf32, #tpu.memory_space<hbm>>) target_semaphore(%arg8 : memref<!tpu.dma_semaphore, #tpu.memory_space<semaphore_mem>>)
    %add3A_2737 = arith.constant 28224 : i32
    %add3A_2738 = arith.addi %mul3A_2, %add3A_2737 : i32
    %dma_wait3A_2739 = arith.constant 0 : i32
    %dma_wait3A_2740 = arith.constant 0 : i32
    %dma_wait3A_2741 = tpu.memref_slice %arg4[%dma_wait3A_2739, %dma_wait3A_2740] : memref<504x64xf32, #tpu.memory_space<vmem>> -> memref<504x64xf32, #tpu.memory_space<vmem>>
    %dma_wait3A_2742 = arith.constant 0 : i32
    %dma_wait3A_2743 = tpu.memref_slice %arg3[%add3A_2738, %dma_wait3A_2742] : memref<1048576x64xf32, #tpu.memory_space<hbm>> -> memref<504x64xf32, #tpu.memory_space<hbm>>
    %dma_wait3A_2744 = arith.constant 0 : i32
    %dma_wait3A_2745 = tpu.memref_slice %arg3[%add3A_2738, %dma_wait3A_2744] : memref<1048576x64xf32, #tpu.memory_space<hbm>> -> memref<504x64xf32, #tpu.memory_space<hbm>>
    %dma_wait3A_2746 = arith.constant 0 : i32
    %dma_wait3A_2747 = arith.constant 0 : i32
    %dma_wait3A_2748 = tpu.memref_slice %arg4[%dma_wait3A_2746, %dma_wait3A_2747] : memref<504x64xf32, #tpu.memory_space<vmem>> -> memref<504x64xf32, #tpu.memory_space<vmem>>
    tpu.wait_dma2 semaphore(%arg8 : memref<!tpu.dma_semaphore, #tpu.memory_space<semaphore_mem>>) src(%dma_wait3A_2748 : memref<504x64xf32, #tpu.memory_space<vmem>>) dst(%dma_wait3A_2745 : memref<504x64xf32, #tpu.memory_space<hbm>>)
    %add3A_2749 = arith.constant 29232 : i32
    %add3A_2750 = arith.addi %mul3A_2, %add3A_2749 : i32
    %dma_start3A_2751 = arith.constant 0 : i32
    %dma_start3A_2752 = arith.constant 0 : i32
    %dma_start3A_2753 = tpu.memref_slice %arg4[%dma_start3A_2751, %dma_start3A_2752] : memref<504x64xf32, #tpu.memory_space<vmem>> -> memref<504x64xf32, #tpu.memory_space<vmem>>
    %dma_start3A_2754 = arith.constant 0 : i32
    %dma_start3A_2755 = tpu.memref_slice %arg2[%add3A_2750, %dma_start3A_2754] : memref<1048576x64xf32, #tpu.memory_space<hbm>> -> memref<504x64xf32, #tpu.memory_space<hbm>>
    %dma_start3A_2756 = arith.constant 0 : i32
    %dma_start3A_2757 = arith.constant 0 : i32
    %dma_start3A_2758 = tpu.memref_slice %arg4[%dma_start3A_2756, %dma_start3A_2757] : memref<504x64xf32, #tpu.memory_space<vmem>> -> memref<504x64xf32, #tpu.memory_space<vmem>>
    %dma_start3A_2759 = arith.constant 0 : i32
    %dma_start3A_2760 = tpu.memref_slice %arg2[%add3A_2750, %dma_start3A_2759] : memref<1048576x64xf32, #tpu.memory_space<hbm>> -> memref<504x64xf32, #tpu.memory_space<hbm>>
    tpu.enqueue_dma source(%dma_start3A_2760 : memref<504x64xf32, #tpu.memory_space<hbm>>) target(%dma_start3A_2758 : memref<504x64xf32, #tpu.memory_space<vmem>>) target_semaphore(%arg6 : memref<!tpu.dma_semaphore, #tpu.memory_space<semaphore_mem>>)
    %add3A_2761 = arith.constant 28728 : i32
    %add3A_2762 = arith.addi %mul3A_2, %add3A_2761 : i32
    %dma_wait3A_2763 = arith.constant 0 : i32
    %dma_wait3A_2764 = arith.constant 0 : i32
    %dma_wait3A_2765 = tpu.memref_slice %arg5[%dma_wait3A_2763, %dma_wait3A_2764] : memref<504x64xf32, #tpu.memory_space<vmem>> -> memref<504x64xf32, #tpu.memory_space<vmem>>
    %dma_wait3A_2766 = arith.constant 0 : i32
    %dma_wait3A_2767 = tpu.memref_slice %arg2[%add3A_2762, %dma_wait3A_2766] : memref<1048576x64xf32, #tpu.memory_space<hbm>> -> memref<504x64xf32, #tpu.memory_space<hbm>>
    %dma_wait3A_2768 = arith.constant 0 : i32
    %dma_wait3A_2769 = arith.constant 0 : i32
    %dma_wait3A_2770 = tpu.memref_slice %arg5[%dma_wait3A_2768, %dma_wait3A_2769] : memref<504x64xf32, #tpu.memory_space<vmem>> -> memref<504x64xf32, #tpu.memory_space<vmem>>
    %dma_wait3A_2771 = arith.constant 0 : i32
    %dma_wait3A_2772 = tpu.memref_slice %arg2[%add3A_2762, %dma_wait3A_2771] : memref<1048576x64xf32, #tpu.memory_space<hbm>> -> memref<504x64xf32, #tpu.memory_space<hbm>>
    tpu.wait_dma2 semaphore(%arg7 : memref<!tpu.dma_semaphore, #tpu.memory_space<semaphore_mem>>) src(%dma_wait3A_2772 : memref<504x64xf32, #tpu.memory_space<hbm>>) dst(%dma_wait3A_2770 : memref<504x64xf32, #tpu.memory_space<vmem>>)
    %add3A_2773 = arith.constant 28728 : i32
    %add3A_2774 = arith.addi %mul3A_2, %add3A_2773 : i32
    %dma_start3A_2775 = arith.constant 0 : i32
    %dma_start3A_2776 = arith.constant 0 : i32
    %dma_start3A_2777 = tpu.memref_slice %arg5[%dma_start3A_2775, %dma_start3A_2776] : memref<504x64xf32, #tpu.memory_space<vmem>> -> memref<504x64xf32, #tpu.memory_space<vmem>>
    %dma_start3A_2778 = arith.constant 0 : i32
    %dma_start3A_2779 = tpu.memref_slice %arg3[%add3A_2774, %dma_start3A_2778] : memref<1048576x64xf32, #tpu.memory_space<hbm>> -> memref<504x64xf32, #tpu.memory_space<hbm>>
    %dma_start3A_2780 = arith.constant 0 : i32
    %dma_start3A_2781 = tpu.memref_slice %arg3[%add3A_2774, %dma_start3A_2780] : memref<1048576x64xf32, #tpu.memory_space<hbm>> -> memref<504x64xf32, #tpu.memory_space<hbm>>
    %dma_start3A_2782 = arith.constant 0 : i32
    %dma_start3A_2783 = arith.constant 0 : i32
    %dma_start3A_2784 = tpu.memref_slice %arg5[%dma_start3A_2782, %dma_start3A_2783] : memref<504x64xf32, #tpu.memory_space<vmem>> -> memref<504x64xf32, #tpu.memory_space<vmem>>
    tpu.enqueue_dma source(%dma_start3A_2784 : memref<504x64xf32, #tpu.memory_space<vmem>>) target(%dma_start3A_2781 : memref<504x64xf32, #tpu.memory_space<hbm>>) target_semaphore(%arg9 : memref<!tpu.dma_semaphore, #tpu.memory_space<semaphore_mem>>)
    %add3A_2785 = arith.constant 28728 : i32
    %add3A_2786 = arith.addi %mul3A_2, %add3A_2785 : i32
    %dma_wait3A_2787 = arith.constant 0 : i32
    %dma_wait3A_2788 = arith.constant 0 : i32
    %dma_wait3A_2789 = tpu.memref_slice %arg5[%dma_wait3A_2787, %dma_wait3A_2788] : memref<504x64xf32, #tpu.memory_space<vmem>> -> memref<504x64xf32, #tpu.memory_space<vmem>>
    %dma_wait3A_2790 = arith.constant 0 : i32
    %dma_wait3A_2791 = tpu.memref_slice %arg3[%add3A_2786, %dma_wait3A_2790] : memref<1048576x64xf32, #tpu.memory_space<hbm>> -> memref<504x64xf32, #tpu.memory_space<hbm>>
    %dma_wait3A_2792 = arith.constant 0 : i32
    %dma_wait3A_2793 = tpu.memref_slice %arg3[%add3A_2786, %dma_wait3A_2792] : memref<1048576x64xf32, #tpu.memory_space<hbm>> -> memref<504x64xf32, #tpu.memory_space<hbm>>
    %dma_wait3A_2794 = arith.constant 0 : i32
    %dma_wait3A_2795 = arith.constant 0 : i32
    %dma_wait3A_2796 = tpu.memref_slice %arg5[%dma_wait3A_2794, %dma_wait3A_2795] : memref<504x64xf32, #tpu.memory_space<vmem>> -> memref<504x64xf32, #tpu.memory_space<vmem>>
    tpu.wait_dma2 semaphore(%arg9 : memref<!tpu.dma_semaphore, #tpu.memory_space<semaphore_mem>>) src(%dma_wait3A_2796 : memref<504x64xf32, #tpu.memory_space<vmem>>) dst(%dma_wait3A_2793 : memref<504x64xf32, #tpu.memory_space<hbm>>)
    %add3A_2797 = arith.constant 29736 : i32
    %add3A_2798 = arith.addi %mul3A_2, %add3A_2797 : i32
    %dma_start3A_2799 = arith.constant 0 : i32
    %dma_start3A_2800 = arith.constant 0 : i32
    %dma_start3A_2801 = tpu.memref_slice %arg5[%dma_start3A_2799, %dma_start3A_2800] : memref<504x64xf32, #tpu.memory_space<vmem>> -> memref<504x64xf32, #tpu.memory_space<vmem>>
    %dma_start3A_2802 = arith.constant 0 : i32
    %dma_start3A_2803 = tpu.memref_slice %arg2[%add3A_2798, %dma_start3A_2802] : memref<1048576x64xf32, #tpu.memory_space<hbm>> -> memref<504x64xf32, #tpu.memory_space<hbm>>
    %dma_start3A_2804 = arith.constant 0 : i32
    %dma_start3A_2805 = arith.constant 0 : i32
    %dma_start3A_2806 = tpu.memref_slice %arg5[%dma_start3A_2804, %dma_start3A_2805] : memref<504x64xf32, #tpu.memory_space<vmem>> -> memref<504x64xf32, #tpu.memory_space<vmem>>
    %dma_start3A_2807 = arith.constant 0 : i32
    %dma_start3A_2808 = tpu.memref_slice %arg2[%add3A_2798, %dma_start3A_2807] : memref<1048576x64xf32, #tpu.memory_space<hbm>> -> memref<504x64xf32, #tpu.memory_space<hbm>>
    tpu.enqueue_dma source(%dma_start3A_2808 : memref<504x64xf32, #tpu.memory_space<hbm>>) target(%dma_start3A_2806 : memref<504x64xf32, #tpu.memory_space<vmem>>) target_semaphore(%arg7 : memref<!tpu.dma_semaphore, #tpu.memory_space<semaphore_mem>>)
    %add3A_2809 = arith.constant 29232 : i32
    %add3A_2810 = arith.addi %mul3A_2, %add3A_2809 : i32
    %dma_wait3A_2811 = arith.constant 0 : i32
    %dma_wait3A_2812 = arith.constant 0 : i32
    %dma_wait3A_2813 = tpu.memref_slice %arg4[%dma_wait3A_2811, %dma_wait3A_2812] : memref<504x64xf32, #tpu.memory_space<vmem>> -> memref<504x64xf32, #tpu.memory_space<vmem>>
    %dma_wait3A_2814 = arith.constant 0 : i32
    %dma_wait3A_2815 = tpu.memref_slice %arg2[%add3A_2810, %dma_wait3A_2814] : memref<1048576x64xf32, #tpu.memory_space<hbm>> -> memref<504x64xf32, #tpu.memory_space<hbm>>
    %dma_wait3A_2816 = arith.constant 0 : i32
    %dma_wait3A_2817 = arith.constant 0 : i32
    %dma_wait3A_2818 = tpu.memref_slice %arg4[%dma_wait3A_2816, %dma_wait3A_2817] : memref<504x64xf32, #tpu.memory_space<vmem>> -> memref<504x64xf32, #tpu.memory_space<vmem>>
    %dma_wait3A_2819 = arith.constant 0 : i32
    %dma_wait3A_2820 = tpu.memref_slice %arg2[%add3A_2810, %dma_wait3A_2819] : memref<1048576x64xf32, #tpu.memory_space<hbm>> -> memref<504x64xf32, #tpu.memory_space<hbm>>
    tpu.wait_dma2 semaphore(%arg6 : memref<!tpu.dma_semaphore, #tpu.memory_space<semaphore_mem>>) src(%dma_wait3A_2820 : memref<504x64xf32, #tpu.memory_space<hbm>>) dst(%dma_wait3A_2818 : memref<504x64xf32, #tpu.memory_space<vmem>>)
    %add3A_2821 = arith.constant 29232 : i32
    %add3A_2822 = arith.addi %mul3A_2, %add3A_2821 : i32
    %dma_start3A_2823 = arith.constant 0 : i32
    %dma_start3A_2824 = arith.constant 0 : i32
    %dma_start3A_2825 = tpu.memref_slice %arg4[%dma_start3A_2823, %dma_start3A_2824] : memref<504x64xf32, #tpu.memory_space<vmem>> -> memref<504x64xf32, #tpu.memory_space<vmem>>
    %dma_start3A_2826 = arith.constant 0 : i32
    %dma_start3A_2827 = tpu.memref_slice %arg3[%add3A_2822, %dma_start3A_2826] : memref<1048576x64xf32, #tpu.memory_space<hbm>> -> memref<504x64xf32, #tpu.memory_space<hbm>>
    %dma_start3A_2828 = arith.constant 0 : i32
    %dma_start3A_2829 = tpu.memref_slice %arg3[%add3A_2822, %dma_start3A_2828] : memref<1048576x64xf32, #tpu.memory_space<hbm>> -> memref<504x64xf32, #tpu.memory_space<hbm>>
    %dma_start3A_2830 = arith.constant 0 : i32
    %dma_start3A_2831 = arith.constant 0 : i32
    %dma_start3A_2832 = tpu.memref_slice %arg4[%dma_start3A_2830, %dma_start3A_2831] : memref<504x64xf32, #tpu.memory_space<vmem>> -> memref<504x64xf32, #tpu.memory_space<vmem>>
    tpu.enqueue_dma source(%dma_start3A_2832 : memref<504x64xf32, #tpu.memory_space<vmem>>) target(%dma_start3A_2829 : memref<504x64xf32, #tpu.memory_space<hbm>>) target_semaphore(%arg8 : memref<!tpu.dma_semaphore, #tpu.memory_space<semaphore_mem>>)
    %add3A_2833 = arith.constant 29232 : i32
    %add3A_2834 = arith.addi %mul3A_2, %add3A_2833 : i32
    %dma_wait3A_2835 = arith.constant 0 : i32
    %dma_wait3A_2836 = arith.constant 0 : i32
    %dma_wait3A_2837 = tpu.memref_slice %arg4[%dma_wait3A_2835, %dma_wait3A_2836] : memref<504x64xf32, #tpu.memory_space<vmem>> -> memref<504x64xf32, #tpu.memory_space<vmem>>
    %dma_wait3A_2838 = arith.constant 0 : i32
    %dma_wait3A_2839 = tpu.memref_slice %arg3[%add3A_2834, %dma_wait3A_2838] : memref<1048576x64xf32, #tpu.memory_space<hbm>> -> memref<504x64xf32, #tpu.memory_space<hbm>>
    %dma_wait3A_2840 = arith.constant 0 : i32
    %dma_wait3A_2841 = tpu.memref_slice %arg3[%add3A_2834, %dma_wait3A_2840] : memref<1048576x64xf32, #tpu.memory_space<hbm>> -> memref<504x64xf32, #tpu.memory_space<hbm>>
    %dma_wait3A_2842 = arith.constant 0 : i32
    %dma_wait3A_2843 = arith.constant 0 : i32
    %dma_wait3A_2844 = tpu.memref_slice %arg4[%dma_wait3A_2842, %dma_wait3A_2843] : memref<504x64xf32, #tpu.memory_space<vmem>> -> memref<504x64xf32, #tpu.memory_space<vmem>>
    tpu.wait_dma2 semaphore(%arg8 : memref<!tpu.dma_semaphore, #tpu.memory_space<semaphore_mem>>) src(%dma_wait3A_2844 : memref<504x64xf32, #tpu.memory_space<vmem>>) dst(%dma_wait3A_2841 : memref<504x64xf32, #tpu.memory_space<hbm>>)
    %add3A_2845 = arith.constant 30240 : i32
    %add3A_2846 = arith.addi %mul3A_2, %add3A_2845 : i32
    %dma_start3A_2847 = arith.constant 0 : i32
    %dma_start3A_2848 = arith.constant 0 : i32
    %dma_start3A_2849 = tpu.memref_slice %arg4[%dma_start3A_2847, %dma_start3A_2848] : memref<504x64xf32, #tpu.memory_space<vmem>> -> memref<504x64xf32, #tpu.memory_space<vmem>>
    %dma_start3A_2850 = arith.constant 0 : i32
    %dma_start3A_2851 = tpu.memref_slice %arg2[%add3A_2846, %dma_start3A_2850] : memref<1048576x64xf32, #tpu.memory_space<hbm>> -> memref<504x64xf32, #tpu.memory_space<hbm>>
    %dma_start3A_2852 = arith.constant 0 : i32
    %dma_start3A_2853 = arith.constant 0 : i32
    %dma_start3A_2854 = tpu.memref_slice %arg4[%dma_start3A_2852, %dma_start3A_2853] : memref<504x64xf32, #tpu.memory_space<vmem>> -> memref<504x64xf32, #tpu.memory_space<vmem>>
    %dma_start3A_2855 = arith.constant 0 : i32
    %dma_start3A_2856 = tpu.memref_slice %arg2[%add3A_2846, %dma_start3A_2855] : memref<1048576x64xf32, #tpu.memory_space<hbm>> -> memref<504x64xf32, #tpu.memory_space<hbm>>
    tpu.enqueue_dma source(%dma_start3A_2856 : memref<504x64xf32, #tpu.memory_space<hbm>>) target(%dma_start3A_2854 : memref<504x64xf32, #tpu.memory_space<vmem>>) target_semaphore(%arg6 : memref<!tpu.dma_semaphore, #tpu.memory_space<semaphore_mem>>)
    %add3A_2857 = arith.constant 29736 : i32
    %add3A_2858 = arith.addi %mul3A_2, %add3A_2857 : i32
    %dma_wait3A_2859 = arith.constant 0 : i32
    %dma_wait3A_2860 = arith.constant 0 : i32
    %dma_wait3A_2861 = tpu.memref_slice %arg5[%dma_wait3A_2859, %dma_wait3A_2860] : memref<504x64xf32, #tpu.memory_space<vmem>> -> memref<504x64xf32, #tpu.memory_space<vmem>>
    %dma_wait3A_2862 = arith.constant 0 : i32
    %dma_wait3A_2863 = tpu.memref_slice %arg2[%add3A_2858, %dma_wait3A_2862] : memref<1048576x64xf32, #tpu.memory_space<hbm>> -> memref<504x64xf32, #tpu.memory_space<hbm>>
    %dma_wait3A_2864 = arith.constant 0 : i32
    %dma_wait3A_2865 = arith.constant 0 : i32
    %dma_wait3A_2866 = tpu.memref_slice %arg5[%dma_wait3A_2864, %dma_wait3A_2865] : memref<504x64xf32, #tpu.memory_space<vmem>> -> memref<504x64xf32, #tpu.memory_space<vmem>>
    %dma_wait3A_2867 = arith.constant 0 : i32
    %dma_wait3A_2868 = tpu.memref_slice %arg2[%add3A_2858, %dma_wait3A_2867] : memref<1048576x64xf32, #tpu.memory_space<hbm>> -> memref<504x64xf32, #tpu.memory_space<hbm>>
    tpu.wait_dma2 semaphore(%arg7 : memref<!tpu.dma_semaphore, #tpu.memory_space<semaphore_mem>>) src(%dma_wait3A_2868 : memref<504x64xf32, #tpu.memory_space<hbm>>) dst(%dma_wait3A_2866 : memref<504x64xf32, #tpu.memory_space<vmem>>)
    %add3A_2869 = arith.constant 29736 : i32
    %add3A_2870 = arith.addi %mul3A_2, %add3A_2869 : i32
    %dma_start3A_2871 = arith.constant 0 : i32
    %dma_start3A_2872 = arith.constant 0 : i32
    %dma_start3A_2873 = tpu.memref_slice %arg5[%dma_start3A_2871, %dma_start3A_2872] : memref<504x64xf32, #tpu.memory_space<vmem>> -> memref<504x64xf32, #tpu.memory_space<vmem>>
    %dma_start3A_2874 = arith.constant 0 : i32
    %dma_start3A_2875 = tpu.memref_slice %arg3[%add3A_2870, %dma_start3A_2874] : memref<1048576x64xf32, #tpu.memory_space<hbm>> -> memref<504x64xf32, #tpu.memory_space<hbm>>
    %dma_start3A_2876 = arith.constant 0 : i32
    %dma_start3A_2877 = tpu.memref_slice %arg3[%add3A_2870, %dma_start3A_2876] : memref<1048576x64xf32, #tpu.memory_space<hbm>> -> memref<504x64xf32, #tpu.memory_space<hbm>>
    %dma_start3A_2878 = arith.constant 0 : i32
    %dma_start3A_2879 = arith.constant 0 : i32
    %dma_start3A_2880 = tpu.memref_slice %arg5[%dma_start3A_2878, %dma_start3A_2879] : memref<504x64xf32, #tpu.memory_space<vmem>> -> memref<504x64xf32, #tpu.memory_space<vmem>>
    tpu.enqueue_dma source(%dma_start3A_2880 : memref<504x64xf32, #tpu.memory_space<vmem>>) target(%dma_start3A_2877 : memref<504x64xf32, #tpu.memory_space<hbm>>) target_semaphore(%arg9 : memref<!tpu.dma_semaphore, #tpu.memory_space<semaphore_mem>>)
    %add3A_2881 = arith.constant 29736 : i32
    %add3A_2882 = arith.addi %mul3A_2, %add3A_2881 : i32
    %dma_wait3A_2883 = arith.constant 0 : i32
    %dma_wait3A_2884 = arith.constant 0 : i32
    %dma_wait3A_2885 = tpu.memref_slice %arg5[%dma_wait3A_2883, %dma_wait3A_2884] : memref<504x64xf32, #tpu.memory_space<vmem>> -> memref<504x64xf32, #tpu.memory_space<vmem>>
    %dma_wait3A_2886 = arith.constant 0 : i32
    %dma_wait3A_2887 = tpu.memref_slice %arg3[%add3A_2882, %dma_wait3A_2886] : memref<1048576x64xf32, #tpu.memory_space<hbm>> -> memref<504x64xf32, #tpu.memory_space<hbm>>
    %dma_wait3A_2888 = arith.constant 0 : i32
    %dma_wait3A_2889 = tpu.memref_slice %arg3[%add3A_2882, %dma_wait3A_2888] : memref<1048576x64xf32, #tpu.memory_space<hbm>> -> memref<504x64xf32, #tpu.memory_space<hbm>>
    %dma_wait3A_2890 = arith.constant 0 : i32
    %dma_wait3A_2891 = arith.constant 0 : i32
    %dma_wait3A_2892 = tpu.memref_slice %arg5[%dma_wait3A_2890, %dma_wait3A_2891] : memref<504x64xf32, #tpu.memory_space<vmem>> -> memref<504x64xf32, #tpu.memory_space<vmem>>
    tpu.wait_dma2 semaphore(%arg9 : memref<!tpu.dma_semaphore, #tpu.memory_space<semaphore_mem>>) src(%dma_wait3A_2892 : memref<504x64xf32, #tpu.memory_space<vmem>>) dst(%dma_wait3A_2889 : memref<504x64xf32, #tpu.memory_space<hbm>>)
    %add3A_2893 = arith.constant 30744 : i32
    %add3A_2894 = arith.addi %mul3A_2, %add3A_2893 : i32
    %dma_start3A_2895 = arith.constant 0 : i32
    %dma_start3A_2896 = arith.constant 0 : i32
    %dma_start3A_2897 = tpu.memref_slice %arg5[%dma_start3A_2895, %dma_start3A_2896] : memref<504x64xf32, #tpu.memory_space<vmem>> -> memref<504x64xf32, #tpu.memory_space<vmem>>
    %dma_start3A_2898 = arith.constant 0 : i32
    %dma_start3A_2899 = tpu.memref_slice %arg2[%add3A_2894, %dma_start3A_2898] : memref<1048576x64xf32, #tpu.memory_space<hbm>> -> memref<504x64xf32, #tpu.memory_space<hbm>>
    %dma_start3A_2900 = arith.constant 0 : i32
    %dma_start3A_2901 = arith.constant 0 : i32
    %dma_start3A_2902 = tpu.memref_slice %arg5[%dma_start3A_2900, %dma_start3A_2901] : memref<504x64xf32, #tpu.memory_space<vmem>> -> memref<504x64xf32, #tpu.memory_space<vmem>>
    %dma_start3A_2903 = arith.constant 0 : i32
    %dma_start3A_2904 = tpu.memref_slice %arg2[%add3A_2894, %dma_start3A_2903] : memref<1048576x64xf32, #tpu.memory_space<hbm>> -> memref<504x64xf32, #tpu.memory_space<hbm>>
    tpu.enqueue_dma source(%dma_start3A_2904 : memref<504x64xf32, #tpu.memory_space<hbm>>) target(%dma_start3A_2902 : memref<504x64xf32, #tpu.memory_space<vmem>>) target_semaphore(%arg7 : memref<!tpu.dma_semaphore, #tpu.memory_space<semaphore_mem>>)
    %add3A_2905 = arith.constant 30240 : i32
    %add3A_2906 = arith.addi %mul3A_2, %add3A_2905 : i32
    %dma_wait3A_2907 = arith.constant 0 : i32
    %dma_wait3A_2908 = arith.constant 0 : i32
    %dma_wait3A_2909 = tpu.memref_slice %arg4[%dma_wait3A_2907, %dma_wait3A_2908] : memref<504x64xf32, #tpu.memory_space<vmem>> -> memref<504x64xf32, #tpu.memory_space<vmem>>
    %dma_wait3A_2910 = arith.constant 0 : i32
    %dma_wait3A_2911 = tpu.memref_slice %arg2[%add3A_2906, %dma_wait3A_2910] : memref<1048576x64xf32, #tpu.memory_space<hbm>> -> memref<504x64xf32, #tpu.memory_space<hbm>>
    %dma_wait3A_2912 = arith.constant 0 : i32
    %dma_wait3A_2913 = arith.constant 0 : i32
    %dma_wait3A_2914 = tpu.memref_slice %arg4[%dma_wait3A_2912, %dma_wait3A_2913] : memref<504x64xf32, #tpu.memory_space<vmem>> -> memref<504x64xf32, #tpu.memory_space<vmem>>
    %dma_wait3A_2915 = arith.constant 0 : i32
    %dma_wait3A_2916 = tpu.memref_slice %arg2[%add3A_2906, %dma_wait3A_2915] : memref<1048576x64xf32, #tpu.memory_space<hbm>> -> memref<504x64xf32, #tpu.memory_space<hbm>>
    tpu.wait_dma2 semaphore(%arg6 : memref<!tpu.dma_semaphore, #tpu.memory_space<semaphore_mem>>) src(%dma_wait3A_2916 : memref<504x64xf32, #tpu.memory_space<hbm>>) dst(%dma_wait3A_2914 : memref<504x64xf32, #tpu.memory_space<vmem>>)
    %add3A_2917 = arith.constant 30240 : i32
    %add3A_2918 = arith.addi %mul3A_2, %add3A_2917 : i32
    %dma_start3A_2919 = arith.constant 0 : i32
    %dma_start3A_2920 = arith.constant 0 : i32
    %dma_start3A_2921 = tpu.memref_slice %arg4[%dma_start3A_2919, %dma_start3A_2920] : memref<504x64xf32, #tpu.memory_space<vmem>> -> memref<504x64xf32, #tpu.memory_space<vmem>>
    %dma_start3A_2922 = arith.constant 0 : i32
    %dma_start3A_2923 = tpu.memref_slice %arg3[%add3A_2918, %dma_start3A_2922] : memref<1048576x64xf32, #tpu.memory_space<hbm>> -> memref<504x64xf32, #tpu.memory_space<hbm>>
    %dma_start3A_2924 = arith.constant 0 : i32
    %dma_start3A_2925 = tpu.memref_slice %arg3[%add3A_2918, %dma_start3A_2924] : memref<1048576x64xf32, #tpu.memory_space<hbm>> -> memref<504x64xf32, #tpu.memory_space<hbm>>
    %dma_start3A_2926 = arith.constant 0 : i32
    %dma_start3A_2927 = arith.constant 0 : i32
    %dma_start3A_2928 = tpu.memref_slice %arg4[%dma_start3A_2926, %dma_start3A_2927] : memref<504x64xf32, #tpu.memory_space<vmem>> -> memref<504x64xf32, #tpu.memory_space<vmem>>
    tpu.enqueue_dma source(%dma_start3A_2928 : memref<504x64xf32, #tpu.memory_space<vmem>>) target(%dma_start3A_2925 : memref<504x64xf32, #tpu.memory_space<hbm>>) target_semaphore(%arg8 : memref<!tpu.dma_semaphore, #tpu.memory_space<semaphore_mem>>)
    %add3A_2929 = arith.constant 30240 : i32
    %add3A_2930 = arith.addi %mul3A_2, %add3A_2929 : i32
    %dma_wait3A_2931 = arith.constant 0 : i32
    %dma_wait3A_2932 = arith.constant 0 : i32
    %dma_wait3A_2933 = tpu.memref_slice %arg4[%dma_wait3A_2931, %dma_wait3A_2932] : memref<504x64xf32, #tpu.memory_space<vmem>> -> memref<504x64xf32, #tpu.memory_space<vmem>>
    %dma_wait3A_2934 = arith.constant 0 : i32
    %dma_wait3A_2935 = tpu.memref_slice %arg3[%add3A_2930, %dma_wait3A_2934] : memref<1048576x64xf32, #tpu.memory_space<hbm>> -> memref<504x64xf32, #tpu.memory_space<hbm>>
    %dma_wait3A_2936 = arith.constant 0 : i32
    %dma_wait3A_2937 = tpu.memref_slice %arg3[%add3A_2930, %dma_wait3A_2936] : memref<1048576x64xf32, #tpu.memory_space<hbm>> -> memref<504x64xf32, #tpu.memory_space<hbm>>
    %dma_wait3A_2938 = arith.constant 0 : i32
    %dma_wait3A_2939 = arith.constant 0 : i32
    %dma_wait3A_2940 = tpu.memref_slice %arg4[%dma_wait3A_2938, %dma_wait3A_2939] : memref<504x64xf32, #tpu.memory_space<vmem>> -> memref<504x64xf32, #tpu.memory_space<vmem>>
    tpu.wait_dma2 semaphore(%arg8 : memref<!tpu.dma_semaphore, #tpu.memory_space<semaphore_mem>>) src(%dma_wait3A_2940 : memref<504x64xf32, #tpu.memory_space<vmem>>) dst(%dma_wait3A_2937 : memref<504x64xf32, #tpu.memory_space<hbm>>)
    %add3A_2941 = arith.constant 31248 : i32
    %add3A_2942 = arith.addi %mul3A_2, %add3A_2941 : i32
    %dma_start3A_2943 = arith.constant 0 : i32
    %dma_start3A_2944 = arith.constant 0 : i32
    %dma_start3A_2945 = tpu.memref_slice %arg4[%dma_start3A_2943, %dma_start3A_2944] : memref<504x64xf32, #tpu.memory_space<vmem>> -> memref<504x64xf32, #tpu.memory_space<vmem>>
    %dma_start3A_2946 = arith.constant 0 : i32
    %dma_start3A_2947 = tpu.memref_slice %arg2[%add3A_2942, %dma_start3A_2946] : memref<1048576x64xf32, #tpu.memory_space<hbm>> -> memref<504x64xf32, #tpu.memory_space<hbm>>
    %dma_start3A_2948 = arith.constant 0 : i32
    %dma_start3A_2949 = arith.constant 0 : i32
    %dma_start3A_2950 = tpu.memref_slice %arg4[%dma_start3A_2948, %dma_start3A_2949] : memref<504x64xf32, #tpu.memory_space<vmem>> -> memref<504x64xf32, #tpu.memory_space<vmem>>
    %dma_start3A_2951 = arith.constant 0 : i32
    %dma_start3A_2952 = tpu.memref_slice %arg2[%add3A_2942, %dma_start3A_2951] : memref<1048576x64xf32, #tpu.memory_space<hbm>> -> memref<504x64xf32, #tpu.memory_space<hbm>>
    tpu.enqueue_dma source(%dma_start3A_2952 : memref<504x64xf32, #tpu.memory_space<hbm>>) target(%dma_start3A_2950 : memref<504x64xf32, #tpu.memory_space<vmem>>) target_semaphore(%arg6 : memref<!tpu.dma_semaphore, #tpu.memory_space<semaphore_mem>>)
    %add3A_2953 = arith.constant 30744 : i32
    %add3A_2954 = arith.addi %mul3A_2, %add3A_2953 : i32
    %dma_wait3A_2955 = arith.constant 0 : i32
    %dma_wait3A_2956 = arith.constant 0 : i32
    %dma_wait3A_2957 = tpu.memref_slice %arg5[%dma_wait3A_2955, %dma_wait3A_2956] : memref<504x64xf32, #tpu.memory_space<vmem>> -> memref<504x64xf32, #tpu.memory_space<vmem>>
    %dma_wait3A_2958 = arith.constant 0 : i32
    %dma_wait3A_2959 = tpu.memref_slice %arg2[%add3A_2954, %dma_wait3A_2958] : memref<1048576x64xf32, #tpu.memory_space<hbm>> -> memref<504x64xf32, #tpu.memory_space<hbm>>
    %dma_wait3A_2960 = arith.constant 0 : i32
    %dma_wait3A_2961 = arith.constant 0 : i32
    %dma_wait3A_2962 = tpu.memref_slice %arg5[%dma_wait3A_2960, %dma_wait3A_2961] : memref<504x64xf32, #tpu.memory_space<vmem>> -> memref<504x64xf32, #tpu.memory_space<vmem>>
    %dma_wait3A_2963 = arith.constant 0 : i32
    %dma_wait3A_2964 = tpu.memref_slice %arg2[%add3A_2954, %dma_wait3A_2963] : memref<1048576x64xf32, #tpu.memory_space<hbm>> -> memref<504x64xf32, #tpu.memory_space<hbm>>
    tpu.wait_dma2 semaphore(%arg7 : memref<!tpu.dma_semaphore, #tpu.memory_space<semaphore_mem>>) src(%dma_wait3A_2964 : memref<504x64xf32, #tpu.memory_space<hbm>>) dst(%dma_wait3A_2962 : memref<504x64xf32, #tpu.memory_space<vmem>>)
    %add3A_2965 = arith.constant 30744 : i32
    %add3A_2966 = arith.addi %mul3A_2, %add3A_2965 : i32
    %dma_start3A_2967 = arith.constant 0 : i32
    %dma_start3A_2968 = arith.constant 0 : i32
    %dma_start3A_2969 = tpu.memref_slice %arg5[%dma_start3A_2967, %dma_start3A_2968] : memref<504x64xf32, #tpu.memory_space<vmem>> -> memref<504x64xf32, #tpu.memory_space<vmem>>
    %dma_start3A_2970 = arith.constant 0 : i32
    %dma_start3A_2971 = tpu.memref_slice %arg3[%add3A_2966, %dma_start3A_2970] : memref<1048576x64xf32, #tpu.memory_space<hbm>> -> memref<504x64xf32, #tpu.memory_space<hbm>>
    %dma_start3A_2972 = arith.constant 0 : i32
    %dma_start3A_2973 = tpu.memref_slice %arg3[%add3A_2966, %dma_start3A_2972] : memref<1048576x64xf32, #tpu.memory_space<hbm>> -> memref<504x64xf32, #tpu.memory_space<hbm>>
    %dma_start3A_2974 = arith.constant 0 : i32
    %dma_start3A_2975 = arith.constant 0 : i32
    %dma_start3A_2976 = tpu.memref_slice %arg5[%dma_start3A_2974, %dma_start3A_2975] : memref<504x64xf32, #tpu.memory_space<vmem>> -> memref<504x64xf32, #tpu.memory_space<vmem>>
    tpu.enqueue_dma source(%dma_start3A_2976 : memref<504x64xf32, #tpu.memory_space<vmem>>) target(%dma_start3A_2973 : memref<504x64xf32, #tpu.memory_space<hbm>>) target_semaphore(%arg9 : memref<!tpu.dma_semaphore, #tpu.memory_space<semaphore_mem>>)
    %add3A_2977 = arith.constant 30744 : i32
    %add3A_2978 = arith.addi %mul3A_2, %add3A_2977 : i32
    %dma_wait3A_2979 = arith.constant 0 : i32
    %dma_wait3A_2980 = arith.constant 0 : i32
    %dma_wait3A_2981 = tpu.memref_slice %arg5[%dma_wait3A_2979, %dma_wait3A_2980] : memref<504x64xf32, #tpu.memory_space<vmem>> -> memref<504x64xf32, #tpu.memory_space<vmem>>
    %dma_wait3A_2982 = arith.constant 0 : i32
    %dma_wait3A_2983 = tpu.memref_slice %arg3[%add3A_2978, %dma_wait3A_2982] : memref<1048576x64xf32, #tpu.memory_space<hbm>> -> memref<504x64xf32, #tpu.memory_space<hbm>>
    %dma_wait3A_2984 = arith.constant 0 : i32
    %dma_wait3A_2985 = tpu.memref_slice %arg3[%add3A_2978, %dma_wait3A_2984] : memref<1048576x64xf32, #tpu.memory_space<hbm>> -> memref<504x64xf32, #tpu.memory_space<hbm>>
    %dma_wait3A_2986 = arith.constant 0 : i32
    %dma_wait3A_2987 = arith.constant 0 : i32
    %dma_wait3A_2988 = tpu.memref_slice %arg5[%dma_wait3A_2986, %dma_wait3A_2987] : memref<504x64xf32, #tpu.memory_space<vmem>> -> memref<504x64xf32, #tpu.memory_space<vmem>>
    tpu.wait_dma2 semaphore(%arg9 : memref<!tpu.dma_semaphore, #tpu.memory_space<semaphore_mem>>) src(%dma_wait3A_2988 : memref<504x64xf32, #tpu.memory_space<vmem>>) dst(%dma_wait3A_2985 : memref<504x64xf32, #tpu.memory_space<hbm>>)
    %add3A_2989 = arith.constant 31752 : i32
    %add3A_2990 = arith.addi %mul3A_2, %add3A_2989 : i32
    %dma_start3A_2991 = arith.constant 0 : i32
    %dma_start3A_2992 = arith.constant 0 : i32
    %dma_start3A_2993 = tpu.memref_slice %arg5[%dma_start3A_2991, %dma_start3A_2992] : memref<504x64xf32, #tpu.memory_space<vmem>> -> memref<504x64xf32, #tpu.memory_space<vmem>>
    %dma_start3A_2994 = arith.constant 0 : i32
    %dma_start3A_2995 = tpu.memref_slice %arg2[%add3A_2990, %dma_start3A_2994] : memref<1048576x64xf32, #tpu.memory_space<hbm>> -> memref<504x64xf32, #tpu.memory_space<hbm>>
    %dma_start3A_2996 = arith.constant 0 : i32
    %dma_start3A_2997 = arith.constant 0 : i32
    %dma_start3A_2998 = tpu.memref_slice %arg5[%dma_start3A_2996, %dma_start3A_2997] : memref<504x64xf32, #tpu.memory_space<vmem>> -> memref<504x64xf32, #tpu.memory_space<vmem>>
    %dma_start3A_2999 = arith.constant 0 : i32
    %dma_start3A_3000 = tpu.memref_slice %arg2[%add3A_2990, %dma_start3A_2999] : memref<1048576x64xf32, #tpu.memory_space<hbm>> -> memref<504x64xf32, #tpu.memory_space<hbm>>
    tpu.enqueue_dma source(%dma_start3A_3000 : memref<504x64xf32, #tpu.memory_space<hbm>>) target(%dma_start3A_2998 : memref<504x64xf32, #tpu.memory_space<vmem>>) target_semaphore(%arg7 : memref<!tpu.dma_semaphore, #tpu.memory_space<semaphore_mem>>)
    %add3A_3001 = arith.constant 31248 : i32
    %add3A_3002 = arith.addi %mul3A_2, %add3A_3001 : i32
    %dma_wait3A_3003 = arith.constant 0 : i32
    %dma_wait3A_3004 = arith.constant 0 : i32
    %dma_wait3A_3005 = tpu.memref_slice %arg4[%dma_wait3A_3003, %dma_wait3A_3004] : memref<504x64xf32, #tpu.memory_space<vmem>> -> memref<504x64xf32, #tpu.memory_space<vmem>>
    %dma_wait3A_3006 = arith.constant 0 : i32
    %dma_wait3A_3007 = tpu.memref_slice %arg2[%add3A_3002, %dma_wait3A_3006] : memref<1048576x64xf32, #tpu.memory_space<hbm>> -> memref<504x64xf32, #tpu.memory_space<hbm>>
    %dma_wait3A_3008 = arith.constant 0 : i32
    %dma_wait3A_3009 = arith.constant 0 : i32
    %dma_wait3A_3010 = tpu.memref_slice %arg4[%dma_wait3A_3008, %dma_wait3A_3009] : memref<504x64xf32, #tpu.memory_space<vmem>> -> memref<504x64xf32, #tpu.memory_space<vmem>>
    %dma_wait3A_3011 = arith.constant 0 : i32
    %dma_wait3A_3012 = tpu.memref_slice %arg2[%add3A_3002, %dma_wait3A_3011] : memref<1048576x64xf32, #tpu.memory_space<hbm>> -> memref<504x64xf32, #tpu.memory_space<hbm>>
    tpu.wait_dma2 semaphore(%arg6 : memref<!tpu.dma_semaphore, #tpu.memory_space<semaphore_mem>>) src(%dma_wait3A_3012 : memref<504x64xf32, #tpu.memory_space<hbm>>) dst(%dma_wait3A_3010 : memref<504x64xf32, #tpu.memory_space<vmem>>)
    %add3A_3013 = arith.constant 31248 : i32
    %add3A_3014 = arith.addi %mul3A_2, %add3A_3013 : i32
    %dma_start3A_3015 = arith.constant 0 : i32
    %dma_start3A_3016 = arith.constant 0 : i32
    %dma_start3A_3017 = tpu.memref_slice %arg4[%dma_start3A_3015, %dma_start3A_3016] : memref<504x64xf32, #tpu.memory_space<vmem>> -> memref<504x64xf32, #tpu.memory_space<vmem>>
    %dma_start3A_3018 = arith.constant 0 : i32
    %dma_start3A_3019 = tpu.memref_slice %arg3[%add3A_3014, %dma_start3A_3018] : memref<1048576x64xf32, #tpu.memory_space<hbm>> -> memref<504x64xf32, #tpu.memory_space<hbm>>
    %dma_start3A_3020 = arith.constant 0 : i32
    %dma_start3A_3021 = tpu.memref_slice %arg3[%add3A_3014, %dma_start3A_3020] : memref<1048576x64xf32, #tpu.memory_space<hbm>> -> memref<504x64xf32, #tpu.memory_space<hbm>>
    %dma_start3A_3022 = arith.constant 0 : i32
    %dma_start3A_3023 = arith.constant 0 : i32
    %dma_start3A_3024 = tpu.memref_slice %arg4[%dma_start3A_3022, %dma_start3A_3023] : memref<504x64xf32, #tpu.memory_space<vmem>> -> memref<504x64xf32, #tpu.memory_space<vmem>>
    tpu.enqueue_dma source(%dma_start3A_3024 : memref<504x64xf32, #tpu.memory_space<vmem>>) target(%dma_start3A_3021 : memref<504x64xf32, #tpu.memory_space<hbm>>) target_semaphore(%arg8 : memref<!tpu.dma_semaphore, #tpu.memory_space<semaphore_mem>>)
    %add3A_3025 = arith.constant 31248 : i32
    %add3A_3026 = arith.addi %mul3A_2, %add3A_3025 : i32
    %dma_wait3A_3027 = arith.constant 0 : i32
    %dma_wait3A_3028 = arith.constant 0 : i32
    %dma_wait3A_3029 = tpu.memref_slice %arg4[%dma_wait3A_3027, %dma_wait3A_3028] : memref<504x64xf32, #tpu.memory_space<vmem>> -> memref<504x64xf32, #tpu.memory_space<vmem>>
    %dma_wait3A_3030 = arith.constant 0 : i32
    %dma_wait3A_3031 = tpu.memref_slice %arg3[%add3A_3026, %dma_wait3A_3030] : memref<1048576x64xf32, #tpu.memory_space<hbm>> -> memref<504x64xf32, #tpu.memory_space<hbm>>
    %dma_wait3A_3032 = arith.constant 0 : i32
    %dma_wait3A_3033 = tpu.memref_slice %arg3[%add3A_3026, %dma_wait3A_3032] : memref<1048576x64xf32, #tpu.memory_space<hbm>> -> memref<504x64xf32, #tpu.memory_space<hbm>>
    %dma_wait3A_3034 = arith.constant 0 : i32
    %dma_wait3A_3035 = arith.constant 0 : i32
    %dma_wait3A_3036 = tpu.memref_slice %arg4[%dma_wait3A_3034, %dma_wait3A_3035] : memref<504x64xf32, #tpu.memory_space<vmem>> -> memref<504x64xf32, #tpu.memory_space<vmem>>
    tpu.wait_dma2 semaphore(%arg8 : memref<!tpu.dma_semaphore, #tpu.memory_space<semaphore_mem>>) src(%dma_wait3A_3036 : memref<504x64xf32, #tpu.memory_space<vmem>>) dst(%dma_wait3A_3033 : memref<504x64xf32, #tpu.memory_space<hbm>>)
    %add3A_3037 = arith.constant 32256 : i32
    %add3A_3038 = arith.addi %mul3A_2, %add3A_3037 : i32
    %dma_start3A_3039 = arith.constant 0 : i32
    %dma_start3A_3040 = arith.constant 0 : i32
    %dma_start3A_3041 = tpu.memref_slice %arg4[%dma_start3A_3039, %dma_start3A_3040] : memref<504x64xf32, #tpu.memory_space<vmem>> -> memref<504x64xf32, #tpu.memory_space<vmem>>
    %dma_start3A_3042 = arith.constant 0 : i32
    %dma_start3A_3043 = tpu.memref_slice %arg2[%add3A_3038, %dma_start3A_3042] : memref<1048576x64xf32, #tpu.memory_space<hbm>> -> memref<504x64xf32, #tpu.memory_space<hbm>>
    %dma_start3A_3044 = arith.constant 0 : i32
    %dma_start3A_3045 = arith.constant 0 : i32
    %dma_start3A_3046 = tpu.memref_slice %arg4[%dma_start3A_3044, %dma_start3A_3045] : memref<504x64xf32, #tpu.memory_space<vmem>> -> memref<504x64xf32, #tpu.memory_space<vmem>>
    %dma_start3A_3047 = arith.constant 0 : i32
    %dma_start3A_3048 = tpu.memref_slice %arg2[%add3A_3038, %dma_start3A_3047] : memref<1048576x64xf32, #tpu.memory_space<hbm>> -> memref<504x64xf32, #tpu.memory_space<hbm>>
    tpu.enqueue_dma source(%dma_start3A_3048 : memref<504x64xf32, #tpu.memory_space<hbm>>) target(%dma_start3A_3046 : memref<504x64xf32, #tpu.memory_space<vmem>>) target_semaphore(%arg6 : memref<!tpu.dma_semaphore, #tpu.memory_space<semaphore_mem>>)
    %add3A_3049 = arith.constant 31752 : i32
    %add3A_3050 = arith.addi %mul3A_2, %add3A_3049 : i32
    %dma_wait3A_3051 = arith.constant 0 : i32
    %dma_wait3A_3052 = arith.constant 0 : i32
    %dma_wait3A_3053 = tpu.memref_slice %arg5[%dma_wait3A_3051, %dma_wait3A_3052] : memref<504x64xf32, #tpu.memory_space<vmem>> -> memref<504x64xf32, #tpu.memory_space<vmem>>
    %dma_wait3A_3054 = arith.constant 0 : i32
    %dma_wait3A_3055 = tpu.memref_slice %arg2[%add3A_3050, %dma_wait3A_3054] : memref<1048576x64xf32, #tpu.memory_space<hbm>> -> memref<504x64xf32, #tpu.memory_space<hbm>>
    %dma_wait3A_3056 = arith.constant 0 : i32
    %dma_wait3A_3057 = arith.constant 0 : i32
    %dma_wait3A_3058 = tpu.memref_slice %arg5[%dma_wait3A_3056, %dma_wait3A_3057] : memref<504x64xf32, #tpu.memory_space<vmem>> -> memref<504x64xf32, #tpu.memory_space<vmem>>
    %dma_wait3A_3059 = arith.constant 0 : i32
    %dma_wait3A_3060 = tpu.memref_slice %arg2[%add3A_3050, %dma_wait3A_3059] : memref<1048576x64xf32, #tpu.memory_space<hbm>> -> memref<504x64xf32, #tpu.memory_space<hbm>>
    tpu.wait_dma2 semaphore(%arg7 : memref<!tpu.dma_semaphore, #tpu.memory_space<semaphore_mem>>) src(%dma_wait3A_3060 : memref<504x64xf32, #tpu.memory_space<hbm>>) dst(%dma_wait3A_3058 : memref<504x64xf32, #tpu.memory_space<vmem>>)
    %add3A_3061 = arith.constant 31752 : i32
    %add3A_3062 = arith.addi %mul3A_2, %add3A_3061 : i32
    %dma_start3A_3063 = arith.constant 0 : i32
    %dma_start3A_3064 = arith.constant 0 : i32
    %dma_start3A_3065 = tpu.memref_slice %arg5[%dma_start3A_3063, %dma_start3A_3064] : memref<504x64xf32, #tpu.memory_space<vmem>> -> memref<504x64xf32, #tpu.memory_space<vmem>>
    %dma_start3A_3066 = arith.constant 0 : i32
    %dma_start3A_3067 = tpu.memref_slice %arg3[%add3A_3062, %dma_start3A_3066] : memref<1048576x64xf32, #tpu.memory_space<hbm>> -> memref<504x64xf32, #tpu.memory_space<hbm>>
    %dma_start3A_3068 = arith.constant 0 : i32
    %dma_start3A_3069 = tpu.memref_slice %arg3[%add3A_3062, %dma_start3A_3068] : memref<1048576x64xf32, #tpu.memory_space<hbm>> -> memref<504x64xf32, #tpu.memory_space<hbm>>
    %dma_start3A_3070 = arith.constant 0 : i32
    %dma_start3A_3071 = arith.constant 0 : i32
    %dma_start3A_3072 = tpu.memref_slice %arg5[%dma_start3A_3070, %dma_start3A_3071] : memref<504x64xf32, #tpu.memory_space<vmem>> -> memref<504x64xf32, #tpu.memory_space<vmem>>
    tpu.enqueue_dma source(%dma_start3A_3072 : memref<504x64xf32, #tpu.memory_space<vmem>>) target(%dma_start3A_3069 : memref<504x64xf32, #tpu.memory_space<hbm>>) target_semaphore(%arg9 : memref<!tpu.dma_semaphore, #tpu.memory_space<semaphore_mem>>)
    %add3A_3073 = arith.constant 31752 : i32
    %add3A_3074 = arith.addi %mul3A_2, %add3A_3073 : i32
    %dma_wait3A_3075 = arith.constant 0 : i32
    %dma_wait3A_3076 = arith.constant 0 : i32
    %dma_wait3A_3077 = tpu.memref_slice %arg5[%dma_wait3A_3075, %dma_wait3A_3076] : memref<504x64xf32, #tpu.memory_space<vmem>> -> memref<504x64xf32, #tpu.memory_space<vmem>>
    %dma_wait3A_3078 = arith.constant 0 : i32
    %dma_wait3A_3079 = tpu.memref_slice %arg3[%add3A_3074, %dma_wait3A_3078] : memref<1048576x64xf32, #tpu.memory_space<hbm>> -> memref<504x64xf32, #tpu.memory_space<hbm>>
    %dma_wait3A_3080 = arith.constant 0 : i32
    %dma_wait3A_3081 = tpu.memref_slice %arg3[%add3A_3074, %dma_wait3A_3080] : memref<1048576x64xf32, #tpu.memory_space<hbm>> -> memref<504x64xf32, #tpu.memory_space<hbm>>
    %dma_wait3A_3082 = arith.constant 0 : i32
    %dma_wait3A_3083 = arith.constant 0 : i32
    %dma_wait3A_3084 = tpu.memref_slice %arg5[%dma_wait3A_3082, %dma_wait3A_3083] : memref<504x64xf32, #tpu.memory_space<vmem>> -> memref<504x64xf32, #tpu.memory_space<vmem>>
    tpu.wait_dma2 semaphore(%arg9 : memref<!tpu.dma_semaphore, #tpu.memory_space<semaphore_mem>>) src(%dma_wait3A_3084 : memref<504x64xf32, #tpu.memory_space<vmem>>) dst(%dma_wait3A_3081 : memref<504x64xf32, #tpu.memory_space<hbm>>)
    %add3A_3085 = arith.constant 32760 : i32
    %add3A_3086 = arith.addi %mul3A_2, %add3A_3085 : i32
    %dma_start3A_3087 = arith.constant 0 : i32
    %dma_start3A_3088 = arith.constant 0 : i32
    %dma_start3A_3089 = tpu.memref_slice %arg5[%dma_start3A_3087, %dma_start3A_3088] : memref<504x64xf32, #tpu.memory_space<vmem>> -> memref<8x64xf32, #tpu.memory_space<vmem>>
    %dma_start3A_3090 = arith.constant 0 : i32
    %dma_start3A_3091 = tpu.memref_slice %arg2[%add3A_3086, %dma_start3A_3090] : memref<1048576x64xf32, #tpu.memory_space<hbm>> -> memref<8x64xf32, #tpu.memory_space<hbm>>
    %dma_start3A_3092 = arith.constant 0 : i32
    %dma_start3A_3093 = arith.constant 0 : i32
    %dma_start3A_3094 = tpu.memref_slice %arg5[%dma_start3A_3092, %dma_start3A_3093] : memref<504x64xf32, #tpu.memory_space<vmem>> -> memref<8x64xf32, #tpu.memory_space<vmem>>
    %dma_start3A_3095 = arith.constant 0 : i32
    %dma_start3A_3096 = tpu.memref_slice %arg2[%add3A_3086, %dma_start3A_3095] : memref<1048576x64xf32, #tpu.memory_space<hbm>> -> memref<8x64xf32, #tpu.memory_space<hbm>>
    tpu.enqueue_dma source(%dma_start3A_3096 : memref<8x64xf32, #tpu.memory_space<hbm>>) target(%dma_start3A_3094 : memref<8x64xf32, #tpu.memory_space<vmem>>) target_semaphore(%arg7 : memref<!tpu.dma_semaphore, #tpu.memory_space<semaphore_mem>>)
    %add3A_3097 = arith.constant 32256 : i32
    %add3A_3098 = arith.addi %mul3A_2, %add3A_3097 : i32
    %dma_wait3A_3099 = arith.constant 0 : i32
    %dma_wait3A_3100 = arith.constant 0 : i32
    %dma_wait3A_3101 = tpu.memref_slice %arg4[%dma_wait3A_3099, %dma_wait3A_3100] : memref<504x64xf32, #tpu.memory_space<vmem>> -> memref<504x64xf32, #tpu.memory_space<vmem>>
    %dma_wait3A_3102 = arith.constant 0 : i32
    %dma_wait3A_3103 = tpu.memref_slice %arg2[%add3A_3098, %dma_wait3A_3102] : memref<1048576x64xf32, #tpu.memory_space<hbm>> -> memref<504x64xf32, #tpu.memory_space<hbm>>
    %dma_wait3A_3104 = arith.constant 0 : i32
    %dma_wait3A_3105 = arith.constant 0 : i32
    %dma_wait3A_3106 = tpu.memref_slice %arg4[%dma_wait3A_3104, %dma_wait3A_3105] : memref<504x64xf32, #tpu.memory_space<vmem>> -> memref<504x64xf32, #tpu.memory_space<vmem>>
    %dma_wait3A_3107 = arith.constant 0 : i32
    %dma_wait3A_3108 = tpu.memref_slice %arg2[%add3A_3098, %dma_wait3A_3107] : memref<1048576x64xf32, #tpu.memory_space<hbm>> -> memref<504x64xf32, #tpu.memory_space<hbm>>
    tpu.wait_dma2 semaphore(%arg6 : memref<!tpu.dma_semaphore, #tpu.memory_space<semaphore_mem>>) src(%dma_wait3A_3108 : memref<504x64xf32, #tpu.memory_space<hbm>>) dst(%dma_wait3A_3106 : memref<504x64xf32, #tpu.memory_space<vmem>>)
    %add3A_3109 = arith.constant 32256 : i32
    %add3A_3110 = arith.addi %mul3A_2, %add3A_3109 : i32
    %dma_start3A_3111 = arith.constant 0 : i32
    %dma_start3A_3112 = arith.constant 0 : i32
    %dma_start3A_3113 = tpu.memref_slice %arg4[%dma_start3A_3111, %dma_start3A_3112] : memref<504x64xf32, #tpu.memory_space<vmem>> -> memref<504x64xf32, #tpu.memory_space<vmem>>
    %dma_start3A_3114 = arith.constant 0 : i32
    %dma_start3A_3115 = tpu.memref_slice %arg3[%add3A_3110, %dma_start3A_3114] : memref<1048576x64xf32, #tpu.memory_space<hbm>> -> memref<504x64xf32, #tpu.memory_space<hbm>>
    %dma_start3A_3116 = arith.constant 0 : i32
    %dma_start3A_3117 = tpu.memref_slice %arg3[%add3A_3110, %dma_start3A_3116] : memref<1048576x64xf32, #tpu.memory_space<hbm>> -> memref<504x64xf32, #tpu.memory_space<hbm>>
    %dma_start3A_3118 = arith.constant 0 : i32
    %dma_start3A_3119 = arith.constant 0 : i32
    %dma_start3A_3120 = tpu.memref_slice %arg4[%dma_start3A_3118, %dma_start3A_3119] : memref<504x64xf32, #tpu.memory_space<vmem>> -> memref<504x64xf32, #tpu.memory_space<vmem>>
    tpu.enqueue_dma source(%dma_start3A_3120 : memref<504x64xf32, #tpu.memory_space<vmem>>) target(%dma_start3A_3117 : memref<504x64xf32, #tpu.memory_space<hbm>>) target_semaphore(%arg8 : memref<!tpu.dma_semaphore, #tpu.memory_space<semaphore_mem>>)
    %add3A_3121 = arith.constant 32760 : i32
    %add3A_3122 = arith.addi %mul3A_2, %add3A_3121 : i32
    %dma_wait3A_3123 = arith.constant 0 : i32
    %dma_wait3A_3124 = arith.constant 0 : i32
    %dma_wait3A_3125 = tpu.memref_slice %arg5[%dma_wait3A_3123, %dma_wait3A_3124] : memref<504x64xf32, #tpu.memory_space<vmem>> -> memref<8x64xf32, #tpu.memory_space<vmem>>
    %dma_wait3A_3126 = arith.constant 0 : i32
    %dma_wait3A_3127 = tpu.memref_slice %arg2[%add3A_3122, %dma_wait3A_3126] : memref<1048576x64xf32, #tpu.memory_space<hbm>> -> memref<8x64xf32, #tpu.memory_space<hbm>>
    %dma_wait3A_3128 = arith.constant 0 : i32
    %dma_wait3A_3129 = arith.constant 0 : i32
    %dma_wait3A_3130 = tpu.memref_slice %arg5[%dma_wait3A_3128, %dma_wait3A_3129] : memref<504x64xf32, #tpu.memory_space<vmem>> -> memref<8x64xf32, #tpu.memory_space<vmem>>
    %dma_wait3A_3131 = arith.constant 0 : i32
    %dma_wait3A_3132 = tpu.memref_slice %arg2[%add3A_3122, %dma_wait3A_3131] : memref<1048576x64xf32, #tpu.memory_space<hbm>> -> memref<8x64xf32, #tpu.memory_space<hbm>>
    tpu.wait_dma2 semaphore(%arg7 : memref<!tpu.dma_semaphore, #tpu.memory_space<semaphore_mem>>) src(%dma_wait3A_3132 : memref<8x64xf32, #tpu.memory_space<hbm>>) dst(%dma_wait3A_3130 : memref<8x64xf32, #tpu.memory_space<vmem>>)
    %add3A_3133 = arith.constant 32760 : i32
    %add3A_3134 = arith.addi %mul3A_2, %add3A_3133 : i32
    %dma_start3A_3135 = arith.constant 0 : i32
    %dma_start3A_3136 = arith.constant 0 : i32
    %dma_start3A_3137 = tpu.memref_slice %arg5[%dma_start3A_3135, %dma_start3A_3136] : memref<504x64xf32, #tpu.memory_space<vmem>> -> memref<8x64xf32, #tpu.memory_space<vmem>>
    %dma_start3A_3138 = arith.constant 0 : i32
    %dma_start3A_3139 = tpu.memref_slice %arg3[%add3A_3134, %dma_start3A_3138] : memref<1048576x64xf32, #tpu.memory_space<hbm>> -> memref<8x64xf32, #tpu.memory_space<hbm>>
    %dma_start3A_3140 = arith.constant 0 : i32
    %dma_start3A_3141 = tpu.memref_slice %arg3[%add3A_3134, %dma_start3A_3140] : memref<1048576x64xf32, #tpu.memory_space<hbm>> -> memref<8x64xf32, #tpu.memory_space<hbm>>
    %dma_start3A_3142 = arith.constant 0 : i32
    %dma_start3A_3143 = arith.constant 0 : i32
    %dma_start3A_3144 = tpu.memref_slice %arg5[%dma_start3A_3142, %dma_start3A_3143] : memref<504x64xf32, #tpu.memory_space<vmem>> -> memref<8x64xf32, #tpu.memory_space<vmem>>
    tpu.enqueue_dma source(%dma_start3A_3144 : memref<8x64xf32, #tpu.memory_space<vmem>>) target(%dma_start3A_3141 : memref<8x64xf32, #tpu.memory_space<hbm>>) target_semaphore(%arg9 : memref<!tpu.dma_semaphore, #tpu.memory_space<semaphore_mem>>)
    %add3A_3145 = arith.constant 32256 : i32
    %add3A_3146 = arith.addi %mul3A_2, %add3A_3145 : i32
    %dma_wait3A_3147 = arith.constant 0 : i32
    %dma_wait3A_3148 = arith.constant 0 : i32
    %dma_wait3A_3149 = tpu.memref_slice %arg4[%dma_wait3A_3147, %dma_wait3A_3148] : memref<504x64xf32, #tpu.memory_space<vmem>> -> memref<504x64xf32, #tpu.memory_space<vmem>>
    %dma_wait3A_3150 = arith.constant 0 : i32
    %dma_wait3A_3151 = tpu.memref_slice %arg3[%add3A_3146, %dma_wait3A_3150] : memref<1048576x64xf32, #tpu.memory_space<hbm>> -> memref<504x64xf32, #tpu.memory_space<hbm>>
    %dma_wait3A_3152 = arith.constant 0 : i32
    %dma_wait3A_3153 = tpu.memref_slice %arg3[%add3A_3146, %dma_wait3A_3152] : memref<1048576x64xf32, #tpu.memory_space<hbm>> -> memref<504x64xf32, #tpu.memory_space<hbm>>
    %dma_wait3A_3154 = arith.constant 0 : i32
    %dma_wait3A_3155 = arith.constant 0 : i32
    %dma_wait3A_3156 = tpu.memref_slice %arg4[%dma_wait3A_3154, %dma_wait3A_3155] : memref<504x64xf32, #tpu.memory_space<vmem>> -> memref<504x64xf32, #tpu.memory_space<vmem>>
    tpu.wait_dma2 semaphore(%arg8 : memref<!tpu.dma_semaphore, #tpu.memory_space<semaphore_mem>>) src(%dma_wait3A_3156 : memref<504x64xf32, #tpu.memory_space<vmem>>) dst(%dma_wait3A_3153 : memref<504x64xf32, #tpu.memory_space<hbm>>)
    %add3A_3157 = arith.constant 32760 : i32
    %add3A_3158 = arith.addi %mul3A_2, %add3A_3157 : i32
    %dma_wait3A_3159 = arith.constant 0 : i32
    %dma_wait3A_3160 = arith.constant 0 : i32
    %dma_wait3A_3161 = tpu.memref_slice %arg5[%dma_wait3A_3159, %dma_wait3A_3160] : memref<504x64xf32, #tpu.memory_space<vmem>> -> memref<8x64xf32, #tpu.memory_space<vmem>>
    %dma_wait3A_3162 = arith.constant 0 : i32
    %dma_wait3A_3163 = tpu.memref_slice %arg3[%add3A_3158, %dma_wait3A_3162] : memref<1048576x64xf32, #tpu.memory_space<hbm>> -> memref<8x64xf32, #tpu.memory_space<hbm>>
    %dma_wait3A_3164 = arith.constant 0 : i32
    %dma_wait3A_3165 = tpu.memref_slice %arg3[%add3A_3158, %dma_wait3A_3164] : memref<1048576x64xf32, #tpu.memory_space<hbm>> -> memref<8x64xf32, #tpu.memory_space<hbm>>
    %dma_wait3A_3166 = arith.constant 0 : i32
    %dma_wait3A_3167 = arith.constant 0 : i32
    %dma_wait3A_3168 = tpu.memref_slice %arg5[%dma_wait3A_3166, %dma_wait3A_3167] : memref<504x64xf32, #tpu.memory_space<vmem>> -> memref<8x64xf32, #tpu.memory_space<vmem>>
    tpu.wait_dma2 semaphore(%arg9 : memref<!tpu.dma_semaphore, #tpu.memory_space<semaphore_mem>>) src(%dma_wait3A_3168 : memref<8x64xf32, #tpu.memory_space<vmem>>) dst(%dma_wait3A_3165 : memref<8x64xf32, #tpu.memory_space<hbm>>)
    return
  }
}

</mosaic_0001>

<sc_bundles>
// kernel: kernel.3.cloned.1.call-start
scs
__scs_entry_jumppad:
0x0: {  	(pc) =	sbr.rel $0x88, $3  }
0x1: {  	(tag) =	ssettag $0x0;
	lr =	simm.s32 $0x1  }
0x2: {  	[smem:$0x3FA0] =	sst lr;
	_ =	strace $0xD0000000  }
0x3: {  	_ = 	snop  }
0x4: {  	_ = 	snop  }
0x5: {  	_ = 	snop  }
0x6: {  	_ = 	snop  }
0x7: {  	_ = 	snop  }
__scs_overlays_trampoline_lowered:
0x8: {  	[smem:$0x3FAF] =	sst s0  }
0x9: {  	[smem:$0x3FB0] =	sst s1  }
0xa: {  	[smem:$0x3FB1] =	sst s2  }
0xb: {  	[smem:$0x3FB2] =	sst s3  }
0xc: {  	[smem:$0x3FB3] =	sst s4  }
0xd: {  	[smem:$0x3FB4] =	sst s5  }
0xe: {  	[smem:$0x3FB5] =	sst s6  }
0xf: {  	[smem:$0x3FB6] =	sst s7  }
0x10: {  	[smem:$0x3FB7] =	sst s8  }
0x11: {  	[smem:$0x3FB8] =	sst s9;
	s0 =	simm.s32 @!p0 $0x0  }
0x12: {  	s1 =	sld [smem:$0x3F9E];
	s0 =	simm.s32 @p0 $0x1  }
0x13: {  	[smem:$0x3FB9] =	sst s0;
	s0 =	simm.s32 @!p1 $0x0  }
0x14: {  	s2 =	sld [smem:$0x3F9D];
	s0 =	simm.s32 @p1 $0x1  }
0x15: {  	[smem:$0x3FBA] =	sst s0;
	s0 =	simm.s32 @!p2 $0x0  }
0x16: {  	s3 =	sld [smem:$0x3FDB];
	s0 =	simm.s32 @p2 $0x1  }
0x17: {  	s4 =	simm.s32 $0x1BF5;
	[smem:$0x3FBC] =	sst s0  }
0x18: {  	s0 =	sld [smem:$0x3F9F];
	_ =	swait.ge [sflag:s4], $0x0  }
0x19: {  	s7 =	sld [smem:$0x3FA0]  }
0x1a: {  	s8 =	sadd.s32 $0xFFFFE003, lr  }
0x1b: {  	s9 =	sadd.s32 $0xFFFFFEF7, lr;
	s5 =	simm.s32 $0xFFFFFFFF;
	p2 =	slt.u32 s8, $0xFFFFF086  }
0x1c: {  	p1 =	slt.u32 s9, $0xF7A;
	s5 =	simm.s32 @!p2 $0x0  }
0x1d: {  	s5 =	simm.s32 @p1 $0x1;
	p0 =	seq.s32 s7, s2  }
0x1e: {  	s7 =	smul.u32 @!p0 $0xF7A, s2;
	p2 =	seq.s32 @!p0 s5, $0x0  }
0x1f: {  	s9 =	smul.u32 $0xF7A, s1;
	s8 =	simm.s32 @!p0 $0x1BF5;
	p2 =	por !p2, p0  }
0x20: {  	[sflag:s8] =	ssyncset.s32 @!p0 $0xFFFFF086;
	s6 =	sadd.s32 @!p0 s3, s7;
	s7 =	simm.s32 @!p0 $0x108  }
0x21: {  	s3 =	sadd.s32 s3, s9;
	s6 =	sadd.s32 @!p0 $0x88, s6;
	s7 =	simm.s32 @p2 $0x1082  }
0x22: {  	[simem:s7], [sflag:s8] =	dma.local @!p0 [hbm:s6], $0xF7A  }
0x23: {  	s9 =	sor.u32 $0xD0000000, s2;
	s6 =	simm.s32 $0x108;
	_ =	swait.ge @!p0 [sflag:s8], $0x0  }
0x24: {  	s3 =	sadd.s32 $0x88, s3;
	s6 =	simm.s32 @!p1 $0x1082;
	[sflag:s4] =	ssyncset.s32 $0xFFFFF086  }
0x25: {  	[simem:s6], [sflag:s4] =	dma.local [hbm:s3], $0xF7A  }
0x26: {  	[smem:$0x3FA0] =	sst s1;
	(tag) =	ssettag s2;
	_ =	strace s9  }
0x27: {  	s1 =	sld [smem:$0x3FB0]  }
0x28: {  	s2 =	sld [smem:$0x3FB1]  }
0x29: {  	s4 =	sld [smem:$0x3FB3]  }
0x2a: {  	p0 =	seq.s32 s5, $0x0;
	s5 =	sld [smem:$0x3FB4]  }
0x2b: {  	s6 =	sld [smem:$0x3FB5]  }
0x2c: {  	s7 =	sld [smem:$0x3FB6]  }
0x2d: {  	s3 =	simm.s32 $0x108;
	s8 =	sld [smem:$0x3FB7]  }
0x2e: {  	s3 =	simm.s32 @!p0 $0x1082;
	s9 =	sld [smem:$0x3FB8]  }
0x2f: {  	lr =	sadd.s32 s0, s3;
	s0 =	sld [smem:$0x3FAF]  }
0x30: {  	s3 =	sld [smem:$0x3FB2]  }
0x31: {  	[smem:$0x3FBB] =	sst s10  }
0x32: {  	s10 =	sld [smem:$0x3FB9];
	_ =	sdelay $0x3  }
0x33: {  	p0 =	seq.s32 s10, $0x1;
	s10 =	sld [smem:$0x3FBB];
	_ =	sdelay $0x3  }
0x34: {  	[smem:$0x3FBB] =	sst s10  }
0x35: {  	s10 =	sld [smem:$0x3FBA];
	_ =	sdelay $0x3  }
0x36: {  	p1 =	seq.s32 s10, $0x1;
	s10 =	sld [smem:$0x3FBB];
	_ =	sdelay $0x3  }
0x37: {  	[smem:$0x3FBB] =	sst s10  }
0x38: {  	s10 =	sld [smem:$0x3FBC]  }
0x39: {  	_ = 	snop;
	(pc) =	sbr.ind lr, $3  }
0x3a: {  	_ = 	snop  }
0x3b: {  	_ = 	snop  }
0x3c: {  	p2 =	seq.s32 s10, $0x1;
	s10 =	sld [smem:$0x3FBB]  }
0x3d: {  	_ =	shalt  }
0x3e: {  	_ =	shalt  }
0x3f: {  	_ =	shalt  }
0x40: {  	_ =	shalt  }
0x41: {  	_ =	shalt  }
0x42: {  	_ =	shalt  }
0x43: {  	_ =	shalt  }
0x44: {  	_ =	shalt  }
0x45: {  	_ =	shalt  }
0x46: {  	_ =	shalt  }
0x47: {  	_ =	shalt  }
0x48: {  	_ =	shalt  }
0x49: {  	_ =	shalt  }
0x4a: {  	_ =	shalt  }
0x4b: {  	_ =	shalt  }
0x4c: {  	_ =	shalt  }
0x4d: {  	_ =	shalt  }
0x4e: {  	_ =	shalt  }
0x4f: {  	_ =	shalt  }
0x50: {  	_ =	shalt  }
0x51: {  	_ =	shalt  }
0x52: {  	_ =	shalt  }
0x53: {  	_ =	shalt  }
0x54: {  	_ =	shalt  }
0x55: {  	_ =	shalt  }
0x56: {  	_ =	shalt  }
0x57: {  	_ =	shalt  }
0x58: {  	_ =	shalt  }
0x59: {  	_ =	shalt  }
0x5a: {  	_ =	shalt  }
0x5b: {  	_ =	shalt  }
0x5c: {  	_ =	shalt  }
0x5d: {  	_ =	shalt  }
0x5e: {  	_ =	shalt  }
0x5f: {  	_ =	shalt  }
0x60: {  	_ =	shalt  }
0x61: {  	_ =	shalt  }
0x62: {  	_ =	shalt  }
0x63: {  	_ =	shalt  }
0x64: {  	_ =	shalt  }
0x65: {  	_ =	shalt  }
0x66: {  	_ =	shalt  }
0x67: {  	_ =	shalt  }
0x68: {  	_ =	shalt  }
0x69: {  	_ =	shalt  }
0x6a: {  	_ =	shalt  }
0x6b: {  	_ =	shalt  }
0x6c: {  	_ =	shalt  }
0x6d: {  	_ =	shalt  }
0x6e: {  	_ =	shalt  }
0x6f: {  	_ =	shalt  }
0x70: {  	_ =	shalt  }
0x71: {  	_ =	shalt  }
0x72: {  	_ =	shalt  }
0x73: {  	_ =	shalt  }
0x74: {  	_ =	shalt  }
0x75: {  	_ =	shalt  }
0x76: {  	_ =	shalt  }
0x77: {  	_ =	shalt  }
0x78: {  	_ =	shalt  }
0x79: {  	_ =	shalt  }
0x7a: {  	_ =	shalt  }
0x7b: {  	_ =	shalt  }
0x7c: {  	_ =	shalt  }
0x7d: {  	_ =	shalt  }
0x7e: {  	_ =	shalt  }
0x7f: {  	_ =	shalt  }
0x80: {  	_ =	shalt  }
0x81: {  	_ =	shalt  }
0x82: {  	_ =	shalt  }
0x83: {  	_ =	shalt  }
0x84: {  	_ =	shalt  }
0x85: {  	_ =	shalt  }
0x86: {  	_ =	shalt  }
0x87: {  	_ =	shalt  }
.Lfunc_end0:
.L_simem_size_0:
called_computation_lowered:
.L_overlay_start_0:
0x88: {  	s2 =	sld [smem:$0x3FD9]  }
0x89: {  	s3 =	sld [smem:$0x3FFE];
	_ =	sdelay $0x1  }
0x8a: {  	s1 =	srdreg.scid  }
0x8b: {  	s0 =	sand.u32 $0x1, s1  }
0x8c: {  	s16 =	sshll.u32 s0, $0xA;
	s2 =	sadd.s32 s3, s2  }
0x8d: {  	s2 =	sadd.s32 s2, s16  }
0x8e: {  	[smem:$0x3FC7] =	sst s2  }
0x8f: {  	_ = 	snop  }
0x90: {  	(tm) =	ssettm $0x1  }
0x91: {  	s17 =	sld [smem:$0x3FFB];
	_ =	sdelay $0x3  }
0x92: {  	_ =	strace s17  }
0x93: {  	s2 =	sld [smem:$0x3FFC];
	_ =	sdelay $0x3  }
0x94: {  	_ =	strace s2  }
0x95: {  	s2 =	sld [smem:$0x3FFD];
	_ =	sdelay $0x3  }
0x96: {  	_ =	strace s2  }
0x97: {  	_ =	strace $0x8FFFFFFF  }
0x98: {  	s18 =	sld [smem:$0x3FDB];
	_ =	sdelay $0x1  }
0x99: {  	s19 =	simm.s32 $_scs_section_size  }
0x9a: {  	s4 =	simm.s32 $_size__tile_overlayer_lowered;
	s5 =	simm.s32 $_tile_overlayer_lowered  }
0x9b: {  	s22 =	simm.s32 $0x1BFF;
	s21 =	sshll.u32 s5, $0x1;
	s2 =	sadd.s32 s19, s18  }
0x9c: {  	s6 =	simm.s32 $0x0;
	s20 =	sshll.u32 s4, $0x1;
	s4 =	sadd.s32 s21, s2  }
0x9d: {  	[timem:s6], [sflag:s22] =	dma.local [hbm:s4], s20  }
0x9e: {  	_ =	swait.ge [sflag:s22], s20  }
0x9f: {  	s3 =	ssub.s32 $0x0, s20;
	[sflag:s22] =	ssyncset.done $0x0  }
0xa0: {  	[sflag:s22] =	ssyncadd.s32 s3;
	_ =	sdelay $0x1  }
0xa1: {  	s23 =	simm.s32 $0x1B8B  }
0xa2: {  	_ =	swait.ge [sflag:s23], $0x1  }
0xa3: {  	[sflag:s23] =	ssyncset.done $0x0  }
0xa4: {  	s25 =	simm.s32 $0x1B8E;
	s24 =	sld [smem:$0x3FFE];
	[sflag:s23] =	ssyncadd.s32 $0xFFFFFFFF  }
0xa5: {  	s26 =	simm.s32 $execute0_lowered;
	[smem:$0x3FD2] =	sst s25  }
0xa6: {  	s4 =	sshll.u32 s26, $0x1;
	_ =	strace $0x80000046;
	[dreg:$0x1] =	wrdreg $0xFFFFFFFF  }
0xa7: {  	s28 =	simm.s32 $_size_execute0_lowered;
	s2 =	sadd.s32 s2, s4;
	[dreg:$0x0] =	wrdreg $0x0  }
0xa8: {  	s4 =	sshll.u32 s28, $0x1;
	[dreg:$0x2] =	wrdreg s2  }
0xa9: {  	[dreg:$0x3] =	wrdreg s4  }
0xaa: {  	[dreg:$0x4] =	wrdreg $0xC0  }
0xab: {  	_ =	task [dreg:s6], $0x5FFFF  }
0xac: {  	[dreg:$0x1] =	wrdreg $0xFFFFFFFF  }
0xad: {  	[dreg:$0x0] =	wrdreg $0x60  }
0xae: {  	[dreg:$0x2] =	wrdreg s24  }
0xaf: {  	[dreg:$0x3] =	wrdreg $0x9  }
0xb0: {  	_ =	task.clear_ibuf [dreg:s6], $0x4FFFF;
	_ =	strace $0x90000046  }
0xb1: {  	s29 =	simm.s32 $0x9;
	_ =	strace $0x80000048  }
0xb2: {  	_ =	swait.ge [sflag:s29], $0x1  }
0xb3: {  	[sflag:s29] =	ssyncadd.s32 $0xFFFFFFFF  }
0xb4: {  	_ =	strace $0x90000048  }
0xb5: {  	_ =	sfence  }
0xb6: {  	s30 =	sld [smem:$0x0];
	_ =	sdelay $0x2  }
0xb7: {  	s31 =	sshll.u32 s1, $0xD;
	s1 =	sshrl.u32 s1, $0x2  }
0xb8: {  	s3 =	sand.u32 $0x4000, s31;
	s1 =	sadd.s32 s1, s30  }
0xb9: {  	s0 =	sor.u32 s3, s0;
	s1 =	sshll.u32 s1, $0x11  }
0xba: {  	s0 =	sor.u32 s1, s0  }
0xbb: {  	s0 =	sadd.s32 $0x8F2B, s0  }
0xbc: {  	[sflag:s0] =	ssyncadd.remote.s32 $0x1  }
0xbd: {  	_ =	sfence.sel $0xFFFF  }
0xbe: {  	[dreg:$0x0] =	wrdreg $0xFFFFFFFF;
	(pc) =	sbr.abs _section_cstart, $3  }
0xbf: {  	[dreg:$0x1] =	wrdreg $0xFFFFFFFF  }
0xc0: {  	_ =	task.clear_ibuf [dreg:s6], $0x2FFFF;
	_ =	strace $0x9FFFFFFF  }
0xc1: {  	(tm) =	ssettm $0x7FFFFFFF  }
tec
execute0_lowered:
.L_overlay_start_1:
0x0: {  	(tag) =	ssettag $0x1  }
0x1: {  	s0 =	srdreg.scid  }
0x2: {  	s1 =	rddreg [dreg:$0x0];
	s3 =	stileid.u32;
	s5 =	sand.u32 $0x1, s0  }
0x3: {  	s2 =	simm.s32 $0x0;
	s3 =	sshll.u32 s3, $0x14;
	s4 =	sshll.u32 s5, $0x13  }
0x4: {  	[smem:$0x7FF] =	sst s2;
	s0 =	sadd.s32 $0x400, s1;
	s4 =	sor.u32 s4, s3  }
0x5: {  	_ =	strace $0x80000047;
	s3 =	sadd.s32 $0x1000400, s1;
	s6 =	sadd.s32 s0, s4  }
0x6: {  	s7 =	sor.u32 $0x1F80, s4;
	s19 =	sadd.s32 s3, s4;
	[dreg:$0x2] =	wrdreg s6  }
0x7: {  	s20 =	sor.u32 $0x3F00, s4;
	s18 =	sadd.s32 s0, s7;
	[dreg:$0x4] =	wrdreg s19  }
0x8: {  	s21 =	sadd.s32 s0, s20;
	[dreg:$0x3] =	wrdreg s18  }
0x9: {  	s23 =	sor.u32 $0x5E80, s4;
	s22 =	sadd.s32 s3, s7;
	[dreg:$0x5] =	wrdreg s21  }
0xa: {  	s24 =	sadd.s32 s0, s23;
	[dreg:$0x6] =	wrdreg s22  }
0xb: {  	s26 =	sor.u32 $0x7E00, s4;
	s25 =	sadd.s32 s3, s20;
	[dreg:$0x7] =	wrdreg s24  }
0xc: {  	s8 =	sadd.s32 s0, s26;
	[dreg:$0x8] =	wrdreg s25  }
0xd: {  	s10 =	sor.u32 $0x9D80, s4;
	s9 =	sadd.s32 s3, s23;
	[dreg:$0x9] =	wrdreg s8  }
0xe: {  	s11 =	sadd.s32 s0, s10;
	[dreg:$0xa] =	wrdreg s9  }
0xf: {  	s13 =	sor.u32 $0xBD00, s4;
	s12 =	sadd.s32 s3, s26;
	[dreg:$0xb] =	wrdreg s11  }
0x10: {  	s14 =	sadd.s32 s0, s13;
	[dreg:$0xc] =	wrdreg s12  }
0x11: {  	s16 =	sor.u32 $0xDC80, s4;
	s15 =	sadd.s32 s3, s10;
	[dreg:$0xd] =	wrdreg s14  }
0x12: {  	s17 =	sadd.s32 s0, s16;
	[dreg:$0xe] =	wrdreg s15  }
0x13: {  	[dreg:$0xf] =	wrdreg s17  }
0x14: {  	s19 =	sor.u32 $0xFC00, s4;
	s18 =	sadd.s32 s3, s13;
	s1 =	rddreg [dreg:$0x2]  }
0x15: {  	s20 =	sadd.s32 s0, s19;
	[dreg:$0x10] =	wrdreg s18  }
0x16: {  	s21 =	sadd.s32 s3, s16;
	[dreg:$0x11] =	wrdreg s20  }
0x17: {  	s22 =	sor.u32 $0x11B80, s4;
	s24 =	sadd.s32 s3, s19;
	[dreg:$0x12] =	wrdreg s21  }
0x18: {  	s25 =	sor.u32 $0x13B00, s4;
	s23 =	sadd.s32 s0, s22;
	[dreg:$0x14] =	wrdreg s24  }
0x19: {  	s26 =	sadd.s32 s0, s25;
	[dreg:$0x13] =	wrdreg s23  }
0x1a: {  	s8 =	sor.u32 $0x15A80, s4;
	s7 =	sadd.s32 s3, s22;
	[dreg:$0x15] =	wrdreg s26  }
0x1b: {  	s9 =	sadd.s32 s0, s8;
	[dreg:$0x16] =	wrdreg s7  }
0x1c: {  	s11 =	sor.u32 $0x17A00, s4;
	s10 =	sadd.s32 s3, s25;
	[dreg:$0x17] =	wrdreg s9  }
0x1d: {  	s12 =	sadd.s32 s0, s11;
	[dreg:$0x18] =	wrdreg s10  }
0x1e: {  	s14 =	sor.u32 $0x19980, s4;
	s13 =	sadd.s32 s3, s8;
	[dreg:$0x19] =	wrdreg s12  }
0x1f: {  	s15 =	sadd.s32 s0, s14;
	[dreg:$0x1a] =	wrdreg s13  }
0x20: {  	s17 =	sor.u32 $0x1B900, s4;
	s16 =	sadd.s32 s3, s11;
	[dreg:$0x1b] =	wrdreg s15  }
0x21: {  	s18 =	sadd.s32 s0, s17;
	[dreg:$0x1c] =	wrdreg s16  }
0x22: {  	s19 =	sadd.s32 s3, s14;
	[dreg:$0x1d] =	wrdreg s18  }
0x23: {  	s20 =	sor.u32 $0x1D880, s4;
	s22 =	sadd.s32 s3, s17;
	[dreg:$0x1e] =	wrdreg s19  }
0x24: {  	s21 =	sadd.s32 s0, s20;
	[smem:$0x7AF] =	sst s22  }
0x25: {  	s23 =	sor.u32 $0x1F800, s4;
	s25 =	sadd.s32 s3, s20;
	[dreg:$0x1f] =	wrdreg s21  }
0x26: {  	s26 =	sor.u32 $0x21780, s4;
	s24 =	sadd.s32 s0, s23;
	[smem:$0x7B1] =	sst s25  }
0x27: {  	s8 =	sadd.s32 s0, s26;
	[smem:$0x7B0] =	sst s24  }
0x28: {  	s10 =	sor.u32 $0x23700, s4;
	s9 =	sadd.s32 s3, s23;
	[smem:$0x7B2] =	sst s8  }
0x29: {  	s11 =	sadd.s32 s0, s10;
	[smem:$0x7B3] =	sst s9  }
0x2a: {  	s13 =	sor.u32 $0x25680, s4;
	s12 =	sadd.s32 s3, s26;
	[smem:$0x7B4] =	sst s11  }
0x2b: {  	s14 =	sadd.s32 s0, s13;
	[smem:$0x7B5] =	sst s12  }
0x2c: {  	s16 =	sor.u32 $0x27600, s4;
	s15 =	sadd.s32 s3, s10;
	[smem:$0x7B6] =	sst s14  }
0x2d: {  	s17 =	sadd.s32 s0, s16;
	[smem:$0x7B7] =	sst s15  }
0x2e: {  	s19 =	sor.u32 $0x29580, s4;
	s18 =	sadd.s32 s3, s13;
	[smem:$0x7B8] =	sst s17  }
0x2f: {  	s20 =	sadd.s32 s0, s19;
	[smem:$0x7B9] =	sst s18  }
0x30: {  	s22 =	sor.u32 $0x2B500, s4;
	s21 =	sadd.s32 s3, s16;
	[smem:$0x7BA] =	sst s20  }
0x31: {  	s23 =	sadd.s32 s0, s22;
	[smem:$0x7BB] =	sst s21  }
0x32: {  	s6 =	sadd.s32 s3, s22;
	[smem:$0x7BC] =	sst s23  }
0x33: {  	s25 =	sor.u32 $0x2D480, s4;
	s24 =	sadd.s32 s3, s19;
	[smem:$0x7BF] =	sst s6  }
0x34: {  	s26 =	sadd.s32 s0, s25;
	[smem:$0x7BD] =	sst s24  }
0x35: {  	s8 =	sor.u32 $0x2F400, s4;
	s10 =	sadd.s32 s3, s25;
	[smem:$0x7BE] =	sst s26  }
0x36: {  	s11 =	sor.u32 $0x31380, s4;
	s9 =	sadd.s32 s0, s8;
	[smem:$0x7C1] =	sst s10  }
0x37: {  	s12 =	sadd.s32 s0, s11;
	[smem:$0x7C0] =	sst s9  }
0x38: {  	s14 =	sor.u32 $0x33300, s4;
	s13 =	sadd.s32 s3, s8;
	[smem:$0x7C2] =	sst s12  }
0x39: {  	s15 =	sadd.s32 s0, s14;
	[smem:$0x7C3] =	sst s13  }
0x3a: {  	s17 =	sor.u32 $0x35280, s4;
	s16 =	sadd.s32 s3, s11;
	[smem:$0x7C4] =	sst s15  }
0x3b: {  	s18 =	sadd.s32 s0, s17;
	[smem:$0x7C5] =	sst s16  }
0x3c: {  	s20 =	sor.u32 $0x37200, s4;
	s19 =	sadd.s32 s3, s14;
	[smem:$0x7C6] =	sst s18  }
0x3d: {  	s21 =	sadd.s32 s0, s20;
	[smem:$0x7C7] =	sst s19  }
0x3e: {  	s23 =	sor.u32 $0x39180, s4;
	s22 =	sadd.s32 s3, s17;
	[smem:$0x7C8] =	sst s21  }
0x3f: {  	s24 =	sadd.s32 s0, s23;
	[smem:$0x7C9] =	sst s22  }
0x40: {  	s25 =	sadd.s32 s3, s20;
	s26 =	sor.u32 $0x3B100, s4;
	[smem:$0x7CA] =	sst s24  }
0x41: {  	[smem:$0x7CB] =	sst s25;
	s8 =	sadd.s32 s0, s26  }
0x42: {  	s10 =	sor.u32 $0x3D080, s4;
	s9 =	sadd.s32 s3, s23;
	[smem:$0x7CC] =	sst s8  }
0x43: {  	s11 =	sadd.s32 s0, s10;
	[smem:$0x7CD] =	sst s9  }
0x44: {  	s12 =	sadd.s32 s3, s26;
	[smem:$0x7CE] =	sst s11  }
0x45: {  	s13 =	sor.u32 $0x3F000, s4;
	s15 =	sadd.s32 s3, s10;
	[smem:$0x7CF] =	sst s12  }
0x46: {  	s16 =	sor.u32 $0x40F80, s4;
	s14 =	sadd.s32 s0, s13;
	[smem:$0x7D1] =	sst s15  }
0x47: {  	s17 =	sadd.s32 s0, s16;
	[smem:$0x7D0] =	sst s14  }
0x48: {  	s19 =	sor.u32 $0x42F00, s4;
	s18 =	sadd.s32 s3, s13;
	[smem:$0x7D2] =	sst s17  }
0x49: {  	s20 =	sadd.s32 s0, s19;
	[smem:$0x7D3] =	sst s18  }
0x4a: {  	s22 =	sor.u32 $0x44E80, s4;
	s21 =	sadd.s32 s3, s16;
	[smem:$0x7D4] =	sst s20  }
0x4b: {  	s23 =	sadd.s32 s0, s22;
	[smem:$0x7D5] =	sst s21  }
0x4c: {  	s25 =	sor.u32 $0x46E00, s4;
	s24 =	sadd.s32 s3, s19;
	[smem:$0x7D6] =	sst s23  }
0x4d: {  	s26 =	sadd.s32 s0, s25;
	[smem:$0x7D7] =	sst s24  }
0x4e: {  	s7 =	sadd.s32 s3, s22;
	[smem:$0x7D8] =	sst s26  }
0x4f: {  	s8 =	sor.u32 $0x48D80, s4;
	s10 =	sadd.s32 s3, s25;
	[smem:$0x7D9] =	sst s7  }
0x50: {  	s11 =	sor.u32 $0x4AD00, s4;
	s9 =	sadd.s32 s0, s8;
	[smem:$0x7DB] =	sst s10  }
0x51: {  	s12 =	sadd.s32 s0, s11;
	[smem:$0x7DA] =	sst s9  }
0x52: {  	s13 =	sadd.s32 s3, s8;
	[smem:$0x7DC] =	sst s12  }
0x53: {  	s14 =	sor.u32 $0x4CC80, s4;
	s16 =	sadd.s32 s3, s11;
	[smem:$0x7DD] =	sst s13  }
0x54: {  	s17 =	sor.u32 $0x4EC00, s4;
	s15 =	sadd.s32 s0, s14;
	[smem:$0x7DF] =	sst s16  }
0x55: {  	s18 =	sadd.s32 s0, s17;
	[smem:$0x7DE] =	sst s15  }
0x56: {  	s20 =	sor.u32 $0x50B80, s4;
	s19 =	sadd.s32 s3, s14;
	[smem:$0x7E0] =	sst s18  }
0x57: {  	s21 =	sadd.s32 s0, s20;
	[smem:$0x7E1] =	sst s19  }
0x58: {  	s23 =	sor.u32 $0x52B00, s4;
	s22 =	sadd.s32 s3, s17;
	[smem:$0x7E2] =	sst s21  }
0x59: {  	s24 =	sadd.s32 s0, s23;
	[smem:$0x7E3] =	sst s22  }
0x5a: {  	s26 =	sor.u32 $0x54A80, s4;
	s25 =	sadd.s32 s3, s20;
	[smem:$0x7E4] =	sst s24  }
0x5b: {  	s8 =	sadd.s32 s0, s26;
	[smem:$0x7E5] =	sst s25  }
0x5c: {  	s10 =	sor.u32 $0x56A00, s4;
	s9 =	sadd.s32 s3, s23;
	[smem:$0x7E6] =	sst s8  }
0x5d: {  	p0 =	por $0x0, $0x0;
	s11 =	sadd.s32 s0, s10;
	[smem:$0x7E7] =	sst s9  }
0x5e: {  	s12 =	sadd.s32 s3, s26;
	s13 =	sor.u32 $0x58980, s4;
	[smem:$0x7E8] =	sst s11  }
0x5f: {  	s5 =	ssub.s32 $0x2, s5;
	[smem:$0x7E9] =	sst s12;
	s14 =	sadd.s32 s0, s13  }
0x60: {  	s16 =	sor.u32 $0x5A900, s4;
	s15 =	sadd.s32 s3, s10;
	[smem:$0x7EA] =	sst s14  }
0x61: {  	s6 =	sor.u32 $0x70380, s4;
	s17 =	sadd.s32 s0, s16;
	[smem:$0x7EB] =	sst s15  }
0x62: {  	s7 =	sor.u32 $0x7E000, s4;
	s18 =	sadd.s32 s3, s13;
	[smem:$0x7EC] =	sst s17  }
0x63: {  	s19 =	sor.u32 $0x5C880, s4;
	s21 =	sadd.s32 s3, s16;
	[smem:$0x7ED] =	sst s18  }
0x64: {  	s22 =	sor.u32 $0x5E800, s4;
	s20 =	sadd.s32 s0, s19;
	[smem:$0x7EF] =	sst s21  }
0x65: {  	s25 =	sor.u32 $0x60780, s4;
	s23 =	sadd.s32 s0, s22;
	[smem:$0x7EE] =	sst s20  }
0x66: {  	s9 =	sor.u32 $0x62700, s4;
	s24 =	sadd.s32 s3, s19;
	[smem:$0x7F0] =	sst s23  }
0x67: {  	s12 =	sor.u32 $0x64680, s4;
	s26 =	sadd.s32 s0, s25;
	[smem:$0x7F1] =	sst s24  }
0x68: {  	s8 =	sadd.s32 s3, s22;
	s10 =	sadd.s32 s0, s9;
	[smem:$0x7F2] =	sst s26  }
0x69: {  	s11 =	sadd.s32 s3, s25;
	s13 =	sadd.s32 s0, s12;
	[smem:$0x7F3] =	sst s8  }
0x6a: {  	s14 =	sadd.s32 s3, s9;
	s15 =	sor.u32 $0x66600, s4;
	[smem:$0x7F4] =	sst s10  }
0x6b: {  	s17 =	sadd.s32 s3, s12;
	s18 =	sor.u32 $0x68580, s4;
	[smem:$0x7F5] =	sst s11  }
0x6c: {  	s21 =	sor.u32 $0x6A500, s4;
	s25 =	sor.u32 $0x6E400, s4;
	[smem:$0x7F6] =	sst s13  }
0x6d: {  	s9 =	sor.u32 $0x74280, s4;
	s12 =	sor.u32 $0x7A100, s4;
	[smem:$0x7F7] =	sst s14  }
0x6e: {  	s16 =	sadd.s32 s0, s15;
	[smem:$0x7F9] =	sst s17;
	s19 =	sadd.s32 s0, s18  }
0x6f: {  	s20 =	sadd.s32 s3, s15;
	s8 =	sshrl.u32 s5, $0x1;
	s22 =	sadd.s32 s0, s21  }
0x70: {  	s23 =	sadd.s32 s3, s18;
	s24 =	sor.u32 $0x6C480, s4;
	[smem:$0x7F8] =	sst s16  }
0x71: {  	s30 =	sadd.s32 s3, s21;
	s29 =	sadd.s32 s0, s25;
	[smem:$0x7FA] =	sst s19  }
0x72: {  	s26 =	sadd.s32 s0, s6;
	s25 =	sadd.s32 s3, s25;
	[smem:$0x7FB] =	sst s20  }
0x73: {  	s10 =	sor.u32 $0x76200, s4;
	s11 =	sor.u32 $0x78180, s4;
	[smem:$0x7FC] =	sst s22  }
0x74: {  	s13 =	sor.u32 $0x7C080, s4;
	s5 =	ssub.s32 s5, s8;
	[smem:$0x7FD] =	sst s23  }
0x75: {  	s31 =	sadd.s32 s0, s24;
	s28 =	sadd.s32 s3, s24;
	s8 =	sor.u32 $0x72300, s4  }
0x76: {  	s23 =	sadd.s32 s3, s6;
	s22 =	sadd.s32 s0, s9;
	s20 =	sadd.s32 s0, s10  }
0x77: {  	s19 =	sadd.s32 s3, s9;
	s18 =	sadd.s32 s0, s11;
	s17 =	sadd.s32 s3, s10  }
0x78: {  	s16 =	sadd.s32 s0, s12;
	s14 =	sadd.s32 s3, s11;
	s11 =	smax.u32 s5, $0x1  }
0x79: {  	s12 =	sadd.s32 s3, s12;
	s10 =	sor.u32 $0x7FF80, s4;
	p1 =	sne.s32 s11, $0x1  }
.Ltmp0:
0x7a: {  	s15 =	sadd.s32 s0, s13;
	s9 =	sadd.s32 s3, s13;
	(pc) =	sbr.rel @!p1 .LBB2_3-.Ltmp0, $4  }
0x7b: {  	s13 =	sadd.s32 s0, s7;
	s4 =	sadd.s32 s3, s7;
	s7 =	simm.s32 $0xFC00  }
0x7c: {  	s6 =	simm.s32 $0x3;
	s24 =	sadd.s32 s0, s8;
	s21 =	sadd.s32 s3, s8  }
0x7d: {  	s8 =	sadd.s32 s0, s10;
	s3 =	sadd.s32 s3, s10;
	s10 =	simm.s32 $0x2  }
0x7e: {  	s5 =	simm.s32 $0x4;
	s0 =	sadd.s32 $0xFFFFFFFF, s11;
	s11 =	simm.s32 $0x1  }
0x7f: {  	[smem:$0x7AE] =	sst s0  }
0x80: {  	[tilespmem:s2], [sflag:$0x1] =	stream.linear.gather [hbm4b:s1+s2], $0xFC00, $0x38;
	[tilespmem:$0x1F800] =	vst v63  }
0x81: {  	s0 =	rddreg [dreg:$0x3]  }
0x82: {  	[tilespmem:s7], [sflag:$0x2] =	stream.linear.gather [hbm4b:s0+s2], $0xFC00, $0x38;
	[tilespmem:$0x1F800] =	vst v63  }
0x83: {  	_ =	swait.ge [sflag:s11], $0xFC00  }
0x84: {  	[sflag:s11] =	ssyncset.done $0x0  }
0x85: {  	[sflag:s11] =	ssyncadd.s32 $0xFFFF0400  }
0x86: {  	s1 =	rddreg [dreg:$0x4]  }
0x87: {  	[hbm4b:s1+s2] =	stream.linear.scatter [tilespmem:s2], [sflag:$0x3], $0xFC00, $0x38;
	[tilespmem:$0x1F800] =	vst v63  }
0x88: {  	_ =	swait.ge [sflag:s6], $0xFC00  }
0x89: {  	[sflag:s6] =	ssyncset.done $0x0  }
0x8a: {  	s1 =	rddreg [dreg:$0x5];
	[sflag:s6] =	ssyncadd.s32 $0xFFFF0400  }
0x8b: {  	[tilespmem:s2], [sflag:$0x1] =	stream.linear.gather [hbm4b:s1+s2], $0xFC00, $0x38;
	[tilespmem:$0x1F800] =	vst v63  }
0x8c: {  	_ =	swait.ge [sflag:s10], $0xFC00  }
0x8d: {  	[sflag:s10] =	ssyncset.done $0x0  }
0x8e: {  	s1 =	rddreg [dreg:$0x6];
	[sflag:s10] =	ssyncadd.s32 $0xFFFF0400  }
0x8f: {  	[hbm4b:s1+s2] =	stream.linear.scatter [tilespmem:s7], [sflag:$0x4], $0xFC00, $0x38;
	[tilespmem:$0x1F800] =	vst v63  }
0x90: {  	_ =	swait.ge [sflag:s5], $0xFC00  }
0x91: {  	[sflag:s5] =	ssyncset.done $0x0  }
0x92: {  	s1 =	rddreg [dreg:$0x7];
	[sflag:s5] =	ssyncadd.s32 $0xFFFF0400  }
0x93: {  	[tilespmem:s7], [sflag:$0x2] =	stream.linear.gather [hbm4b:s1+s2], $0xFC00, $0x38;
	[tilespmem:$0x1F800] =	vst v63  }
0x94: {  	_ =	swait.ge [sflag:s11], $0xFC00  }
0x95: {  	[sflag:s11] =	ssyncset.done $0x0  }
0x96: {  	s1 =	rddreg [dreg:$0x8];
	[sflag:s11] =	ssyncadd.s32 $0xFFFF0400  }
0x97: {  	[hbm4b:s1+s2] =	stream.linear.scatter [tilespmem:s2], [sflag:$0x3], $0xFC00, $0x38;
	[tilespmem:$0x1F800] =	vst v63  }
0x98: {  	_ =	swait.ge [sflag:s6], $0xFC00  }
0x99: {  	[sflag:s6] =	ssyncset.done $0x0  }
0x9a: {  	s1 =	rddreg [dreg:$0x9];
	[sflag:s6] =	ssyncadd.s32 $0xFFFF0400  }
0x9b: {  	[tilespmem:s2], [sflag:$0x1] =	stream.linear.gather [hbm4b:s1+s2], $0xFC00, $0x38;
	[tilespmem:$0x1F800] =	vst v63  }
0x9c: {  	_ =	swait.ge [sflag:s10], $0xFC00  }
0x9d: {  	[sflag:s10] =	ssyncset.done $0x0  }
0x9e: {  	s1 =	rddreg [dreg:$0xa];
	[sflag:s10] =	ssyncadd.s32 $0xFFFF0400  }
0x9f: {  	[hbm4b:s1+s2] =	stream.linear.scatter [tilespmem:s7], [sflag:$0x4], $0xFC00, $0x38;
	[tilespmem:$0x1F800] =	vst v63  }
0xa0: {  	_ =	swait.ge [sflag:s5], $0xFC00  }
0xa1: {  	[sflag:s5] =	ssyncset.done $0x0  }
0xa2: {  	s1 =	rddreg [dreg:$0xb];
	[sflag:s5] =	ssyncadd.s32 $0xFFFF0400  }
0xa3: {  	[tilespmem:s7], [sflag:$0x2] =	stream.linear.gather [hbm4b:s1+s2], $0xFC00, $0x38;
	[tilespmem:$0x1F800] =	vst v63  }
0xa4: {  	_ =	swait.ge [sflag:s11], $0xFC00  }
0xa5: {  	[sflag:s11] =	ssyncset.done $0x0  }
0xa6: {  	s1 =	rddreg [dreg:$0xc];
	[sflag:s11] =	ssyncadd.s32 $0xFFFF0400  }
0xa7: {  	[hbm4b:s1+s2] =	stream.linear.scatter [tilespmem:s2], [sflag:$0x3], $0xFC00, $0x38;
	[tilespmem:$0x1F800] =	vst v63  }
0xa8: {  	_ =	swait.ge [sflag:s6], $0xFC00  }
0xa9: {  	[sflag:s6] =	ssyncset.done $0x0  }
0xaa: {  	s1 =	rddreg [dreg:$0xd];
	[sflag:s6] =	ssyncadd.s32 $0xFFFF0400  }
0xab: {  	[tilespmem:s2], [sflag:$0x1] =	stream.linear.gather [hbm4b:s1+s2], $0xFC00, $0x38;
	[tilespmem:$0x1F800] =	vst v63  }
0xac: {  	_ =	swait.ge [sflag:s10], $0xFC00  }
0xad: {  	[sflag:s10] =	ssyncset.done $0x0  }
0xae: {  	s1 =	rddreg [dreg:$0xe];
	[sflag:s10] =	ssyncadd.s32 $0xFFFF0400  }
0xaf: {  	[hbm4b:s1+s2] =	stream.linear.scatter [tilespmem:s7], [sflag:$0x4], $0xFC00, $0x38;
	[tilespmem:$0x1F800] =	vst v63  }
0xb0: {  	_ =	swait.ge [sflag:s5], $0xFC00  }
0xb1: {  	[sflag:s5] =	ssyncset.done $0x0  }
0xb2: {  	s1 =	rddreg [dreg:$0xf];
	[sflag:s5] =	ssyncadd.s32 $0xFFFF0400  }
0xb3: {  	[tilespmem:s7], [sflag:$0x2] =	stream.linear.gather [hbm4b:s1+s2], $0xFC00, $0x38;
	[tilespmem:$0x1F800] =	vst v63  }
0xb4: {  	_ =	swait.ge [sflag:s11], $0xFC00  }
0xb5: {  	[sflag:s11] =	ssyncset.done $0x0  }
0xb6: {  	s1 =	rddreg [dreg:$0x10];
	[sflag:s11] =	ssyncadd.s32 $0xFFFF0400  }
0xb7: {  	[hbm4b:s1+s2] =	stream.linear.scatter [tilespmem:s2], [sflag:$0x3], $0xFC00, $0x38;
	[tilespmem:$0x1F800] =	vst v63  }
0xb8: {  	_ =	swait.ge [sflag:s6], $0xFC00  }
0xb9: {  	[sflag:s6] =	ssyncset.done $0x0  }
0xba: {  	s1 =	rddreg [dreg:$0x11];
	[sflag:s6] =	ssyncadd.s32 $0xFFFF0400  }
0xbb: {  	[tilespmem:s2], [sflag:$0x1] =	stream.linear.gather [hbm4b:s1+s2], $0xFC00, $0x38;
	[tilespmem:$0x1F800] =	vst v63  }
0xbc: {  	_ =	swait.ge [sflag:s10], $0xFC00  }
0xbd: {  	[sflag:s10] =	ssyncset.done $0x0  }
0xbe: {  	s1 =	rddreg [dreg:$0x12];
	[sflag:s10] =	ssyncadd.s32 $0xFFFF0400  }
0xbf: {  	[hbm4b:s1+s2] =	stream.linear.scatter [tilespmem:s7], [sflag:$0x4], $0xFC00, $0x38;
	[tilespmem:$0x1F800] =	vst v63  }
0xc0: {  	_ =	swait.ge [sflag:s5], $0xFC00  }
0xc1: {  	[sflag:s5] =	ssyncset.done $0x0  }
0xc2: {  	s1 =	rddreg [dreg:$0x13];
	[sflag:s5] =	ssyncadd.s32 $0xFFFF0400  }
0xc3: {  	[tilespmem:s7], [sflag:$0x2] =	stream.linear.gather [hbm4b:s1+s2], $0xFC00, $0x38;
	[tilespmem:$0x1F800] =	vst v63  }
0xc4: {  	_ =	swait.ge [sflag:s11], $0xFC00  }
0xc5: {  	[sflag:s11] =	ssyncset.done $0x0  }
0xc6: {  	s1 =	rddreg [dreg:$0x14];
	[sflag:s11] =	ssyncadd.s32 $0xFFFF0400  }
0xc7: {  	[hbm4b:s1+s2] =	stream.linear.scatter [tilespmem:s2], [sflag:$0x3], $0xFC00, $0x38;
	[tilespmem:$0x1F800] =	vst v63  }
0xc8: {  	_ =	swait.ge [sflag:s6], $0xFC00  }
0xc9: {  	[sflag:s6] =	ssyncset.done $0x0  }
0xca: {  	s1 =	rddreg [dreg:$0x15];
	[sflag:s6] =	ssyncadd.s32 $0xFFFF0400  }
0xcb: {  	[tilespmem:s2], [sflag:$0x1] =	stream.linear.gather [hbm4b:s1+s2], $0xFC00, $0x38;
	[tilespmem:$0x1F800] =	vst v63  }
0xcc: {  	_ =	swait.ge [sflag:s10], $0xFC00  }
0xcd: {  	[sflag:s10] =	ssyncset.done $0x0  }
0xce: {  	s1 =	rddreg [dreg:$0x16];
	[sflag:s10] =	ssyncadd.s32 $0xFFFF0400  }
0xcf: {  	[hbm4b:s1+s2] =	stream.linear.scatter [tilespmem:s7], [sflag:$0x4], $0xFC00, $0x38;
	[tilespmem:$0x1F800] =	vst v63  }
0xd0: {  	_ =	swait.ge [sflag:s5], $0xFC00  }
0xd1: {  	[sflag:s5] =	ssyncset.done $0x0  }
0xd2: {  	s1 =	rddreg [dreg:$0x17];
	[sflag:s5] =	ssyncadd.s32 $0xFFFF0400  }
0xd3: {  	[tilespmem:s7], [sflag:$0x2] =	stream.linear.gather [hbm4b:s1+s2], $0xFC00, $0x38;
	[tilespmem:$0x1F800] =	vst v63  }
0xd4: {  	_ =	swait.ge [sflag:s11], $0xFC00  }
0xd5: {  	[sflag:s11] =	ssyncset.done $0x0  }
0xd6: {  	s1 =	rddreg [dreg:$0x18];
	[sflag:s11] =	ssyncadd.s32 $0xFFFF0400  }
0xd7: {  	[hbm4b:s1+s2] =	stream.linear.scatter [tilespmem:s2], [sflag:$0x3], $0xFC00, $0x38;
	[tilespmem:$0x1F800] =	vst v63  }
0xd8: {  	_ =	swait.ge [sflag:s6], $0xFC00  }
0xd9: {  	[sflag:s6] =	ssyncset.done $0x0  }
0xda: {  	s1 =	rddreg [dreg:$0x19];
	[sflag:s6] =	ssyncadd.s32 $0xFFFF0400  }
0xdb: {  	[tilespmem:s2], [sflag:$0x1] =	stream.linear.gather [hbm4b:s1+s2], $0xFC00, $0x38;
	[tilespmem:$0x1F800] =	vst v63  }
0xdc: {  	_ =	swait.ge [sflag:s10], $0xFC00  }
0xdd: {  	[sflag:s10] =	ssyncset.done $0x0  }
0xde: {  	s1 =	rddreg [dreg:$0x1a];
	[sflag:s10] =	ssyncadd.s32 $0xFFFF0400  }
0xdf: {  	[hbm4b:s1+s2] =	stream.linear.scatter [tilespmem:s7], [sflag:$0x4], $0xFC00, $0x38;
	[tilespmem:$0x1F800] =	vst v63  }
0xe0: {  	_ =	swait.ge [sflag:s5], $0xFC00  }
0xe1: {  	[sflag:s5] =	ssyncset.done $0x0  }
0xe2: {  	s1 =	rddreg [dreg:$0x1b];
	[sflag:s5] =	ssyncadd.s32 $0xFFFF0400  }
0xe3: {  	[tilespmem:s7], [sflag:$0x2] =	stream.linear.gather [hbm4b:s1+s2], $0xFC00, $0x38;
	[tilespmem:$0x1F800] =	vst v63  }
0xe4: {  	_ =	swait.ge [sflag:s11], $0xFC00  }
0xe5: {  	[sflag:s11] =	ssyncset.done $0x0  }
0xe6: {  	s1 =	rddreg [dreg:$0x1c];
	[sflag:s11] =	ssyncadd.s32 $0xFFFF0400  }
0xe7: {  	[hbm4b:s1+s2] =	stream.linear.scatter [tilespmem:s2], [sflag:$0x3], $0xFC00, $0x38;
	[tilespmem:$0x1F800] =	vst v63  }
0xe8: {  	_ =	swait.ge [sflag:s6], $0xFC00  }
0xe9: {  	[sflag:s6] =	ssyncset.done $0x0  }
0xea: {  	s1 =	rddreg [dreg:$0x1d];
	[sflag:s6] =	ssyncadd.s32 $0xFFFF0400  }
0xeb: {  	[tilespmem:s2], [sflag:$0x1] =	stream.linear.gather [hbm4b:s1+s2], $0xFC00, $0x38;
	[tilespmem:$0x1F800] =	vst v63  }
0xec: {  	_ =	swait.ge [sflag:s10], $0xFC00  }
0xed: {  	[sflag:s10] =	ssyncset.done $0x0  }
0xee: {  	s1 =	rddreg [dreg:$0x1e];
	[sflag:s10] =	ssyncadd.s32 $0xFFFF0400  }
0xef: {  	[hbm4b:s1+s2] =	stream.linear.scatter [tilespmem:s7], [sflag:$0x4], $0xFC00, $0x38;
	[tilespmem:$0x1F800] =	vst v63  }
0xf0: {  	_ =	swait.ge [sflag:s5], $0xFC00  }
0xf1: {  	[sflag:s5] =	ssyncset.done $0x0  }
0xf2: {  	s1 =	rddreg [dreg:$0x1f];
	[sflag:s5] =	ssyncadd.s32 $0xFFFF0400  }
0xf3: {  	[tilespmem:s7], [sflag:$0x2] =	stream.linear.gather [hbm4b:s1+s2], $0xFC00, $0x38;
	[tilespmem:$0x1F800] =	vst v63  }
0xf4: {  	_ =	swait.ge [sflag:s11], $0xFC00  }
0xf5: {  	s1 =	sld [smem:$0x7AF]  }
0xf6: {  	[sflag:s11] =	ssyncset.done $0x0  }
0xf7: {  	[sflag:s11] =	ssyncadd.s32 $0xFFFF0400  }
0xf8: {  	[hbm4b:s1+s2] =	stream.linear.scatter [tilespmem:s2], [sflag:$0x3], $0xFC00, $0x38;
	[tilespmem:$0x1F800] =	vst v63  }
0xf9: {  	_ =	swait.ge [sflag:s6], $0xFC00  }
0xfa: {  	s1 =	sld [smem:$0x7B0]  }
0xfb: {  	[sflag:s6] =	ssyncset.done $0x0  }
0xfc: {  	[sflag:s6] =	ssyncadd.s32 $0xFFFF0400  }
0xfd: {  	[tilespmem:s2], [sflag:$0x1] =	stream.linear.gather [hbm4b:s1+s2], $0xFC00, $0x38;
	[tilespmem:$0x1F800] =	vst v63  }
0xfe: {  	_ =	swait.ge [sflag:s10], $0xFC00  }
0xff: {  	s1 =	sld [smem:$0x7B1]  }
0x100: {  	[sflag:s10] =	ssyncset.done $0x0  }
0x101: {  	[sflag:s10] =	ssyncadd.s32 $0xFFFF0400  }
0x102: {  	[hbm4b:s1+s2] =	stream.linear.scatter [tilespmem:s7], [sflag:$0x4], $0xFC00, $0x38;
	[tilespmem:$0x1F800] =	vst v63  }
0x103: {  	_ =	swait.ge [sflag:s5], $0xFC00  }
0x104: {  	s1 =	sld [smem:$0x7B2]  }
0x105: {  	[sflag:s5] =	ssyncset.done $0x0  }
0x106: {  	[sflag:s5] =	ssyncadd.s32 $0xFFFF0400  }
0x107: {  	[tilespmem:s7], [sflag:$0x2] =	stream.linear.gather [hbm4b:s1+s2], $0xFC00, $0x38;
	[tilespmem:$0x1F800] =	vst v63  }
0x108: {  	_ =	swait.ge [sflag:s11], $0xFC00  }
0x109: {  	s1 =	sld [smem:$0x7B3]  }
0x10a: {  	[sflag:s11] =	ssyncset.done $0x0  }
0x10b: {  	[sflag:s11] =	ssyncadd.s32 $0xFFFF0400  }
0x10c: {  	[hbm4b:s1+s2] =	stream.linear.scatter [tilespmem:s2], [sflag:$0x3], $0xFC00, $0x38;
	[tilespmem:$0x1F800] =	vst v63  }
0x10d: {  	_ =	swait.ge [sflag:s6], $0xFC00  }
0x10e: {  	s1 =	sld [smem:$0x7B4]  }
0x10f: {  	[sflag:s6] =	ssyncset.done $0x0  }
0x110: {  	[sflag:s6] =	ssyncadd.s32 $0xFFFF0400  }
0x111: {  	[tilespmem:s2], [sflag:$0x1] =	stream.linear.gather [hbm4b:s1+s2], $0xFC00, $0x38;
	[tilespmem:$0x1F800] =	vst v63  }
0x112: {  	_ =	swait.ge [sflag:s10], $0xFC00  }
0x113: {  	s1 =	sld [smem:$0x7B5]  }
0x114: {  	[sflag:s10] =	ssyncset.done $0x0  }
0x115: {  	[sflag:s10] =	ssyncadd.s32 $0xFFFF0400  }
0x116: {  	[hbm4b:s1+s2] =	stream.linear.scatter [tilespmem:s7], [sflag:$0x4], $0xFC00, $0x38;
	[tilespmem:$0x1F800] =	vst v63  }
0x117: {  	_ =	swait.ge [sflag:s5], $0xFC00  }
0x118: {  	s1 =	sld [smem:$0x7B6]  }
0x119: {  	[sflag:s5] =	ssyncset.done $0x0  }
0x11a: {  	[sflag:s5] =	ssyncadd.s32 $0xFFFF0400  }
0x11b: {  	[tilespmem:s7], [sflag:$0x2] =	stream.linear.gather [hbm4b:s1+s2], $0xFC00, $0x38;
	[tilespmem:$0x1F800] =	vst v63  }
0x11c: {  	_ =	swait.ge [sflag:s11], $0xFC00  }
0x11d: {  	s1 =	sld [smem:$0x7B7]  }
0x11e: {  	[sflag:s11] =	ssyncset.done $0x0  }
0x11f: {  	[sflag:s11] =	ssyncadd.s32 $0xFFFF0400  }
0x120: {  	[hbm4b:s1+s2] =	stream.linear.scatter [tilespmem:s2], [sflag:$0x3], $0xFC00, $0x38;
	[tilespmem:$0x1F800] =	vst v63  }
0x121: {  	_ =	swait.ge [sflag:s6], $0xFC00  }
0x122: {  	s1 =	sld [smem:$0x7B8]  }
0x123: {  	[sflag:s6] =	ssyncset.done $0x0  }
0x124: {  	[sflag:s6] =	ssyncadd.s32 $0xFFFF0400  }
0x125: {  	[tilespmem:s2], [sflag:$0x1] =	stream.linear.gather [hbm4b:s1+s2], $0xFC00, $0x38;
	[tilespmem:$0x1F800] =	vst v63  }
0x126: {  	_ =	swait.ge [sflag:s10], $0xFC00  }
0x127: {  	s1 =	sld [smem:$0x7B9]  }
0x128: {  	[sflag:s10] =	ssyncset.done $0x0  }
0x129: {  	[sflag:s10] =	ssyncadd.s32 $0xFFFF0400  }
0x12a: {  	[hbm4b:s1+s2] =	stream.linear.scatter [tilespmem:s7], [sflag:$0x4], $0xFC00, $0x38;
	[tilespmem:$0x1F800] =	vst v63  }
0x12b: {  	_ =	swait.ge [sflag:s5], $0xFC00  }
0x12c: {  	s1 =	sld [smem:$0x7BA]  }
0x12d: {  	[sflag:s5] =	ssyncset.done $0x0  }
0x12e: {  	[sflag:s5] =	ssyncadd.s32 $0xFFFF0400  }
0x12f: {  	[tilespmem:s7], [sflag:$0x2] =	stream.linear.gather [hbm4b:s1+s2], $0xFC00, $0x38;
	[tilespmem:$0x1F800] =	vst v63  }
0x130: {  	_ =	swait.ge [sflag:s11], $0xFC00  }
0x131: {  	s1 =	sld [smem:$0x7BB]  }
0x132: {  	[sflag:s11] =	ssyncset.done $0x0  }
0x133: {  	[sflag:s11] =	ssyncadd.s32 $0xFFFF0400  }
0x134: {  	[hbm4b:s1+s2] =	stream.linear.scatter [tilespmem:s2], [sflag:$0x3], $0xFC00, $0x38;
	[tilespmem:$0x1F800] =	vst v63  }
0x135: {  	_ =	swait.ge [sflag:s6], $0xFC00  }
0x136: {  	s1 =	sld [smem:$0x7BC]  }
0x137: {  	[sflag:s6] =	ssyncset.done $0x0  }
0x138: {  	[sflag:s6] =	ssyncadd.s32 $0xFFFF0400  }
0x139: {  	[tilespmem:s2], [sflag:$0x1] =	stream.linear.gather [hbm4b:s1+s2], $0xFC00, $0x38;
	[tilespmem:$0x1F800] =	vst v63  }
0x13a: {  	_ =	swait.ge [sflag:s10], $0xFC00  }
0x13b: {  	s1 =	sld [smem:$0x7BD]  }
0x13c: {  	[sflag:s10] =	ssyncset.done $0x0  }
0x13d: {  	[sflag:s10] =	ssyncadd.s32 $0xFFFF0400  }
0x13e: {  	[hbm4b:s1+s2] =	stream.linear.scatter [tilespmem:s7], [sflag:$0x4], $0xFC00, $0x38;
	[tilespmem:$0x1F800] =	vst v63  }
0x13f: {  	_ =	swait.ge [sflag:s5], $0xFC00  }
0x140: {  	s1 =	sld [smem:$0x7BE]  }
0x141: {  	[sflag:s5] =	ssyncset.done $0x0  }
0x142: {  	[sflag:s5] =	ssyncadd.s32 $0xFFFF0400  }
0x143: {  	[tilespmem:s7], [sflag:$0x2] =	stream.linear.gather [hbm4b:s1+s2], $0xFC00, $0x38;
	[tilespmem:$0x1F800] =	vst v63  }
0x144: {  	_ =	swait.ge [sflag:s11], $0xFC00  }
0x145: {  	s1 =	sld [smem:$0x7BF]  }
0x146: {  	[sflag:s11] =	ssyncset.done $0x0  }
0x147: {  	[sflag:s11] =	ssyncadd.s32 $0xFFFF0400  }
0x148: {  	[hbm4b:s1+s2] =	stream.linear.scatter [tilespmem:s2], [sflag:$0x3], $0xFC00, $0x38;
	[tilespmem:$0x1F800] =	vst v63  }
0x149: {  	_ =	swait.ge [sflag:s6], $0xFC00  }
0x14a: {  	s1 =	sld [smem:$0x7C0]  }
0x14b: {  	[sflag:s6] =	ssyncset.done $0x0  }
0x14c: {  	[sflag:s6] =	ssyncadd.s32 $0xFFFF0400  }
0x14d: {  	[tilespmem:s2], [sflag:$0x1] =	stream.linear.gather [hbm4b:s1+s2], $0xFC00, $0x38;
	[tilespmem:$0x1F800] =	vst v63  }
0x14e: {  	_ =	swait.ge [sflag:s10], $0xFC00  }
0x14f: {  	s1 =	sld [smem:$0x7C1]  }
0x150: {  	[sflag:s10] =	ssyncset.done $0x0  }
0x151: {  	[sflag:s10] =	ssyncadd.s32 $0xFFFF0400  }
0x152: {  	[hbm4b:s1+s2] =	stream.linear.scatter [tilespmem:s7], [sflag:$0x4], $0xFC00, $0x38;
	[tilespmem:$0x1F800] =	vst v63  }
0x153: {  	_ =	swait.ge [sflag:s5], $0xFC00  }
0x154: {  	s1 =	sld [smem:$0x7C2]  }
0x155: {  	[sflag:s5] =	ssyncset.done $0x0  }
0x156: {  	[sflag:s5] =	ssyncadd.s32 $0xFFFF0400  }
0x157: {  	[tilespmem:s7], [sflag:$0x2] =	stream.linear.gather [hbm4b:s1+s2], $0xFC00, $0x38;
	[tilespmem:$0x1F800] =	vst v63  }
0x158: {  	_ =	swait.ge [sflag:s11], $0xFC00  }
0x159: {  	s1 =	sld [smem:$0x7C3]  }
0x15a: {  	[sflag:s11] =	ssyncset.done $0x0  }
0x15b: {  	[sflag:s11] =	ssyncadd.s32 $0xFFFF0400  }
0x15c: {  	[hbm4b:s1+s2] =	stream.linear.scatter [tilespmem:s2], [sflag:$0x3], $0xFC00, $0x38;
	[tilespmem:$0x1F800] =	vst v63  }
0x15d: {  	_ =	swait.ge [sflag:s6], $0xFC00  }
0x15e: {  	s1 =	sld [smem:$0x7C4]  }
0x15f: {  	[sflag:s6] =	ssyncset.done $0x0  }
0x160: {  	[sflag:s6] =	ssyncadd.s32 $0xFFFF0400  }
0x161: {  	[tilespmem:s2], [sflag:$0x1] =	stream.linear.gather [hbm4b:s1+s2], $0xFC00, $0x38;
	[tilespmem:$0x1F800] =	vst v63  }
0x162: {  	_ =	swait.ge [sflag:s10], $0xFC00  }
0x163: {  	s1 =	sld [smem:$0x7C5]  }
0x164: {  	[sflag:s10] =	ssyncset.done $0x0  }
0x165: {  	[sflag:s10] =	ssyncadd.s32 $0xFFFF0400  }
0x166: {  	[hbm4b:s1+s2] =	stream.linear.scatter [tilespmem:s7], [sflag:$0x4], $0xFC00, $0x38;
	[tilespmem:$0x1F800] =	vst v63  }
0x167: {  	_ =	swait.ge [sflag:s5], $0xFC00  }
0x168: {  	s1 =	sld [smem:$0x7C6]  }
0x169: {  	[sflag:s5] =	ssyncset.done $0x0  }
0x16a: {  	[sflag:s5] =	ssyncadd.s32 $0xFFFF0400  }
0x16b: {  	[tilespmem:s7], [sflag:$0x2] =	stream.linear.gather [hbm4b:s1+s2], $0xFC00, $0x38;
	[tilespmem:$0x1F800] =	vst v63  }
0x16c: {  	_ =	swait.ge [sflag:s11], $0xFC00  }
0x16d: {  	s1 =	sld [smem:$0x7C7]  }
0x16e: {  	[sflag:s11] =	ssyncset.done $0x0  }
0x16f: {  	[sflag:s11] =	ssyncadd.s32 $0xFFFF0400  }
0x170: {  	[hbm4b:s1+s2] =	stream.linear.scatter [tilespmem:s2], [sflag:$0x3], $0xFC00, $0x38;
	[tilespmem:$0x1F800] =	vst v63  }
0x171: {  	_ =	swait.ge [sflag:s6], $0xFC00  }
0x172: {  	s1 =	sld [smem:$0x7C8]  }
0x173: {  	[sflag:s6] =	ssyncset.done $0x0  }
0x174: {  	[sflag:s6] =	ssyncadd.s32 $0xFFFF0400  }
0x175: {  	[tilespmem:s2], [sflag:$0x1] =	stream.linear.gather [hbm4b:s1+s2], $0xFC00, $0x38;
	[tilespmem:$0x1F800] =	vst v63  }
0x176: {  	_ =	swait.ge [sflag:s10], $0xFC00  }
0x177: {  	s1 =	sld [smem:$0x7C9]  }
0x178: {  	[sflag:s10] =	ssyncset.done $0x0  }
0x179: {  	[sflag:s10] =	ssyncadd.s32 $0xFFFF0400  }
0x17a: {  	[hbm4b:s1+s2] =	stream.linear.scatter [tilespmem:s7], [sflag:$0x4], $0xFC00, $0x38;
	[tilespmem:$0x1F800] =	vst v63  }
0x17b: {  	_ =	swait.ge [sflag:s5], $0xFC00  }
0x17c: {  	s1 =	sld [smem:$0x7CA]  }
0x17d: {  	[sflag:s5] =	ssyncset.done $0x0  }
0x17e: {  	[sflag:s5] =	ssyncadd.s32 $0xFFFF0400  }
0x17f: {  	[tilespmem:s7], [sflag:$0x2] =	stream.linear.gather [hbm4b:s1+s2], $0xFC00, $0x38;
	[tilespmem:$0x1F800] =	vst v63  }
0x180: {  	_ =	swait.ge [sflag:s11], $0xFC00  }
0x181: {  	s1 =	sld [smem:$0x7CB]  }
0x182: {  	[sflag:s11] =	ssyncset.done $0x0  }
0x183: {  	[sflag:s11] =	ssyncadd.s32 $0xFFFF0400  }
0x184: {  	[hbm4b:s1+s2] =	stream.linear.scatter [tilespmem:s2], [sflag:$0x3], $0xFC00, $0x38;
	[tilespmem:$0x1F800] =	vst v63  }
0x185: {  	_ =	swait.ge [sflag:s6], $0xFC00  }
0x186: {  	s1 =	sld [smem:$0x7CC]  }
0x187: {  	[sflag:s6] =	ssyncset.done $0x0  }
0x188: {  	[sflag:s6] =	ssyncadd.s32 $0xFFFF0400  }
0x189: {  	[tilespmem:s2], [sflag:$0x1] =	stream.linear.gather [hbm4b:s1+s2], $0xFC00, $0x38;
	[tilespmem:$0x1F800] =	vst v63  }
0x18a: {  	_ =	swait.ge [sflag:s10], $0xFC00  }
0x18b: {  	s1 =	sld [smem:$0x7CD]  }
0x18c: {  	[sflag:s10] =	ssyncset.done $0x0  }
0x18d: {  	[sflag:s10] =	ssyncadd.s32 $0xFFFF0400  }
0x18e: {  	[hbm4b:s1+s2] =	stream.linear.scatter [tilespmem:s7], [sflag:$0x4], $0xFC00, $0x38;
	[tilespmem:$0x1F800] =	vst v63  }
0x18f: {  	_ =	swait.ge [sflag:s5], $0xFC00  }
0x190: {  	s1 =	sld [smem:$0x7CE]  }
0x191: {  	[sflag:s5] =	ssyncset.done $0x0  }
0x192: {  	[sflag:s5] =	ssyncadd.s32 $0xFFFF0400  }
0x193: {  	[tilespmem:s7], [sflag:$0x2] =	stream.linear.gather [hbm4b:s1+s2], $0xFC00, $0x38;
	[tilespmem:$0x1F800] =	vst v63  }
0x194: {  	_ =	swait.ge [sflag:s11], $0xFC00  }
0x195: {  	s1 =	sld [smem:$0x7CF]  }
0x196: {  	[sflag:s11] =	ssyncset.done $0x0  }
0x197: {  	[sflag:s11] =	ssyncadd.s32 $0xFFFF0400  }
0x198: {  	[hbm4b:s1+s2] =	stream.linear.scatter [tilespmem:s2], [sflag:$0x3], $0xFC00, $0x38;
	[tilespmem:$0x1F800] =	vst v63  }
0x199: {  	_ =	swait.ge [sflag:s6], $0xFC00  }
0x19a: {  	s1 =	sld [smem:$0x7D0]  }
0x19b: {  	[sflag:s6] =	ssyncset.done $0x0  }
0x19c: {  	[sflag:s6] =	ssyncadd.s32 $0xFFFF0400  }
0x19d: {  	[tilespmem:s2], [sflag:$0x1] =	stream.linear.gather [hbm4b:s1+s2], $0xFC00, $0x38;
	[tilespmem:$0x1F800] =	vst v63  }
0x19e: {  	_ =	swait.ge [sflag:s10], $0xFC00  }
0x19f: {  	s1 =	sld [smem:$0x7D1]  }
0x1a0: {  	[sflag:s10] =	ssyncset.done $0x0  }
0x1a1: {  	[sflag:s10] =	ssyncadd.s32 $0xFFFF0400  }
0x1a2: {  	[hbm4b:s1+s2] =	stream.linear.scatter [tilespmem:s7], [sflag:$0x4], $0xFC00, $0x38;
	[tilespmem:$0x1F800] =	vst v63  }
0x1a3: {  	_ =	swait.ge [sflag:s5], $0xFC00  }
0x1a4: {  	s1 =	sld [smem:$0x7D2]  }
0x1a5: {  	[sflag:s5] =	ssyncset.done $0x0  }
0x1a6: {  	[sflag:s5] =	ssyncadd.s32 $0xFFFF0400  }
0x1a7: {  	[tilespmem:s7], [sflag:$0x2] =	stream.linear.gather [hbm4b:s1+s2], $0xFC00, $0x38;
	[tilespmem:$0x1F800] =	vst v63  }
0x1a8: {  	_ =	swait.ge [sflag:s11], $0xFC00  }
0x1a9: {  	s1 =	sld [smem:$0x7D3]  }
0x1aa: {  	[sflag:s11] =	ssyncset.done $0x0  }
0x1ab: {  	[sflag:s11] =	ssyncadd.s32 $0xFFFF0400  }
0x1ac: {  	[hbm4b:s1+s2] =	stream.linear.scatter [tilespmem:s2], [sflag:$0x3], $0xFC00, $0x38;
	[tilespmem:$0x1F800] =	vst v63  }
0x1ad: {  	_ =	swait.ge [sflag:s6], $0xFC00  }
0x1ae: {  	s1 =	sld [smem:$0x7D4]  }
0x1af: {  	[sflag:s6] =	ssyncset.done $0x0  }
0x1b0: {  	[sflag:s6] =	ssyncadd.s32 $0xFFFF0400  }
0x1b1: {  	[tilespmem:s2], [sflag:$0x1] =	stream.linear.gather [hbm4b:s1+s2], $0xFC00, $0x38;
	[tilespmem:$0x1F800] =	vst v63  }
0x1b2: {  	_ =	swait.ge [sflag:s10], $0xFC00  }
0x1b3: {  	s1 =	sld [smem:$0x7D5]  }
0x1b4: {  	[sflag:s10] =	ssyncset.done $0x0  }
0x1b5: {  	[sflag:s10] =	ssyncadd.s32 $0xFFFF0400  }
0x1b6: {  	[hbm4b:s1+s2] =	stream.linear.scatter [tilespmem:s7], [sflag:$0x4], $0xFC00, $0x38;
	[tilespmem:$0x1F800] =	vst v63  }
0x1b7: {  	_ =	swait.ge [sflag:s5], $0xFC00  }
0x1b8: {  	s1 =	sld [smem:$0x7D6]  }
0x1b9: {  	[sflag:s5] =	ssyncset.done $0x0  }
0x1ba: {  	[sflag:s5] =	ssyncadd.s32 $0xFFFF0400  }
0x1bb: {  	[tilespmem:s7], [sflag:$0x2] =	stream.linear.gather [hbm4b:s1+s2], $0xFC00, $0x38;
	[tilespmem:$0x1F800] =	vst v63  }
0x1bc: {  	_ =	swait.ge [sflag:s11], $0xFC00  }
0x1bd: {  	s1 =	sld [smem:$0x7D7]  }
0x1be: {  	[sflag:s11] =	ssyncset.done $0x0  }
0x1bf: {  	[sflag:s11] =	ssyncadd.s32 $0xFFFF0400  }
0x1c0: {  	[hbm4b:s1+s2] =	stream.linear.scatter [tilespmem:s2], [sflag:$0x3], $0xFC00, $0x38;
	[tilespmem:$0x1F800] =	vst v63  }
0x1c1: {  	_ =	swait.ge [sflag:s6], $0xFC00  }
0x1c2: {  	s1 =	sld [smem:$0x7D8]  }
0x1c3: {  	[sflag:s6] =	ssyncset.done $0x0  }
0x1c4: {  	[sflag:s6] =	ssyncadd.s32 $0xFFFF0400  }
0x1c5: {  	[tilespmem:s2], [sflag:$0x1] =	stream.linear.gather [hbm4b:s1+s2], $0xFC00, $0x38;
	[tilespmem:$0x1F800] =	vst v63  }
0x1c6: {  	_ =	swait.ge [sflag:s10], $0xFC00  }
0x1c7: {  	s1 =	sld [smem:$0x7D9]  }
0x1c8: {  	[sflag:s10] =	ssyncset.done $0x0  }
0x1c9: {  	[sflag:s10] =	ssyncadd.s32 $0xFFFF0400  }
0x1ca: {  	[hbm4b:s1+s2] =	stream.linear.scatter [tilespmem:s7], [sflag:$0x4], $0xFC00, $0x38;
	[tilespmem:$0x1F800] =	vst v63  }
0x1cb: {  	_ =	swait.ge [sflag:s5], $0xFC00  }
0x1cc: {  	s1 =	sld [smem:$0x7DA]  }
0x1cd: {  	[sflag:s5] =	ssyncset.done $0x0  }
0x1ce: {  	[sflag:s5] =	ssyncadd.s32 $0xFFFF0400  }
0x1cf: {  	[tilespmem:s7], [sflag:$0x2] =	stream.linear.gather [hbm4b:s1+s2], $0xFC00, $0x38;
	[tilespmem:$0x1F800] =	vst v63  }
0x1d0: {  	_ =	swait.ge [sflag:s11], $0xFC00  }
0x1d1: {  	s1 =	sld [smem:$0x7DB]  }
0x1d2: {  	[sflag:s11] =	ssyncset.done $0x0  }
0x1d3: {  	[sflag:s11] =	ssyncadd.s32 $0xFFFF0400  }
0x1d4: {  	[hbm4b:s1+s2] =	stream.linear.scatter [tilespmem:s2], [sflag:$0x3], $0xFC00, $0x38;
	[tilespmem:$0x1F800] =	vst v63  }
0x1d5: {  	_ =	swait.ge [sflag:s6], $0xFC00  }
0x1d6: {  	s1 =	sld [smem:$0x7DC]  }
0x1d7: {  	[sflag:s6] =	ssyncset.done $0x0  }
0x1d8: {  	[sflag:s6] =	ssyncadd.s32 $0xFFFF0400  }
0x1d9: {  	[tilespmem:s2], [sflag:$0x1] =	stream.linear.gather [hbm4b:s1+s2], $0xFC00, $0x38;
	[tilespmem:$0x1F800] =	vst v63  }
0x1da: {  	_ =	swait.ge [sflag:s10], $0xFC00  }
0x1db: {  	s1 =	sld [smem:$0x7DD]  }
0x1dc: {  	[sflag:s10] =	ssyncset.done $0x0  }
0x1dd: {  	[sflag:s10] =	ssyncadd.s32 $0xFFFF0400  }
0x1de: {  	[hbm4b:s1+s2] =	stream.linear.scatter [tilespmem:s7], [sflag:$0x4], $0xFC00, $0x38;
	[tilespmem:$0x1F800] =	vst v63  }
0x1df: {  	_ =	swait.ge [sflag:s5], $0xFC00  }
0x1e0: {  	s1 =	sld [smem:$0x7DE]  }
0x1e1: {  	[sflag:s5] =	ssyncset.done $0x0  }
0x1e2: {  	[sflag:s5] =	ssyncadd.s32 $0xFFFF0400  }
0x1e3: {  	[tilespmem:s7], [sflag:$0x2] =	stream.linear.gather [hbm4b:s1+s2], $0xFC00, $0x38;
	[tilespmem:$0x1F800] =	vst v63  }
0x1e4: {  	_ =	swait.ge [sflag:s11], $0xFC00  }
0x1e5: {  	s1 =	sld [smem:$0x7DF]  }
0x1e6: {  	[sflag:s11] =	ssyncset.done $0x0  }
0x1e7: {  	[sflag:s11] =	ssyncadd.s32 $0xFFFF0400  }
0x1e8: {  	[hbm4b:s1+s2] =	stream.linear.scatter [tilespmem:s2], [sflag:$0x3], $0xFC00, $0x38;
	[tilespmem:$0x1F800] =	vst v63  }
0x1e9: {  	_ =	swait.ge [sflag:s6], $0xFC00  }
0x1ea: {  	s1 =	sld [smem:$0x7E0]  }
0x1eb: {  	[sflag:s6] =	ssyncset.done $0x0  }
0x1ec: {  	[sflag:s6] =	ssyncadd.s32 $0xFFFF0400  }
0x1ed: {  	[tilespmem:s2], [sflag:$0x1] =	stream.linear.gather [hbm4b:s1+s2], $0xFC00, $0x38;
	[tilespmem:$0x1F800] =	vst v63  }
0x1ee: {  	_ =	swait.ge [sflag:s10], $0xFC00  }
0x1ef: {  	s1 =	sld [smem:$0x7E1]  }
0x1f0: {  	[sflag:s10] =	ssyncset.done $0x0  }
0x1f1: {  	[sflag:s10] =	ssyncadd.s32 $0xFFFF0400  }
0x1f2: {  	[hbm4b:s1+s2] =	stream.linear.scatter [tilespmem:s7], [sflag:$0x4], $0xFC00, $0x38;
	[tilespmem:$0x1F800] =	vst v63  }
0x1f3: {  	_ =	swait.ge [sflag:s5], $0xFC00  }
0x1f4: {  	s1 =	sld [smem:$0x7E2]  }
0x1f5: {  	[sflag:s5] =	ssyncset.done $0x0  }
0x1f6: {  	[sflag:s5] =	ssyncadd.s32 $0xFFFF0400  }
0x1f7: {  	[tilespmem:s7], [sflag:$0x2] =	stream.linear.gather [hbm4b:s1+s2], $0xFC00, $0x38;
	[tilespmem:$0x1F800] =	vst v63  }
0x1f8: {  	_ =	swait.ge [sflag:s11], $0xFC00  }
0x1f9: {  	s1 =	sld [smem:$0x7E3]  }
0x1fa: {  	[sflag:s11] =	ssyncset.done $0x0  }
0x1fb: {  	[sflag:s11] =	ssyncadd.s32 $0xFFFF0400  }
0x1fc: {  	[hbm4b:s1+s2] =	stream.linear.scatter [tilespmem:s2], [sflag:$0x3], $0xFC00, $0x38;
	[tilespmem:$0x1F800] =	vst v63  }
0x1fd: {  	_ =	swait.ge [sflag:s6], $0xFC00  }
0x1fe: {  	s1 =	sld [smem:$0x7E4]  }
0x1ff: {  	[sflag:s6] =	ssyncset.done $0x0  }
0x200: {  	[sflag:s6] =	ssyncadd.s32 $0xFFFF0400  }
0x201: {  	[tilespmem:s2], [sflag:$0x1] =	stream.linear.gather [hbm4b:s1+s2], $0xFC00, $0x38;
	[tilespmem:$0x1F800] =	vst v63  }
0x202: {  	_ =	swait.ge [sflag:s10], $0xFC00  }
0x203: {  	s1 =	sld [smem:$0x7E5]  }
0x204: {  	[sflag:s10] =	ssyncset.done $0x0  }
0x205: {  	[sflag:s10] =	ssyncadd.s32 $0xFFFF0400  }
0x206: {  	[hbm4b:s1+s2] =	stream.linear.scatter [tilespmem:s7], [sflag:$0x4], $0xFC00, $0x38;
	[tilespmem:$0x1F800] =	vst v63  }
0x207: {  	_ =	swait.ge [sflag:s5], $0xFC00  }
0x208: {  	s1 =	sld [smem:$0x7E6]  }
0x209: {  	[sflag:s5] =	ssyncset.done $0x0  }
0x20a: {  	[sflag:s5] =	ssyncadd.s32 $0xFFFF0400  }
0x20b: {  	[tilespmem:s7], [sflag:$0x2] =	stream.linear.gather [hbm4b:s1+s2], $0xFC00, $0x38;
	[tilespmem:$0x1F800] =	vst v63  }
0x20c: {  	_ =	swait.ge [sflag:s11], $0xFC00  }
0x20d: {  	s1 =	sld [smem:$0x7E7]  }
0x20e: {  	[sflag:s11] =	ssyncset.done $0x0  }
0x20f: {  	[sflag:s11] =	ssyncadd.s32 $0xFFFF0400  }
0x210: {  	[hbm4b:s1+s2] =	stream.linear.scatter [tilespmem:s2], [sflag:$0x3], $0xFC00, $0x38;
	[tilespmem:$0x1F800] =	vst v63  }
0x211: {  	_ =	swait.ge [sflag:s6], $0xFC00  }
0x212: {  	s1 =	sld [smem:$0x7E8]  }
0x213: {  	[sflag:s6] =	ssyncset.done $0x0  }
0x214: {  	[sflag:s6] =	ssyncadd.s32 $0xFFFF0400  }
0x215: {  	[tilespmem:s2], [sflag:$0x1] =	stream.linear.gather [hbm4b:s1+s2], $0xFC00, $0x38;
	[tilespmem:$0x1F800] =	vst v63  }
0x216: {  	_ =	swait.ge [sflag:s10], $0xFC00  }
0x217: {  	s1 =	sld [smem:$0x7E9]  }
0x218: {  	[sflag:s10] =	ssyncset.done $0x0  }
0x219: {  	[sflag:s10] =	ssyncadd.s32 $0xFFFF0400  }
0x21a: {  	[hbm4b:s1+s2] =	stream.linear.scatter [tilespmem:s7], [sflag:$0x4], $0xFC00, $0x38;
	[tilespmem:$0x1F800] =	vst v63  }
0x21b: {  	_ =	swait.ge [sflag:s5], $0xFC00  }
0x21c: {  	s1 =	sld [smem:$0x7EA]  }
0x21d: {  	[sflag:s5] =	ssyncset.done $0x0  }
0x21e: {  	[sflag:s5] =	ssyncadd.s32 $0xFFFF0400  }
0x21f: {  	[tilespmem:s7], [sflag:$0x2] =	stream.linear.gather [hbm4b:s1+s2], $0xFC00, $0x38;
	[tilespmem:$0x1F800] =	vst v63  }
0x220: {  	_ =	swait.ge [sflag:s11], $0xFC00  }
0x221: {  	s1 =	sld [smem:$0x7EB]  }
0x222: {  	[sflag:s11] =	ssyncset.done $0x0  }
0x223: {  	[sflag:s11] =	ssyncadd.s32 $0xFFFF0400  }
0x224: {  	[hbm4b:s1+s2] =	stream.linear.scatter [tilespmem:s2], [sflag:$0x3], $0xFC00, $0x38;
	[tilespmem:$0x1F800] =	vst v63  }
0x225: {  	_ =	swait.ge [sflag:s6], $0xFC00  }
0x226: {  	s1 =	sld [smem:$0x7EC]  }
0x227: {  	[sflag:s6] =	ssyncset.done $0x0  }
0x228: {  	[sflag:s6] =	ssyncadd.s32 $0xFFFF0400  }
0x229: {  	[tilespmem:s2], [sflag:$0x1] =	stream.linear.gather [hbm4b:s1+s2], $0xFC00, $0x38;
	[tilespmem:$0x1F800] =	vst v63  }
0x22a: {  	_ =	swait.ge [sflag:s10], $0xFC00  }
0x22b: {  	s1 =	sld [smem:$0x7ED]  }
0x22c: {  	[sflag:s10] =	ssyncset.done $0x0  }
0x22d: {  	[sflag:s10] =	ssyncadd.s32 $0xFFFF0400  }
0x22e: {  	[hbm4b:s1+s2] =	stream.linear.scatter [tilespmem:s7], [sflag:$0x4], $0xFC00, $0x38;
	[tilespmem:$0x1F800] =	vst v63  }
0x22f: {  	_ =	swait.ge [sflag:s5], $0xFC00  }
0x230: {  	s1 =	sld [smem:$0x7EE]  }
0x231: {  	[sflag:s5] =	ssyncset.done $0x0  }
0x232: {  	[sflag:s5] =	ssyncadd.s32 $0xFFFF0400  }
0x233: {  	[tilespmem:s7], [sflag:$0x2] =	stream.linear.gather [hbm4b:s1+s2], $0xFC00, $0x38;
	[tilespmem:$0x1F800] =	vst v63  }
0x234: {  	_ =	swait.ge [sflag:s11], $0xFC00  }
0x235: {  	s1 =	sld [smem:$0x7EF]  }
0x236: {  	[sflag:s11] =	ssyncset.done $0x0  }
0x237: {  	[sflag:s11] =	ssyncadd.s32 $0xFFFF0400  }
0x238: {  	[hbm4b:s1+s2] =	stream.linear.scatter [tilespmem:s2], [sflag:$0x3], $0xFC00, $0x38;
	[tilespmem:$0x1F800] =	vst v63  }
0x239: {  	_ =	swait.ge [sflag:s6], $0xFC00  }
0x23a: {  	s1 =	sld [smem:$0x7F0]  }
0x23b: {  	[sflag:s6] =	ssyncset.done $0x0  }
0x23c: {  	[sflag:s6] =	ssyncadd.s32 $0xFFFF0400  }
0x23d: {  	[tilespmem:s2], [sflag:$0x1] =	stream.linear.gather [hbm4b:s1+s2], $0xFC00, $0x38;
	[tilespmem:$0x1F800] =	vst v63  }
0x23e: {  	_ =	swait.ge [sflag:s10], $0xFC00  }
0x23f: {  	s1 =	sld [smem:$0x7F1]  }
0x240: {  	[sflag:s10] =	ssyncset.done $0x0  }
0x241: {  	[sflag:s10] =	ssyncadd.s32 $0xFFFF0400  }
0x242: {  	[hbm4b:s1+s2] =	stream.linear.scatter [tilespmem:s7], [sflag:$0x4], $0xFC00, $0x38;
	[tilespmem:$0x1F800] =	vst v63  }
0x243: {  	_ =	swait.ge [sflag:s5], $0xFC00  }
0x244: {  	s1 =	sld [smem:$0x7F2]  }
0x245: {  	[sflag:s5] =	ssyncset.done $0x0  }
0x246: {  	[sflag:s5] =	ssyncadd.s32 $0xFFFF0400  }
0x247: {  	[tilespmem:s7], [sflag:$0x2] =	stream.linear.gather [hbm4b:s1+s2], $0xFC00, $0x38;
	[tilespmem:$0x1F800] =	vst v63  }
0x248: {  	_ =	swait.ge [sflag:s11], $0xFC00  }
0x249: {  	s1 =	sld [smem:$0x7F3]  }
0x24a: {  	[sflag:s11] =	ssyncset.done $0x0  }
0x24b: {  	[sflag:s11] =	ssyncadd.s32 $0xFFFF0400  }
0x24c: {  	[hbm4b:s1+s2] =	stream.linear.scatter [tilespmem:s2], [sflag:$0x3], $0xFC00, $0x38;
	[tilespmem:$0x1F800] =	vst v63  }
0x24d: {  	_ =	swait.ge [sflag:s6], $0xFC00  }
0x24e: {  	s1 =	sld [smem:$0x7F4]  }
0x24f: {  	[sflag:s6] =	ssyncset.done $0x0  }
0x250: {  	[sflag:s6] =	ssyncadd.s32 $0xFFFF0400  }
0x251: {  	[tilespmem:s2], [sflag:$0x1] =	stream.linear.gather [hbm4b:s1+s2], $0xFC00, $0x38;
	[tilespmem:$0x1F800] =	vst v63  }
0x252: {  	_ =	swait.ge [sflag:s10], $0xFC00  }
0x253: {  	s1 =	sld [smem:$0x7F5]  }
0x254: {  	[sflag:s10] =	ssyncset.done $0x0  }
0x255: {  	[sflag:s10] =	ssyncadd.s32 $0xFFFF0400  }
0x256: {  	[hbm4b:s1+s2] =	stream.linear.scatter [tilespmem:s7], [sflag:$0x4], $0xFC00, $0x38;
	[tilespmem:$0x1F800] =	vst v63  }
0x257: {  	_ =	swait.ge [sflag:s5], $0xFC00  }
0x258: {  	s1 =	sld [smem:$0x7F6]  }
0x259: {  	[sflag:s5] =	ssyncset.done $0x0  }
0x25a: {  	[sflag:s5] =	ssyncadd.s32 $0xFFFF0400  }
0x25b: {  	[tilespmem:s7], [sflag:$0x2] =	stream.linear.gather [hbm4b:s1+s2], $0xFC00, $0x38;
	[tilespmem:$0x1F800] =	vst v63  }
0x25c: {  	_ =	swait.ge [sflag:s11], $0xFC00  }
0x25d: {  	s1 =	sld [smem:$0x7F7]  }
0x25e: {  	[sflag:s11] =	ssyncset.done $0x0  }
0x25f: {  	[sflag:s11] =	ssyncadd.s32 $0xFFFF0400  }
0x260: {  	[hbm4b:s1+s2] =	stream.linear.scatter [tilespmem:s2], [sflag:$0x3], $0xFC00, $0x38;
	[tilespmem:$0x1F800] =	vst v63  }
0x261: {  	_ =	swait.ge [sflag:s6], $0xFC00  }
0x262: {  	s1 =	sld [smem:$0x7F8]  }
0x263: {  	[sflag:s6] =	ssyncset.done $0x0  }
0x264: {  	[sflag:s6] =	ssyncadd.s32 $0xFFFF0400  }
0x265: {  	[tilespmem:s2], [sflag:$0x1] =	stream.linear.gather [hbm4b:s1+s2], $0xFC00, $0x38;
	[tilespmem:$0x1F800] =	vst v63  }
0x266: {  	_ =	swait.ge [sflag:s10], $0xFC00  }
0x267: {  	s1 =	sld [smem:$0x7F9]  }
0x268: {  	[sflag:s10] =	ssyncset.done $0x0  }
0x269: {  	[sflag:s10] =	ssyncadd.s32 $0xFFFF0400  }
0x26a: {  	[hbm4b:s1+s2] =	stream.linear.scatter [tilespmem:s7], [sflag:$0x4], $0xFC00, $0x38;
	[tilespmem:$0x1F800] =	vst v63  }
0x26b: {  	_ =	swait.ge [sflag:s5], $0xFC00  }
0x26c: {  	s1 =	sld [smem:$0x7FA]  }
0x26d: {  	[sflag:s5] =	ssyncset.done $0x0  }
0x26e: {  	[sflag:s5] =	ssyncadd.s32 $0xFFFF0400  }
0x26f: {  	[tilespmem:s7], [sflag:$0x2] =	stream.linear.gather [hbm4b:s1+s2], $0xFC00, $0x38;
	[tilespmem:$0x1F800] =	vst v63  }
0x270: {  	_ =	swait.ge [sflag:s11], $0xFC00  }
0x271: {  	s1 =	sld [smem:$0x7FB]  }
0x272: {  	[sflag:s11] =	ssyncset.done $0x0  }
0x273: {  	[sflag:s11] =	ssyncadd.s32 $0xFFFF0400  }
0x274: {  	[hbm4b:s1+s2] =	stream.linear.scatter [tilespmem:s2], [sflag:$0x3], $0xFC00, $0x38;
	[tilespmem:$0x1F800] =	vst v63  }
0x275: {  	_ =	swait.ge [sflag:s6], $0xFC00  }
0x276: {  	s1 =	sld [smem:$0x7FC]  }
0x277: {  	[sflag:s6] =	ssyncset.done $0x0  }
0x278: {  	[sflag:s6] =	ssyncadd.s32 $0xFFFF0400  }
0x279: {  	[tilespmem:s2], [sflag:$0x1] =	stream.linear.gather [hbm4b:s1+s2], $0xFC00, $0x38;
	[tilespmem:$0x1F800] =	vst v63  }
0x27a: {  	_ =	swait.ge [sflag:s10], $0xFC00  }
0x27b: {  	s1 =	sld [smem:$0x7FD]  }
0x27c: {  	[sflag:s10] =	ssyncset.done $0x0  }
0x27d: {  	[sflag:s10] =	ssyncadd.s32 $0xFFFF0400  }
0x27e: {  	[hbm4b:s1+s2] =	stream.linear.scatter [tilespmem:s7], [sflag:$0x4], $0xFC00, $0x38;
	[tilespmem:$0x1F800] =	vst v63  }
0x27f: {  	_ =	swait.ge [sflag:s5], $0xFC00  }
0x280: {  	[sflag:s5] =	ssyncset.done $0x0  }
0x281: {  	[sflag:s5] =	ssyncadd.s32 $0xFFFF0400  }
0x282: {  	[tilespmem:s7], [sflag:$0x2] =	stream.linear.gather [hbm4b:s31+s2], $0xFC00, $0x38;
	[tilespmem:$0x1F800] =	vst v63  }
0x283: {  	_ =	swait.ge [sflag:s11], $0xFC00  }
0x284: {  	[sflag:s11] =	ssyncset.done $0x0  }
0x285: {  	[sflag:s11] =	ssyncadd.s32 $0xFFFF0400  }
0x286: {  	[hbm4b:s30+s2] =	stream.linear.scatter [tilespmem:s2], [sflag:$0x3], $0xFC00, $0x38;
	[tilespmem:$0x1F800] =	vst v63  }
0x287: {  	_ =	swait.ge [sflag:s6], $0xFC00  }
0x288: {  	[sflag:s6] =	ssyncset.done $0x0  }
0x289: {  	[sflag:s6] =	ssyncadd.s32 $0xFFFF0400  }
0x28a: {  	[tilespmem:s2], [sflag:$0x1] =	stream.linear.gather [hbm4b:s29+s2], $0xFC00, $0x38;
	[tilespmem:$0x1F800] =	vst v63  }
0x28b: {  	_ =	swait.ge [sflag:s10], $0xFC00  }
0x28c: {  	[sflag:s10] =	ssyncset.done $0x0  }
0x28d: {  	[sflag:s10] =	ssyncadd.s32 $0xFFFF0400  }
0x28e: {  	[hbm4b:s28+s2] =	stream.linear.scatter [tilespmem:s7], [sflag:$0x4], $0xFC00, $0x38;
	[tilespmem:$0x1F800] =	vst v63  }
0x28f: {  	_ =	swait.ge [sflag:s5], $0xFC00  }
0x290: {  	[sflag:s5] =	ssyncset.done $0x0  }
0x291: {  	[sflag:s5] =	ssyncadd.s32 $0xFFFF0400  }
0x292: {  	[tilespmem:s7], [sflag:$0x2] =	stream.linear.gather [hbm4b:s26+s2], $0xFC00, $0x38;
	[tilespmem:$0x1F800] =	vst v63  }
0x293: {  	_ =	swait.ge [sflag:s11], $0xFC00  }
0x294: {  	[sflag:s11] =	ssyncset.done $0x0  }
0x295: {  	[sflag:s11] =	ssyncadd.s32 $0xFFFF0400  }
0x296: {  	[hbm4b:s25+s2] =	stream.linear.scatter [tilespmem:s2], [sflag:$0x3], $0xFC00, $0x38;
	[tilespmem:$0x1F800] =	vst v63  }
0x297: {  	_ =	swait.ge [sflag:s6], $0xFC00  }
0x298: {  	[sflag:s6] =	ssyncset.done $0x0  }
0x299: {  	[sflag:s6] =	ssyncadd.s32 $0xFFFF0400  }
0x29a: {  	[tilespmem:s2], [sflag:$0x1] =	stream.linear.gather [hbm4b:s24+s2], $0xFC00, $0x38;
	[tilespmem:$0x1F800] =	vst v63  }
0x29b: {  	_ =	swait.ge [sflag:s10], $0xFC00  }
0x29c: {  	[sflag:s10] =	ssyncset.done $0x0  }
0x29d: {  	[sflag:s10] =	ssyncadd.s32 $0xFFFF0400  }
0x29e: {  	[hbm4b:s23+s2] =	stream.linear.scatter [tilespmem:s7], [sflag:$0x4], $0xFC00, $0x38;
	[tilespmem:$0x1F800] =	vst v63  }
0x29f: {  	_ =	swait.ge [sflag:s5], $0xFC00  }
0x2a0: {  	[sflag:s5] =	ssyncset.done $0x0  }
0x2a1: {  	[sflag:s5] =	ssyncadd.s32 $0xFFFF0400  }
0x2a2: {  	[tilespmem:s7], [sflag:$0x2] =	stream.linear.gather [hbm4b:s22+s2], $0xFC00, $0x38;
	[tilespmem:$0x1F800] =	vst v63  }
0x2a3: {  	_ =	swait.ge [sflag:s11], $0xFC00  }
0x2a4: {  	[sflag:s11] =	ssyncset.done $0x0  }
0x2a5: {  	[sflag:s11] =	ssyncadd.s32 $0xFFFF0400  }
0x2a6: {  	[hbm4b:s21+s2] =	stream.linear.scatter [tilespmem:s2], [sflag:$0x3], $0xFC00, $0x38;
	[tilespmem:$0x1F800] =	vst v63  }
0x2a7: {  	_ =	swait.ge [sflag:s6], $0xFC00  }
0x2a8: {  	[sflag:s6] =	ssyncset.done $0x0  }
0x2a9: {  	[sflag:s6] =	ssyncadd.s32 $0xFFFF0400  }
0x2aa: {  	[tilespmem:s2], [sflag:$0x1] =	stream.linear.gather [hbm4b:s20+s2], $0xFC00, $0x38;
	[tilespmem:$0x1F800] =	vst v63  }
0x2ab: {  	_ =	swait.ge [sflag:s10], $0xFC00  }
0x2ac: {  	[sflag:s10] =	ssyncset.done $0x0  }
0x2ad: {  	[sflag:s10] =	ssyncadd.s32 $0xFFFF0400  }
0x2ae: {  	[hbm4b:s19+s2] =	stream.linear.scatter [tilespmem:s7], [sflag:$0x4], $0xFC00, $0x38;
	[tilespmem:$0x1F800] =	vst v63  }
0x2af: {  	_ =	swait.ge [sflag:s5], $0xFC00  }
0x2b0: {  	[sflag:s5] =	ssyncset.done $0x0  }
0x2b1: {  	[sflag:s5] =	ssyncadd.s32 $0xFFFF0400  }
0x2b2: {  	[tilespmem:s7], [sflag:$0x2] =	stream.linear.gather [hbm4b:s18+s2], $0xFC00, $0x38;
	[tilespmem:$0x1F800] =	vst v63  }
0x2b3: {  	_ =	swait.ge [sflag:s11], $0xFC00  }
0x2b4: {  	[sflag:s11] =	ssyncset.done $0x0  }
0x2b5: {  	[sflag:s11] =	ssyncadd.s32 $0xFFFF0400  }
0x2b6: {  	[hbm4b:s17+s2] =	stream.linear.scatter [tilespmem:s2], [sflag:$0x3], $0xFC00, $0x38;
	[tilespmem:$0x1F800] =	vst v63  }
0x2b7: {  	_ =	swait.ge [sflag:s6], $0xFC00  }
0x2b8: {  	[sflag:s6] =	ssyncset.done $0x0  }
0x2b9: {  	[sflag:s6] =	ssyncadd.s32 $0xFFFF0400  }
0x2ba: {  	[tilespmem:s2], [sflag:$0x1] =	stream.linear.gather [hbm4b:s16+s2], $0xFC00, $0x38;
	[tilespmem:$0x1F800] =	vst v63  }
0x2bb: {  	_ =	swait.ge [sflag:s10], $0xFC00  }
0x2bc: {  	[sflag:s10] =	ssyncset.done $0x0  }
0x2bd: {  	[sflag:s10] =	ssyncadd.s32 $0xFFFF0400  }
0x2be: {  	[hbm4b:s14+s2] =	stream.linear.scatter [tilespmem:s7], [sflag:$0x4], $0xFC00, $0x38;
	[tilespmem:$0x1F800] =	vst v63  }
0x2bf: {  	_ =	swait.ge [sflag:s5], $0xFC00  }
0x2c0: {  	[sflag:s5] =	ssyncset.done $0x0  }
0x2c1: {  	[sflag:s5] =	ssyncadd.s32 $0xFFFF0400  }
0x2c2: {  	[tilespmem:s7], [sflag:$0x2] =	stream.linear.gather [hbm4b:s15+s2], $0xFC00, $0x38;
	[tilespmem:$0x1F800] =	vst v63  }
0x2c3: {  	_ =	swait.ge [sflag:s11], $0xFC00  }
0x2c4: {  	[sflag:s11] =	ssyncset.done $0x0  }
0x2c5: {  	[sflag:s11] =	ssyncadd.s32 $0xFFFF0400  }
0x2c6: {  	[hbm4b:s12+s2] =	stream.linear.scatter [tilespmem:s2], [sflag:$0x3], $0xFC00, $0x38;
	[tilespmem:$0x1F800] =	vst v63  }
0x2c7: {  	_ =	swait.ge [sflag:s6], $0xFC00  }
0x2c8: {  	[sflag:s6] =	ssyncset.done $0x0  }
0x2c9: {  	[sflag:s6] =	ssyncadd.s32 $0xFFFF0400  }
0x2ca: {  	[tilespmem:s2], [sflag:$0x1] =	stream.linear.gather [hbm4b:s13+s2], $0xFC00, $0x38;
	[tilespmem:$0x1F800] =	vst v63  }
0x2cb: {  	_ =	swait.ge [sflag:s10], $0xFC00  }
0x2cc: {  	[sflag:s10] =	ssyncset.done $0x0  }
0x2cd: {  	[sflag:s10] =	ssyncadd.s32 $0xFFFF0400  }
0x2ce: {  	[hbm4b:s9+s2] =	stream.linear.scatter [tilespmem:s7], [sflag:$0x4], $0xFC00, $0x38;
	[tilespmem:$0x1F800] =	vst v63  }
0x2cf: {  	_ =	swait.ge [sflag:s5], $0xFC00  }
0x2d0: {  	[sflag:s5] =	ssyncset.done $0x0  }
0x2d1: {  	[sflag:s5] =	ssyncadd.s32 $0xFFFF0400  }
0x2d2: {  	[tilespmem:s7], [sflag:$0x2] =	stream.linear.gather [hbm4b:s8+s2], $0x400, $0x38;
	[tilespmem:$0x1F800] =	vst v63  }
0x2d3: {  	_ =	swait.ge [sflag:s11], $0xFC00  }
0x2d4: {  	[sflag:s11] =	ssyncset.done $0x0  }
0x2d5: {  	[sflag:s11] =	ssyncadd.s32 $0xFFFF0400  }
0x2d6: {  	[hbm4b:s4+s2] =	stream.linear.scatter [tilespmem:s2], [sflag:$0x3], $0xFC00, $0x38;
	[tilespmem:$0x1F800] =	vst v63  }
0x2d7: {  	_ =	swait.ge [sflag:s10], $0x400  }
0x2d8: {  	[sflag:s10] =	ssyncset.done $0x0  }
0x2d9: {  	[sflag:s10] =	ssyncadd.s32 $0xFFFFFC00  }
0x2da: {  	[hbm4b:s3+s2] =	stream.linear.scatter [tilespmem:s7], [sflag:$0x4], $0x400, $0x38;
	[tilespmem:$0x1F800] =	vst v63  }
0x2db: {  	_ =	swait.ge [sflag:s6], $0xFC00  }
0x2dc: {  	s1 =	sld [smem:$0x7AE];
	_ =	sdelay $0x2  }
0x2dd: {  	p1 =	sne.s32 s1, $0x1  }
.Ltmp1:
0x2de: {  	_ = 	snop;
	(pc) =	sbr.rel @!p1 .LBB2_3-.Ltmp1, $4  }
0x2df: {  	[sflag:s6] =	ssyncset.done $0x0  }
0x2e0: {  	[sflag:s6] =	ssyncadd.s32 $0xFFFF0400  }
0x2e1: {  	p0 =	por $0x1, $0x1;
	_ =	swait.ge [sflag:s5], $0x400  }
0x2e2: {  	s0 =	sadd.s32 $0xFFFFFFFF, s1;
	s1 =	rddreg [dreg:$0x2];
	[sflag:s5] =	ssyncset.done $0x0  }
.LBB2_2:
0x2e3: {  	p1 =	sne.s32 s0, $0x1  }
0x2e4: {  	s7 =	sadd.s32 $0xFFFFFFFF, s0;
	[sflag:s5] =	ssyncadd.s32 $0xFFFFFC00;
	s5 =	simm.s32 $0xFC00  }
0x2e5: {  	s0 =	smov.u32 s31;
	s31 =	smov.u32 s30;
	s30 =	smov.u32 s29  }
0x2e6: {  	s29 =	smov.u32 s28;
	s28 =	smov.u32 s26;
	s26 =	smov.u32 s25  }
0x2e7: {  	s25 =	smov.u32 s24;
	s24 =	smov.u32 s23;
	s23 =	smov.u32 s22  }
0x2e8: {  	s22 =	smov.u32 s21;
	s21 =	smov.u32 s20;
	s20 =	smov.u32 s19  }
0x2e9: {  	s19 =	smov.u32 s18;
	s18 =	smov.u32 s17;
	s17 =	smov.u32 s16  }
0x2ea: {  	s16 =	smov.u32 s15;
	s15 =	smov.u32 s14;
	s14 =	smov.u32 s13  }
0x2eb: {  	s13 =	smov.u32 s12;
	s12 =	smov.u32 s9;
	s9 =	smov.u32 s8  }
0x2ec: {  	[tilespmem:s2], [sflag:$0x1] =	stream.linear.gather [hbm4b:s1+s2], $0xFC00, $0x38;
	[tilespmem:$0x1F800] =	vst v63  }
0x2ed: {  	s8 =	smov.u32 s4;
	s4 =	smov.u32 s3;
	s3 =	rddreg [dreg:$0x3]  }
0x2ee: {  	[tilespmem:s5], [sflag:$0x2] =	stream.linear.gather [hbm4b:s3+s2], $0xFC00, $0x38;
	[tilespmem:$0x1F800] =	vst v63  }
0x2ef: {  	s5 =	simm.s32 $0x4;
	s3 =	smov.u32 s4  }
0x2f0: {  	s4 =	smov.u32 s8;
	s8 =	smov.u32 s9;
	s9 =	smov.u32 s12  }
0x2f1: {  	s12 =	smov.u32 s13;
	s13 =	smov.u32 s14;
	s14 =	smov.u32 s15  }
0x2f2: {  	s15 =	smov.u32 s16;
	s16 =	smov.u32 s17;
	_ =	swait.ge [sflag:s11], $0xFC00  }
0x2f3: {  	s17 =	smov.u32 s18;
	s18 =	smov.u32 s19;
	[sflag:s11] =	ssyncset.done $0x0  }
0x2f4: {  	s19 =	smov.u32 s20;
	s20 =	smov.u32 s21;
	[sflag:s11] =	ssyncadd.s32 $0xFFFF0400  }
0x2f5: {  	s21 =	smov.u32 s22;
	s22 =	smov.u32 s23;
	s1 =	rddreg [dreg:$0x4]  }
0x2f6: {  	[hbm4b:s1+s2] =	stream.linear.scatter [tilespmem:s2], [sflag:$0x3], $0xFC00, $0x38;
	[tilespmem:$0x1F800] =	vst v63  }
0x2f7: {  	s23 =	smov.u32 s24;
	s24 =	smov.u32 s25;
	_ =	swait.ge [sflag:s6], $0xFC00  }
0x2f8: {  	s25 =	smov.u32 s26;
	s26 =	smov.u32 s28;
	[sflag:s6] =	ssyncset.done $0x0  }
0x2f9: {  	s28 =	smov.u32 s29;
	s1 =	rddreg [dreg:$0x5];
	[sflag:s6] =	ssyncadd.s32 $0xFFFF0400  }
0x2fa: {  	[tilespmem:s2], [sflag:$0x1] =	stream.linear.gather [hbm4b:s1+s2], $0xFC00, $0x38;
	[tilespmem:$0x1F800] =	vst v63  }
0x2fb: {  	s29 =	smov.u32 s30;
	s30 =	smov.u32 s31;
	_ =	swait.ge [sflag:s10], $0xFC00  }
0x2fc: {  	s31 =	smov.u32 s0;
	s0 =	smov.u32 s7;
	[sflag:s10] =	ssyncset.done $0x0  }
0x2fd: {  	s7 =	simm.s32 $0xFC00;
	s1 =	rddreg [dreg:$0x6];
	[sflag:s10] =	ssyncadd.s32 $0xFFFF0400  }
0x2fe: {  	[hbm4b:s1+s2] =	stream.linear.scatter [tilespmem:s7], [sflag:$0x4], $0xFC00, $0x38;
	[tilespmem:$0x1F800] =	vst v63  }
0x2ff: {  	_ =	swait.ge [sflag:s5], $0xFC00  }
0x300: {  	[sflag:s5] =	ssyncset.done $0x0  }
0x301: {  	s1 =	rddreg [dreg:$0x7];
	[sflag:s5] =	ssyncadd.s32 $0xFFFF0400  }
0x302: {  	[tilespmem:s7], [sflag:$0x2] =	stream.linear.gather [hbm4b:s1+s2], $0xFC00, $0x38;
	[tilespmem:$0x1F800] =	vst v63  }
0x303: {  	_ =	swait.ge [sflag:s11], $0xFC00  }
0x304: {  	[sflag:s11] =	ssyncset.done $0x0  }
0x305: {  	s1 =	rddreg [dreg:$0x8];
	[sflag:s11] =	ssyncadd.s32 $0xFFFF0400  }
0x306: {  	[hbm4b:s1+s2] =	stream.linear.scatter [tilespmem:s2], [sflag:$0x3], $0xFC00, $0x38;
	[tilespmem:$0x1F800] =	vst v63  }
0x307: {  	_ =	swait.ge [sflag:s6], $0xFC00  }
0x308: {  	[sflag:s6] =	ssyncset.done $0x0  }
0x309: {  	s1 =	rddreg [dreg:$0x9];
	[sflag:s6] =	ssyncadd.s32 $0xFFFF0400  }
0x30a: {  	[tilespmem:s2], [sflag:$0x1] =	stream.linear.gather [hbm4b:s1+s2], $0xFC00, $0x38;
	[tilespmem:$0x1F800] =	vst v63  }
0x30b: {  	_ =	swait.ge [sflag:s10], $0xFC00  }
0x30c: {  	[sflag:s10] =	ssyncset.done $0x0  }
0x30d: {  	s1 =	rddreg [dreg:$0xa];
	[sflag:s10] =	ssyncadd.s32 $0xFFFF0400  }
0x30e: {  	[hbm4b:s1+s2] =	stream.linear.scatter [tilespmem:s7], [sflag:$0x4], $0xFC00, $0x38;
	[tilespmem:$0x1F800] =	vst v63  }
0x30f: {  	_ =	swait.ge [sflag:s5], $0xFC00  }
0x310: {  	[sflag:s5] =	ssyncset.done $0x0  }
0x311: {  	s1 =	rddreg [dreg:$0xb];
	[sflag:s5] =	ssyncadd.s32 $0xFFFF0400  }
0x312: {  	[tilespmem:s7], [sflag:$0x2] =	stream.linear.gather [hbm4b:s1+s2], $0xFC00, $0x38;
	[tilespmem:$0x1F800] =	vst v63  }
0x313: {  	_ =	swait.ge [sflag:s11], $0xFC00  }
0x314: {  	[sflag:s11] =	ssyncset.done $0x0  }
0x315: {  	s1 =	rddreg [dreg:$0xc];
	[sflag:s11] =	ssyncadd.s32 $0xFFFF0400  }
0x316: {  	[hbm4b:s1+s2] =	stream.linear.scatter [tilespmem:s2], [sflag:$0x3], $0xFC00, $0x38;
	[tilespmem:$0x1F800] =	vst v63  }
0x317: {  	_ =	swait.ge [sflag:s6], $0xFC00  }
0x318: {  	[sflag:s6] =	ssyncset.done $0x0  }
0x319: {  	s1 =	rddreg [dreg:$0xd];
	[sflag:s6] =	ssyncadd.s32 $0xFFFF0400  }
0x31a: {  	[tilespmem:s2], [sflag:$0x1] =	stream.linear.gather [hbm4b:s1+s2], $0xFC00, $0x38;
	[tilespmem:$0x1F800] =	vst v63  }
0x31b: {  	_ =	swait.ge [sflag:s10], $0xFC00  }
0x31c: {  	[sflag:s10] =	ssyncset.done $0x0  }
0x31d: {  	s1 =	rddreg [dreg:$0xe];
	[sflag:s10] =	ssyncadd.s32 $0xFFFF0400  }
0x31e: {  	[hbm4b:s1+s2] =	stream.linear.scatter [tilespmem:s7], [sflag:$0x4], $0xFC00, $0x38;
	[tilespmem:$0x1F800] =	vst v63  }
0x31f: {  	_ =	swait.ge [sflag:s5], $0xFC00  }
0x320: {  	[sflag:s5] =	ssyncset.done $0x0  }
0x321: {  	s1 =	rddreg [dreg:$0xf];
	[sflag:s5] =	ssyncadd.s32 $0xFFFF0400  }
0x322: {  	[tilespmem:s7], [sflag:$0x2] =	stream.linear.gather [hbm4b:s1+s2], $0xFC00, $0x38;
	[tilespmem:$0x1F800] =	vst v63  }
0x323: {  	_ =	swait.ge [sflag:s11], $0xFC00  }
0x324: {  	[sflag:s11] =	ssyncset.done $0x0  }
0x325: {  	s1 =	rddreg [dreg:$0x10];
	[sflag:s11] =	ssyncadd.s32 $0xFFFF0400  }
0x326: {  	[hbm4b:s1+s2] =	stream.linear.scatter [tilespmem:s2], [sflag:$0x3], $0xFC00, $0x38;
	[tilespmem:$0x1F800] =	vst v63  }
0x327: {  	_ =	swait.ge [sflag:s6], $0xFC00  }
0x328: {  	[sflag:s6] =	ssyncset.done $0x0  }
0x329: {  	s1 =	rddreg [dreg:$0x11];
	[sflag:s6] =	ssyncadd.s32 $0xFFFF0400  }
0x32a: {  	[tilespmem:s2], [sflag:$0x1] =	stream.linear.gather [hbm4b:s1+s2], $0xFC00, $0x38;
	[tilespmem:$0x1F800] =	vst v63  }
0x32b: {  	_ =	swait.ge [sflag:s10], $0xFC00  }
0x32c: {  	[sflag:s10] =	ssyncset.done $0x0  }
0x32d: {  	s1 =	rddreg [dreg:$0x12];
	[sflag:s10] =	ssyncadd.s32 $0xFFFF0400  }
0x32e: {  	[hbm4b:s1+s2] =	stream.linear.scatter [tilespmem:s7], [sflag:$0x4], $0xFC00, $0x38;
	[tilespmem:$0x1F800] =	vst v63  }
0x32f: {  	_ =	swait.ge [sflag:s5], $0xFC00  }
0x330: {  	[sflag:s5] =	ssyncset.done $0x0  }
0x331: {  	s1 =	rddreg [dreg:$0x13];
	[sflag:s5] =	ssyncadd.s32 $0xFFFF0400  }
0x332: {  	[tilespmem:s7], [sflag:$0x2] =	stream.linear.gather [hbm4b:s1+s2], $0xFC00, $0x38;
	[tilespmem:$0x1F800] =	vst v63  }
0x333: {  	_ =	swait.ge [sflag:s11], $0xFC00  }
0x334: {  	[sflag:s11] =	ssyncset.done $0x0  }
0x335: {  	s1 =	rddreg [dreg:$0x14];
	[sflag:s11] =	ssyncadd.s32 $0xFFFF0400  }
0x336: {  	[hbm4b:s1+s2] =	stream.linear.scatter [tilespmem:s2], [sflag:$0x3], $0xFC00, $0x38;
	[tilespmem:$0x1F800] =	vst v63  }
0x337: {  	_ =	swait.ge [sflag:s6], $0xFC00  }
0x338: {  	[sflag:s6] =	ssyncset.done $0x0  }
0x339: {  	s1 =	rddreg [dreg:$0x15];
	[sflag:s6] =	ssyncadd.s32 $0xFFFF0400  }
0x33a: {  	[tilespmem:s2], [sflag:$0x1] =	stream.linear.gather [hbm4b:s1+s2], $0xFC00, $0x38;
	[tilespmem:$0x1F800] =	vst v63  }
0x33b: {  	_ =	swait.ge [sflag:s10], $0xFC00  }
0x33c: {  	[sflag:s10] =	ssyncset.done $0x0  }
0x33d: {  	s1 =	rddreg [dreg:$0x16];
	[sflag:s10] =	ssyncadd.s32 $0xFFFF0400  }
0x33e: {  	[hbm4b:s1+s2] =	stream.linear.scatter [tilespmem:s7], [sflag:$0x4], $0xFC00, $0x38;
	[tilespmem:$0x1F800] =	vst v63  }
0x33f: {  	_ =	swait.ge [sflag:s5], $0xFC00  }
0x340: {  	[sflag:s5] =	ssyncset.done $0x0  }
0x341: {  	s1 =	rddreg [dreg:$0x17];
	[sflag:s5] =	ssyncadd.s32 $0xFFFF0400  }
0x342: {  	[tilespmem:s7], [sflag:$0x2] =	stream.linear.gather [hbm4b:s1+s2], $0xFC00, $0x38;
	[tilespmem:$0x1F800] =	vst v63  }
0x343: {  	_ =	swait.ge [sflag:s11], $0xFC00  }
0x344: {  	[sflag:s11] =	ssyncset.done $0x0  }
0x345: {  	s1 =	rddreg [dreg:$0x18];
	[sflag:s11] =	ssyncadd.s32 $0xFFFF0400  }
0x346: {  	[hbm4b:s1+s2] =	stream.linear.scatter [tilespmem:s2], [sflag:$0x3], $0xFC00, $0x38;
	[tilespmem:$0x1F800] =	vst v63  }
0x347: {  	_ =	swait.ge [sflag:s6], $0xFC00  }
0x348: {  	[sflag:s6] =	ssyncset.done $0x0  }
0x349: {  	s1 =	rddreg [dreg:$0x19];
	[sflag:s6] =	ssyncadd.s32 $0xFFFF0400  }
0x34a: {  	[tilespmem:s2], [sflag:$0x1] =	stream.linear.gather [hbm4b:s1+s2], $0xFC00, $0x38;
	[tilespmem:$0x1F800] =	vst v63  }
0x34b: {  	_ =	swait.ge [sflag:s10], $0xFC00  }
0x34c: {  	[sflag:s10] =	ssyncset.done $0x0  }
0x34d: {  	s1 =	rddreg [dreg:$0x1a];
	[sflag:s10] =	ssyncadd.s32 $0xFFFF0400  }
0x34e: {  	[hbm4b:s1+s2] =	stream.linear.scatter [tilespmem:s7], [sflag:$0x4], $0xFC00, $0x38;
	[tilespmem:$0x1F800] =	vst v63  }
0x34f: {  	_ =	swait.ge [sflag:s5], $0xFC00  }
0x350: {  	[sflag:s5] =	ssyncset.done $0x0  }
0x351: {  	s1 =	rddreg [dreg:$0x1b];
	[sflag:s5] =	ssyncadd.s32 $0xFFFF0400  }
0x352: {  	[tilespmem:s7], [sflag:$0x2] =	stream.linear.gather [hbm4b:s1+s2], $0xFC00, $0x38;
	[tilespmem:$0x1F800] =	vst v63  }
0x353: {  	_ =	swait.ge [sflag:s11], $0xFC00  }
0x354: {  	[sflag:s11] =	ssyncset.done $0x0  }
0x355: {  	s1 =	rddreg [dreg:$0x1c];
	[sflag:s11] =	ssyncadd.s32 $0xFFFF0400  }
0x356: {  	[hbm4b:s1+s2] =	stream.linear.scatter [tilespmem:s2], [sflag:$0x3], $0xFC00, $0x38;
	[tilespmem:$0x1F800] =	vst v63  }
0x357: {  	_ =	swait.ge [sflag:s6], $0xFC00  }
0x358: {  	[sflag:s6] =	ssyncset.done $0x0  }
0x359: {  	s1 =	rddreg [dreg:$0x1d];
	[sflag:s6] =	ssyncadd.s32 $0xFFFF0400  }
0x35a: {  	[tilespmem:s2], [sflag:$0x1] =	stream.linear.gather [hbm4b:s1+s2], $0xFC00, $0x38;
	[tilespmem:$0x1F800] =	vst v63  }
0x35b: {  	_ =	swait.ge [sflag:s10], $0xFC00  }
0x35c: {  	[sflag:s10] =	ssyncset.done $0x0  }
0x35d: {  	s1 =	rddreg [dreg:$0x1e];
	[sflag:s10] =	ssyncadd.s32 $0xFFFF0400  }
0x35e: {  	[hbm4b:s1+s2] =	stream.linear.scatter [tilespmem:s7], [sflag:$0x4], $0xFC00, $0x38;
	[tilespmem:$0x1F800] =	vst v63  }
0x35f: {  	_ =	swait.ge [sflag:s5], $0xFC00  }
0x360: {  	[sflag:s5] =	ssyncset.done $0x0  }
0x361: {  	s1 =	rddreg [dreg:$0x1f];
	[sflag:s5] =	ssyncadd.s32 $0xFFFF0400  }
0x362: {  	[tilespmem:s7], [sflag:$0x2] =	stream.linear.gather [hbm4b:s1+s2], $0xFC00, $0x38;
	[tilespmem:$0x1F800] =	vst v63  }
0x363: {  	_ =	swait.ge [sflag:s11], $0xFC00  }
0x364: {  	s1 =	sld [smem:$0x7AF]  }
0x365: {  	[sflag:s11] =	ssyncset.done $0x0  }
0x366: {  	[sflag:s11] =	ssyncadd.s32 $0xFFFF0400  }
0x367: {  	[hbm4b:s1+s2] =	stream.linear.scatter [tilespmem:s2], [sflag:$0x3], $0xFC00, $0x38;
	[tilespmem:$0x1F800] =	vst v63  }
0x368: {  	_ =	swait.ge [sflag:s6], $0xFC00  }
0x369: {  	s1 =	sld [smem:$0x7B0]  }
0x36a: {  	[sflag:s6] =	ssyncset.done $0x0  }
0x36b: {  	[sflag:s6] =	ssyncadd.s32 $0xFFFF0400  }
0x36c: {  	[tilespmem:s2], [sflag:$0x1] =	stream.linear.gather [hbm4b:s1+s2], $0xFC00, $0x38;
	[tilespmem:$0x1F800] =	vst v63  }
0x36d: {  	_ =	swait.ge [sflag:s10], $0xFC00  }
0x36e: {  	s1 =	sld [smem:$0x7B1]  }
0x36f: {  	[sflag:s10] =	ssyncset.done $0x0  }
0x370: {  	[sflag:s10] =	ssyncadd.s32 $0xFFFF0400  }
0x371: {  	[hbm4b:s1+s2] =	stream.linear.scatter [tilespmem:s7], [sflag:$0x4], $0xFC00, $0x38;
	[tilespmem:$0x1F800] =	vst v63  }
0x372: {  	_ =	swait.ge [sflag:s5], $0xFC00  }
0x373: {  	s1 =	sld [smem:$0x7B2]  }
0x374: {  	[sflag:s5] =	ssyncset.done $0x0  }
0x375: {  	[sflag:s5] =	ssyncadd.s32 $0xFFFF0400  }
0x376: {  	[tilespmem:s7], [sflag:$0x2] =	stream.linear.gather [hbm4b:s1+s2], $0xFC00, $0x38;
	[tilespmem:$0x1F800] =	vst v63  }
0x377: {  	_ =	swait.ge [sflag:s11], $0xFC00  }
0x378: {  	s1 =	sld [smem:$0x7B3]  }
0x379: {  	[sflag:s11] =	ssyncset.done $0x0  }
0x37a: {  	[sflag:s11] =	ssyncadd.s32 $0xFFFF0400  }
0x37b: {  	[hbm4b:s1+s2] =	stream.linear.scatter [tilespmem:s2], [sflag:$0x3], $0xFC00, $0x38;
	[tilespmem:$0x1F800] =	vst v63  }
0x37c: {  	_ =	swait.ge [sflag:s6], $0xFC00  }
0x37d: {  	s1 =	sld [smem:$0x7B4]  }
0x37e: {  	[sflag:s6] =	ssyncset.done $0x0  }
0x37f: {  	[sflag:s6] =	ssyncadd.s32 $0xFFFF0400  }
0x380: {  	[tilespmem:s2], [sflag:$0x1] =	stream.linear.gather [hbm4b:s1+s2], $0xFC00, $0x38;
	[tilespmem:$0x1F800] =	vst v63  }
0x381: {  	_ =	swait.ge [sflag:s10], $0xFC00  }
0x382: {  	s1 =	sld [smem:$0x7B5]  }
0x383: {  	[sflag:s10] =	ssyncset.done $0x0  }
0x384: {  	[sflag:s10] =	ssyncadd.s32 $0xFFFF0400  }
0x385: {  	[hbm4b:s1+s2] =	stream.linear.scatter [tilespmem:s7], [sflag:$0x4], $0xFC00, $0x38;
	[tilespmem:$0x1F800] =	vst v63  }
0x386: {  	_ =	swait.ge [sflag:s5], $0xFC00  }
0x387: {  	s1 =	sld [smem:$0x7B6]  }
0x388: {  	[sflag:s5] =	ssyncset.done $0x0  }
0x389: {  	[sflag:s5] =	ssyncadd.s32 $0xFFFF0400  }
0x38a: {  	[tilespmem:s7], [sflag:$0x2] =	stream.linear.gather [hbm4b:s1+s2], $0xFC00, $0x38;
	[tilespmem:$0x1F800] =	vst v63  }
0x38b: {  	_ =	swait.ge [sflag:s11], $0xFC00  }
0x38c: {  	s1 =	sld [smem:$0x7B7]  }
0x38d: {  	[sflag:s11] =	ssyncset.done $0x0  }
0x38e: {  	[sflag:s11] =	ssyncadd.s32 $0xFFFF0400  }
0x38f: {  	[hbm4b:s1+s2] =	stream.linear.scatter [tilespmem:s2], [sflag:$0x3], $0xFC00, $0x38;
	[tilespmem:$0x1F800] =	vst v63  }
0x390: {  	_ =	swait.ge [sflag:s6], $0xFC00  }
0x391: {  	s1 =	sld [smem:$0x7B8]  }
0x392: {  	[sflag:s6] =	ssyncset.done $0x0  }
0x393: {  	[sflag:s6] =	ssyncadd.s32 $0xFFFF0400  }
0x394: {  	[tilespmem:s2], [sflag:$0x1] =	stream.linear.gather [hbm4b:s1+s2], $0xFC00, $0x38;
	[tilespmem:$0x1F800] =	vst v63  }
0x395: {  	_ =	swait.ge [sflag:s10], $0xFC00  }
0x396: {  	s1 =	sld [smem:$0x7B9]  }
0x397: {  	[sflag:s10] =	ssyncset.done $0x0  }
0x398: {  	[sflag:s10] =	ssyncadd.s32 $0xFFFF0400  }
0x399: {  	[hbm4b:s1+s2] =	stream.linear.scatter [tilespmem:s7], [sflag:$0x4], $0xFC00, $0x38;
	[tilespmem:$0x1F800] =	vst v63  }
0x39a: {  	_ =	swait.ge [sflag:s5], $0xFC00  }
0x39b: {  	s1 =	sld [smem:$0x7BA]  }
0x39c: {  	[sflag:s5] =	ssyncset.done $0x0  }
0x39d: {  	[sflag:s5] =	ssyncadd.s32 $0xFFFF0400  }
0x39e: {  	[tilespmem:s7], [sflag:$0x2] =	stream.linear.gather [hbm4b:s1+s2], $0xFC00, $0x38;
	[tilespmem:$0x1F800] =	vst v63  }
0x39f: {  	_ =	swait.ge [sflag:s11], $0xFC00  }
0x3a0: {  	s1 =	sld [smem:$0x7BB]  }
0x3a1: {  	[sflag:s11] =	ssyncset.done $0x0  }
0x3a2: {  	[sflag:s11] =	ssyncadd.s32 $0xFFFF0400  }
0x3a3: {  	[hbm4b:s1+s2] =	stream.linear.scatter [tilespmem:s2], [sflag:$0x3], $0xFC00, $0x38;
	[tilespmem:$0x1F800] =	vst v63  }
0x3a4: {  	_ =	swait.ge [sflag:s6], $0xFC00  }
0x3a5: {  	s1 =	sld [smem:$0x7BC]  }
0x3a6: {  	[sflag:s6] =	ssyncset.done $0x0  }
0x3a7: {  	[sflag:s6] =	ssyncadd.s32 $0xFFFF0400  }
0x3a8: {  	[tilespmem:s2], [sflag:$0x1] =	stream.linear.gather [hbm4b:s1+s2], $0xFC00, $0x38;
	[tilespmem:$0x1F800] =	vst v63  }
0x3a9: {  	_ =	swait.ge [sflag:s10], $0xFC00  }
0x3aa: {  	s1 =	sld [smem:$0x7BD]  }
0x3ab: {  	[sflag:s10] =	ssyncset.done $0x0  }
0x3ac: {  	[sflag:s10] =	ssyncadd.s32 $0xFFFF0400  }
0x3ad: {  	[hbm4b:s1+s2] =	stream.linear.scatter [tilespmem:s7], [sflag:$0x4], $0xFC00, $0x38;
	[tilespmem:$0x1F800] =	vst v63  }
0x3ae: {  	_ =	swait.ge [sflag:s5], $0xFC00  }
0x3af: {  	s1 =	sld [smem:$0x7BE]  }
0x3b0: {  	[sflag:s5] =	ssyncset.done $0x0  }
0x3b1: {  	[sflag:s5] =	ssyncadd.s32 $0xFFFF0400  }
0x3b2: {  	[tilespmem:s7], [sflag:$0x2] =	stream.linear.gather [hbm4b:s1+s2], $0xFC00, $0x38;
	[tilespmem:$0x1F800] =	vst v63  }
0x3b3: {  	_ =	swait.ge [sflag:s11], $0xFC00  }
0x3b4: {  	s1 =	sld [smem:$0x7BF]  }
0x3b5: {  	[sflag:s11] =	ssyncset.done $0x0  }
0x3b6: {  	[sflag:s11] =	ssyncadd.s32 $0xFFFF0400  }
0x3b7: {  	[hbm4b:s1+s2] =	stream.linear.scatter [tilespmem:s2], [sflag:$0x3], $0xFC00, $0x38;
	[tilespmem:$0x1F800] =	vst v63  }
0x3b8: {  	_ =	swait.ge [sflag:s6], $0xFC00  }
0x3b9: {  	s1 =	sld [smem:$0x7C0]  }
0x3ba: {  	[sflag:s6] =	ssyncset.done $0x0  }
0x3bb: {  	[sflag:s6] =	ssyncadd.s32 $0xFFFF0400  }
0x3bc: {  	[tilespmem:s2], [sflag:$0x1] =	stream.linear.gather [hbm4b:s1+s2], $0xFC00, $0x38;
	[tilespmem:$0x1F800] =	vst v63  }
0x3bd: {  	_ =	swait.ge [sflag:s10], $0xFC00  }
0x3be: {  	s1 =	sld [smem:$0x7C1]  }
0x3bf: {  	[sflag:s10] =	ssyncset.done $0x0  }
0x3c0: {  	[sflag:s10] =	ssyncadd.s32 $0xFFFF0400  }
0x3c1: {  	[hbm4b:s1+s2] =	stream.linear.scatter [tilespmem:s7], [sflag:$0x4], $0xFC00, $0x38;
	[tilespmem:$0x1F800] =	vst v63  }
0x3c2: {  	_ =	swait.ge [sflag:s5], $0xFC00  }
0x3c3: {  	s1 =	sld [smem:$0x7C2]  }
0x3c4: {  	[sflag:s5] =	ssyncset.done $0x0  }
0x3c5: {  	[sflag:s5] =	ssyncadd.s32 $0xFFFF0400  }
0x3c6: {  	[tilespmem:s7], [sflag:$0x2] =	stream.linear.gather [hbm4b:s1+s2], $0xFC00, $0x38;
	[tilespmem:$0x1F800] =	vst v63  }
0x3c7: {  	_ =	swait.ge [sflag:s11], $0xFC00  }
0x3c8: {  	s1 =	sld [smem:$0x7C3]  }
0x3c9: {  	[sflag:s11] =	ssyncset.done $0x0  }
0x3ca: {  	[sflag:s11] =	ssyncadd.s32 $0xFFFF0400  }
0x3cb: {  	[hbm4b:s1+s2] =	stream.linear.scatter [tilespmem:s2], [sflag:$0x3], $0xFC00, $0x38;
	[tilespmem:$0x1F800] =	vst v63  }
0x3cc: {  	_ =	swait.ge [sflag:s6], $0xFC00  }
0x3cd: {  	s1 =	sld [smem:$0x7C4]  }
0x3ce: {  	[sflag:s6] =	ssyncset.done $0x0  }
0x3cf: {  	[sflag:s6] =	ssyncadd.s32 $0xFFFF0400  }
0x3d0: {  	[tilespmem:s2], [sflag:$0x1] =	stream.linear.gather [hbm4b:s1+s2], $0xFC00, $0x38;
	[tilespmem:$0x1F800] =	vst v63  }
0x3d1: {  	_ =	swait.ge [sflag:s10], $0xFC00  }
0x3d2: {  	s1 =	sld [smem:$0x7C5]  }
0x3d3: {  	[sflag:s10] =	ssyncset.done $0x0  }
0x3d4: {  	[sflag:s10] =	ssyncadd.s32 $0xFFFF0400  }
0x3d5: {  	[hbm4b:s1+s2] =	stream.linear.scatter [tilespmem:s7], [sflag:$0x4], $0xFC00, $0x38;
	[tilespmem:$0x1F800] =	vst v63  }
0x3d6: {  	_ =	swait.ge [sflag:s5], $0xFC00  }
0x3d7: {  	s1 =	sld [smem:$0x7C6]  }
0x3d8: {  	[sflag:s5] =	ssyncset.done $0x0  }
0x3d9: {  	[sflag:s5] =	ssyncadd.s32 $0xFFFF0400  }
0x3da: {  	[tilespmem:s7], [sflag:$0x2] =	stream.linear.gather [hbm4b:s1+s2], $0xFC00, $0x38;
	[tilespmem:$0x1F800] =	vst v63  }
0x3db: {  	_ =	swait.ge [sflag:s11], $0xFC00  }
0x3dc: {  	s1 =	sld [smem:$0x7C7]  }
0x3dd: {  	[sflag:s11] =	ssyncset.done $0x0  }
0x3de: {  	[sflag:s11] =	ssyncadd.s32 $0xFFFF0400  }
0x3df: {  	[hbm4b:s1+s2] =	stream.linear.scatter [tilespmem:s2], [sflag:$0x3], $0xFC00, $0x38;
	[tilespmem:$0x1F800] =	vst v63  }
0x3e0: {  	_ =	swait.ge [sflag:s6], $0xFC00  }
0x3e1: {  	s1 =	sld [smem:$0x7C8]  }
0x3e2: {  	[sflag:s6] =	ssyncset.done $0x0  }
0x3e3: {  	[sflag:s6] =	ssyncadd.s32 $0xFFFF0400  }
0x3e4: {  	[tilespmem:s2], [sflag:$0x1] =	stream.linear.gather [hbm4b:s1+s2], $0xFC00, $0x38;
	[tilespmem:$0x1F800] =	vst v63  }
0x3e5: {  	_ =	swait.ge [sflag:s10], $0xFC00  }
0x3e6: {  	s1 =	sld [smem:$0x7C9]  }
0x3e7: {  	[sflag:s10] =	ssyncset.done $0x0  }
0x3e8: {  	[sflag:s10] =	ssyncadd.s32 $0xFFFF0400  }
0x3e9: {  	[hbm4b:s1+s2] =	stream.linear.scatter [tilespmem:s7], [sflag:$0x4], $0xFC00, $0x38;
	[tilespmem:$0x1F800] =	vst v63  }
0x3ea: {  	_ =	swait.ge [sflag:s5], $0xFC00  }
0x3eb: {  	s1 =	sld [smem:$0x7CA]  }
0x3ec: {  	[sflag:s5] =	ssyncset.done $0x0  }
0x3ed: {  	[sflag:s5] =	ssyncadd.s32 $0xFFFF0400  }
0x3ee: {  	[tilespmem:s7], [sflag:$0x2] =	stream.linear.gather [hbm4b:s1+s2], $0xFC00, $0x38;
	[tilespmem:$0x1F800] =	vst v63  }
0x3ef: {  	_ =	swait.ge [sflag:s11], $0xFC00  }
0x3f0: {  	s1 =	sld [smem:$0x7CB]  }
0x3f1: {  	[sflag:s11] =	ssyncset.done $0x0  }
0x3f2: {  	[sflag:s11] =	ssyncadd.s32 $0xFFFF0400  }
0x3f3: {  	[hbm4b:s1+s2] =	stream.linear.scatter [tilespmem:s2], [sflag:$0x3], $0xFC00, $0x38;
	[tilespmem:$0x1F800] =	vst v63  }
0x3f4: {  	_ =	swait.ge [sflag:s6], $0xFC00  }
0x3f5: {  	s1 =	sld [smem:$0x7CC]  }
0x3f6: {  	[sflag:s6] =	ssyncset.done $0x0  }
0x3f7: {  	[sflag:s6] =	ssyncadd.s32 $0xFFFF0400  }
0x3f8: {  	[tilespmem:s2], [sflag:$0x1] =	stream.linear.gather [hbm4b:s1+s2], $0xFC00, $0x38;
	[tilespmem:$0x1F800] =	vst v63  }
0x3f9: {  	_ =	swait.ge [sflag:s10], $0xFC00  }
0x3fa: {  	s1 =	sld [smem:$0x7CD]  }
0x3fb: {  	[sflag:s10] =	ssyncset.done $0x0  }
0x3fc: {  	[sflag:s10] =	ssyncadd.s32 $0xFFFF0400  }
0x3fd: {  	[hbm4b:s1+s2] =	stream.linear.scatter [tilespmem:s7], [sflag:$0x4], $0xFC00, $0x38;
	[tilespmem:$0x1F800] =	vst v63  }
0x3fe: {  	_ =	swait.ge [sflag:s5], $0xFC00  }
0x3ff: {  	s1 =	sld [smem:$0x7CE]  }
0x400: {  	[sflag:s5] =	ssyncset.done $0x0  }
0x401: {  	[sflag:s5] =	ssyncadd.s32 $0xFFFF0400  }
0x402: {  	[tilespmem:s7], [sflag:$0x2] =	stream.linear.gather [hbm4b:s1+s2], $0xFC00, $0x38;
	[tilespmem:$0x1F800] =	vst v63  }
0x403: {  	_ =	swait.ge [sflag:s11], $0xFC00  }
0x404: {  	s1 =	sld [smem:$0x7CF]  }
0x405: {  	[sflag:s11] =	ssyncset.done $0x0  }
0x406: {  	[sflag:s11] =	ssyncadd.s32 $0xFFFF0400  }
0x407: {  	[hbm4b:s1+s2] =	stream.linear.scatter [tilespmem:s2], [sflag:$0x3], $0xFC00, $0x38;
	[tilespmem:$0x1F800] =	vst v63  }
0x408: {  	_ =	swait.ge [sflag:s6], $0xFC00  }
0x409: {  	s1 =	sld [smem:$0x7D0]  }
0x40a: {  	[sflag:s6] =	ssyncset.done $0x0  }
0x40b: {  	[sflag:s6] =	ssyncadd.s32 $0xFFFF0400  }
0x40c: {  	[tilespmem:s2], [sflag:$0x1] =	stream.linear.gather [hbm4b:s1+s2], $0xFC00, $0x38;
	[tilespmem:$0x1F800] =	vst v63  }
0x40d: {  	_ =	swait.ge [sflag:s10], $0xFC00  }
0x40e: {  	s1 =	sld [smem:$0x7D1]  }
0x40f: {  	[sflag:s10] =	ssyncset.done $0x0  }
0x410: {  	[sflag:s10] =	ssyncadd.s32 $0xFFFF0400  }
0x411: {  	[hbm4b:s1+s2] =	stream.linear.scatter [tilespmem:s7], [sflag:$0x4], $0xFC00, $0x38;
	[tilespmem:$0x1F800] =	vst v63  }
0x412: {  	_ =	swait.ge [sflag:s5], $0xFC00  }
0x413: {  	s1 =	sld [smem:$0x7D2]  }
0x414: {  	[sflag:s5] =	ssyncset.done $0x0  }
0x415: {  	[sflag:s5] =	ssyncadd.s32 $0xFFFF0400  }
0x416: {  	[tilespmem:s7], [sflag:$0x2] =	stream.linear.gather [hbm4b:s1+s2], $0xFC00, $0x38;
	[tilespmem:$0x1F800] =	vst v63  }
0x417: {  	_ =	swait.ge [sflag:s11], $0xFC00  }
0x418: {  	s1 =	sld [smem:$0x7D3]  }
0x419: {  	[sflag:s11] =	ssyncset.done $0x0  }
0x41a: {  	[sflag:s11] =	ssyncadd.s32 $0xFFFF0400  }
0x41b: {  	[hbm4b:s1+s2] =	stream.linear.scatter [tilespmem:s2], [sflag:$0x3], $0xFC00, $0x38;
	[tilespmem:$0x1F800] =	vst v63  }
0x41c: {  	_ =	swait.ge [sflag:s6], $0xFC00  }
0x41d: {  	s1 =	sld [smem:$0x7D4]  }
0x41e: {  	[sflag:s6] =	ssyncset.done $0x0  }
0x41f: {  	[sflag:s6] =	ssyncadd.s32 $0xFFFF0400  }
0x420: {  	[tilespmem:s2], [sflag:$0x1] =	stream.linear.gather [hbm4b:s1+s2], $0xFC00, $0x38;
	[tilespmem:$0x1F800] =	vst v63  }
0x421: {  	_ =	swait.ge [sflag:s10], $0xFC00  }
0x422: {  	s1 =	sld [smem:$0x7D5]  }
0x423: {  	[sflag:s10] =	ssyncset.done $0x0  }
0x424: {  	[sflag:s10] =	ssyncadd.s32 $0xFFFF0400  }
0x425: {  	[hbm4b:s1+s2] =	stream.linear.scatter [tilespmem:s7], [sflag:$0x4], $0xFC00, $0x38;
	[tilespmem:$0x1F800] =	vst v63  }
0x426: {  	_ =	swait.ge [sflag:s5], $0xFC00  }
0x427: {  	s1 =	sld [smem:$0x7D6]  }
0x428: {  	[sflag:s5] =	ssyncset.done $0x0  }
0x429: {  	[sflag:s5] =	ssyncadd.s32 $0xFFFF0400  }
0x42a: {  	[tilespmem:s7], [sflag:$0x2] =	stream.linear.gather [hbm4b:s1+s2], $0xFC00, $0x38;
	[tilespmem:$0x1F800] =	vst v63  }
0x42b: {  	_ =	swait.ge [sflag:s11], $0xFC00  }
0x42c: {  	s1 =	sld [smem:$0x7D7]  }
0x42d: {  	[sflag:s11] =	ssyncset.done $0x0  }
0x42e: {  	[sflag:s11] =	ssyncadd.s32 $0xFFFF0400  }
0x42f: {  	[hbm4b:s1+s2] =	stream.linear.scatter [tilespmem:s2], [sflag:$0x3], $0xFC00, $0x38;
	[tilespmem:$0x1F800] =	vst v63  }
0x430: {  	_ =	swait.ge [sflag:s6], $0xFC00  }
0x431: {  	s1 =	sld [smem:$0x7D8]  }
0x432: {  	[sflag:s6] =	ssyncset.done $0x0  }
0x433: {  	[sflag:s6] =	ssyncadd.s32 $0xFFFF0400  }
0x434: {  	[tilespmem:s2], [sflag:$0x1] =	stream.linear.gather [hbm4b:s1+s2], $0xFC00, $0x38;
	[tilespmem:$0x1F800] =	vst v63  }
0x435: {  	_ =	swait.ge [sflag:s10], $0xFC00  }
0x436: {  	s1 =	sld [smem:$0x7D9]  }
0x437: {  	[sflag:s10] =	ssyncset.done $0x0  }
0x438: {  	[sflag:s10] =	ssyncadd.s32 $0xFFFF0400  }
0x439: {  	[hbm4b:s1+s2] =	stream.linear.scatter [tilespmem:s7], [sflag:$0x4], $0xFC00, $0x38;
	[tilespmem:$0x1F800] =	vst v63  }
0x43a: {  	_ =	swait.ge [sflag:s5], $0xFC00  }
0x43b: {  	s1 =	sld [smem:$0x7DA]  }
0x43c: {  	[sflag:s5] =	ssyncset.done $0x0  }
0x43d: {  	[sflag:s5] =	ssyncadd.s32 $0xFFFF0400  }
0x43e: {  	[tilespmem:s7], [sflag:$0x2] =	stream.linear.gather [hbm4b:s1+s2], $0xFC00, $0x38;
	[tilespmem:$0x1F800] =	vst v63  }
0x43f: {  	_ =	swait.ge [sflag:s11], $0xFC00  }
0x440: {  	s1 =	sld [smem:$0x7DB]  }
0x441: {  	[sflag:s11] =	ssyncset.done $0x0  }
0x442: {  	[sflag:s11] =	ssyncadd.s32 $0xFFFF0400  }
0x443: {  	[hbm4b:s1+s2] =	stream.linear.scatter [tilespmem:s2], [sflag:$0x3], $0xFC00, $0x38;
	[tilespmem:$0x1F800] =	vst v63  }
0x444: {  	_ =	swait.ge [sflag:s6], $0xFC00  }
0x445: {  	s1 =	sld [smem:$0x7DC]  }
0x446: {  	[sflag:s6] =	ssyncset.done $0x0  }
0x447: {  	[sflag:s6] =	ssyncadd.s32 $0xFFFF0400  }
0x448: {  	[tilespmem:s2], [sflag:$0x1] =	stream.linear.gather [hbm4b:s1+s2], $0xFC00, $0x38;
	[tilespmem:$0x1F800] =	vst v63  }
0x449: {  	_ =	swait.ge [sflag:s10], $0xFC00  }
0x44a: {  	s1 =	sld [smem:$0x7DD]  }
0x44b: {  	[sflag:s10] =	ssyncset.done $0x0  }
0x44c: {  	[sflag:s10] =	ssyncadd.s32 $0xFFFF0400  }
0x44d: {  	[hbm4b:s1+s2] =	stream.linear.scatter [tilespmem:s7], [sflag:$0x4], $0xFC00, $0x38;
	[tilespmem:$0x1F800] =	vst v63  }
0x44e: {  	_ =	swait.ge [sflag:s5], $0xFC00  }
0x44f: {  	s1 =	sld [smem:$0x7DE]  }
0x450: {  	[sflag:s5] =	ssyncset.done $0x0  }
0x451: {  	[sflag:s5] =	ssyncadd.s32 $0xFFFF0400  }
0x452: {  	[tilespmem:s7], [sflag:$0x2] =	stream.linear.gather [hbm4b:s1+s2], $0xFC00, $0x38;
	[tilespmem:$0x1F800] =	vst v63  }
0x453: {  	_ =	swait.ge [sflag:s11], $0xFC00  }
0x454: {  	s1 =	sld [smem:$0x7DF]  }
0x455: {  	[sflag:s11] =	ssyncset.done $0x0  }
0x456: {  	[sflag:s11] =	ssyncadd.s32 $0xFFFF0400  }
0x457: {  	[hbm4b:s1+s2] =	stream.linear.scatter [tilespmem:s2], [sflag:$0x3], $0xFC00, $0x38;
	[tilespmem:$0x1F800] =	vst v63  }
0x458: {  	_ =	swait.ge [sflag:s6], $0xFC00  }
0x459: {  	s1 =	sld [smem:$0x7E0]  }
0x45a: {  	[sflag:s6] =	ssyncset.done $0x0  }
0x45b: {  	[sflag:s6] =	ssyncadd.s32 $0xFFFF0400  }
0x45c: {  	[tilespmem:s2], [sflag:$0x1] =	stream.linear.gather [hbm4b:s1+s2], $0xFC00, $0x38;
	[tilespmem:$0x1F800] =	vst v63  }
0x45d: {  	_ =	swait.ge [sflag:s10], $0xFC00  }
0x45e: {  	s1 =	sld [smem:$0x7E1]  }
0x45f: {  	[sflag:s10] =	ssyncset.done $0x0  }
0x460: {  	[sflag:s10] =	ssyncadd.s32 $0xFFFF0400  }
0x461: {  	[hbm4b:s1+s2] =	stream.linear.scatter [tilespmem:s7], [sflag:$0x4], $0xFC00, $0x38;
	[tilespmem:$0x1F800] =	vst v63  }
0x462: {  	_ =	swait.ge [sflag:s5], $0xFC00  }
0x463: {  	s1 =	sld [smem:$0x7E2]  }
0x464: {  	[sflag:s5] =	ssyncset.done $0x0  }
0x465: {  	[sflag:s5] =	ssyncadd.s32 $0xFFFF0400  }
0x466: {  	[tilespmem:s7], [sflag:$0x2] =	stream.linear.gather [hbm4b:s1+s2], $0xFC00, $0x38;
	[tilespmem:$0x1F800] =	vst v63  }
0x467: {  	_ =	swait.ge [sflag:s11], $0xFC00  }
0x468: {  	s1 =	sld [smem:$0x7E3]  }
0x469: {  	[sflag:s11] =	ssyncset.done $0x0  }
0x46a: {  	[sflag:s11] =	ssyncadd.s32 $0xFFFF0400  }
0x46b: {  	[hbm4b:s1+s2] =	stream.linear.scatter [tilespmem:s2], [sflag:$0x3], $0xFC00, $0x38;
	[tilespmem:$0x1F800] =	vst v63  }
0x46c: {  	_ =	swait.ge [sflag:s6], $0xFC00  }
0x46d: {  	s1 =	sld [smem:$0x7E4]  }
0x46e: {  	[sflag:s6] =	ssyncset.done $0x0  }
0x46f: {  	[sflag:s6] =	ssyncadd.s32 $0xFFFF0400  }
0x470: {  	[tilespmem:s2], [sflag:$0x1] =	stream.linear.gather [hbm4b:s1+s2], $0xFC00, $0x38;
	[tilespmem:$0x1F800] =	vst v63  }
0x471: {  	_ =	swait.ge [sflag:s10], $0xFC00  }
0x472: {  	s1 =	sld [smem:$0x7E5]  }
0x473: {  	[sflag:s10] =	ssyncset.done $0x0  }
0x474: {  	[sflag:s10] =	ssyncadd.s32 $0xFFFF0400  }
0x475: {  	[hbm4b:s1+s2] =	stream.linear.scatter [tilespmem:s7], [sflag:$0x4], $0xFC00, $0x38;
	[tilespmem:$0x1F800] =	vst v63  }
0x476: {  	_ =	swait.ge [sflag:s5], $0xFC00  }
0x477: {  	s1 =	sld [smem:$0x7E6]  }
0x478: {  	[sflag:s5] =	ssyncset.done $0x0  }
0x479: {  	[sflag:s5] =	ssyncadd.s32 $0xFFFF0400  }
0x47a: {  	[tilespmem:s7], [sflag:$0x2] =	stream.linear.gather [hbm4b:s1+s2], $0xFC00, $0x38;
	[tilespmem:$0x1F800] =	vst v63  }
0x47b: {  	_ =	swait.ge [sflag:s11], $0xFC00  }
0x47c: {  	s1 =	sld [smem:$0x7E7]  }
0x47d: {  	[sflag:s11] =	ssyncset.done $0x0  }
0x47e: {  	[sflag:s11] =	ssyncadd.s32 $0xFFFF0400  }
0x47f: {  	[hbm4b:s1+s2] =	stream.linear.scatter [tilespmem:s2], [sflag:$0x3], $0xFC00, $0x38;
	[tilespmem:$0x1F800] =	vst v63  }
0x480: {  	_ =	swait.ge [sflag:s6], $0xFC00  }
0x481: {  	s1 =	sld [smem:$0x7E8]  }
0x482: {  	[sflag:s6] =	ssyncset.done $0x0  }
0x483: {  	[sflag:s6] =	ssyncadd.s32 $0xFFFF0400  }
0x484: {  	[tilespmem:s2], [sflag:$0x1] =	stream.linear.gather [hbm4b:s1+s2], $0xFC00, $0x38;
	[tilespmem:$0x1F800] =	vst v63  }
0x485: {  	_ =	swait.ge [sflag:s10], $0xFC00  }
0x486: {  	s1 =	sld [smem:$0x7E9]  }
0x487: {  	[sflag:s10] =	ssyncset.done $0x0  }
0x488: {  	[sflag:s10] =	ssyncadd.s32 $0xFFFF0400  }
0x489: {  	[hbm4b:s1+s2] =	stream.linear.scatter [tilespmem:s7], [sflag:$0x4], $0xFC00, $0x38;
	[tilespmem:$0x1F800] =	vst v63  }
0x48a: {  	_ =	swait.ge [sflag:s5], $0xFC00  }
0x48b: {  	s1 =	sld [smem:$0x7EA]  }
0x48c: {  	[sflag:s5] =	ssyncset.done $0x0  }
0x48d: {  	[sflag:s5] =	ssyncadd.s32 $0xFFFF0400  }
0x48e: {  	[tilespmem:s7], [sflag:$0x2] =	stream.linear.gather [hbm4b:s1+s2], $0xFC00, $0x38;
	[tilespmem:$0x1F800] =	vst v63  }
0x48f: {  	_ =	swait.ge [sflag:s11], $0xFC00  }
0x490: {  	s1 =	sld [smem:$0x7EB]  }
0x491: {  	[sflag:s11] =	ssyncset.done $0x0  }
0x492: {  	[sflag:s11] =	ssyncadd.s32 $0xFFFF0400  }
0x493: {  	[hbm4b:s1+s2] =	stream.linear.scatter [tilespmem:s2], [sflag:$0x3], $0xFC00, $0x38;
	[tilespmem:$0x1F800] =	vst v63  }
0x494: {  	_ =	swait.ge [sflag:s6], $0xFC00  }
0x495: {  	s1 =	sld [smem:$0x7EC]  }
0x496: {  	[sflag:s6] =	ssyncset.done $0x0  }
0x497: {  	[sflag:s6] =	ssyncadd.s32 $0xFFFF0400  }
0x498: {  	[tilespmem:s2], [sflag:$0x1] =	stream.linear.gather [hbm4b:s1+s2], $0xFC00, $0x38;
	[tilespmem:$0x1F800] =	vst v63  }
0x499: {  	_ =	swait.ge [sflag:s10], $0xFC00  }
0x49a: {  	s1 =	sld [smem:$0x7ED]  }
0x49b: {  	[sflag:s10] =	ssyncset.done $0x0  }
0x49c: {  	[sflag:s10] =	ssyncadd.s32 $0xFFFF0400  }
0x49d: {  	[hbm4b:s1+s2] =	stream.linear.scatter [tilespmem:s7], [sflag:$0x4], $0xFC00, $0x38;
	[tilespmem:$0x1F800] =	vst v63  }
0x49e: {  	_ =	swait.ge [sflag:s5], $0xFC00  }
0x49f: {  	s1 =	sld [smem:$0x7EE]  }
0x4a0: {  	[sflag:s5] =	ssyncset.done $0x0  }
0x4a1: {  	[sflag:s5] =	ssyncadd.s32 $0xFFFF0400  }
0x4a2: {  	[tilespmem:s7], [sflag:$0x2] =	stream.linear.gather [hbm4b:s1+s2], $0xFC00, $0x38;
	[tilespmem:$0x1F800] =	vst v63  }
0x4a3: {  	_ =	swait.ge [sflag:s11], $0xFC00  }
0x4a4: {  	s1 =	sld [smem:$0x7EF]  }
0x4a5: {  	[sflag:s11] =	ssyncset.done $0x0  }
0x4a6: {  	[sflag:s11] =	ssyncadd.s32 $0xFFFF0400  }
0x4a7: {  	[hbm4b:s1+s2] =	stream.linear.scatter [tilespmem:s2], [sflag:$0x3], $0xFC00, $0x38;
	[tilespmem:$0x1F800] =	vst v63  }
0x4a8: {  	_ =	swait.ge [sflag:s6], $0xFC00  }
0x4a9: {  	s1 =	sld [smem:$0x7F0]  }
0x4aa: {  	[sflag:s6] =	ssyncset.done $0x0  }
0x4ab: {  	[sflag:s6] =	ssyncadd.s32 $0xFFFF0400  }
0x4ac: {  	[tilespmem:s2], [sflag:$0x1] =	stream.linear.gather [hbm4b:s1+s2], $0xFC00, $0x38;
	[tilespmem:$0x1F800] =	vst v63  }
0x4ad: {  	_ =	swait.ge [sflag:s10], $0xFC00  }
0x4ae: {  	s1 =	sld [smem:$0x7F1]  }
0x4af: {  	[sflag:s10] =	ssyncset.done $0x0  }
0x4b0: {  	[sflag:s10] =	ssyncadd.s32 $0xFFFF0400  }
0x4b1: {  	[hbm4b:s1+s2] =	stream.linear.scatter [tilespmem:s7], [sflag:$0x4], $0xFC00, $0x38;
	[tilespmem:$0x1F800] =	vst v63  }
0x4b2: {  	_ =	swait.ge [sflag:s5], $0xFC00  }
0x4b3: {  	s1 =	sld [smem:$0x7F2]  }
0x4b4: {  	[sflag:s5] =	ssyncset.done $0x0  }
0x4b5: {  	[sflag:s5] =	ssyncadd.s32 $0xFFFF0400  }
0x4b6: {  	[tilespmem:s7], [sflag:$0x2] =	stream.linear.gather [hbm4b:s1+s2], $0xFC00, $0x38;
	[tilespmem:$0x1F800] =	vst v63  }
0x4b7: {  	_ =	swait.ge [sflag:s11], $0xFC00  }
0x4b8: {  	s1 =	sld [smem:$0x7F3]  }
0x4b9: {  	[sflag:s11] =	ssyncset.done $0x0  }
0x4ba: {  	[sflag:s11] =	ssyncadd.s32 $0xFFFF0400  }
0x4bb: {  	[hbm4b:s1+s2] =	stream.linear.scatter [tilespmem:s2], [sflag:$0x3], $0xFC00, $0x38;
	[tilespmem:$0x1F800] =	vst v63  }
0x4bc: {  	_ =	swait.ge [sflag:s6], $0xFC00  }
0x4bd: {  	s1 =	sld [smem:$0x7F4]  }
0x4be: {  	[sflag:s6] =	ssyncset.done $0x0  }
0x4bf: {  	[sflag:s6] =	ssyncadd.s32 $0xFFFF0400  }
0x4c0: {  	[tilespmem:s2], [sflag:$0x1] =	stream.linear.gather [hbm4b:s1+s2], $0xFC00, $0x38;
	[tilespmem:$0x1F800] =	vst v63  }
0x4c1: {  	_ =	swait.ge [sflag:s10], $0xFC00  }
0x4c2: {  	s1 =	sld [smem:$0x7F5]  }
0x4c3: {  	[sflag:s10] =	ssyncset.done $0x0  }
0x4c4: {  	[sflag:s10] =	ssyncadd.s32 $0xFFFF0400  }
0x4c5: {  	[hbm4b:s1+s2] =	stream.linear.scatter [tilespmem:s7], [sflag:$0x4], $0xFC00, $0x38;
	[tilespmem:$0x1F800] =	vst v63  }
0x4c6: {  	_ =	swait.ge [sflag:s5], $0xFC00  }
0x4c7: {  	s1 =	sld [smem:$0x7F6]  }
0x4c8: {  	[sflag:s5] =	ssyncset.done $0x0  }
0x4c9: {  	[sflag:s5] =	ssyncadd.s32 $0xFFFF0400  }
0x4ca: {  	[tilespmem:s7], [sflag:$0x2] =	stream.linear.gather [hbm4b:s1+s2], $0xFC00, $0x38;
	[tilespmem:$0x1F800] =	vst v63  }
0x4cb: {  	_ =	swait.ge [sflag:s11], $0xFC00  }
0x4cc: {  	s1 =	sld [smem:$0x7F7]  }
0x4cd: {  	[sflag:s11] =	ssyncset.done $0x0  }
0x4ce: {  	[sflag:s11] =	ssyncadd.s32 $0xFFFF0400  }
0x4cf: {  	[hbm4b:s1+s2] =	stream.linear.scatter [tilespmem:s2], [sflag:$0x3], $0xFC00, $0x38;
	[tilespmem:$0x1F800] =	vst v63  }
0x4d0: {  	_ =	swait.ge [sflag:s6], $0xFC00  }
0x4d1: {  	s1 =	sld [smem:$0x7F8]  }
0x4d2: {  	[sflag:s6] =	ssyncset.done $0x0  }
0x4d3: {  	[sflag:s6] =	ssyncadd.s32 $0xFFFF0400  }
0x4d4: {  	[tilespmem:s2], [sflag:$0x1] =	stream.linear.gather [hbm4b:s1+s2], $0xFC00, $0x38;
	[tilespmem:$0x1F800] =	vst v63  }
0x4d5: {  	_ =	swait.ge [sflag:s10], $0xFC00  }
0x4d6: {  	s1 =	sld [smem:$0x7F9]  }
0x4d7: {  	[sflag:s10] =	ssyncset.done $0x0  }
0x4d8: {  	[sflag:s10] =	ssyncadd.s32 $0xFFFF0400  }
0x4d9: {  	[hbm4b:s1+s2] =	stream.linear.scatter [tilespmem:s7], [sflag:$0x4], $0xFC00, $0x38;
	[tilespmem:$0x1F800] =	vst v63  }
0x4da: {  	_ =	swait.ge [sflag:s5], $0xFC00  }
0x4db: {  	s1 =	sld [smem:$0x7FA]  }
0x4dc: {  	[sflag:s5] =	ssyncset.done $0x0  }
0x4dd: {  	[sflag:s5] =	ssyncadd.s32 $0xFFFF0400  }
0x4de: {  	[tilespmem:s7], [sflag:$0x2] =	stream.linear.gather [hbm4b:s1+s2], $0xFC00, $0x38;
	[tilespmem:$0x1F800] =	vst v63  }
0x4df: {  	_ =	swait.ge [sflag:s11], $0xFC00  }
0x4e0: {  	s1 =	sld [smem:$0x7FB]  }
0x4e1: {  	[sflag:s11] =	ssyncset.done $0x0  }
0x4e2: {  	[sflag:s11] =	ssyncadd.s32 $0xFFFF0400  }
0x4e3: {  	[hbm4b:s1+s2] =	stream.linear.scatter [tilespmem:s2], [sflag:$0x3], $0xFC00, $0x38;
	[tilespmem:$0x1F800] =	vst v63  }
0x4e4: {  	_ =	swait.ge [sflag:s6], $0xFC00  }
0x4e5: {  	s1 =	sld [smem:$0x7FC]  }
0x4e6: {  	[sflag:s6] =	ssyncset.done $0x0  }
0x4e7: {  	[sflag:s6] =	ssyncadd.s32 $0xFFFF0400  }
0x4e8: {  	[tilespmem:s2], [sflag:$0x1] =	stream.linear.gather [hbm4b:s1+s2], $0xFC00, $0x38;
	[tilespmem:$0x1F800] =	vst v63  }
0x4e9: {  	_ =	swait.ge [sflag:s10], $0xFC00  }
0x4ea: {  	s1 =	sld [smem:$0x7FD]  }
0x4eb: {  	[sflag:s10] =	ssyncset.done $0x0  }
0x4ec: {  	[sflag:s10] =	ssyncadd.s32 $0xFFFF0400  }
0x4ed: {  	[hbm4b:s1+s2] =	stream.linear.scatter [tilespmem:s7], [sflag:$0x4], $0xFC00, $0x38;
	[tilespmem:$0x1F800] =	vst v63  }
0x4ee: {  	_ =	swait.ge [sflag:s5], $0xFC00  }
0x4ef: {  	[sflag:s5] =	ssyncset.done $0x0  }
0x4f0: {  	[sflag:s5] =	ssyncadd.s32 $0xFFFF0400  }
0x4f1: {  	[tilespmem:s7], [sflag:$0x2] =	stream.linear.gather [hbm4b:s31+s2], $0xFC00, $0x38;
	[tilespmem:$0x1F800] =	vst v63  }
0x4f2: {  	_ =	swait.ge [sflag:s11], $0xFC00  }
0x4f3: {  	[sflag:s11] =	ssyncset.done $0x0  }
0x4f4: {  	[sflag:s11] =	ssyncadd.s32 $0xFFFF0400  }
0x4f5: {  	[hbm4b:s30+s2] =	stream.linear.scatter [tilespmem:s2], [sflag:$0x3], $0xFC00, $0x38;
	[tilespmem:$0x1F800] =	vst v63  }
0x4f6: {  	_ =	swait.ge [sflag:s6], $0xFC00  }
0x4f7: {  	[sflag:s6] =	ssyncset.done $0x0  }
0x4f8: {  	[sflag:s6] =	ssyncadd.s32 $0xFFFF0400  }
0x4f9: {  	[tilespmem:s2], [sflag:$0x1] =	stream.linear.gather [hbm4b:s29+s2], $0xFC00, $0x38;
	[tilespmem:$0x1F800] =	vst v63  }
0x4fa: {  	_ =	swait.ge [sflag:s10], $0xFC00  }
0x4fb: {  	[sflag:s10] =	ssyncset.done $0x0  }
0x4fc: {  	[sflag:s10] =	ssyncadd.s32 $0xFFFF0400  }
0x4fd: {  	[hbm4b:s28+s2] =	stream.linear.scatter [tilespmem:s7], [sflag:$0x4], $0xFC00, $0x38;
	[tilespmem:$0x1F800] =	vst v63  }
0x4fe: {  	_ =	swait.ge [sflag:s5], $0xFC00  }
0x4ff: {  	[sflag:s5] =	ssyncset.done $0x0  }
0x500: {  	[sflag:s5] =	ssyncadd.s32 $0xFFFF0400  }
0x501: {  	[tilespmem:s7], [sflag:$0x2] =	stream.linear.gather [hbm4b:s26+s2], $0xFC00, $0x38;
	[tilespmem:$0x1F800] =	vst v63  }
0x502: {  	_ =	swait.ge [sflag:s11], $0xFC00  }
0x503: {  	[sflag:s11] =	ssyncset.done $0x0  }
0x504: {  	[sflag:s11] =	ssyncadd.s32 $0xFFFF0400  }
0x505: {  	[hbm4b:s25+s2] =	stream.linear.scatter [tilespmem:s2], [sflag:$0x3], $0xFC00, $0x38;
	[tilespmem:$0x1F800] =	vst v63  }
0x506: {  	_ =	swait.ge [sflag:s6], $0xFC00  }
0x507: {  	[sflag:s6] =	ssyncset.done $0x0  }
0x508: {  	[sflag:s6] =	ssyncadd.s32 $0xFFFF0400  }
0x509: {  	[tilespmem:s2], [sflag:$0x1] =	stream.linear.gather [hbm4b:s24+s2], $0xFC00, $0x38;
	[tilespmem:$0x1F800] =	vst v63  }
0x50a: {  	_ =	swait.ge [sflag:s10], $0xFC00  }
0x50b: {  	[sflag:s10] =	ssyncset.done $0x0  }
0x50c: {  	[sflag:s10] =	ssyncadd.s32 $0xFFFF0400  }
0x50d: {  	[hbm4b:s23+s2] =	stream.linear.scatter [tilespmem:s7], [sflag:$0x4], $0xFC00, $0x38;
	[tilespmem:$0x1F800] =	vst v63  }
0x50e: {  	_ =	swait.ge [sflag:s5], $0xFC00  }
0x50f: {  	[sflag:s5] =	ssyncset.done $0x0  }
0x510: {  	[sflag:s5] =	ssyncadd.s32 $0xFFFF0400  }
0x511: {  	[tilespmem:s7], [sflag:$0x2] =	stream.linear.gather [hbm4b:s22+s2], $0xFC00, $0x38;
	[tilespmem:$0x1F800] =	vst v63  }
0x512: {  	_ =	swait.ge [sflag:s11], $0xFC00  }
0x513: {  	[sflag:s11] =	ssyncset.done $0x0  }
0x514: {  	[sflag:s11] =	ssyncadd.s32 $0xFFFF0400  }
0x515: {  	[hbm4b:s21+s2] =	stream.linear.scatter [tilespmem:s2], [sflag:$0x3], $0xFC00, $0x38;
	[tilespmem:$0x1F800] =	vst v63  }
0x516: {  	_ =	swait.ge [sflag:s6], $0xFC00  }
0x517: {  	[sflag:s6] =	ssyncset.done $0x0  }
0x518: {  	[sflag:s6] =	ssyncadd.s32 $0xFFFF0400  }
0x519: {  	[tilespmem:s2], [sflag:$0x1] =	stream.linear.gather [hbm4b:s20+s2], $0xFC00, $0x38;
	[tilespmem:$0x1F800] =	vst v63  }
0x51a: {  	_ =	swait.ge [sflag:s10], $0xFC00  }
0x51b: {  	[sflag:s10] =	ssyncset.done $0x0  }
0x51c: {  	[sflag:s10] =	ssyncadd.s32 $0xFFFF0400  }
0x51d: {  	[hbm4b:s19+s2] =	stream.linear.scatter [tilespmem:s7], [sflag:$0x4], $0xFC00, $0x38;
	[tilespmem:$0x1F800] =	vst v63  }
0x51e: {  	_ =	swait.ge [sflag:s5], $0xFC00  }
0x51f: {  	[sflag:s5] =	ssyncset.done $0x0  }
0x520: {  	[sflag:s5] =	ssyncadd.s32 $0xFFFF0400  }
0x521: {  	[tilespmem:s7], [sflag:$0x2] =	stream.linear.gather [hbm4b:s18+s2], $0xFC00, $0x38;
	[tilespmem:$0x1F800] =	vst v63  }
0x522: {  	_ =	swait.ge [sflag:s11], $0xFC00  }
0x523: {  	[sflag:s11] =	ssyncset.done $0x0  }
0x524: {  	[sflag:s11] =	ssyncadd.s32 $0xFFFF0400  }
0x525: {  	[hbm4b:s17+s2] =	stream.linear.scatter [tilespmem:s2], [sflag:$0x3], $0xFC00, $0x38;
	[tilespmem:$0x1F800] =	vst v63  }
0x526: {  	_ =	swait.ge [sflag:s6], $0xFC00  }
0x527: {  	[sflag:s6] =	ssyncset.done $0x0  }
0x528: {  	[sflag:s6] =	ssyncadd.s32 $0xFFFF0400  }
0x529: {  	[tilespmem:s2], [sflag:$0x1] =	stream.linear.gather [hbm4b:s16+s2], $0xFC00, $0x38;
	[tilespmem:$0x1F800] =	vst v63  }
0x52a: {  	_ =	swait.ge [sflag:s10], $0xFC00  }
0x52b: {  	[sflag:s10] =	ssyncset.done $0x0  }
0x52c: {  	[sflag:s10] =	ssyncadd.s32 $0xFFFF0400  }
0x52d: {  	[hbm4b:s14+s2] =	stream.linear.scatter [tilespmem:s7], [sflag:$0x4], $0xFC00, $0x38;
	[tilespmem:$0x1F800] =	vst v63  }
0x52e: {  	_ =	swait.ge [sflag:s5], $0xFC00  }
0x52f: {  	[sflag:s5] =	ssyncset.done $0x0  }
0x530: {  	[sflag:s5] =	ssyncadd.s32 $0xFFFF0400  }
0x531: {  	[tilespmem:s7], [sflag:$0x2] =	stream.linear.gather [hbm4b:s15+s2], $0xFC00, $0x38;
	[tilespmem:$0x1F800] =	vst v63  }
0x532: {  	_ =	swait.ge [sflag:s11], $0xFC00  }
0x533: {  	[sflag:s11] =	ssyncset.done $0x0  }
0x534: {  	[sflag:s11] =	ssyncadd.s32 $0xFFFF0400  }
0x535: {  	[hbm4b:s12+s2] =	stream.linear.scatter [tilespmem:s2], [sflag:$0x3], $0xFC00, $0x38;
	[tilespmem:$0x1F800] =	vst v63  }
0x536: {  	_ =	swait.ge [sflag:s6], $0xFC00  }
0x537: {  	[sflag:s6] =	ssyncset.done $0x0  }
0x538: {  	[sflag:s6] =	ssyncadd.s32 $0xFFFF0400  }
0x539: {  	[tilespmem:s2], [sflag:$0x1] =	stream.linear.gather [hbm4b:s13+s2], $0xFC00, $0x38;
	[tilespmem:$0x1F800] =	vst v63  }
0x53a: {  	_ =	swait.ge [sflag:s10], $0xFC00  }
0x53b: {  	[sflag:s10] =	ssyncset.done $0x0  }
0x53c: {  	[sflag:s10] =	ssyncadd.s32 $0xFFFF0400  }
0x53d: {  	[hbm4b:s9+s2] =	stream.linear.scatter [tilespmem:s7], [sflag:$0x4], $0xFC00, $0x38;
	[tilespmem:$0x1F800] =	vst v63  }
0x53e: {  	_ =	swait.ge [sflag:s5], $0xFC00  }
0x53f: {  	[sflag:s5] =	ssyncset.done $0x0  }
0x540: {  	[sflag:s5] =	ssyncadd.s32 $0xFFFF0400  }
0x541: {  	[tilespmem:s7], [sflag:$0x2] =	stream.linear.gather [hbm4b:s8+s2], $0x400, $0x38;
	[tilespmem:$0x1F800] =	vst v63  }
0x542: {  	_ =	swait.ge [sflag:s11], $0xFC00  }
0x543: {  	[sflag:s11] =	ssyncset.done $0x0  }
0x544: {  	[sflag:s11] =	ssyncadd.s32 $0xFFFF0400  }
0x545: {  	[hbm4b:s4+s2] =	stream.linear.scatter [tilespmem:s2], [sflag:$0x3], $0xFC00, $0x38;
	[tilespmem:$0x1F800] =	vst v63  }
0x546: {  	_ =	swait.ge [sflag:s10], $0x400  }
0x547: {  	[sflag:s10] =	ssyncset.done $0x0  }
0x548: {  	[sflag:s10] =	ssyncadd.s32 $0xFFFFFC00  }
0x549: {  	[hbm4b:s3+s2] =	stream.linear.scatter [tilespmem:s7], [sflag:$0x4], $0x400, $0x38;
	[tilespmem:$0x1F800] =	vst v63  }
.Ltmp2:
0x54a: {  	_ =	swait.ge [sflag:s6], $0xFC00;
	(pc) =	sbr.rel @p1 .LBB2_2-.Ltmp2, $4  }
0x54b: {  	[sflag:s6] =	ssyncset.done $0x0  }
0x54c: {  	[sflag:s6] =	ssyncadd.s32 $0xFFFF0400  }
0x54d: {  	_ =	swait.ge [sflag:s5], $0x400  }
0x54e: {  	s1 =	rddreg [dreg:$0x2];
	[sflag:s5] =	ssyncset.done $0x0  }
.LBB2_3:
0x54f: {  	[sflag:s5] =	ssyncadd.s32 @p0 $0xFFFFFC00  }
0x550: {  	[tilespmem:s2], [sflag:$0x1] =	stream.linear.gather [hbm4b:s1+s2], $0xFC00, $0x38;
	[tilespmem:$0x1F800] =	vst v63  }
0x551: {  	s0 =	rddreg [dreg:$0x3]  }
0x552: {  	[tilespmem:s7], [sflag:$0x2] =	stream.linear.gather [hbm4b:s0+s2], $0xFC00, $0x38;
	[tilespmem:$0x1F800] =	vst v63  }
0x553: {  	_ =	swait.ge [sflag:s11], $0xFC00  }
0x554: {  	[sflag:s11] =	ssyncset.done $0x0  }
0x555: {  	s1 =	rddreg [dreg:$0x4];
	[sflag:s11] =	ssyncadd.s32 $0xFFFF0400  }
0x556: {  	[hbm4b:s1+s2] =	stream.linear.scatter [tilespmem:s2], [sflag:$0x3], $0xFC00, $0x38;
	[tilespmem:$0x1F800] =	vst v63  }
0x557: {  	_ =	swait.ge [sflag:s6], $0xFC00  }
0x558: {  	[sflag:s6] =	ssyncset.done $0x0  }
0x559: {  	s1 =	rddreg [dreg:$0x5];
	[sflag:s6] =	ssyncadd.s32 $0xFFFF0400  }
0x55a: {  	[tilespmem:s2], [sflag:$0x1] =	stream.linear.gather [hbm4b:s1+s2], $0xFC00, $0x38;
	[tilespmem:$0x1F800] =	vst v63  }
0x55b: {  	_ =	swait.ge [sflag:s10], $0xFC00  }
0x55c: {  	[sflag:s10] =	ssyncset.done $0x0  }
0x55d: {  	s1 =	rddreg [dreg:$0x6];
	[sflag:s10] =	ssyncadd.s32 $0xFFFF0400  }
0x55e: {  	[hbm4b:s1+s2] =	stream.linear.scatter [tilespmem:s7], [sflag:$0x4], $0xFC00, $0x38;
	[tilespmem:$0x1F800] =	vst v63  }
0x55f: {  	_ =	swait.ge [sflag:s5], $0xFC00  }
0x560: {  	[sflag:s5] =	ssyncset.done $0x0  }
0x561: {  	s1 =	rddreg [dreg:$0x7];
	[sflag:s5] =	ssyncadd.s32 $0xFFFF0400  }
0x562: {  	[tilespmem:s7], [sflag:$0x2] =	stream.linear.gather [hbm4b:s1+s2], $0xFC00, $0x38;
	[tilespmem:$0x1F800] =	vst v63  }
0x563: {  	_ =	swait.ge [sflag:s11], $0xFC00  }
0x564: {  	[sflag:s11] =	ssyncset.done $0x0  }
0x565: {  	s1 =	rddreg [dreg:$0x8];
	[sflag:s11] =	ssyncadd.s32 $0xFFFF0400  }
0x566: {  	[hbm4b:s1+s2] =	stream.linear.scatter [tilespmem:s2], [sflag:$0x3], $0xFC00, $0x38;
	[tilespmem:$0x1F800] =	vst v63  }
0x567: {  	_ =	swait.ge [sflag:s6], $0xFC00  }
0x568: {  	[sflag:s6] =	ssyncset.done $0x0  }
0x569: {  	s1 =	rddreg [dreg:$0x9];
	[sflag:s6] =	ssyncadd.s32 $0xFFFF0400  }
0x56a: {  	[tilespmem:s2], [sflag:$0x1] =	stream.linear.gather [hbm4b:s1+s2], $0xFC00, $0x38;
	[tilespmem:$0x1F800] =	vst v63  }
0x56b: {  	_ =	swait.ge [sflag:s10], $0xFC00  }
0x56c: {  	[sflag:s10] =	ssyncset.done $0x0  }
0x56d: {  	s1 =	rddreg [dreg:$0xa];
	[sflag:s10] =	ssyncadd.s32 $0xFFFF0400  }
0x56e: {  	[hbm4b:s1+s2] =	stream.linear.scatter [tilespmem:s7], [sflag:$0x4], $0xFC00, $0x38;
	[tilespmem:$0x1F800] =	vst v63  }
0x56f: {  	_ =	swait.ge [sflag:s5], $0xFC00  }
0x570: {  	[sflag:s5] =	ssyncset.done $0x0  }
0x571: {  	s1 =	rddreg [dreg:$0xb];
	[sflag:s5] =	ssyncadd.s32 $0xFFFF0400  }
0x572: {  	[tilespmem:s7], [sflag:$0x2] =	stream.linear.gather [hbm4b:s1+s2], $0xFC00, $0x38;
	[tilespmem:$0x1F800] =	vst v63  }
0x573: {  	_ =	swait.ge [sflag:s11], $0xFC00  }
0x574: {  	[sflag:s11] =	ssyncset.done $0x0  }
0x575: {  	s1 =	rddreg [dreg:$0xc];
	[sflag:s11] =	ssyncadd.s32 $0xFFFF0400  }
0x576: {  	[hbm4b:s1+s2] =	stream.linear.scatter [tilespmem:s2], [sflag:$0x3], $0xFC00, $0x38;
	[tilespmem:$0x1F800] =	vst v63  }
0x577: {  	_ =	swait.ge [sflag:s6], $0xFC00  }
0x578: {  	[sflag:s6] =	ssyncset.done $0x0  }
0x579: {  	s1 =	rddreg [dreg:$0xd];
	[sflag:s6] =	ssyncadd.s32 $0xFFFF0400  }
0x57a: {  	[tilespmem:s2], [sflag:$0x1] =	stream.linear.gather [hbm4b:s1+s2], $0xFC00, $0x38;
	[tilespmem:$0x1F800] =	vst v63  }
0x57b: {  	_ =	swait.ge [sflag:s10], $0xFC00  }
0x57c: {  	[sflag:s10] =	ssyncset.done $0x0  }
0x57d: {  	s1 =	rddreg [dreg:$0xe];
	[sflag:s10] =	ssyncadd.s32 $0xFFFF0400  }
0x57e: {  	[hbm4b:s1+s2] =	stream.linear.scatter [tilespmem:s7], [sflag:$0x4], $0xFC00, $0x38;
	[tilespmem:$0x1F800] =	vst v63  }
0x57f: {  	_ =	swait.ge [sflag:s5], $0xFC00  }
0x580: {  	[sflag:s5] =	ssyncset.done $0x0  }
0x581: {  	s1 =	rddreg [dreg:$0xf];
	[sflag:s5] =	ssyncadd.s32 $0xFFFF0400  }
0x582: {  	[tilespmem:s7], [sflag:$0x2] =	stream.linear.gather [hbm4b:s1+s2], $0xFC00, $0x38;
	[tilespmem:$0x1F800] =	vst v63  }
0x583: {  	_ =	swait.ge [sflag:s11], $0xFC00  }
0x584: {  	[sflag:s11] =	ssyncset.done $0x0  }
0x585: {  	s1 =	rddreg [dreg:$0x10];
	[sflag:s11] =	ssyncadd.s32 $0xFFFF0400  }
0x586: {  	[hbm4b:s1+s2] =	stream.linear.scatter [tilespmem:s2], [sflag:$0x3], $0xFC00, $0x38;
	[tilespmem:$0x1F800] =	vst v63  }
0x587: {  	_ =	swait.ge [sflag:s6], $0xFC00  }
0x588: {  	[sflag:s6] =	ssyncset.done $0x0  }
0x589: {  	s1 =	rddreg [dreg:$0x11];
	[sflag:s6] =	ssyncadd.s32 $0xFFFF0400  }
0x58a: {  	[tilespmem:s2], [sflag:$0x1] =	stream.linear.gather [hbm4b:s1+s2], $0xFC00, $0x38;
	[tilespmem:$0x1F800] =	vst v63  }
0x58b: {  	_ =	swait.ge [sflag:s10], $0xFC00  }
0x58c: {  	[sflag:s10] =	ssyncset.done $0x0  }
0x58d: {  	s1 =	rddreg [dreg:$0x12];
	[sflag:s10] =	ssyncadd.s32 $0xFFFF0400  }
0x58e: {  	[hbm4b:s1+s2] =	stream.linear.scatter [tilespmem:s7], [sflag:$0x4], $0xFC00, $0x38;
	[tilespmem:$0x1F800] =	vst v63  }
0x58f: {  	_ =	swait.ge [sflag:s5], $0xFC00  }
0x590: {  	[sflag:s5] =	ssyncset.done $0x0  }
0x591: {  	s1 =	rddreg [dreg:$0x13];
	[sflag:s5] =	ssyncadd.s32 $0xFFFF0400  }
0x592: {  	[tilespmem:s7], [sflag:$0x2] =	stream.linear.gather [hbm4b:s1+s2], $0xFC00, $0x38;
	[tilespmem:$0x1F800] =	vst v63  }
0x593: {  	_ =	swait.ge [sflag:s11], $0xFC00  }
0x594: {  	[sflag:s11] =	ssyncset.done $0x0  }
0x595: {  	s1 =	rddreg [dreg:$0x14];
	[sflag:s11] =	ssyncadd.s32 $0xFFFF0400  }
0x596: {  	[hbm4b:s1+s2] =	stream.linear.scatter [tilespmem:s2], [sflag:$0x3], $0xFC00, $0x38;
	[tilespmem:$0x1F800] =	vst v63  }
0x597: {  	_ =	swait.ge [sflag:s6], $0xFC00  }
0x598: {  	[sflag:s6] =	ssyncset.done $0x0  }
0x599: {  	s1 =	rddreg [dreg:$0x15];
	[sflag:s6] =	ssyncadd.s32 $0xFFFF0400  }
0x59a: {  	[tilespmem:s2], [sflag:$0x1] =	stream.linear.gather [hbm4b:s1+s2], $0xFC00, $0x38;
	[tilespmem:$0x1F800] =	vst v63  }
0x59b: {  	_ =	swait.ge [sflag:s10], $0xFC00  }
0x59c: {  	[sflag:s10] =	ssyncset.done $0x0  }
0x59d: {  	s1 =	rddreg [dreg:$0x16];
	[sflag:s10] =	ssyncadd.s32 $0xFFFF0400  }
0x59e: {  	[hbm4b:s1+s2] =	stream.linear.scatter [tilespmem:s7], [sflag:$0x4], $0xFC00, $0x38;
	[tilespmem:$0x1F800] =	vst v63  }
0x59f: {  	_ =	swait.ge [sflag:s5], $0xFC00  }
0x5a0: {  	[sflag:s5] =	ssyncset.done $0x0  }
0x5a1: {  	s1 =	rddreg [dreg:$0x17];
	[sflag:s5] =	ssyncadd.s32 $0xFFFF0400  }
0x5a2: {  	[tilespmem:s7], [sflag:$0x2] =	stream.linear.gather [hbm4b:s1+s2], $0xFC00, $0x38;
	[tilespmem:$0x1F800] =	vst v63  }
0x5a3: {  	_ =	swait.ge [sflag:s11], $0xFC00  }
0x5a4: {  	[sflag:s11] =	ssyncset.done $0x0  }
0x5a5: {  	s1 =	rddreg [dreg:$0x18];
	[sflag:s11] =	ssyncadd.s32 $0xFFFF0400  }
0x5a6: {  	[hbm4b:s1+s2] =	stream.linear.scatter [tilespmem:s2], [sflag:$0x3], $0xFC00, $0x38;
	[tilespmem:$0x1F800] =	vst v63  }
0x5a7: {  	_ =	swait.ge [sflag:s6], $0xFC00  }
0x5a8: {  	[sflag:s6] =	ssyncset.done $0x0  }
0x5a9: {  	s1 =	rddreg [dreg:$0x19];
	[sflag:s6] =	ssyncadd.s32 $0xFFFF0400  }
0x5aa: {  	[tilespmem:s2], [sflag:$0x1] =	stream.linear.gather [hbm4b:s1+s2], $0xFC00, $0x38;
	[tilespmem:$0x1F800] =	vst v63  }
0x5ab: {  	_ =	swait.ge [sflag:s10], $0xFC00  }
0x5ac: {  	[sflag:s10] =	ssyncset.done $0x0  }
0x5ad: {  	s1 =	rddreg [dreg:$0x1a];
	[sflag:s10] =	ssyncadd.s32 $0xFFFF0400  }
0x5ae: {  	[hbm4b:s1+s2] =	stream.linear.scatter [tilespmem:s7], [sflag:$0x4], $0xFC00, $0x38;
	[tilespmem:$0x1F800] =	vst v63  }
0x5af: {  	_ =	swait.ge [sflag:s5], $0xFC00  }
0x5b0: {  	[sflag:s5] =	ssyncset.done $0x0  }
0x5b1: {  	s1 =	rddreg [dreg:$0x1b];
	[sflag:s5] =	ssyncadd.s32 $0xFFFF0400  }
0x5b2: {  	[tilespmem:s7], [sflag:$0x2] =	stream.linear.gather [hbm4b:s1+s2], $0xFC00, $0x38;
	[tilespmem:$0x1F800] =	vst v63  }
0x5b3: {  	_ =	swait.ge [sflag:s11], $0xFC00  }
0x5b4: {  	[sflag:s11] =	ssyncset.done $0x0  }
0x5b5: {  	s1 =	rddreg [dreg:$0x1c];
	[sflag:s11] =	ssyncadd.s32 $0xFFFF0400  }
0x5b6: {  	[hbm4b:s1+s2] =	stream.linear.scatter [tilespmem:s2], [sflag:$0x3], $0xFC00, $0x38;
	[tilespmem:$0x1F800] =	vst v63  }
0x5b7: {  	_ =	swait.ge [sflag:s6], $0xFC00  }
0x5b8: {  	[sflag:s6] =	ssyncset.done $0x0  }
0x5b9: {  	s1 =	rddreg [dreg:$0x1d];
	[sflag:s6] =	ssyncadd.s32 $0xFFFF0400  }
0x5ba: {  	[tilespmem:s2], [sflag:$0x1] =	stream.linear.gather [hbm4b:s1+s2], $0xFC00, $0x38;
	[tilespmem:$0x1F800] =	vst v63  }
0x5bb: {  	_ =	swait.ge [sflag:s10], $0xFC00  }
0x5bc: {  	[sflag:s10] =	ssyncset.done $0x0  }
0x5bd: {  	s1 =	rddreg [dreg:$0x1e];
	[sflag:s10] =	ssyncadd.s32 $0xFFFF0400  }
0x5be: {  	[hbm4b:s1+s2] =	stream.linear.scatter [tilespmem:s7], [sflag:$0x4], $0xFC00, $0x38;
	[tilespmem:$0x1F800] =	vst v63  }
0x5bf: {  	_ =	swait.ge [sflag:s5], $0xFC00  }
0x5c0: {  	[sflag:s5] =	ssyncset.done $0x0  }
0x5c1: {  	s1 =	rddreg [dreg:$0x1f];
	[sflag:s5] =	ssyncadd.s32 $0xFFFF0400  }
0x5c2: {  	[tilespmem:s7], [sflag:$0x2] =	stream.linear.gather [hbm4b:s1+s2], $0xFC00, $0x38;
	[tilespmem:$0x1F800] =	vst v63  }
0x5c3: {  	_ =	swait.ge [sflag:s11], $0xFC00  }
0x5c4: {  	s1 =	sld [smem:$0x7AF]  }
0x5c5: {  	[sflag:s11] =	ssyncset.done $0x0  }
0x5c6: {  	[sflag:s11] =	ssyncadd.s32 $0xFFFF0400  }
0x5c7: {  	[hbm4b:s1+s2] =	stream.linear.scatter [tilespmem:s2], [sflag:$0x3], $0xFC00, $0x38;
	[tilespmem:$0x1F800] =	vst v63  }
0x5c8: {  	_ =	swait.ge [sflag:s6], $0xFC00  }
0x5c9: {  	s1 =	sld [smem:$0x7B0]  }
0x5ca: {  	[sflag:s6] =	ssyncset.done $0x0  }
0x5cb: {  	[sflag:s6] =	ssyncadd.s32 $0xFFFF0400  }
0x5cc: {  	[tilespmem:s2], [sflag:$0x1] =	stream.linear.gather [hbm4b:s1+s2], $0xFC00, $0x38;
	[tilespmem:$0x1F800] =	vst v63  }
0x5cd: {  	_ =	swait.ge [sflag:s10], $0xFC00  }
0x5ce: {  	s1 =	sld [smem:$0x7B1]  }
0x5cf: {  	[sflag:s10] =	ssyncset.done $0x0  }
0x5d0: {  	[sflag:s10] =	ssyncadd.s32 $0xFFFF0400  }
0x5d1: {  	[hbm4b:s1+s2] =	stream.linear.scatter [tilespmem:s7], [sflag:$0x4], $0xFC00, $0x38;
	[tilespmem:$0x1F800] =	vst v63  }
0x5d2: {  	_ =	swait.ge [sflag:s5], $0xFC00  }
0x5d3: {  	s1 =	sld [smem:$0x7B2]  }
0x5d4: {  	[sflag:s5] =	ssyncset.done $0x0  }
0x5d5: {  	[sflag:s5] =	ssyncadd.s32 $0xFFFF0400  }
0x5d6: {  	[tilespmem:s7], [sflag:$0x2] =	stream.linear.gather [hbm4b:s1+s2], $0xFC00, $0x38;
	[tilespmem:$0x1F800] =	vst v63  }
0x5d7: {  	_ =	swait.ge [sflag:s11], $0xFC00  }
0x5d8: {  	s1 =	sld [smem:$0x7B3]  }
0x5d9: {  	[sflag:s11] =	ssyncset.done $0x0  }
0x5da: {  	[sflag:s11] =	ssyncadd.s32 $0xFFFF0400  }
0x5db: {  	[hbm4b:s1+s2] =	stream.linear.scatter [tilespmem:s2], [sflag:$0x3], $0xFC00, $0x38;
	[tilespmem:$0x1F800] =	vst v63  }
0x5dc: {  	_ =	swait.ge [sflag:s6], $0xFC00  }
0x5dd: {  	s1 =	sld [smem:$0x7B4]  }
0x5de: {  	[sflag:s6] =	ssyncset.done $0x0  }
0x5df: {  	[sflag:s6] =	ssyncadd.s32 $0xFFFF0400  }
0x5e0: {  	[tilespmem:s2], [sflag:$0x1] =	stream.linear.gather [hbm4b:s1+s2], $0xFC00, $0x38;
	[tilespmem:$0x1F800] =	vst v63  }
0x5e1: {  	_ =	swait.ge [sflag:s10], $0xFC00  }
0x5e2: {  	s1 =	sld [smem:$0x7B5]  }
0x5e3: {  	[sflag:s10] =	ssyncset.done $0x0  }
0x5e4: {  	[sflag:s10] =	ssyncadd.s32 $0xFFFF0400  }
0x5e5: {  	[hbm4b:s1+s2] =	stream.linear.scatter [tilespmem:s7], [sflag:$0x4], $0xFC00, $0x38;
	[tilespmem:$0x1F800] =	vst v63  }
0x5e6: {  	_ =	swait.ge [sflag:s5], $0xFC00  }
0x5e7: {  	s1 =	sld [smem:$0x7B6]  }
0x5e8: {  	[sflag:s5] =	ssyncset.done $0x0  }
0x5e9: {  	[sflag:s5] =	ssyncadd.s32 $0xFFFF0400  }
0x5ea: {  	[tilespmem:s7], [sflag:$0x2] =	stream.linear.gather [hbm4b:s1+s2], $0xFC00, $0x38;
	[tilespmem:$0x1F800] =	vst v63  }
0x5eb: {  	_ =	swait.ge [sflag:s11], $0xFC00  }
0x5ec: {  	s1 =	sld [smem:$0x7B7]  }
0x5ed: {  	[sflag:s11] =	ssyncset.done $0x0  }
0x5ee: {  	[sflag:s11] =	ssyncadd.s32 $0xFFFF0400  }
0x5ef: {  	[hbm4b:s1+s2] =	stream.linear.scatter [tilespmem:s2], [sflag:$0x3], $0xFC00, $0x38;
	[tilespmem:$0x1F800] =	vst v63  }
0x5f0: {  	_ =	swait.ge [sflag:s6], $0xFC00  }
0x5f1: {  	s1 =	sld [smem:$0x7B8]  }
0x5f2: {  	[sflag:s6] =	ssyncset.done $0x0  }
0x5f3: {  	[sflag:s6] =	ssyncadd.s32 $0xFFFF0400  }
0x5f4: {  	[tilespmem:s2], [sflag:$0x1] =	stream.linear.gather [hbm4b:s1+s2], $0xFC00, $0x38;
	[tilespmem:$0x1F800] =	vst v63  }
0x5f5: {  	_ =	swait.ge [sflag:s10], $0xFC00  }
0x5f6: {  	s1 =	sld [smem:$0x7B9]  }
0x5f7: {  	[sflag:s10] =	ssyncset.done $0x0  }
0x5f8: {  	[sflag:s10] =	ssyncadd.s32 $0xFFFF0400  }
0x5f9: {  	[hbm4b:s1+s2] =	stream.linear.scatter [tilespmem:s7], [sflag:$0x4], $0xFC00, $0x38;
	[tilespmem:$0x1F800] =	vst v63  }
0x5fa: {  	_ =	swait.ge [sflag:s5], $0xFC00  }
0x5fb: {  	s1 =	sld [smem:$0x7BA]  }
0x5fc: {  	[sflag:s5] =	ssyncset.done $0x0  }
0x5fd: {  	[sflag:s5] =	ssyncadd.s32 $0xFFFF0400  }
0x5fe: {  	[tilespmem:s7], [sflag:$0x2] =	stream.linear.gather [hbm4b:s1+s2], $0xFC00, $0x38;
	[tilespmem:$0x1F800] =	vst v63  }
0x5ff: {  	_ =	swait.ge [sflag:s11], $0xFC00  }
0x600: {  	s1 =	sld [smem:$0x7BB]  }
0x601: {  	[sflag:s11] =	ssyncset.done $0x0  }
0x602: {  	[sflag:s11] =	ssyncadd.s32 $0xFFFF0400  }
0x603: {  	[hbm4b:s1+s2] =	stream.linear.scatter [tilespmem:s2], [sflag:$0x3], $0xFC00, $0x38;
	[tilespmem:$0x1F800] =	vst v63  }
0x604: {  	_ =	swait.ge [sflag:s6], $0xFC00  }
0x605: {  	s1 =	sld [smem:$0x7BC]  }
0x606: {  	[sflag:s6] =	ssyncset.done $0x0  }
0x607: {  	[sflag:s6] =	ssyncadd.s32 $0xFFFF0400  }
0x608: {  	[tilespmem:s2], [sflag:$0x1] =	stream.linear.gather [hbm4b:s1+s2], $0xFC00, $0x38;
	[tilespmem:$0x1F800] =	vst v63  }
0x609: {  	_ =	swait.ge [sflag:s10], $0xFC00  }
0x60a: {  	s1 =	sld [smem:$0x7BD]  }
0x60b: {  	[sflag:s10] =	ssyncset.done $0x0  }
0x60c: {  	[sflag:s10] =	ssyncadd.s32 $0xFFFF0400  }
0x60d: {  	[hbm4b:s1+s2] =	stream.linear.scatter [tilespmem:s7], [sflag:$0x4], $0xFC00, $0x38;
	[tilespmem:$0x1F800] =	vst v63  }
0x60e: {  	_ =	swait.ge [sflag:s5], $0xFC00  }
0x60f: {  	s1 =	sld [smem:$0x7BE]  }
0x610: {  	[sflag:s5] =	ssyncset.done $0x0  }
0x611: {  	[sflag:s5] =	ssyncadd.s32 $0xFFFF0400  }
0x612: {  	[tilespmem:s7], [sflag:$0x2] =	stream.linear.gather [hbm4b:s1+s2], $0xFC00, $0x38;
	[tilespmem:$0x1F800] =	vst v63  }
0x613: {  	_ =	swait.ge [sflag:s11], $0xFC00  }
0x614: {  	s1 =	sld [smem:$0x7BF]  }
0x615: {  	[sflag:s11] =	ssyncset.done $0x0  }
0x616: {  	[sflag:s11] =	ssyncadd.s32 $0xFFFF0400  }
0x617: {  	[hbm4b:s1+s2] =	stream.linear.scatter [tilespmem:s2], [sflag:$0x3], $0xFC00, $0x38;
	[tilespmem:$0x1F800] =	vst v63  }
0x618: {  	_ =	swait.ge [sflag:s6], $0xFC00  }
0x619: {  	s1 =	sld [smem:$0x7C0]  }
0x61a: {  	[sflag:s6] =	ssyncset.done $0x0  }
0x61b: {  	[sflag:s6] =	ssyncadd.s32 $0xFFFF0400  }
0x61c: {  	[tilespmem:s2], [sflag:$0x1] =	stream.linear.gather [hbm4b:s1+s2], $0xFC00, $0x38;
	[tilespmem:$0x1F800] =	vst v63  }
0x61d: {  	_ =	swait.ge [sflag:s10], $0xFC00  }
0x61e: {  	s1 =	sld [smem:$0x7C1]  }
0x61f: {  	[sflag:s10] =	ssyncset.done $0x0  }
0x620: {  	[sflag:s10] =	ssyncadd.s32 $0xFFFF0400  }
0x621: {  	[hbm4b:s1+s2] =	stream.linear.scatter [tilespmem:s7], [sflag:$0x4], $0xFC00, $0x38;
	[tilespmem:$0x1F800] =	vst v63  }
0x622: {  	_ =	swait.ge [sflag:s5], $0xFC00  }
0x623: {  	s1 =	sld [smem:$0x7C2]  }
0x624: {  	[sflag:s5] =	ssyncset.done $0x0  }
0x625: {  	[sflag:s5] =	ssyncadd.s32 $0xFFFF0400  }
0x626: {  	[tilespmem:s7], [sflag:$0x2] =	stream.linear.gather [hbm4b:s1+s2], $0xFC00, $0x38;
	[tilespmem:$0x1F800] =	vst v63  }
0x627: {  	_ =	swait.ge [sflag:s11], $0xFC00  }
0x628: {  	s1 =	sld [smem:$0x7C3]  }
0x629: {  	[sflag:s11] =	ssyncset.done $0x0  }
0x62a: {  	[sflag:s11] =	ssyncadd.s32 $0xFFFF0400  }
0x62b: {  	[hbm4b:s1+s2] =	stream.linear.scatter [tilespmem:s2], [sflag:$0x3], $0xFC00, $0x38;
	[tilespmem:$0x1F800] =	vst v63  }
0x62c: {  	_ =	swait.ge [sflag:s6], $0xFC00  }
0x62d: {  	s1 =	sld [smem:$0x7C4]  }
0x62e: {  	[sflag:s6] =	ssyncset.done $0x0  }
0x62f: {  	[sflag:s6] =	ssyncadd.s32 $0xFFFF0400  }
0x630: {  	[tilespmem:s2], [sflag:$0x1] =	stream.linear.gather [hbm4b:s1+s2], $0xFC00, $0x38;
	[tilespmem:$0x1F800] =	vst v63  }
0x631: {  	_ =	swait.ge [sflag:s10], $0xFC00  }
0x632: {  	s1 =	sld [smem:$0x7C5]  }
0x633: {  	[sflag:s10] =	ssyncset.done $0x0  }
0x634: {  	[sflag:s10] =	ssyncadd.s32 $0xFFFF0400  }
0x635: {  	[hbm4b:s1+s2] =	stream.linear.scatter [tilespmem:s7], [sflag:$0x4], $0xFC00, $0x38;
	[tilespmem:$0x1F800] =	vst v63  }
0x636: {  	_ =	swait.ge [sflag:s5], $0xFC00  }
0x637: {  	s1 =	sld [smem:$0x7C6]  }
0x638: {  	[sflag:s5] =	ssyncset.done $0x0  }
0x639: {  	[sflag:s5] =	ssyncadd.s32 $0xFFFF0400  }
0x63a: {  	[tilespmem:s7], [sflag:$0x2] =	stream.linear.gather [hbm4b:s1+s2], $0xFC00, $0x38;
	[tilespmem:$0x1F800] =	vst v63  }
0x63b: {  	_ =	swait.ge [sflag:s11], $0xFC00  }
0x63c: {  	s1 =	sld [smem:$0x7C7]  }
0x63d: {  	[sflag:s11] =	ssyncset.done $0x0  }
0x63e: {  	[sflag:s11] =	ssyncadd.s32 $0xFFFF0400  }
0x63f: {  	[hbm4b:s1+s2] =	stream.linear.scatter [tilespmem:s2], [sflag:$0x3], $0xFC00, $0x38;
	[tilespmem:$0x1F800] =	vst v63  }
0x640: {  	_ =	swait.ge [sflag:s6], $0xFC00  }
0x641: {  	s1 =	sld [smem:$0x7C8]  }
0x642: {  	[sflag:s6] =	ssyncset.done $0x0  }
0x643: {  	[sflag:s6] =	ssyncadd.s32 $0xFFFF0400  }
0x644: {  	[tilespmem:s2], [sflag:$0x1] =	stream.linear.gather [hbm4b:s1+s2], $0xFC00, $0x38;
	[tilespmem:$0x1F800] =	vst v63  }
0x645: {  	_ =	swait.ge [sflag:s10], $0xFC00  }
0x646: {  	s1 =	sld [smem:$0x7C9]  }
0x647: {  	[sflag:s10] =	ssyncset.done $0x0  }
0x648: {  	[sflag:s10] =	ssyncadd.s32 $0xFFFF0400  }
0x649: {  	[hbm4b:s1+s2] =	stream.linear.scatter [tilespmem:s7], [sflag:$0x4], $0xFC00, $0x38;
	[tilespmem:$0x1F800] =	vst v63  }
0x64a: {  	_ =	swait.ge [sflag:s5], $0xFC00  }
0x64b: {  	s1 =	sld [smem:$0x7CA]  }
0x64c: {  	[sflag:s5] =	ssyncset.done $0x0  }
0x64d: {  	[sflag:s5] =	ssyncadd.s32 $0xFFFF0400  }
0x64e: {  	[tilespmem:s7], [sflag:$0x2] =	stream.linear.gather [hbm4b:s1+s2], $0xFC00, $0x38;
	[tilespmem:$0x1F800] =	vst v63  }
0x64f: {  	_ =	swait.ge [sflag:s11], $0xFC00  }
0x650: {  	s1 =	sld [smem:$0x7CB]  }
0x651: {  	[sflag:s11] =	ssyncset.done $0x0  }
0x652: {  	[sflag:s11] =	ssyncadd.s32 $0xFFFF0400  }
0x653: {  	[hbm4b:s1+s2] =	stream.linear.scatter [tilespmem:s2], [sflag:$0x3], $0xFC00, $0x38;
	[tilespmem:$0x1F800] =	vst v63  }
0x654: {  	_ =	swait.ge [sflag:s6], $0xFC00  }
0x655: {  	s1 =	sld [smem:$0x7CC]  }
0x656: {  	[sflag:s6] =	ssyncset.done $0x0  }
0x657: {  	[sflag:s6] =	ssyncadd.s32 $0xFFFF0400  }
0x658: {  	[tilespmem:s2], [sflag:$0x1] =	stream.linear.gather [hbm4b:s1+s2], $0xFC00, $0x38;
	[tilespmem:$0x1F800] =	vst v63  }
0x659: {  	_ =	swait.ge [sflag:s10], $0xFC00  }
0x65a: {  	s1 =	sld [smem:$0x7CD]  }
0x65b: {  	[sflag:s10] =	ssyncset.done $0x0  }
0x65c: {  	[sflag:s10] =	ssyncadd.s32 $0xFFFF0400  }
0x65d: {  	[hbm4b:s1+s2] =	stream.linear.scatter [tilespmem:s7], [sflag:$0x4], $0xFC00, $0x38;
	[tilespmem:$0x1F800] =	vst v63  }
0x65e: {  	_ =	swait.ge [sflag:s5], $0xFC00  }
0x65f: {  	s1 =	sld [smem:$0x7CE]  }
0x660: {  	[sflag:s5] =	ssyncset.done $0x0  }
0x661: {  	[sflag:s5] =	ssyncadd.s32 $0xFFFF0400  }
0x662: {  	[tilespmem:s7], [sflag:$0x2] =	stream.linear.gather [hbm4b:s1+s2], $0xFC00, $0x38;
	[tilespmem:$0x1F800] =	vst v63  }
0x663: {  	_ =	swait.ge [sflag:s11], $0xFC00  }
0x664: {  	s1 =	sld [smem:$0x7CF]  }
0x665: {  	[sflag:s11] =	ssyncset.done $0x0  }
0x666: {  	[sflag:s11] =	ssyncadd.s32 $0xFFFF0400  }
0x667: {  	[hbm4b:s1+s2] =	stream.linear.scatter [tilespmem:s2], [sflag:$0x3], $0xFC00, $0x38;
	[tilespmem:$0x1F800] =	vst v63  }
0x668: {  	_ =	swait.ge [sflag:s6], $0xFC00  }
0x669: {  	s1 =	sld [smem:$0x7D0]  }
0x66a: {  	[sflag:s6] =	ssyncset.done $0x0  }
0x66b: {  	[sflag:s6] =	ssyncadd.s32 $0xFFFF0400  }
0x66c: {  	[tilespmem:s2], [sflag:$0x1] =	stream.linear.gather [hbm4b:s1+s2], $0xFC00, $0x38;
	[tilespmem:$0x1F800] =	vst v63  }
0x66d: {  	_ =	swait.ge [sflag:s10], $0xFC00  }
0x66e: {  	s1 =	sld [smem:$0x7D1]  }
0x66f: {  	[sflag:s10] =	ssyncset.done $0x0  }
0x670: {  	[sflag:s10] =	ssyncadd.s32 $0xFFFF0400  }
0x671: {  	[hbm4b:s1+s2] =	stream.linear.scatter [tilespmem:s7], [sflag:$0x4], $0xFC00, $0x38;
	[tilespmem:$0x1F800] =	vst v63  }
0x672: {  	_ =	swait.ge [sflag:s5], $0xFC00  }
0x673: {  	s1 =	sld [smem:$0x7D2]  }
0x674: {  	[sflag:s5] =	ssyncset.done $0x0  }
0x675: {  	[sflag:s5] =	ssyncadd.s32 $0xFFFF0400  }
0x676: {  	[tilespmem:s7], [sflag:$0x2] =	stream.linear.gather [hbm4b:s1+s2], $0xFC00, $0x38;
	[tilespmem:$0x1F800] =	vst v63  }
0x677: {  	_ =	swait.ge [sflag:s11], $0xFC00  }
0x678: {  	s1 =	sld [smem:$0x7D3]  }
0x679: {  	[sflag:s11] =	ssyncset.done $0x0  }
0x67a: {  	[sflag:s11] =	ssyncadd.s32 $0xFFFF0400  }
0x67b: {  	[hbm4b:s1+s2] =	stream.linear.scatter [tilespmem:s2], [sflag:$0x3], $0xFC00, $0x38;
	[tilespmem:$0x1F800] =	vst v63  }
0x67c: {  	_ =	swait.ge [sflag:s6], $0xFC00  }
0x67d: {  	s1 =	sld [smem:$0x7D4]  }
0x67e: {  	[sflag:s6] =	ssyncset.done $0x0  }
0x67f: {  	[sflag:s6] =	ssyncadd.s32 $0xFFFF0400  }
0x680: {  	[tilespmem:s2], [sflag:$0x1] =	stream.linear.gather [hbm4b:s1+s2], $0xFC00, $0x38;
	[tilespmem:$0x1F800] =	vst v63  }
0x681: {  	_ =	swait.ge [sflag:s10], $0xFC00  }
0x682: {  	s1 =	sld [smem:$0x7D5]  }
0x683: {  	[sflag:s10] =	ssyncset.done $0x0  }
0x684: {  	[sflag:s10] =	ssyncadd.s32 $0xFFFF0400  }
0x685: {  	[hbm4b:s1+s2] =	stream.linear.scatter [tilespmem:s7], [sflag:$0x4], $0xFC00, $0x38;
	[tilespmem:$0x1F800] =	vst v63  }
0x686: {  	_ =	swait.ge [sflag:s5], $0xFC00  }
0x687: {  	s1 =	sld [smem:$0x7D6]  }
0x688: {  	[sflag:s5] =	ssyncset.done $0x0  }
0x689: {  	[sflag:s5] =	ssyncadd.s32 $0xFFFF0400  }
0x68a: {  	[tilespmem:s7], [sflag:$0x2] =	stream.linear.gather [hbm4b:s1+s2], $0xFC00, $0x38;
	[tilespmem:$0x1F800] =	vst v63  }
0x68b: {  	_ =	swait.ge [sflag:s11], $0xFC00  }
0x68c: {  	s1 =	sld [smem:$0x7D7]  }
0x68d: {  	[sflag:s11] =	ssyncset.done $0x0  }
0x68e: {  	[sflag:s11] =	ssyncadd.s32 $0xFFFF0400  }
0x68f: {  	[hbm4b:s1+s2] =	stream.linear.scatter [tilespmem:s2], [sflag:$0x3], $0xFC00, $0x38;
	[tilespmem:$0x1F800] =	vst v63  }
0x690: {  	_ =	swait.ge [sflag:s6], $0xFC00  }
0x691: {  	s1 =	sld [smem:$0x7D8]  }
0x692: {  	[sflag:s6] =	ssyncset.done $0x0  }
0x693: {  	[sflag:s6] =	ssyncadd.s32 $0xFFFF0400  }
0x694: {  	[tilespmem:s2], [sflag:$0x1] =	stream.linear.gather [hbm4b:s1+s2], $0xFC00, $0x38;
	[tilespmem:$0x1F800] =	vst v63  }
0x695: {  	_ =	swait.ge [sflag:s10], $0xFC00  }
0x696: {  	s1 =	sld [smem:$0x7D9]  }
0x697: {  	[sflag:s10] =	ssyncset.done $0x0  }
0x698: {  	[sflag:s10] =	ssyncadd.s32 $0xFFFF0400  }
0x699: {  	[hbm4b:s1+s2] =	stream.linear.scatter [tilespmem:s7], [sflag:$0x4], $0xFC00, $0x38;
	[tilespmem:$0x1F800] =	vst v63  }
0x69a: {  	_ =	swait.ge [sflag:s5], $0xFC00  }
0x69b: {  	s1 =	sld [smem:$0x7DA]  }
0x69c: {  	[sflag:s5] =	ssyncset.done $0x0  }
0x69d: {  	[sflag:s5] =	ssyncadd.s32 $0xFFFF0400  }
0x69e: {  	[tilespmem:s7], [sflag:$0x2] =	stream.linear.gather [hbm4b:s1+s2], $0xFC00, $0x38;
	[tilespmem:$0x1F800] =	vst v63  }
0x69f: {  	_ =	swait.ge [sflag:s11], $0xFC00  }
0x6a0: {  	s1 =	sld [smem:$0x7DB]  }
0x6a1: {  	[sflag:s11] =	ssyncset.done $0x0  }
0x6a2: {  	[sflag:s11] =	ssyncadd.s32 $0xFFFF0400  }
0x6a3: {  	[hbm4b:s1+s2] =	stream.linear.scatter [tilespmem:s2], [sflag:$0x3], $0xFC00, $0x38;
	[tilespmem:$0x1F800] =	vst v63  }
0x6a4: {  	_ =	swait.ge [sflag:s6], $0xFC00  }
0x6a5: {  	s1 =	sld [smem:$0x7DC]  }
0x6a6: {  	[sflag:s6] =	ssyncset.done $0x0  }
0x6a7: {  	[sflag:s6] =	ssyncadd.s32 $0xFFFF0400  }
0x6a8: {  	[tilespmem:s2], [sflag:$0x1] =	stream.linear.gather [hbm4b:s1+s2], $0xFC00, $0x38;
	[tilespmem:$0x1F800] =	vst v63  }
0x6a9: {  	_ =	swait.ge [sflag:s10], $0xFC00  }
0x6aa: {  	s1 =	sld [smem:$0x7DD]  }
0x6ab: {  	[sflag:s10] =	ssyncset.done $0x0  }
0x6ac: {  	[sflag:s10] =	ssyncadd.s32 $0xFFFF0400  }
0x6ad: {  	[hbm4b:s1+s2] =	stream.linear.scatter [tilespmem:s7], [sflag:$0x4], $0xFC00, $0x38;
	[tilespmem:$0x1F800] =	vst v63  }
0x6ae: {  	_ =	swait.ge [sflag:s5], $0xFC00  }
0x6af: {  	s1 =	sld [smem:$0x7DE]  }
0x6b0: {  	[sflag:s5] =	ssyncset.done $0x0  }
0x6b1: {  	[sflag:s5] =	ssyncadd.s32 $0xFFFF0400  }
0x6b2: {  	[tilespmem:s7], [sflag:$0x2] =	stream.linear.gather [hbm4b:s1+s2], $0xFC00, $0x38;
	[tilespmem:$0x1F800] =	vst v63  }
0x6b3: {  	_ =	swait.ge [sflag:s11], $0xFC00  }
0x6b4: {  	s1 =	sld [smem:$0x7DF]  }
0x6b5: {  	[sflag:s11] =	ssyncset.done $0x0  }
0x6b6: {  	[sflag:s11] =	ssyncadd.s32 $0xFFFF0400  }
0x6b7: {  	[hbm4b:s1+s2] =	stream.linear.scatter [tilespmem:s2], [sflag:$0x3], $0xFC00, $0x38;
	[tilespmem:$0x1F800] =	vst v63  }
0x6b8: {  	_ =	swait.ge [sflag:s6], $0xFC00  }
0x6b9: {  	s1 =	sld [smem:$0x7E0]  }
0x6ba: {  	[sflag:s6] =	ssyncset.done $0x0  }
0x6bb: {  	[sflag:s6] =	ssyncadd.s32 $0xFFFF0400  }
0x6bc: {  	[tilespmem:s2], [sflag:$0x1] =	stream.linear.gather [hbm4b:s1+s2], $0xFC00, $0x38;
	[tilespmem:$0x1F800] =	vst v63  }
0x6bd: {  	_ =	swait.ge [sflag:s10], $0xFC00  }
0x6be: {  	s1 =	sld [smem:$0x7E1]  }
0x6bf: {  	[sflag:s10] =	ssyncset.done $0x0  }
0x6c0: {  	[sflag:s10] =	ssyncadd.s32 $0xFFFF0400  }
0x6c1: {  	[hbm4b:s1+s2] =	stream.linear.scatter [tilespmem:s7], [sflag:$0x4], $0xFC00, $0x38;
	[tilespmem:$0x1F800] =	vst v63  }
0x6c2: {  	_ =	swait.ge [sflag:s5], $0xFC00  }
0x6c3: {  	s1 =	sld [smem:$0x7E2]  }
0x6c4: {  	[sflag:s5] =	ssyncset.done $0x0  }
0x6c5: {  	[sflag:s5] =	ssyncadd.s32 $0xFFFF0400  }
0x6c6: {  	[tilespmem:s7], [sflag:$0x2] =	stream.linear.gather [hbm4b:s1+s2], $0xFC00, $0x38;
	[tilespmem:$0x1F800] =	vst v63  }
0x6c7: {  	_ =	swait.ge [sflag:s11], $0xFC00  }
0x6c8: {  	s1 =	sld [smem:$0x7E3]  }
0x6c9: {  	[sflag:s11] =	ssyncset.done $0x0  }
0x6ca: {  	[sflag:s11] =	ssyncadd.s32 $0xFFFF0400  }
0x6cb: {  	[hbm4b:s1+s2] =	stream.linear.scatter [tilespmem:s2], [sflag:$0x3], $0xFC00, $0x38;
	[tilespmem:$0x1F800] =	vst v63  }
0x6cc: {  	_ =	swait.ge [sflag:s6], $0xFC00  }
0x6cd: {  	s1 =	sld [smem:$0x7E4]  }
0x6ce: {  	[sflag:s6] =	ssyncset.done $0x0  }
0x6cf: {  	[sflag:s6] =	ssyncadd.s32 $0xFFFF0400  }
0x6d0: {  	[tilespmem:s2], [sflag:$0x1] =	stream.linear.gather [hbm4b:s1+s2], $0xFC00, $0x38;
	[tilespmem:$0x1F800] =	vst v63  }
0x6d1: {  	_ =	swait.ge [sflag:s10], $0xFC00  }
0x6d2: {  	s1 =	sld [smem:$0x7E5]  }
0x6d3: {  	[sflag:s10] =	ssyncset.done $0x0  }
0x6d4: {  	[sflag:s10] =	ssyncadd.s32 $0xFFFF0400  }
0x6d5: {  	[hbm4b:s1+s2] =	stream.linear.scatter [tilespmem:s7], [sflag:$0x4], $0xFC00, $0x38;
	[tilespmem:$0x1F800] =	vst v63  }
0x6d6: {  	_ =	swait.ge [sflag:s5], $0xFC00  }
0x6d7: {  	s1 =	sld [smem:$0x7E6]  }
0x6d8: {  	[sflag:s5] =	ssyncset.done $0x0  }
0x6d9: {  	[sflag:s5] =	ssyncadd.s32 $0xFFFF0400  }
0x6da: {  	[tilespmem:s7], [sflag:$0x2] =	stream.linear.gather [hbm4b:s1+s2], $0xFC00, $0x38;
	[tilespmem:$0x1F800] =	vst v63  }
0x6db: {  	_ =	swait.ge [sflag:s11], $0xFC00  }
0x6dc: {  	s1 =	sld [smem:$0x7E7]  }
0x6dd: {  	[sflag:s11] =	ssyncset.done $0x0  }
0x6de: {  	[sflag:s11] =	ssyncadd.s32 $0xFFFF0400  }
0x6df: {  	[hbm4b:s1+s2] =	stream.linear.scatter [tilespmem:s2], [sflag:$0x3], $0xFC00, $0x38;
	[tilespmem:$0x1F800] =	vst v63  }
0x6e0: {  	_ =	swait.ge [sflag:s6], $0xFC00  }
0x6e1: {  	s1 =	sld [smem:$0x7E8]  }
0x6e2: {  	[sflag:s6] =	ssyncset.done $0x0  }
0x6e3: {  	[sflag:s6] =	ssyncadd.s32 $0xFFFF0400  }
0x6e4: {  	[tilespmem:s2], [sflag:$0x1] =	stream.linear.gather [hbm4b:s1+s2], $0xFC00, $0x38;
	[tilespmem:$0x1F800] =	vst v63  }
0x6e5: {  	_ =	swait.ge [sflag:s10], $0xFC00  }
0x6e6: {  	s1 =	sld [smem:$0x7E9]  }
0x6e7: {  	[sflag:s10] =	ssyncset.done $0x0  }
0x6e8: {  	[sflag:s10] =	ssyncadd.s32 $0xFFFF0400  }
0x6e9: {  	[hbm4b:s1+s2] =	stream.linear.scatter [tilespmem:s7], [sflag:$0x4], $0xFC00, $0x38;
	[tilespmem:$0x1F800] =	vst v63  }
0x6ea: {  	_ =	swait.ge [sflag:s5], $0xFC00  }
0x6eb: {  	s1 =	sld [smem:$0x7EA]  }
0x6ec: {  	[sflag:s5] =	ssyncset.done $0x0  }
0x6ed: {  	[sflag:s5] =	ssyncadd.s32 $0xFFFF0400  }
0x6ee: {  	[tilespmem:s7], [sflag:$0x2] =	stream.linear.gather [hbm4b:s1+s2], $0xFC00, $0x38;
	[tilespmem:$0x1F800] =	vst v63  }
0x6ef: {  	_ =	swait.ge [sflag:s11], $0xFC00  }
0x6f0: {  	s1 =	sld [smem:$0x7EB]  }
0x6f1: {  	[sflag:s11] =	ssyncset.done $0x0  }
0x6f2: {  	[sflag:s11] =	ssyncadd.s32 $0xFFFF0400  }
0x6f3: {  	[hbm4b:s1+s2] =	stream.linear.scatter [tilespmem:s2], [sflag:$0x3], $0xFC00, $0x38;
	[tilespmem:$0x1F800] =	vst v63  }
0x6f4: {  	_ =	swait.ge [sflag:s6], $0xFC00  }
0x6f5: {  	s1 =	sld [smem:$0x7EC]  }
0x6f6: {  	[sflag:s6] =	ssyncset.done $0x0  }
0x6f7: {  	[sflag:s6] =	ssyncadd.s32 $0xFFFF0400  }
0x6f8: {  	[tilespmem:s2], [sflag:$0x1] =	stream.linear.gather [hbm4b:s1+s2], $0xFC00, $0x38;
	[tilespmem:$0x1F800] =	vst v63  }
0x6f9: {  	_ =	swait.ge [sflag:s10], $0xFC00  }
0x6fa: {  	s1 =	sld [smem:$0x7ED]  }
0x6fb: {  	[sflag:s10] =	ssyncset.done $0x0  }
0x6fc: {  	[sflag:s10] =	ssyncadd.s32 $0xFFFF0400  }
0x6fd: {  	[hbm4b:s1+s2] =	stream.linear.scatter [tilespmem:s7], [sflag:$0x4], $0xFC00, $0x38;
	[tilespmem:$0x1F800] =	vst v63  }
0x6fe: {  	_ =	swait.ge [sflag:s5], $0xFC00  }
0x6ff: {  	s1 =	sld [smem:$0x7EE]  }
0x700: {  	[sflag:s5] =	ssyncset.done $0x0  }
0x701: {  	[sflag:s5] =	ssyncadd.s32 $0xFFFF0400  }
0x702: {  	[tilespmem:s7], [sflag:$0x2] =	stream.linear.gather [hbm4b:s1+s2], $0xFC00, $0x38;
	[tilespmem:$0x1F800] =	vst v63  }
0x703: {  	_ =	swait.ge [sflag:s11], $0xFC00  }
0x704: {  	s1 =	sld [smem:$0x7EF]  }
0x705: {  	[sflag:s11] =	ssyncset.done $0x0  }
0x706: {  	[sflag:s11] =	ssyncadd.s32 $0xFFFF0400  }
0x707: {  	[hbm4b:s1+s2] =	stream.linear.scatter [tilespmem:s2], [sflag:$0x3], $0xFC00, $0x38;
	[tilespmem:$0x1F800] =	vst v63  }
0x708: {  	_ =	swait.ge [sflag:s6], $0xFC00  }
0x709: {  	s1 =	sld [smem:$0x7F0]  }
0x70a: {  	[sflag:s6] =	ssyncset.done $0x0  }
0x70b: {  	[sflag:s6] =	ssyncadd.s32 $0xFFFF0400  }
0x70c: {  	[tilespmem:s2], [sflag:$0x1] =	stream.linear.gather [hbm4b:s1+s2], $0xFC00, $0x38;
	[tilespmem:$0x1F800] =	vst v63  }
0x70d: {  	_ =	swait.ge [sflag:s10], $0xFC00  }
0x70e: {  	s1 =	sld [smem:$0x7F1]  }
0x70f: {  	[sflag:s10] =	ssyncset.done $0x0  }
0x710: {  	[sflag:s10] =	ssyncadd.s32 $0xFFFF0400  }
0x711: {  	[hbm4b:s1+s2] =	stream.linear.scatter [tilespmem:s7], [sflag:$0x4], $0xFC00, $0x38;
	[tilespmem:$0x1F800] =	vst v63  }
0x712: {  	_ =	swait.ge [sflag:s5], $0xFC00  }
0x713: {  	s1 =	sld [smem:$0x7F2]  }
0x714: {  	[sflag:s5] =	ssyncset.done $0x0  }
0x715: {  	[sflag:s5] =	ssyncadd.s32 $0xFFFF0400  }
0x716: {  	[tilespmem:s7], [sflag:$0x2] =	stream.linear.gather [hbm4b:s1+s2], $0xFC00, $0x38;
	[tilespmem:$0x1F800] =	vst v63  }
0x717: {  	_ =	swait.ge [sflag:s11], $0xFC00  }
0x718: {  	s1 =	sld [smem:$0x7F3]  }
0x719: {  	[sflag:s11] =	ssyncset.done $0x0  }
0x71a: {  	[sflag:s11] =	ssyncadd.s32 $0xFFFF0400  }
0x71b: {  	[hbm4b:s1+s2] =	stream.linear.scatter [tilespmem:s2], [sflag:$0x3], $0xFC00, $0x38;
	[tilespmem:$0x1F800] =	vst v63  }
0x71c: {  	_ =	swait.ge [sflag:s6], $0xFC00  }
0x71d: {  	s1 =	sld [smem:$0x7F4]  }
0x71e: {  	[sflag:s6] =	ssyncset.done $0x0  }
0x71f: {  	[sflag:s6] =	ssyncadd.s32 $0xFFFF0400  }
0x720: {  	[tilespmem:s2], [sflag:$0x1] =	stream.linear.gather [hbm4b:s1+s2], $0xFC00, $0x38;
	[tilespmem:$0x1F800] =	vst v63  }
0x721: {  	_ =	swait.ge [sflag:s10], $0xFC00  }
0x722: {  	s1 =	sld [smem:$0x7F5]  }
0x723: {  	[sflag:s10] =	ssyncset.done $0x0  }
0x724: {  	[sflag:s10] =	ssyncadd.s32 $0xFFFF0400  }
0x725: {  	[hbm4b:s1+s2] =	stream.linear.scatter [tilespmem:s7], [sflag:$0x4], $0xFC00, $0x38;
	[tilespmem:$0x1F800] =	vst v63  }
0x726: {  	_ =	swait.ge [sflag:s5], $0xFC00  }
0x727: {  	s1 =	sld [smem:$0x7F6]  }
0x728: {  	[sflag:s5] =	ssyncset.done $0x0  }
0x729: {  	[sflag:s5] =	ssyncadd.s32 $0xFFFF0400  }
0x72a: {  	[tilespmem:s7], [sflag:$0x2] =	stream.linear.gather [hbm4b:s1+s2], $0xFC00, $0x38;
	[tilespmem:$0x1F800] =	vst v63  }
0x72b: {  	_ =	swait.ge [sflag:s11], $0xFC00  }
0x72c: {  	s1 =	sld [smem:$0x7F7]  }
0x72d: {  	[sflag:s11] =	ssyncset.done $0x0  }
0x72e: {  	[sflag:s11] =	ssyncadd.s32 $0xFFFF0400  }
0x72f: {  	[hbm4b:s1+s2] =	stream.linear.scatter [tilespmem:s2], [sflag:$0x3], $0xFC00, $0x38;
	[tilespmem:$0x1F800] =	vst v63  }
0x730: {  	_ =	swait.ge [sflag:s6], $0xFC00  }
0x731: {  	s1 =	sld [smem:$0x7F8]  }
0x732: {  	[sflag:s6] =	ssyncset.done $0x0  }
0x733: {  	[sflag:s6] =	ssyncadd.s32 $0xFFFF0400  }
0x734: {  	[tilespmem:s2], [sflag:$0x1] =	stream.linear.gather [hbm4b:s1+s2], $0xFC00, $0x38;
	[tilespmem:$0x1F800] =	vst v63  }
0x735: {  	_ =	swait.ge [sflag:s10], $0xFC00  }
0x736: {  	s1 =	sld [smem:$0x7F9]  }
0x737: {  	[sflag:s10] =	ssyncset.done $0x0  }
0x738: {  	[sflag:s10] =	ssyncadd.s32 $0xFFFF0400  }
0x739: {  	[hbm4b:s1+s2] =	stream.linear.scatter [tilespmem:s7], [sflag:$0x4], $0xFC00, $0x38;
	[tilespmem:$0x1F800] =	vst v63  }
0x73a: {  	_ =	swait.ge [sflag:s5], $0xFC00  }
0x73b: {  	s1 =	sld [smem:$0x7FA]  }
0x73c: {  	[sflag:s5] =	ssyncset.done $0x0  }
0x73d: {  	[sflag:s5] =	ssyncadd.s32 $0xFFFF0400  }
0x73e: {  	[tilespmem:s7], [sflag:$0x2] =	stream.linear.gather [hbm4b:s1+s2], $0xFC00, $0x38;
	[tilespmem:$0x1F800] =	vst v63  }
0x73f: {  	_ =	swait.ge [sflag:s11], $0xFC00  }
0x740: {  	s1 =	sld [smem:$0x7FB]  }
0x741: {  	[sflag:s11] =	ssyncset.done $0x0  }
0x742: {  	[sflag:s11] =	ssyncadd.s32 $0xFFFF0400  }
0x743: {  	[hbm4b:s1+s2] =	stream.linear.scatter [tilespmem:s2], [sflag:$0x3], $0xFC00, $0x38;
	[tilespmem:$0x1F800] =	vst v63  }
0x744: {  	_ =	swait.ge [sflag:s6], $0xFC00  }
0x745: {  	s1 =	sld [smem:$0x7FC]  }
0x746: {  	[sflag:s6] =	ssyncset.done $0x0  }
0x747: {  	[sflag:s6] =	ssyncadd.s32 $0xFFFF0400  }
0x748: {  	[tilespmem:s2], [sflag:$0x1] =	stream.linear.gather [hbm4b:s1+s2], $0xFC00, $0x38;
	[tilespmem:$0x1F800] =	vst v63  }
0x749: {  	_ =	swait.ge [sflag:s10], $0xFC00  }
0x74a: {  	s1 =	sld [smem:$0x7FD]  }
0x74b: {  	[sflag:s10] =	ssyncset.done $0x0  }
0x74c: {  	[sflag:s10] =	ssyncadd.s32 $0xFFFF0400  }
0x74d: {  	[hbm4b:s1+s2] =	stream.linear.scatter [tilespmem:s7], [sflag:$0x4], $0xFC00, $0x38;
	[tilespmem:$0x1F800] =	vst v63  }
0x74e: {  	_ =	swait.ge [sflag:s5], $0xFC00  }
0x74f: {  	[sflag:s5] =	ssyncset.done $0x0  }
0x750: {  	[sflag:s5] =	ssyncadd.s32 $0xFFFF0400  }
0x751: {  	[tilespmem:s7], [sflag:$0x2] =	stream.linear.gather [hbm4b:s31+s2], $0xFC00, $0x38;
	[tilespmem:$0x1F800] =	vst v63  }
0x752: {  	_ =	swait.ge [sflag:s11], $0xFC00  }
0x753: {  	[sflag:s11] =	ssyncset.done $0x0  }
0x754: {  	[sflag:s11] =	ssyncadd.s32 $0xFFFF0400  }
0x755: {  	[hbm4b:s30+s2] =	stream.linear.scatter [tilespmem:s2], [sflag:$0x3], $0xFC00, $0x38;
	[tilespmem:$0x1F800] =	vst v63  }
0x756: {  	_ =	swait.ge [sflag:s6], $0xFC00  }
0x757: {  	[sflag:s6] =	ssyncset.done $0x0  }
0x758: {  	[sflag:s6] =	ssyncadd.s32 $0xFFFF0400  }
0x759: {  	[tilespmem:s2], [sflag:$0x1] =	stream.linear.gather [hbm4b:s29+s2], $0xFC00, $0x38;
	[tilespmem:$0x1F800] =	vst v63  }
0x75a: {  	_ =	swait.ge [sflag:s10], $0xFC00  }
0x75b: {  	[sflag:s10] =	ssyncset.done $0x0  }
0x75c: {  	[sflag:s10] =	ssyncadd.s32 $0xFFFF0400  }
0x75d: {  	[hbm4b:s28+s2] =	stream.linear.scatter [tilespmem:s7], [sflag:$0x4], $0xFC00, $0x38;
	[tilespmem:$0x1F800] =	vst v63  }
0x75e: {  	_ =	swait.ge [sflag:s5], $0xFC00  }
0x75f: {  	[sflag:s5] =	ssyncset.done $0x0  }
0x760: {  	[sflag:s5] =	ssyncadd.s32 $0xFFFF0400  }
0x761: {  	[tilespmem:s7], [sflag:$0x2] =	stream.linear.gather [hbm4b:s26+s2], $0xFC00, $0x38;
	[tilespmem:$0x1F800] =	vst v63  }
0x762: {  	_ =	swait.ge [sflag:s11], $0xFC00  }
0x763: {  	[sflag:s11] =	ssyncset.done $0x0  }
0x764: {  	[sflag:s11] =	ssyncadd.s32 $0xFFFF0400  }
0x765: {  	[hbm4b:s25+s2] =	stream.linear.scatter [tilespmem:s2], [sflag:$0x3], $0xFC00, $0x38;
	[tilespmem:$0x1F800] =	vst v63  }
0x766: {  	_ =	swait.ge [sflag:s6], $0xFC00  }
0x767: {  	[sflag:s6] =	ssyncset.done $0x0  }
0x768: {  	[sflag:s6] =	ssyncadd.s32 $0xFFFF0400  }
0x769: {  	[tilespmem:s2], [sflag:$0x1] =	stream.linear.gather [hbm4b:s24+s2], $0xFC00, $0x38;
	[tilespmem:$0x1F800] =	vst v63  }
0x76a: {  	_ =	swait.ge [sflag:s10], $0xFC00  }
0x76b: {  	[sflag:s10] =	ssyncset.done $0x0  }
0x76c: {  	[sflag:s10] =	ssyncadd.s32 $0xFFFF0400  }
0x76d: {  	[hbm4b:s23+s2] =	stream.linear.scatter [tilespmem:s7], [sflag:$0x4], $0xFC00, $0x38;
	[tilespmem:$0x1F800] =	vst v63  }
0x76e: {  	_ =	swait.ge [sflag:s5], $0xFC00  }
0x76f: {  	[sflag:s5] =	ssyncset.done $0x0  }
0x770: {  	[sflag:s5] =	ssyncadd.s32 $0xFFFF0400  }
0x771: {  	[tilespmem:s7], [sflag:$0x2] =	stream.linear.gather [hbm4b:s22+s2], $0xFC00, $0x38;
	[tilespmem:$0x1F800] =	vst v63  }
0x772: {  	_ =	swait.ge [sflag:s11], $0xFC00  }
0x773: {  	[sflag:s11] =	ssyncset.done $0x0  }
0x774: {  	[sflag:s11] =	ssyncadd.s32 $0xFFFF0400  }
0x775: {  	[hbm4b:s21+s2] =	stream.linear.scatter [tilespmem:s2], [sflag:$0x3], $0xFC00, $0x38;
	[tilespmem:$0x1F800] =	vst v63  }
0x776: {  	_ =	swait.ge [sflag:s6], $0xFC00  }
0x777: {  	[sflag:s6] =	ssyncset.done $0x0  }
0x778: {  	[sflag:s6] =	ssyncadd.s32 $0xFFFF0400  }
0x779: {  	[tilespmem:s2], [sflag:$0x1] =	stream.linear.gather [hbm4b:s20+s2], $0xFC00, $0x38;
	[tilespmem:$0x1F800] =	vst v63  }
0x77a: {  	_ =	swait.ge [sflag:s10], $0xFC00  }
0x77b: {  	[sflag:s10] =	ssyncset.done $0x0  }
0x77c: {  	[sflag:s10] =	ssyncadd.s32 $0xFFFF0400  }
0x77d: {  	[hbm4b:s19+s2] =	stream.linear.scatter [tilespmem:s7], [sflag:$0x4], $0xFC00, $0x38;
	[tilespmem:$0x1F800] =	vst v63  }
0x77e: {  	_ =	swait.ge [sflag:s5], $0xFC00  }
0x77f: {  	[sflag:s5] =	ssyncset.done $0x0  }
0x780: {  	[sflag:s5] =	ssyncadd.s32 $0xFFFF0400  }
0x781: {  	[tilespmem:s7], [sflag:$0x2] =	stream.linear.gather [hbm4b:s18+s2], $0xFC00, $0x38;
	[tilespmem:$0x1F800] =	vst v63  }
0x782: {  	_ =	swait.ge [sflag:s11], $0xFC00  }
0x783: {  	[sflag:s11] =	ssyncset.done $0x0  }
0x784: {  	[sflag:s11] =	ssyncadd.s32 $0xFFFF0400  }
0x785: {  	[hbm4b:s17+s2] =	stream.linear.scatter [tilespmem:s2], [sflag:$0x3], $0xFC00, $0x38;
	[tilespmem:$0x1F800] =	vst v63  }
0x786: {  	_ =	swait.ge [sflag:s6], $0xFC00  }
0x787: {  	[sflag:s6] =	ssyncset.done $0x0  }
0x788: {  	[sflag:s6] =	ssyncadd.s32 $0xFFFF0400  }
0x789: {  	[tilespmem:s2], [sflag:$0x1] =	stream.linear.gather [hbm4b:s16+s2], $0xFC00, $0x38;
	[tilespmem:$0x1F800] =	vst v63  }
0x78a: {  	_ =	swait.ge [sflag:s10], $0xFC00  }
0x78b: {  	[sflag:s10] =	ssyncset.done $0x0  }
0x78c: {  	[sflag:s10] =	ssyncadd.s32 $0xFFFF0400  }
0x78d: {  	[hbm4b:s14+s2] =	stream.linear.scatter [tilespmem:s7], [sflag:$0x4], $0xFC00, $0x38;
	[tilespmem:$0x1F800] =	vst v63  }
0x78e: {  	_ =	swait.ge [sflag:s5], $0xFC00  }
0x78f: {  	[sflag:s5] =	ssyncset.done $0x0  }
0x790: {  	[sflag:s5] =	ssyncadd.s32 $0xFFFF0400  }
0x791: {  	[tilespmem:s7], [sflag:$0x2] =	stream.linear.gather [hbm4b:s15+s2], $0xFC00, $0x38;
	[tilespmem:$0x1F800] =	vst v63  }
0x792: {  	_ =	swait.ge [sflag:s11], $0xFC00  }
0x793: {  	[sflag:s11] =	ssyncset.done $0x0  }
0x794: {  	[sflag:s11] =	ssyncadd.s32 $0xFFFF0400  }
0x795: {  	[hbm4b:s12+s2] =	stream.linear.scatter [tilespmem:s2], [sflag:$0x3], $0xFC00, $0x38;
	[tilespmem:$0x1F800] =	vst v63  }
0x796: {  	_ =	swait.ge [sflag:s6], $0xFC00  }
0x797: {  	[sflag:s6] =	ssyncset.done $0x0  }
0x798: {  	[sflag:s6] =	ssyncadd.s32 $0xFFFF0400  }
0x799: {  	[tilespmem:s2], [sflag:$0x1] =	stream.linear.gather [hbm4b:s13+s2], $0xFC00, $0x38;
	[tilespmem:$0x1F800] =	vst v63  }
0x79a: {  	_ =	swait.ge [sflag:s10], $0xFC00  }
0x79b: {  	[sflag:s10] =	ssyncset.done $0x0  }
0x79c: {  	[sflag:s10] =	ssyncadd.s32 $0xFFFF0400  }
0x79d: {  	[hbm4b:s9+s2] =	stream.linear.scatter [tilespmem:s7], [sflag:$0x4], $0xFC00, $0x38;
	[tilespmem:$0x1F800] =	vst v63  }
0x79e: {  	_ =	swait.ge [sflag:s5], $0xFC00  }
0x79f: {  	[sflag:s5] =	ssyncset.done $0x0  }
0x7a0: {  	[sflag:s5] =	ssyncadd.s32 $0xFFFF0400  }
0x7a1: {  	[tilespmem:s7], [sflag:$0x2] =	stream.linear.gather [hbm4b:s8+s2], $0x400, $0x38;
	[tilespmem:$0x1F800] =	vst v63  }
0x7a2: {  	_ =	swait.ge [sflag:s11], $0xFC00  }
0x7a3: {  	[sflag:s11] =	ssyncset.done $0x0  }
0x7a4: {  	[sflag:s11] =	ssyncadd.s32 $0xFFFF0400  }
0x7a5: {  	[hbm4b:s4+s2] =	stream.linear.scatter [tilespmem:s2], [sflag:$0x3], $0xFC00, $0x38;
	[tilespmem:$0x1F800] =	vst v63  }
0x7a6: {  	_ =	swait.ge [sflag:s10], $0x400  }
0x7a7: {  	[sflag:s10] =	ssyncset.done $0x0  }
0x7a8: {  	[sflag:s10] =	ssyncadd.s32 $0xFFFFFC00  }
0x7a9: {  	[hbm4b:s3+s2] =	stream.linear.scatter [tilespmem:s7], [sflag:$0x4], $0x400, $0x38;
	[tilespmem:$0x1F800] =	vst v63  }
0x7aa: {  	_ =	swait.ge [sflag:s6], $0xFC00  }
0x7ab: {  	[sflag:s6] =	ssyncset.done $0x0  }
0x7ac: {  	[sflag:s6] =	ssyncadd.s32 $0xFFFF0400  }
0x7ad: {  	_ =	swait.ge [sflag:s5], $0x400  }
0x7ae: {  	[sflag:s5] =	ssyncset.done $0x0  }
0x7af: {  	[sflag:s5] =	ssyncadd.s32 $0xFFFFFC00  }
0x7b0: {  	_ =	sfence.sel $0x180000  }
0x7b1: {  	[bflag:$0x0] =	sbarrier.arrive $0xFFFF  }
0x7b2: {  	_ =	strace $0x90000047  }
0x7b3: {  	s31 =	stileid.u32;
	[bflag:$0x2] =	sbarrier.arrive $0xFFFF  }
0x7b4: {  	p0 =	sne.s32 s31, $0x0;
	s0 =	rddreg [dreg:$0x1]  }
0x7b5: {  	s0 =	sadd.s32 @!p0 $0x100000, s0  }
0x7b6: {  	[sflag:s0] =	ssyncadd.tile.s32 @!p0 $0x1;
	_ =	shalt  }
.Lfunc_end2:
_tile_overlayer_lowered:
.L_overlay_start_2:
0x7b7: {  	(tag) =	ssettag $0x2  }
0x7b8: {  	s0 =	rddreg [dreg:$0x0];
	s2 =	stileid.u32  }
0x7b9: {  	s1 =	rddreg [dreg:$0x1];
	p0 =	sne.s32 s2, $0x0  }
0x7ba: {  	s3 =	rddreg [dreg:$0x2];
	[bflag:$0x3] =	sbarrier.arrive $0xFFFF;
	s2 =	simm.s32 @!p0 $0x1C05  }
0x7bb: {  	[timem:s3], [sflag:s2] =	dma.local @!p0 [hbm:s0], s1  }
0x7bc: {  	s0 =	simm.s32 @!p0 $0x5  }
0x7bd: {  	_ =	swait.ge @!p0 [sflag:s0], s1  }
0x7be: {  	s1 =	ssub.s32 @!p0 $0x0, s1;
	[sflag:s0] =	ssyncset.done @!p0 $0x0  }
0x7bf: {  	[sflag:s0] =	ssyncadd.s32 @!p0 s1  }
0x7c0: {  	[bflag:$0x3] =	sbarrier.arrive $0xFFFF  }
0x7c1: {  	_ =	shalt  }

</sc_bundles>
